<compile_context>
chip_gen: v7x
topology: tpu7x:2x2x1
jax: 0.10.2.dev20260603
libtpu: 0.0.44.dev20260713+nightly
codegen_flags: <defaults>
</compile_context>

<pallas_src>
import jax
import jax.numpy as jnp
from jax import lax
from jax.experimental import pallas as pl
from jax.experimental.pallas import tpu as pltpu
from jax.experimental.pallas import tpu_sc as plsc

N = 10000
NP = 10240
F_IN = 128
HID = 128
HEADS = 4
OUT = 64
RW = HID
E = 320000
EN = E + N
NC = 2
NS = 16
NW = NC * NS
CH = 64
CPT = -(-EN // (NW * CH))
EPT = CPT * CH
ENP = EPT * NW
NPT = NP // NS
ZR = 32
BN = 1024


def _tc1_body(x_ref, w_ref, asrc_ref, adst_ref, hh_ref, as_ref, ad_ref):
    hb = jnp.dot(x_ref[...], w_ref[...], preferred_element_type=jnp.float32)
    for h in range(HEADS):
        hbh = hb[:, h * HID:(h + 1) * HID]
        hh_ref[h] = hbh
        as_ref[h] = jnp.sum(hbh * asrc_ref[h][None, :], axis=1)
        ad_ref[h] = jnp.sum(hbh * adst_ref[h][None, :], axis=1)


def _tc2_body(aggp_ref, denp_ref, bias_ref, w1_ref, b1_ref, w2_ref, b2_ref,
              out_ref):
    t1 = jnp.zeros((BN, HID), jnp.float32)
    for h in range(HEADS):
        den = jnp.sum(denp_ref[:, h], axis=(0, 1)) + 1e-16
        agg = (aggp_ref[0, h] + aggp_ref[1, h]) / den[:, None]
        r = jnp.maximum(agg + bias_ref[h * HID:(h + 1) * HID][None, :], 0.0)
        t1 = t1 + jnp.dot(r, w1_ref[h * HID:(h + 1) * HID, :],
                          preferred_element_type=jnp.float32)
    o1 = jnp.maximum(t1 + b1_ref[...][None, :], 0.0)
    out_ref[...] = (jnp.dot(o1, w2_ref[...], preferred_element_type=jnp.float32)
                    + b2_ref[...][None, :])


def _sc_body(hh2, asT, adT, srcE2, dstE, aggp, denp,
             as_v, ad_v, den_v, src_v, dst_v, rows_v, p_v, zbuf, agg_s, sem):
    c = lax.axis_index("c")
    s = lax.axis_index("s")
    wid = c * NS + s
    tile_base = wid * EPT

    if True:
        def _zb(i, _):
            for v in range(RW // 16):
                zbuf[i, pl.ds(v * 16, 16)] = jnp.zeros((16,), jnp.float32)
            return 0
        lax.fori_loop(0, ZR, _zb, 0)

        def _zd(i, _):
            den_v[pl.ds(i * 16, 16)] = jnp.zeros((16,), jnp.float32)
            return 0

        for h in range(HEADS):
            pltpu.sync_copy(asT.at[h], as_v)
            pltpu.sync_copy(adT.at[h], ad_v)
            lax.fori_loop(0, NP // 16, _zd, 0)
            for b in range(NPT // ZR):
                pltpu.sync_copy(zbuf, agg_s.at[pl.ds(s * NPT + b * ZR, ZR)])
            plsc.subcore_barrier()

            def _edge_chunk(k, _):
                base_e = tile_base + k * CH
                pltpu.sync_copy(srcE2.at[h, pl.ds(base_e, CH)], src_v)
                pltpu.sync_copy(dstE.at[pl.ds(base_e, CH)], dst_v)
                gather = pltpu.async_copy(hh2.at[src_v], rows_v, sem)
                for j in range(CH // 16):
                    sv = src_v[pl.ds(j * 16, 16)] - h * NP
                    dv = dst_v[pl.ds(j * 16, 16)]
                    ee = (plsc.load_gather(as_v, [sv])
                          + plsc.load_gather(ad_v, [dv]))
                    ee = jnp.where(ee >= 0.0, ee, ee * 0.2)
                    pj = jnp.exp(ee)
                    gidx = base_e + j * 16 + lax.iota(jnp.int32, 16)
                    pj = jnp.where(gidx < EN, pj, 0.0)
                    plsc.addupdate_scatter(den_v, [dv], pj)
                    p_v[pl.ds(j * 16, 16)] = pj
                gather.wait()

                def _scale(e, _):
                    pe = plsc.load_gather(p_v, [jnp.full((16,), e, jnp.int32)])
                    for v in range(RW // 16):
                        rows_v[e, pl.ds(v * 16, 16)] = (
                            rows_v[e, pl.ds(v * 16, 16)] * pe)
                    return 0
                lax.fori_loop(0, CH, _scale, 0)
                pltpu.sync_copy(rows_v, agg_s.at[dst_v], add=True)
                return 0
            lax.fori_loop(0, CPT, _edge_chunk, 0)
            plsc.subcore_barrier()

            pltpu.sync_copy(agg_s.at[pl.ds(s * NPT, NPT)],
                            aggp.at[c, h, pl.ds(s * NPT, NPT)])
            pltpu.sync_copy(den_v, denp.at[c, h, s])
            plsc.subcore_barrier()


def kernel(x, edge_index, W, att_src, att_dst, bias, W1, b1, W2, b2):
    loop = jnp.arange(N, dtype=jnp.int32)
    pad = jnp.zeros((ENP - EN,), jnp.int32)
    srcE = jnp.concatenate([edge_index[0].astype(jnp.int32), loop, pad])
    dstE = jnp.concatenate([edge_index[1].astype(jnp.int32), loop, pad])
    srcE2 = srcE[None, :] + (jnp.arange(HEADS, dtype=jnp.int32) * NP)[:, None]
    xp = jnp.pad(x, ((0, NP - N), (0, 0)))

    hh, asT, adT = pl.pallas_call(
        _tc1_body,
        grid=(NP // BN,),
        in_specs=[
            pl.BlockSpec((BN, F_IN), lambda i: (i, 0)),
            pl.BlockSpec((F_IN, HEADS * HID), lambda i: (0, 0)),
            pl.BlockSpec((HEADS, HID), lambda i: (0, 0)),
            pl.BlockSpec((HEADS, HID), lambda i: (0, 0)),
        ],
        out_specs=[
            pl.BlockSpec((HEADS, BN, RW), lambda i: (0, i, 0)),
            pl.BlockSpec((HEADS, BN), lambda i: (0, i)),
            pl.BlockSpec((HEADS, BN), lambda i: (0, i)),
        ],
        out_shape=[
            jax.ShapeDtypeStruct((HEADS, NP, RW), jnp.float32),
            jax.ShapeDtypeStruct((HEADS, NP), jnp.float32),
            jax.ShapeDtypeStruct((HEADS, NP), jnp.float32),
        ],
    )(xp, W, att_src, att_dst)
    hh2 = hh.reshape(HEADS * NP, RW)

    mesh = plsc.VectorSubcoreMesh(core_axis_name="c", subcore_axis_name="s")
    aggp, denp = pl.kernel(
        _sc_body,
        out_type=[
            jax.ShapeDtypeStruct((NC, HEADS, NP, RW), jnp.float32),
            jax.ShapeDtypeStruct((NC, HEADS, NS, NP), jnp.float32),
        ],
        mesh=mesh,
        compiler_params=pltpu.CompilerParams(needs_layout_passes=False),
        scratch_types=[
            pltpu.VMEM((NP,), jnp.float32),
            pltpu.VMEM((NP,), jnp.float32),
            pltpu.VMEM((NP,), jnp.float32),
            pltpu.VMEM((CH,), jnp.int32),
            pltpu.VMEM((CH,), jnp.int32),
            pltpu.VMEM((CH, RW), jnp.float32),
            pltpu.VMEM((CH,), jnp.float32),
            pltpu.VMEM((ZR, RW), jnp.float32),
            pltpu.VMEM_SHARED((NP, RW), jnp.float32),
            pltpu.SemaphoreType.DMA,
        ],
    )(hh2, asT, adT, srcE2, dstE)

    outp = pl.pallas_call(
        _tc2_body,
        grid=(NP // BN,),
        in_specs=[
            pl.BlockSpec((NC, HEADS, BN, RW), lambda i: (0, 0, i, 0)),
            pl.BlockSpec((NC, HEADS, NS, BN), lambda i: (0, 0, 0, i)),
            pl.BlockSpec((HEADS * HID,), lambda i: (0,)),
            pl.BlockSpec((HEADS * HID, HID), lambda i: (0, 0)),
            pl.BlockSpec((HID,), lambda i: (0,)),
            pl.BlockSpec((HID, OUT), lambda i: (0, 0)),
            pl.BlockSpec((OUT,), lambda i: (0,)),
        ],
        out_specs=pl.BlockSpec((BN, OUT), lambda i: (i, 0)),
        out_shape=jax.ShapeDtypeStruct((NP, OUT), jnp.float32),
    )(aggp, denp, bias, W1, b1, W2, b2)

    return outp[:N]

# --- scband reference (transcript-rebuilt; emitter-appended) ---
"""Pipeline reference for scband-baseline-gnn-9277129360054 (READ-ONLY COPY).

The authoritative reference and input builder live on the scoring server;
editing this copy changes nothing except your own understanding.
"""

import jax, jax.numpy as jnp
import numpy as np

N = 10000
E = 320000
F_IN = 128
HID = 128
HEADS = 4
OUT = 64


def setup_inputs(seed: int = 0) -> dict:
    key = jax.random.key(seed)
    ks = jax.random.split(key, 12)
    x = jax.random.normal(ks[0], (N, F_IN), dtype=jnp.float32)
    edge_index = jax.random.randint(ks[1], (2, E), 0, N)
    W = jax.random.normal(ks[2], (F_IN, HEADS * HID), dtype=jnp.float32) / np.sqrt(F_IN)
    att_src = jax.random.normal(ks[3], (HEADS, HID), dtype=jnp.float32) / np.sqrt(HID)
    att_dst = jax.random.normal(ks[4], (HEADS, HID), dtype=jnp.float32) / np.sqrt(HID)
    bias = jnp.zeros((HEADS * HID,), dtype=jnp.float32)
    W1 = jax.random.normal(ks[5], (HEADS * HID, HID), dtype=jnp.float32) / np.sqrt(HEADS * HID)
    b1 = jnp.zeros((HID,), dtype=jnp.float32)
    W2 = jax.random.normal(ks[6], (HID, OUT), dtype=jnp.float32) / np.sqrt(HID)
    b2 = jnp.zeros((OUT,), dtype=jnp.float32)
    return {"x": x, "edge_index": edge_index, "W": W, "att_src": att_src,
            "att_dst": att_dst, "bias": bias, "W1": W1, "b1": b1, "W2": W2, "b2": b2}


def reference(x, edge_index, W, att_src, att_dst, bias, W1, b1, W2, b2):
    # GATConv (heads=4, concat) with PyG-default self-loops; dropout is identity in eval.
    loop = jnp.arange(N, dtype=edge_index.dtype)
    src = jnp.concatenate([edge_index[0], loop])
    dst = jnp.concatenate([edge_index[1], loop])
    h = (x @ W).reshape(N, HEADS, HID)
    a_s = jnp.sum(h * att_src[None, :, :], axis=-1)  # [N, H]
    a_d = jnp.sum(h * att_dst[None, :, :], axis=-1)  # [N, H]
    e = jax.nn.leaky_relu(a_s[src] + a_d[dst], negative_slope=0.2)  # [E+N, H]
    emax = jax.ops.segment_max(e, dst, num_segments=N)
    emax = jnp.where(jnp.isfinite(emax), emax, 0.0)
    p = jnp.exp(e - emax[dst])
    denom = jax.ops.segment_sum(p, dst, num_segments=N)
    alpha = p / (denom[dst] + 1e-16)  # segment softmax over incoming edges
    msg = h[src] * alpha[:, :, None]  # [E+N, H, HID]
    agg = jax.ops.segment_sum(msg, dst, num_segments=N)  # [N, H, HID]
    out = agg.reshape(N, HEADS * HID) + bias
    out = jax.nn.relu(out)
    out = jax.nn.relu(out @ W1 + b1)
    out = out @ W2 + b2
    return out

if __name__ == "__main__":
    import jax
    _d = setup_inputs()
    print(jax.jit(kernel)(*tuple(_d.values())))

</pallas_src>

<mosaic_0001>
#map = affine_map<(d0, d1) -> (0, 0)>
#map1 = affine_map<(d0, d1) -> (0)>
#map2 = affine_map<(d0, d1) -> (0, 0, 0, 0)>
module attributes {stable_mosaic.version = 14 : i64} {
  func.func @_sc_body(%arg0: i32, %arg1: i32, %arg2: memref<40960x128xf32, #tpu.memory_space<hbm>>, %arg3: memref<4x10240xf32, #tpu.memory_space<hbm>>, %arg4: memref<4x10240xf32, #tpu.memory_space<hbm>>, %arg5: memref<4x331776xi32, #tpu.memory_space<hbm>>, %arg6: memref<331776xi32, #tpu.memory_space<hbm>>, %arg7: memref<2x4x10240x128xf32, #tpu.memory_space<hbm>>, %arg8: memref<2x4x16x10240xf32, #tpu.memory_space<hbm>>, %arg9: memref<10240xf32, #tpu.memory_space<vmem>>, %arg10: memref<10240xf32, #tpu.memory_space<vmem>>, %arg11: memref<10240xf32, #tpu.memory_space<vmem>>, %arg12: memref<64xi32, #tpu.memory_space<vmem>>, %arg13: memref<64xi32, #tpu.memory_space<vmem>>, %arg14: memref<64x128xf32, #tpu.memory_space<vmem>>, %arg15: memref<64xf32, #tpu.memory_space<vmem>>, %arg16: memref<32x128xf32, #tpu.memory_space<vmem>>, %arg17: memref<10240x128xf32, #tpu.memory_space<vmem_shared>>, %arg18: memref<!tpu.dma_semaphore, #tpu.memory_space<semaphore_mem>>) attributes {dimension_semantics = [#tpu.dimension_semantics<core_parallel>, #tpu.dimension_semantics<subcore_parallel>], iteration_bounds = array<i64: 2, 16>, scalar_prefetch = 0 : i64, scratch_operands = 10 : i64, tpu.core_type = #tpu.core_type<sc_vector_subcore>, window_params = [{transform_indices = #map}, {transform_indices = #map}, {transform_indices = #map}, {transform_indices = #map}, {transform_indices = #map1}, {transform_indices = #map2}, {transform_indices = #map2}]} {
    %mul3A = arith.constant 16 : i32
    %mul3A_0 = arith.muli %arg0, %mul3A : i32
    %add3A = arith.addi %mul3A_0, %arg1 : i32
    %mul3A_1 = arith.constant 10368 : i32
    %mul3A_2 = arith.muli %add3A, %mul3A_1 : i32
    %scan3A = arith.constant 0 : i32
    %scan3A_3 = arith.constant 0 : i32
    %scan3A_4 = arith.constant 32 : i32
    %scan3A_5 = arith.addi %scan3A_3, %scan3A_4 : i32
    %scan3A_6 = arith.constant 1 : i32
    %scan3A_7 = scf.for %scan3A_427 = %scan3A_3 to %scan3A_5 step %scan3A_6 iter_args(%scan3A_428 = %scan3A) -> (i32)  : i32 {
      %broadcast_in_dim3A = arith.constant 0.000000e+00 : f32
      %broadcast_in_dim3A_429 = vector.broadcast %broadcast_in_dim3A : f32 to vector<16xf32>
      %swap3A = arith.index_cast %scan3A_427 : i32 to index
      %swap3A_430 = arith.constant 0 : index
      %swap3A_431 = tpu.vector_load %arg16[%swap3A, %swap3A_430] {strides = array<i32>} : memref<32x128xf32, #tpu.memory_space<vmem>>, vector<16xf32>,
      tpu.vector_store %arg16[%swap3A, %swap3A_430], %broadcast_in_dim3A_429 {strides = array<i32>} : memref<32x128xf32, #tpu.memory_space<vmem>>, vector<16xf32>,
      %broadcast_in_dim3A_432 = arith.constant 0.000000e+00 : f32
      %broadcast_in_dim3A_433 = vector.broadcast %broadcast_in_dim3A_432 : f32 to vector<16xf32>
      %swap3A_434 = arith.index_cast %scan3A_427 : i32 to index
      %swap3A_435 = arith.constant 16 : index
      %swap3A_436 = tpu.vector_load %arg16[%swap3A_434, %swap3A_435] {strides = array<i32>} : memref<32x128xf32, #tpu.memory_space<vmem>>, vector<16xf32>,
      tpu.vector_store %arg16[%swap3A_434, %swap3A_435], %broadcast_in_dim3A_433 {strides = array<i32>} : memref<32x128xf32, #tpu.memory_space<vmem>>, vector<16xf32>,
      %broadcast_in_dim3A_437 = arith.constant 0.000000e+00 : f32
      %broadcast_in_dim3A_438 = vector.broadcast %broadcast_in_dim3A_437 : f32 to vector<16xf32>
      %swap3A_439 = arith.index_cast %scan3A_427 : i32 to index
      %swap3A_440 = arith.constant 32 : index
      %swap3A_441 = tpu.vector_load %arg16[%swap3A_439, %swap3A_440] {strides = array<i32>} : memref<32x128xf32, #tpu.memory_space<vmem>>, vector<16xf32>,
      tpu.vector_store %arg16[%swap3A_439, %swap3A_440], %broadcast_in_dim3A_438 {strides = array<i32>} : memref<32x128xf32, #tpu.memory_space<vmem>>, vector<16xf32>,
      %broadcast_in_dim3A_442 = arith.constant 0.000000e+00 : f32
      %broadcast_in_dim3A_443 = vector.broadcast %broadcast_in_dim3A_442 : f32 to vector<16xf32>
      %swap3A_444 = arith.index_cast %scan3A_427 : i32 to index
      %swap3A_445 = arith.constant 48 : index
      %swap3A_446 = tpu.vector_load %arg16[%swap3A_444, %swap3A_445] {strides = array<i32>} : memref<32x128xf32, #tpu.memory_space<vmem>>, vector<16xf32>,
      tpu.vector_store %arg16[%swap3A_444, %swap3A_445], %broadcast_in_dim3A_443 {strides = array<i32>} : memref<32x128xf32, #tpu.memory_space<vmem>>, vector<16xf32>,
      %broadcast_in_dim3A_447 = arith.constant 0.000000e+00 : f32
      %broadcast_in_dim3A_448 = vector.broadcast %broadcast_in_dim3A_447 : f32 to vector<16xf32>
      %swap3A_449 = arith.index_cast %scan3A_427 : i32 to index
      %swap3A_450 = arith.constant 64 : index
      %swap3A_451 = tpu.vector_load %arg16[%swap3A_449, %swap3A_450] {strides = array<i32>} : memref<32x128xf32, #tpu.memory_space<vmem>>, vector<16xf32>,
      tpu.vector_store %arg16[%swap3A_449, %swap3A_450], %broadcast_in_dim3A_448 {strides = array<i32>} : memref<32x128xf32, #tpu.memory_space<vmem>>, vector<16xf32>,
      %broadcast_in_dim3A_452 = arith.constant 0.000000e+00 : f32
      %broadcast_in_dim3A_453 = vector.broadcast %broadcast_in_dim3A_452 : f32 to vector<16xf32>
      %swap3A_454 = arith.index_cast %scan3A_427 : i32 to index
      %swap3A_455 = arith.constant 80 : index
      %swap3A_456 = tpu.vector_load %arg16[%swap3A_454, %swap3A_455] {strides = array<i32>} : memref<32x128xf32, #tpu.memory_space<vmem>>, vector<16xf32>,
      tpu.vector_store %arg16[%swap3A_454, %swap3A_455], %broadcast_in_dim3A_453 {strides = array<i32>} : memref<32x128xf32, #tpu.memory_space<vmem>>, vector<16xf32>,
      %broadcast_in_dim3A_457 = arith.constant 0.000000e+00 : f32
      %broadcast_in_dim3A_458 = vector.broadcast %broadcast_in_dim3A_457 : f32 to vector<16xf32>
      %swap3A_459 = arith.index_cast %scan3A_427 : i32 to index
      %swap3A_460 = arith.constant 96 : index
      %swap3A_461 = tpu.vector_load %arg16[%swap3A_459, %swap3A_460] {strides = array<i32>} : memref<32x128xf32, #tpu.memory_space<vmem>>, vector<16xf32>,
      tpu.vector_store %arg16[%swap3A_459, %swap3A_460], %broadcast_in_dim3A_458 {strides = array<i32>} : memref<32x128xf32, #tpu.memory_space<vmem>>, vector<16xf32>,
      %broadcast_in_dim3A_462 = arith.constant 0.000000e+00 : f32
      %broadcast_in_dim3A_463 = vector.broadcast %broadcast_in_dim3A_462 : f32 to vector<16xf32>
      %swap3A_464 = arith.index_cast %scan3A_427 : i32 to index
      %swap3A_465 = arith.constant 112 : index
      %swap3A_466 = tpu.vector_load %arg16[%swap3A_464, %swap3A_465] {strides = array<i32>} : memref<32x128xf32, #tpu.memory_space<vmem>>, vector<16xf32>,
      tpu.vector_store %arg16[%swap3A_464, %swap3A_465], %broadcast_in_dim3A_463 {strides = array<i32>} : memref<32x128xf32, #tpu.memory_space<vmem>>, vector<16xf32>,
      %scan3A_467 = arith.constant 0 : i32
      scf.yield %scan3A_467 : i32
    }
    %scan3A_8 = arith.constant 32 : i32
    %run_scoped3A = arith.constant 0 : i32
    "tpu.region"() ({
      %run_scoped3A_427 = tpu.sem_alloc : memref<!tpu.dma_semaphore, #tpu.memory_space<semaphore_mem>>
      %dma_start3A = arith.constant 0 : i32
      %dma_start3A_428 = tpu.memref_slice %arg3[%run_scoped3A, %dma_start3A] : memref<4x10240xf32, #tpu.memory_space<hbm>> -> memref<1x10240xf32, #tpu.memory_space<hbm>>
      %dma_start3A_429 = tpu.memref_squeeze %dma_start3A_428 : memref<1x10240xf32, #tpu.memory_space<hbm>> -> memref<10240xf32, #tpu.memory_space<hbm>>
      %dma_start3A_430 = arith.constant 0 : i32
      %dma_start3A_431 = tpu.memref_slice %arg3[%run_scoped3A, %dma_start3A_430] : memref<4x10240xf32, #tpu.memory_space<hbm>> -> memref<1x10240xf32, #tpu.memory_space<hbm>>
      %dma_start3A_432 = tpu.memref_squeeze %dma_start3A_431 : memref<1x10240xf32, #tpu.memory_space<hbm>> -> memref<10240xf32, #tpu.memory_space<hbm>>
      tpu.enqueue_dma source(%dma_start3A_432 : memref<10240xf32, #tpu.memory_space<hbm>>) target(%arg9 : memref<10240xf32, #tpu.memory_space<vmem>>) target_semaphore(%run_scoped3A_427 : memref<!tpu.dma_semaphore, #tpu.memory_space<semaphore_mem>>)
      %dma_wait3A = arith.constant 0 : i32
      %dma_wait3A_433 = tpu.memref_slice %arg3[%run_scoped3A, %dma_wait3A] : memref<4x10240xf32, #tpu.memory_space<hbm>> -> memref<1x10240xf32, #tpu.memory_space<hbm>>
      %dma_wait3A_434 = tpu.memref_squeeze %dma_wait3A_433 : memref<1x10240xf32, #tpu.memory_space<hbm>> -> memref<10240xf32, #tpu.memory_space<hbm>>
      %dma_wait3A_435 = arith.constant 0 : i32
      %dma_wait3A_436 = tpu.memref_slice %arg3[%run_scoped3A, %dma_wait3A_435] : memref<4x10240xf32, #tpu.memory_space<hbm>> -> memref<1x10240xf32, #tpu.memory_space<hbm>>
      %dma_wait3A_437 = tpu.memref_squeeze %dma_wait3A_436 : memref<1x10240xf32, #tpu.memory_space<hbm>> -> memref<10240xf32, #tpu.memory_space<hbm>>
      tpu.wait_dma2 semaphore(%run_scoped3A_427 : memref<!tpu.dma_semaphore, #tpu.memory_space<semaphore_mem>>) src(%dma_wait3A_437 : memref<10240xf32, #tpu.memory_space<hbm>>) dst(%arg9 : memref<10240xf32, #tpu.memory_space<vmem>>)
      tpu.yield
    }) : () -> ()
    %run_scoped3A_9 = arith.constant 0 : i32
    "tpu.region"() ({
      %run_scoped3A_427 = tpu.sem_alloc : memref<!tpu.dma_semaphore, #tpu.memory_space<semaphore_mem>>
      %dma_start3A = arith.constant 0 : i32
      %dma_start3A_428 = tpu.memref_slice %arg4[%run_scoped3A_9, %dma_start3A] : memref<4x10240xf32, #tpu.memory_space<hbm>> -> memref<1x10240xf32, #tpu.memory_space<hbm>>
      %dma_start3A_429 = tpu.memref_squeeze %dma_start3A_428 : memref<1x10240xf32, #tpu.memory_space<hbm>> -> memref<10240xf32, #tpu.memory_space<hbm>>
      %dma_start3A_430 = arith.constant 0 : i32
      %dma_start3A_431 = tpu.memref_slice %arg4[%run_scoped3A_9, %dma_start3A_430] : memref<4x10240xf32, #tpu.memory_space<hbm>> -> memref<1x10240xf32, #tpu.memory_space<hbm>>
      %dma_start3A_432 = tpu.memref_squeeze %dma_start3A_431 : memref<1x10240xf32, #tpu.memory_space<hbm>> -> memref<10240xf32, #tpu.memory_space<hbm>>
      tpu.enqueue_dma source(%dma_start3A_432 : memref<10240xf32, #tpu.memory_space<hbm>>) target(%arg10 : memref<10240xf32, #tpu.memory_space<vmem>>) target_semaphore(%run_scoped3A_427 : memref<!tpu.dma_semaphore, #tpu.memory_space<semaphore_mem>>)
      %dma_wait3A = arith.constant 0 : i32
      %dma_wait3A_433 = tpu.memref_slice %arg4[%run_scoped3A_9, %dma_wait3A] : memref<4x10240xf32, #tpu.memory_space<hbm>> -> memref<1x10240xf32, #tpu.memory_space<hbm>>
      %dma_wait3A_434 = tpu.memref_squeeze %dma_wait3A_433 : memref<1x10240xf32, #tpu.memory_space<hbm>> -> memref<10240xf32, #tpu.memory_space<hbm>>
      %dma_wait3A_435 = arith.constant 0 : i32
      %dma_wait3A_436 = tpu.memref_slice %arg4[%run_scoped3A_9, %dma_wait3A_435] : memref<4x10240xf32, #tpu.memory_space<hbm>> -> memref<1x10240xf32, #tpu.memory_space<hbm>>
      %dma_wait3A_437 = tpu.memref_squeeze %dma_wait3A_436 : memref<1x10240xf32, #tpu.memory_space<hbm>> -> memref<10240xf32, #tpu.memory_space<hbm>>
      tpu.wait_dma2 semaphore(%run_scoped3A_427 : memref<!tpu.dma_semaphore, #tpu.memory_space<semaphore_mem>>) src(%dma_wait3A_437 : memref<10240xf32, #tpu.memory_space<hbm>>) dst(%arg10 : memref<10240xf32, #tpu.memory_space<vmem>>)
      tpu.yield
    }) : () -> ()
    %scan3A_10 = arith.constant 0 : i32
    %scan3A_11 = arith.constant 0 : i32
    %scan3A_12 = arith.constant 640 : i32
    %scan3A_13 = arith.addi %scan3A_11, %scan3A_12 : i32
    %scan3A_14 = arith.constant 1 : i32
    %scan3A_15 = scf.for %scan3A_427 = %scan3A_11 to %scan3A_13 step %scan3A_14 iter_args(%scan3A_428 = %scan3A_10) -> (i32)  : i32 {
      %broadcast_in_dim3A = arith.constant 0.000000e+00 : f32
      %broadcast_in_dim3A_429 = vector.broadcast %broadcast_in_dim3A : f32 to vector<16xf32>
      %mul3A_430 = arith.constant 16 : i32
      %mul3A_431 = arith.muli %scan3A_427, %mul3A_430 : i32
      %swap3A = arith.index_cast %mul3A_431 : i32 to index
      %swap3A_432 = tpu.vector_load %arg11[%swap3A] {strides = array<i32>} : memref<10240xf32, #tpu.memory_space<vmem>>, vector<16xf32>,
      tpu.vector_store %arg11[%swap3A], %broadcast_in_dim3A_429 {strides = array<i32>} : memref<10240xf32, #tpu.memory_space<vmem>>, vector<16xf32>,
      %scan3A_433 = arith.constant 0 : i32
      scf.yield %scan3A_433 : i32
    }
    %scan3A_16 = arith.constant 640 : i32
    %mul3A_17 = arith.constant 640 : i32
    %mul3A_18 = arith.muli %arg1, %mul3A_17 : i32
    %add3A_19 = arith.constant 0 : i32
    %add3A_20 = arith.addi %mul3A_18, %add3A_19 : i32
    "tpu.region"() ({
      %run_scoped3A_427 = tpu.sem_alloc : memref<!tpu.dma_semaphore, #tpu.memory_space<semaphore_mem>>
      %dma_start3A = arith.constant 0 : i32
      %dma_start3A_428 = tpu.memref_slice %arg17[%add3A_20, %dma_start3A] : memref<10240x128xf32, #tpu.memory_space<vmem_shared>> -> memref<32x128xf32, #tpu.memory_space<vmem_shared>>
      %dma_start3A_429 = arith.constant 0 : i32
      %dma_start3A_430 = tpu.memref_slice %arg17[%add3A_20, %dma_start3A_429] : memref<10240x128xf32, #tpu.memory_space<vmem_shared>> -> memref<32x128xf32, #tpu.memory_space<vmem_shared>>
      tpu.enqueue_dma source(%arg16 : memref<32x128xf32, #tpu.memory_space<vmem>>) target(%dma_start3A_430 : memref<32x128xf32, #tpu.memory_space<vmem_shared>>) target_semaphore(%run_scoped3A_427 : memref<!tpu.dma_semaphore, #tpu.memory_space<semaphore_mem>>)
      %dma_wait3A = arith.constant 0 : i32
      %dma_wait3A_431 = tpu.memref_slice %arg17[%add3A_20, %dma_wait3A] : memref<10240x128xf32, #tpu.memory_space<vmem_shared>> -> memref<32x128xf32, #tpu.memory_space<vmem_shared>>
      %dma_wait3A_432 = arith.constant 0 : i32
      %dma_wait3A_433 = tpu.memref_slice %arg17[%add3A_20, %dma_wait3A_432] : memref<10240x128xf32, #tpu.memory_space<vmem_shared>> -> memref<32x128xf32, #tpu.memory_space<vmem_shared>>
      tpu.wait_dma2 semaphore(%run_scoped3A_427 : memref<!tpu.dma_semaphore, #tpu.memory_space<semaphore_mem>>) src(%arg16 : memref<32x128xf32, #tpu.memory_space<vmem>>) dst(%dma_wait3A_433 : memref<32x128xf32, #tpu.memory_space<vmem_shared>>)
      tpu.yield
    }) : () -> ()
    %mul3A_21 = arith.constant 640 : i32
    %mul3A_22 = arith.muli %arg1, %mul3A_21 : i32
    %add3A_23 = arith.constant 32 : i32
    %add3A_24 = arith.addi %mul3A_22, %add3A_23 : i32
    "tpu.region"() ({
      %run_scoped3A_427 = tpu.sem_alloc : memref<!tpu.dma_semaphore, #tpu.memory_space<semaphore_mem>>
      %dma_start3A = arith.constant 0 : i32
      %dma_start3A_428 = tpu.memref_slice %arg17[%add3A_24, %dma_start3A] : memref<10240x128xf32, #tpu.memory_space<vmem_shared>> -> memref<32x128xf32, #tpu.memory_space<vmem_shared>>
      %dma_start3A_429 = arith.constant 0 : i32
      %dma_start3A_430 = tpu.memref_slice %arg17[%add3A_24, %dma_start3A_429] : memref<10240x128xf32, #tpu.memory_space<vmem_shared>> -> memref<32x128xf32, #tpu.memory_space<vmem_shared>>
      tpu.enqueue_dma source(%arg16 : memref<32x128xf32, #tpu.memory_space<vmem>>) target(%dma_start3A_430 : memref<32x128xf32, #tpu.memory_space<vmem_shared>>) target_semaphore(%run_scoped3A_427 : memref<!tpu.dma_semaphore, #tpu.memory_space<semaphore_mem>>)
      %dma_wait3A = arith.constant 0 : i32
      %dma_wait3A_431 = tpu.memref_slice %arg17[%add3A_24, %dma_wait3A] : memref<10240x128xf32, #tpu.memory_space<vmem_shared>> -> memref<32x128xf32, #tpu.memory_space<vmem_shared>>
      %dma_wait3A_432 = arith.constant 0 : i32
      %dma_wait3A_433 = tpu.memref_slice %arg17[%add3A_24, %dma_wait3A_432] : memref<10240x128xf32, #tpu.memory_space<vmem_shared>> -> memref<32x128xf32, #tpu.memory_space<vmem_shared>>
      tpu.wait_dma2 semaphore(%run_scoped3A_427 : memref<!tpu.dma_semaphore, #tpu.memory_space<semaphore_mem>>) src(%arg16 : memref<32x128xf32, #tpu.memory_space<vmem>>) dst(%dma_wait3A_433 : memref<32x128xf32, #tpu.memory_space<vmem_shared>>)
      tpu.yield
    }) : () -> ()
    %mul3A_25 = arith.constant 640 : i32
    %mul3A_26 = arith.muli %arg1, %mul3A_25 : i32
    %add3A_27 = arith.constant 64 : i32
    %add3A_28 = arith.addi %mul3A_26, %add3A_27 : i32
    "tpu.region"() ({
      %run_scoped3A_427 = tpu.sem_alloc : memref<!tpu.dma_semaphore, #tpu.memory_space<semaphore_mem>>
      %dma_start3A = arith.constant 0 : i32
      %dma_start3A_428 = tpu.memref_slice %arg17[%add3A_28, %dma_start3A] : memref<10240x128xf32, #tpu.memory_space<vmem_shared>> -> memref<32x128xf32, #tpu.memory_space<vmem_shared>>
      %dma_start3A_429 = arith.constant 0 : i32
      %dma_start3A_430 = tpu.memref_slice %arg17[%add3A_28, %dma_start3A_429] : memref<10240x128xf32, #tpu.memory_space<vmem_shared>> -> memref<32x128xf32, #tpu.memory_space<vmem_shared>>
      tpu.enqueue_dma source(%arg16 : memref<32x128xf32, #tpu.memory_space<vmem>>) target(%dma_start3A_430 : memref<32x128xf32, #tpu.memory_space<vmem_shared>>) target_semaphore(%run_scoped3A_427 : memref<!tpu.dma_semaphore, #tpu.memory_space<semaphore_mem>>)
      %dma_wait3A = arith.constant 0 : i32
      %dma_wait3A_431 = tpu.memref_slice %arg17[%add3A_28, %dma_wait3A] : memref<10240x128xf32, #tpu.memory_space<vmem_shared>> -> memref<32x128xf32, #tpu.memory_space<vmem_shared>>
      %dma_wait3A_432 = arith.constant 0 : i32
      %dma_wait3A_433 = tpu.memref_slice %arg17[%add3A_28, %dma_wait3A_432] : memref<10240x128xf32, #tpu.memory_space<vmem_shared>> -> memref<32x128xf32, #tpu.memory_space<vmem_shared>>
      tpu.wait_dma2 semaphore(%run_scoped3A_427 : memref<!tpu.dma_semaphore, #tpu.memory_space<semaphore_mem>>) src(%arg16 : memref<32x128xf32, #tpu.memory_space<vmem>>) dst(%dma_wait3A_433 : memref<32x128xf32, #tpu.memory_space<vmem_shared>>)
      tpu.yield
    }) : () -> ()
    %mul3A_29 = arith.constant 640 : i32
    %mul3A_30 = arith.muli %arg1, %mul3A_29 : i32
    %add3A_31 = arith.constant 96 : i32
    %add3A_32 = arith.addi %mul3A_30, %add3A_31 : i32
    "tpu.region"() ({
      %run_scoped3A_427 = tpu.sem_alloc : memref<!tpu.dma_semaphore, #tpu.memory_space<semaphore_mem>>
      %dma_start3A = arith.constant 0 : i32
      %dma_start3A_428 = tpu.memref_slice %arg17[%add3A_32, %dma_start3A] : memref<10240x128xf32, #tpu.memory_space<vmem_shared>> -> memref<32x128xf32, #tpu.memory_space<vmem_shared>>
      %dma_start3A_429 = arith.constant 0 : i32
      %dma_start3A_430 = tpu.memref_slice %arg17[%add3A_32, %dma_start3A_429] : memref<10240x128xf32, #tpu.memory_space<vmem_shared>> -> memref<32x128xf32, #tpu.memory_space<vmem_shared>>
      tpu.enqueue_dma source(%arg16 : memref<32x128xf32, #tpu.memory_space<vmem>>) target(%dma_start3A_430 : memref<32x128xf32, #tpu.memory_space<vmem_shared>>) target_semaphore(%run_scoped3A_427 : memref<!tpu.dma_semaphore, #tpu.memory_space<semaphore_mem>>)
      %dma_wait3A = arith.constant 0 : i32
      %dma_wait3A_431 = tpu.memref_slice %arg17[%add3A_32, %dma_wait3A] : memref<10240x128xf32, #tpu.memory_space<vmem_shared>> -> memref<32x128xf32, #tpu.memory_space<vmem_shared>>
      %dma_wait3A_432 = arith.constant 0 : i32
      %dma_wait3A_433 = tpu.memref_slice %arg17[%add3A_32, %dma_wait3A_432] : memref<10240x128xf32, #tpu.memory_space<vmem_shared>> -> memref<32x128xf32, #tpu.memory_space<vmem_shared>>
      tpu.wait_dma2 semaphore(%run_scoped3A_427 : memref<!tpu.dma_semaphore, #tpu.memory_space<semaphore_mem>>) src(%arg16 : memref<32x128xf32, #tpu.memory_space<vmem>>) dst(%dma_wait3A_433 : memref<32x128xf32, #tpu.memory_space<vmem_shared>>)
      tpu.yield
    }) : () -> ()
    %mul3A_33 = arith.constant 640 : i32
    %mul3A_34 = arith.muli %arg1, %mul3A_33 : i32
    %add3A_35 = arith.constant 128 : i32
    %add3A_36 = arith.addi %mul3A_34, %add3A_35 : i32
    "tpu.region"() ({
      %run_scoped3A_427 = tpu.sem_alloc : memref<!tpu.dma_semaphore, #tpu.memory_space<semaphore_mem>>
      %dma_start3A = arith.constant 0 : i32
      %dma_start3A_428 = tpu.memref_slice %arg17[%add3A_36, %dma_start3A] : memref<10240x128xf32, #tpu.memory_space<vmem_shared>> -> memref<32x128xf32, #tpu.memory_space<vmem_shared>>
      %dma_start3A_429 = arith.constant 0 : i32
      %dma_start3A_430 = tpu.memref_slice %arg17[%add3A_36, %dma_start3A_429] : memref<10240x128xf32, #tpu.memory_space<vmem_shared>> -> memref<32x128xf32, #tpu.memory_space<vmem_shared>>
      tpu.enqueue_dma source(%arg16 : memref<32x128xf32, #tpu.memory_space<vmem>>) target(%dma_start3A_430 : memref<32x128xf32, #tpu.memory_space<vmem_shared>>) target_semaphore(%run_scoped3A_427 : memref<!tpu.dma_semaphore, #tpu.memory_space<semaphore_mem>>)
      %dma_wait3A = arith.constant 0 : i32
      %dma_wait3A_431 = tpu.memref_slice %arg17[%add3A_36, %dma_wait3A] : memref<10240x128xf32, #tpu.memory_space<vmem_shared>> -> memref<32x128xf32, #tpu.memory_space<vmem_shared>>
      %dma_wait3A_432 = arith.constant 0 : i32
      %dma_wait3A_433 = tpu.memref_slice %arg17[%add3A_36, %dma_wait3A_432] : memref<10240x128xf32, #tpu.memory_space<vmem_shared>> -> memref<32x128xf32, #tpu.memory_space<vmem_shared>>
      tpu.wait_dma2 semaphore(%run_scoped3A_427 : memref<!tpu.dma_semaphore, #tpu.memory_space<semaphore_mem>>) src(%arg16 : memref<32x128xf32, #tpu.memory_space<vmem>>) dst(%dma_wait3A_433 : memref<32x128xf32, #tpu.memory_space<vmem_shared>>)
      tpu.yield
    }) : () -> ()
    %mul3A_37 = arith.constant 640 : i32
    %mul3A_38 = arith.muli %arg1, %mul3A_37 : i32
    %add3A_39 = arith.constant 160 : i32
    %add3A_40 = arith.addi %mul3A_38, %add3A_39 : i32
    "tpu.region"() ({
      %run_scoped3A_427 = tpu.sem_alloc : memref<!tpu.dma_semaphore, #tpu.memory_space<semaphore_mem>>
      %dma_start3A = arith.constant 0 : i32
      %dma_start3A_428 = tpu.memref_slice %arg17[%add3A_40, %dma_start3A] : memref<10240x128xf32, #tpu.memory_space<vmem_shared>> -> memref<32x128xf32, #tpu.memory_space<vmem_shared>>
      %dma_start3A_429 = arith.constant 0 : i32
      %dma_start3A_430 = tpu.memref_slice %arg17[%add3A_40, %dma_start3A_429] : memref<10240x128xf32, #tpu.memory_space<vmem_shared>> -> memref<32x128xf32, #tpu.memory_space<vmem_shared>>
      tpu.enqueue_dma source(%arg16 : memref<32x128xf32, #tpu.memory_space<vmem>>) target(%dma_start3A_430 : memref<32x128xf32, #tpu.memory_space<vmem_shared>>) target_semaphore(%run_scoped3A_427 : memref<!tpu.dma_semaphore, #tpu.memory_space<semaphore_mem>>)
      %dma_wait3A = arith.constant 0 : i32
      %dma_wait3A_431 = tpu.memref_slice %arg17[%add3A_40, %dma_wait3A] : memref<10240x128xf32, #tpu.memory_space<vmem_shared>> -> memref<32x128xf32, #tpu.memory_space<vmem_shared>>
      %dma_wait3A_432 = arith.constant 0 : i32
      %dma_wait3A_433 = tpu.memref_slice %arg17[%add3A_40, %dma_wait3A_432] : memref<10240x128xf32, #tpu.memory_space<vmem_shared>> -> memref<32x128xf32, #tpu.memory_space<vmem_shared>>
      tpu.wait_dma2 semaphore(%run_scoped3A_427 : memref<!tpu.dma_semaphore, #tpu.memory_space<semaphore_mem>>) src(%arg16 : memref<32x128xf32, #tpu.memory_space<vmem>>) dst(%dma_wait3A_433 : memref<32x128xf32, #tpu.memory_space<vmem_shared>>)
      tpu.yield
    }) : () -> ()
    %mul3A_41 = arith.constant 640 : i32
    %mul3A_42 = arith.muli %arg1, %mul3A_41 : i32
    %add3A_43 = arith.constant 192 : i32
    %add3A_44 = arith.addi %mul3A_42, %add3A_43 : i32
    "tpu.region"() ({
      %run_scoped3A_427 = tpu.sem_alloc : memref<!tpu.dma_semaphore, #tpu.memory_space<semaphore_mem>>
      %dma_start3A = arith.constant 0 : i32
      %dma_start3A_428 = tpu.memref_slice %arg17[%add3A_44, %dma_start3A] : memref<10240x128xf32, #tpu.memory_space<vmem_shared>> -> memref<32x128xf32, #tpu.memory_space<vmem_shared>>
      %dma_start3A_429 = arith.constant 0 : i32
      %dma_start3A_430 = tpu.memref_slice %arg17[%add3A_44, %dma_start3A_429] : memref<10240x128xf32, #tpu.memory_space<vmem_shared>> -> memref<32x128xf32, #tpu.memory_space<vmem_shared>>
      tpu.enqueue_dma source(%arg16 : memref<32x128xf32, #tpu.memory_space<vmem>>) target(%dma_start3A_430 : memref<32x128xf32, #tpu.memory_space<vmem_shared>>) target_semaphore(%run_scoped3A_427 : memref<!tpu.dma_semaphore, #tpu.memory_space<semaphore_mem>>)
      %dma_wait3A = arith.constant 0 : i32
      %dma_wait3A_431 = tpu.memref_slice %arg17[%add3A_44, %dma_wait3A] : memref<10240x128xf32, #tpu.memory_space<vmem_shared>> -> memref<32x128xf32, #tpu.memory_space<vmem_shared>>
      %dma_wait3A_432 = arith.constant 0 : i32
      %dma_wait3A_433 = tpu.memref_slice %arg17[%add3A_44, %dma_wait3A_432] : memref<10240x128xf32, #tpu.memory_space<vmem_shared>> -> memref<32x128xf32, #tpu.memory_space<vmem_shared>>
      tpu.wait_dma2 semaphore(%run_scoped3A_427 : memref<!tpu.dma_semaphore, #tpu.memory_space<semaphore_mem>>) src(%arg16 : memref<32x128xf32, #tpu.memory_space<vmem>>) dst(%dma_wait3A_433 : memref<32x128xf32, #tpu.memory_space<vmem_shared>>)
      tpu.yield
    }) : () -> ()
    %mul3A_45 = arith.constant 640 : i32
    %mul3A_46 = arith.muli %arg1, %mul3A_45 : i32
    %add3A_47 = arith.constant 224 : i32
    %add3A_48 = arith.addi %mul3A_46, %add3A_47 : i32
    "tpu.region"() ({
      %run_scoped3A_427 = tpu.sem_alloc : memref<!tpu.dma_semaphore, #tpu.memory_space<semaphore_mem>>
      %dma_start3A = arith.constant 0 : i32
      %dma_start3A_428 = tpu.memref_slice %arg17[%add3A_48, %dma_start3A] : memref<10240x128xf32, #tpu.memory_space<vmem_shared>> -> memref<32x128xf32, #tpu.memory_space<vmem_shared>>
      %dma_start3A_429 = arith.constant 0 : i32
      %dma_start3A_430 = tpu.memref_slice %arg17[%add3A_48, %dma_start3A_429] : memref<10240x128xf32, #tpu.memory_space<vmem_shared>> -> memref<32x128xf32, #tpu.memory_space<vmem_shared>>
      tpu.enqueue_dma source(%arg16 : memref<32x128xf32, #tpu.memory_space<vmem>>) target(%dma_start3A_430 : memref<32x128xf32, #tpu.memory_space<vmem_shared>>) target_semaphore(%run_scoped3A_427 : memref<!tpu.dma_semaphore, #tpu.memory_space<semaphore_mem>>)
      %dma_wait3A = arith.constant 0 : i32
      %dma_wait3A_431 = tpu.memref_slice %arg17[%add3A_48, %dma_wait3A] : memref<10240x128xf32, #tpu.memory_space<vmem_shared>> -> memref<32x128xf32, #tpu.memory_space<vmem_shared>>
      %dma_wait3A_432 = arith.constant 0 : i32
      %dma_wait3A_433 = tpu.memref_slice %arg17[%add3A_48, %dma_wait3A_432] : memref<10240x128xf32, #tpu.memory_space<vmem_shared>> -> memref<32x128xf32, #tpu.memory_space<vmem_shared>>
      tpu.wait_dma2 semaphore(%run_scoped3A_427 : memref<!tpu.dma_semaphore, #tpu.memory_space<semaphore_mem>>) src(%arg16 : memref<32x128xf32, #tpu.memory_space<vmem>>) dst(%dma_wait3A_433 : memref<32x128xf32, #tpu.memory_space<vmem_shared>>)
      tpu.yield
    }) : () -> ()
    %mul3A_49 = arith.constant 640 : i32
    %mul3A_50 = arith.muli %arg1, %mul3A_49 : i32
    %add3A_51 = arith.constant 256 : i32
    %add3A_52 = arith.addi %mul3A_50, %add3A_51 : i32
    "tpu.region"() ({
      %run_scoped3A_427 = tpu.sem_alloc : memref<!tpu.dma_semaphore, #tpu.memory_space<semaphore_mem>>
      %dma_start3A = arith.constant 0 : i32
      %dma_start3A_428 = tpu.memref_slice %arg17[%add3A_52, %dma_start3A] : memref<10240x128xf32, #tpu.memory_space<vmem_shared>> -> memref<32x128xf32, #tpu.memory_space<vmem_shared>>
      %dma_start3A_429 = arith.constant 0 : i32
      %dma_start3A_430 = tpu.memref_slice %arg17[%add3A_52, %dma_start3A_429] : memref<10240x128xf32, #tpu.memory_space<vmem_shared>> -> memref<32x128xf32, #tpu.memory_space<vmem_shared>>
      tpu.enqueue_dma source(%arg16 : memref<32x128xf32, #tpu.memory_space<vmem>>) target(%dma_start3A_430 : memref<32x128xf32, #tpu.memory_space<vmem_shared>>) target_semaphore(%run_scoped3A_427 : memref<!tpu.dma_semaphore, #tpu.memory_space<semaphore_mem>>)
      %dma_wait3A = arith.constant 0 : i32
      %dma_wait3A_431 = tpu.memref_slice %arg17[%add3A_52, %dma_wait3A] : memref<10240x128xf32, #tpu.memory_space<vmem_shared>> -> memref<32x128xf32, #tpu.memory_space<vmem_shared>>
      %dma_wait3A_432 = arith.constant 0 : i32
      %dma_wait3A_433 = tpu.memref_slice %arg17[%add3A_52, %dma_wait3A_432] : memref<10240x128xf32, #tpu.memory_space<vmem_shared>> -> memref<32x128xf32, #tpu.memory_space<vmem_shared>>
      tpu.wait_dma2 semaphore(%run_scoped3A_427 : memref<!tpu.dma_semaphore, #tpu.memory_space<semaphore_mem>>) src(%arg16 : memref<32x128xf32, #tpu.memory_space<vmem>>) dst(%dma_wait3A_433 : memref<32x128xf32, #tpu.memory_space<vmem_shared>>)
      tpu.yield
    }) : () -> ()
    %mul3A_53 = arith.constant 640 : i32
    %mul3A_54 = arith.muli %arg1, %mul3A_53 : i32
    %add3A_55 = arith.constant 288 : i32
    %add3A_56 = arith.addi %mul3A_54, %add3A_55 : i32
    "tpu.region"() ({
      %run_scoped3A_427 = tpu.sem_alloc : memref<!tpu.dma_semaphore, #tpu.memory_space<semaphore_mem>>
      %dma_start3A = arith.constant 0 : i32
      %dma_start3A_428 = tpu.memref_slice %arg17[%add3A_56, %dma_start3A] : memref<10240x128xf32, #tpu.memory_space<vmem_shared>> -> memref<32x128xf32, #tpu.memory_space<vmem_shared>>
      %dma_start3A_429 = arith.constant 0 : i32
      %dma_start3A_430 = tpu.memref_slice %arg17[%add3A_56, %dma_start3A_429] : memref<10240x128xf32, #tpu.memory_space<vmem_shared>> -> memref<32x128xf32, #tpu.memory_space<vmem_shared>>
      tpu.enqueue_dma source(%arg16 : memref<32x128xf32, #tpu.memory_space<vmem>>) target(%dma_start3A_430 : memref<32x128xf32, #tpu.memory_space<vmem_shared>>) target_semaphore(%run_scoped3A_427 : memref<!tpu.dma_semaphore, #tpu.memory_space<semaphore_mem>>)
      %dma_wait3A = arith.constant 0 : i32
      %dma_wait3A_431 = tpu.memref_slice %arg17[%add3A_56, %dma_wait3A] : memref<10240x128xf32, #tpu.memory_space<vmem_shared>> -> memref<32x128xf32, #tpu.memory_space<vmem_shared>>
      %dma_wait3A_432 = arith.constant 0 : i32
      %dma_wait3A_433 = tpu.memref_slice %arg17[%add3A_56, %dma_wait3A_432] : memref<10240x128xf32, #tpu.memory_space<vmem_shared>> -> memref<32x128xf32, #tpu.memory_space<vmem_shared>>
      tpu.wait_dma2 semaphore(%run_scoped3A_427 : memref<!tpu.dma_semaphore, #tpu.memory_space<semaphore_mem>>) src(%arg16 : memref<32x128xf32, #tpu.memory_space<vmem>>) dst(%dma_wait3A_433 : memref<32x128xf32, #tpu.memory_space<vmem_shared>>)
      tpu.yield
    }) : () -> ()
    %mul3A_57 = arith.constant 640 : i32
    %mul3A_58 = arith.muli %arg1, %mul3A_57 : i32
    %add3A_59 = arith.constant 320 : i32
    %add3A_60 = arith.addi %mul3A_58, %add3A_59 : i32
    "tpu.region"() ({
      %run_scoped3A_427 = tpu.sem_alloc : memref<!tpu.dma_semaphore, #tpu.memory_space<semaphore_mem>>
      %dma_start3A = arith.constant 0 : i32
      %dma_start3A_428 = tpu.memref_slice %arg17[%add3A_60, %dma_start3A] : memref<10240x128xf32, #tpu.memory_space<vmem_shared>> -> memref<32x128xf32, #tpu.memory_space<vmem_shared>>
      %dma_start3A_429 = arith.constant 0 : i32
      %dma_start3A_430 = tpu.memref_slice %arg17[%add3A_60, %dma_start3A_429] : memref<10240x128xf32, #tpu.memory_space<vmem_shared>> -> memref<32x128xf32, #tpu.memory_space<vmem_shared>>
      tpu.enqueue_dma source(%arg16 : memref<32x128xf32, #tpu.memory_space<vmem>>) target(%dma_start3A_430 : memref<32x128xf32, #tpu.memory_space<vmem_shared>>) target_semaphore(%run_scoped3A_427 : memref<!tpu.dma_semaphore, #tpu.memory_space<semaphore_mem>>)
      %dma_wait3A = arith.constant 0 : i32
      %dma_wait3A_431 = tpu.memref_slice %arg17[%add3A_60, %dma_wait3A] : memref<10240x128xf32, #tpu.memory_space<vmem_shared>> -> memref<32x128xf32, #tpu.memory_space<vmem_shared>>
      %dma_wait3A_432 = arith.constant 0 : i32
      %dma_wait3A_433 = tpu.memref_slice %arg17[%add3A_60, %dma_wait3A_432] : memref<10240x128xf32, #tpu.memory_space<vmem_shared>> -> memref<32x128xf32, #tpu.memory_space<vmem_shared>>
      tpu.wait_dma2 semaphore(%run_scoped3A_427 : memref<!tpu.dma_semaphore, #tpu.memory_space<semaphore_mem>>) src(%arg16 : memref<32x128xf32, #tpu.memory_space<vmem>>) dst(%dma_wait3A_433 : memref<32x128xf32, #tpu.memory_space<vmem_shared>>)
      tpu.yield
    }) : () -> ()
    %mul3A_61 = arith.constant 640 : i32
    %mul3A_62 = arith.muli %arg1, %mul3A_61 : i32
    %add3A_63 = arith.constant 352 : i32
    %add3A_64 = arith.addi %mul3A_62, %add3A_63 : i32
    "tpu.region"() ({
      %run_scoped3A_427 = tpu.sem_alloc : memref<!tpu.dma_semaphore, #tpu.memory_space<semaphore_mem>>
      %dma_start3A = arith.constant 0 : i32
      %dma_start3A_428 = tpu.memref_slice %arg17[%add3A_64, %dma_start3A] : memref<10240x128xf32, #tpu.memory_space<vmem_shared>> -> memref<32x128xf32, #tpu.memory_space<vmem_shared>>
      %dma_start3A_429 = arith.constant 0 : i32
      %dma_start3A_430 = tpu.memref_slice %arg17[%add3A_64, %dma_start3A_429] : memref<10240x128xf32, #tpu.memory_space<vmem_shared>> -> memref<32x128xf32, #tpu.memory_space<vmem_shared>>
      tpu.enqueue_dma source(%arg16 : memref<32x128xf32, #tpu.memory_space<vmem>>) target(%dma_start3A_430 : memref<32x128xf32, #tpu.memory_space<vmem_shared>>) target_semaphore(%run_scoped3A_427 : memref<!tpu.dma_semaphore, #tpu.memory_space<semaphore_mem>>)
      %dma_wait3A = arith.constant 0 : i32
      %dma_wait3A_431 = tpu.memref_slice %arg17[%add3A_64, %dma_wait3A] : memref<10240x128xf32, #tpu.memory_space<vmem_shared>> -> memref<32x128xf32, #tpu.memory_space<vmem_shared>>
      %dma_wait3A_432 = arith.constant 0 : i32
      %dma_wait3A_433 = tpu.memref_slice %arg17[%add3A_64, %dma_wait3A_432] : memref<10240x128xf32, #tpu.memory_space<vmem_shared>> -> memref<32x128xf32, #tpu.memory_space<vmem_shared>>
      tpu.wait_dma2 semaphore(%run_scoped3A_427 : memref<!tpu.dma_semaphore, #tpu.memory_space<semaphore_mem>>) src(%arg16 : memref<32x128xf32, #tpu.memory_space<vmem>>) dst(%dma_wait3A_433 : memref<32x128xf32, #tpu.memory_space<vmem_shared>>)
      tpu.yield
    }) : () -> ()
    %mul3A_65 = arith.constant 640 : i32
    %mul3A_66 = arith.muli %arg1, %mul3A_65 : i32
    %add3A_67 = arith.constant 384 : i32
    %add3A_68 = arith.addi %mul3A_66, %add3A_67 : i32
    "tpu.region"() ({
      %run_scoped3A_427 = tpu.sem_alloc : memref<!tpu.dma_semaphore, #tpu.memory_space<semaphore_mem>>
      %dma_start3A = arith.constant 0 : i32
      %dma_start3A_428 = tpu.memref_slice %arg17[%add3A_68, %dma_start3A] : memref<10240x128xf32, #tpu.memory_space<vmem_shared>> -> memref<32x128xf32, #tpu.memory_space<vmem_shared>>
      %dma_start3A_429 = arith.constant 0 : i32
      %dma_start3A_430 = tpu.memref_slice %arg17[%add3A_68, %dma_start3A_429] : memref<10240x128xf32, #tpu.memory_space<vmem_shared>> -> memref<32x128xf32, #tpu.memory_space<vmem_shared>>
      tpu.enqueue_dma source(%arg16 : memref<32x128xf32, #tpu.memory_space<vmem>>) target(%dma_start3A_430 : memref<32x128xf32, #tpu.memory_space<vmem_shared>>) target_semaphore(%run_scoped3A_427 : memref<!tpu.dma_semaphore, #tpu.memory_space<semaphore_mem>>)
      %dma_wait3A = arith.constant 0 : i32
      %dma_wait3A_431 = tpu.memref_slice %arg17[%add3A_68, %dma_wait3A] : memref<10240x128xf32, #tpu.memory_space<vmem_shared>> -> memref<32x128xf32, #tpu.memory_space<vmem_shared>>
      %dma_wait3A_432 = arith.constant 0 : i32
      %dma_wait3A_433 = tpu.memref_slice %arg17[%add3A_68, %dma_wait3A_432] : memref<10240x128xf32, #tpu.memory_space<vmem_shared>> -> memref<32x128xf32, #tpu.memory_space<vmem_shared>>
      tpu.wait_dma2 semaphore(%run_scoped3A_427 : memref<!tpu.dma_semaphore, #tpu.memory_space<semaphore_mem>>) src(%arg16 : memref<32x128xf32, #tpu.memory_space<vmem>>) dst(%dma_wait3A_433 : memref<32x128xf32, #tpu.memory_space<vmem_shared>>)
      tpu.yield
    }) : () -> ()
    %mul3A_69 = arith.constant 640 : i32
    %mul3A_70 = arith.muli %arg1, %mul3A_69 : i32
    %add3A_71 = arith.constant 416 : i32
    %add3A_72 = arith.addi %mul3A_70, %add3A_71 : i32
    "tpu.region"() ({
      %run_scoped3A_427 = tpu.sem_alloc : memref<!tpu.dma_semaphore, #tpu.memory_space<semaphore_mem>>
      %dma_start3A = arith.constant 0 : i32
      %dma_start3A_428 = tpu.memref_slice %arg17[%add3A_72, %dma_start3A] : memref<10240x128xf32, #tpu.memory_space<vmem_shared>> -> memref<32x128xf32, #tpu.memory_space<vmem_shared>>
      %dma_start3A_429 = arith.constant 0 : i32
      %dma_start3A_430 = tpu.memref_slice %arg17[%add3A_72, %dma_start3A_429] : memref<10240x128xf32, #tpu.memory_space<vmem_shared>> -> memref<32x128xf32, #tpu.memory_space<vmem_shared>>
      tpu.enqueue_dma source(%arg16 : memref<32x128xf32, #tpu.memory_space<vmem>>) target(%dma_start3A_430 : memref<32x128xf32, #tpu.memory_space<vmem_shared>>) target_semaphore(%run_scoped3A_427 : memref<!tpu.dma_semaphore, #tpu.memory_space<semaphore_mem>>)
      %dma_wait3A = arith.constant 0 : i32
      %dma_wait3A_431 = tpu.memref_slice %arg17[%add3A_72, %dma_wait3A] : memref<10240x128xf32, #tpu.memory_space<vmem_shared>> -> memref<32x128xf32, #tpu.memory_space<vmem_shared>>
      %dma_wait3A_432 = arith.constant 0 : i32
      %dma_wait3A_433 = tpu.memref_slice %arg17[%add3A_72, %dma_wait3A_432] : memref<10240x128xf32, #tpu.memory_space<vmem_shared>> -> memref<32x128xf32, #tpu.memory_space<vmem_shared>>
      tpu.wait_dma2 semaphore(%run_scoped3A_427 : memref<!tpu.dma_semaphore, #tpu.memory_space<semaphore_mem>>) src(%arg16 : memref<32x128xf32, #tpu.memory_space<vmem>>) dst(%dma_wait3A_433 : memref<32x128xf32, #tpu.memory_space<vmem_shared>>)
      tpu.yield
    }) : () -> ()
    %mul3A_73 = arith.constant 640 : i32
    %mul3A_74 = arith.muli %arg1, %mul3A_73 : i32
    %add3A_75 = arith.constant 448 : i32
    %add3A_76 = arith.addi %mul3A_74, %add3A_75 : i32
    "tpu.region"() ({
      %run_scoped3A_427 = tpu.sem_alloc : memref<!tpu.dma_semaphore, #tpu.memory_space<semaphore_mem>>
      %dma_start3A = arith.constant 0 : i32
      %dma_start3A_428 = tpu.memref_slice %arg17[%add3A_76, %dma_start3A] : memref<10240x128xf32, #tpu.memory_space<vmem_shared>> -> memref<32x128xf32, #tpu.memory_space<vmem_shared>>
      %dma_start3A_429 = arith.constant 0 : i32
      %dma_start3A_430 = tpu.memref_slice %arg17[%add3A_76, %dma_start3A_429] : memref<10240x128xf32, #tpu.memory_space<vmem_shared>> -> memref<32x128xf32, #tpu.memory_space<vmem_shared>>
      tpu.enqueue_dma source(%arg16 : memref<32x128xf32, #tpu.memory_space<vmem>>) target(%dma_start3A_430 : memref<32x128xf32, #tpu.memory_space<vmem_shared>>) target_semaphore(%run_scoped3A_427 : memref<!tpu.dma_semaphore, #tpu.memory_space<semaphore_mem>>)
      %dma_wait3A = arith.constant 0 : i32
      %dma_wait3A_431 = tpu.memref_slice %arg17[%add3A_76, %dma_wait3A] : memref<10240x128xf32, #tpu.memory_space<vmem_shared>> -> memref<32x128xf32, #tpu.memory_space<vmem_shared>>
      %dma_wait3A_432 = arith.constant 0 : i32
      %dma_wait3A_433 = tpu.memref_slice %arg17[%add3A_76, %dma_wait3A_432] : memref<10240x128xf32, #tpu.memory_space<vmem_shared>> -> memref<32x128xf32, #tpu.memory_space<vmem_shared>>
      tpu.wait_dma2 semaphore(%run_scoped3A_427 : memref<!tpu.dma_semaphore, #tpu.memory_space<semaphore_mem>>) src(%arg16 : memref<32x128xf32, #tpu.memory_space<vmem>>) dst(%dma_wait3A_433 : memref<32x128xf32, #tpu.memory_space<vmem_shared>>)
      tpu.yield
    }) : () -> ()
    %mul3A_77 = arith.constant 640 : i32
    %mul3A_78 = arith.muli %arg1, %mul3A_77 : i32
    %add3A_79 = arith.constant 480 : i32
    %add3A_80 = arith.addi %mul3A_78, %add3A_79 : i32
    "tpu.region"() ({
      %run_scoped3A_427 = tpu.sem_alloc : memref<!tpu.dma_semaphore, #tpu.memory_space<semaphore_mem>>
      %dma_start3A = arith.constant 0 : i32
      %dma_start3A_428 = tpu.memref_slice %arg17[%add3A_80, %dma_start3A] : memref<10240x128xf32, #tpu.memory_space<vmem_shared>> -> memref<32x128xf32, #tpu.memory_space<vmem_shared>>
      %dma_start3A_429 = arith.constant 0 : i32
      %dma_start3A_430 = tpu.memref_slice %arg17[%add3A_80, %dma_start3A_429] : memref<10240x128xf32, #tpu.memory_space<vmem_shared>> -> memref<32x128xf32, #tpu.memory_space<vmem_shared>>
      tpu.enqueue_dma source(%arg16 : memref<32x128xf32, #tpu.memory_space<vmem>>) target(%dma_start3A_430 : memref<32x128xf32, #tpu.memory_space<vmem_shared>>) target_semaphore(%run_scoped3A_427 : memref<!tpu.dma_semaphore, #tpu.memory_space<semaphore_mem>>)
      %dma_wait3A = arith.constant 0 : i32
      %dma_wait3A_431 = tpu.memref_slice %arg17[%add3A_80, %dma_wait3A] : memref<10240x128xf32, #tpu.memory_space<vmem_shared>> -> memref<32x128xf32, #tpu.memory_space<vmem_shared>>
      %dma_wait3A_432 = arith.constant 0 : i32
      %dma_wait3A_433 = tpu.memref_slice %arg17[%add3A_80, %dma_wait3A_432] : memref<10240x128xf32, #tpu.memory_space<vmem_shared>> -> memref<32x128xf32, #tpu.memory_space<vmem_shared>>
      tpu.wait_dma2 semaphore(%run_scoped3A_427 : memref<!tpu.dma_semaphore, #tpu.memory_space<semaphore_mem>>) src(%arg16 : memref<32x128xf32, #tpu.memory_space<vmem>>) dst(%dma_wait3A_433 : memref<32x128xf32, #tpu.memory_space<vmem_shared>>)
      tpu.yield
    }) : () -> ()
    %mul3A_81 = arith.constant 640 : i32
    %mul3A_82 = arith.muli %arg1, %mul3A_81 : i32
    %add3A_83 = arith.constant 512 : i32
    %add3A_84 = arith.addi %mul3A_82, %add3A_83 : i32
    "tpu.region"() ({
      %run_scoped3A_427 = tpu.sem_alloc : memref<!tpu.dma_semaphore, #tpu.memory_space<semaphore_mem>>
      %dma_start3A = arith.constant 0 : i32
      %dma_start3A_428 = tpu.memref_slice %arg17[%add3A_84, %dma_start3A] : memref<10240x128xf32, #tpu.memory_space<vmem_shared>> -> memref<32x128xf32, #tpu.memory_space<vmem_shared>>
      %dma_start3A_429 = arith.constant 0 : i32
      %dma_start3A_430 = tpu.memref_slice %arg17[%add3A_84, %dma_start3A_429] : memref<10240x128xf32, #tpu.memory_space<vmem_shared>> -> memref<32x128xf32, #tpu.memory_space<vmem_shared>>
      tpu.enqueue_dma source(%arg16 : memref<32x128xf32, #tpu.memory_space<vmem>>) target(%dma_start3A_430 : memref<32x128xf32, #tpu.memory_space<vmem_shared>>) target_semaphore(%run_scoped3A_427 : memref<!tpu.dma_semaphore, #tpu.memory_space<semaphore_mem>>)
      %dma_wait3A = arith.constant 0 : i32
      %dma_wait3A_431 = tpu.memref_slice %arg17[%add3A_84, %dma_wait3A] : memref<10240x128xf32, #tpu.memory_space<vmem_shared>> -> memref<32x128xf32, #tpu.memory_space<vmem_shared>>
      %dma_wait3A_432 = arith.constant 0 : i32
      %dma_wait3A_433 = tpu.memref_slice %arg17[%add3A_84, %dma_wait3A_432] : memref<10240x128xf32, #tpu.memory_space<vmem_shared>> -> memref<32x128xf32, #tpu.memory_space<vmem_shared>>
      tpu.wait_dma2 semaphore(%run_scoped3A_427 : memref<!tpu.dma_semaphore, #tpu.memory_space<semaphore_mem>>) src(%arg16 : memref<32x128xf32, #tpu.memory_space<vmem>>) dst(%dma_wait3A_433 : memref<32x128xf32, #tpu.memory_space<vmem_shared>>)
      tpu.yield
    }) : () -> ()
    %mul3A_85 = arith.constant 640 : i32
    %mul3A_86 = arith.muli %arg1, %mul3A_85 : i32
    %add3A_87 = arith.constant 544 : i32
    %add3A_88 = arith.addi %mul3A_86, %add3A_87 : i32
    "tpu.region"() ({
      %run_scoped3A_427 = tpu.sem_alloc : memref<!tpu.dma_semaphore, #tpu.memory_space<semaphore_mem>>
      %dma_start3A = arith.constant 0 : i32
      %dma_start3A_428 = tpu.memref_slice %arg17[%add3A_88, %dma_start3A] : memref<10240x128xf32, #tpu.memory_space<vmem_shared>> -> memref<32x128xf32, #tpu.memory_space<vmem_shared>>
      %dma_start3A_429 = arith.constant 0 : i32
      %dma_start3A_430 = tpu.memref_slice %arg17[%add3A_88, %dma_start3A_429] : memref<10240x128xf32, #tpu.memory_space<vmem_shared>> -> memref<32x128xf32, #tpu.memory_space<vmem_shared>>
      tpu.enqueue_dma source(%arg16 : memref<32x128xf32, #tpu.memory_space<vmem>>) target(%dma_start3A_430 : memref<32x128xf32, #tpu.memory_space<vmem_shared>>) target_semaphore(%run_scoped3A_427 : memref<!tpu.dma_semaphore, #tpu.memory_space<semaphore_mem>>)
      %dma_wait3A = arith.constant 0 : i32
      %dma_wait3A_431 = tpu.memref_slice %arg17[%add3A_88, %dma_wait3A] : memref<10240x128xf32, #tpu.memory_space<vmem_shared>> -> memref<32x128xf32, #tpu.memory_space<vmem_shared>>
      %dma_wait3A_432 = arith.constant 0 : i32
      %dma_wait3A_433 = tpu.memref_slice %arg17[%add3A_88, %dma_wait3A_432] : memref<10240x128xf32, #tpu.memory_space<vmem_shared>> -> memref<32x128xf32, #tpu.memory_space<vmem_shared>>
      tpu.wait_dma2 semaphore(%run_scoped3A_427 : memref<!tpu.dma_semaphore, #tpu.memory_space<semaphore_mem>>) src(%arg16 : memref<32x128xf32, #tpu.memory_space<vmem>>) dst(%dma_wait3A_433 : memref<32x128xf32, #tpu.memory_space<vmem_shared>>)
      tpu.yield
    }) : () -> ()
    %mul3A_89 = arith.constant 640 : i32
    %mul3A_90 = arith.muli %arg1, %mul3A_89 : i32
    %add3A_91 = arith.constant 576 : i32
    %add3A_92 = arith.addi %mul3A_90, %add3A_91 : i32
    "tpu.region"() ({
      %run_scoped3A_427 = tpu.sem_alloc : memref<!tpu.dma_semaphore, #tpu.memory_space<semaphore_mem>>
      %dma_start3A = arith.constant 0 : i32
      %dma_start3A_428 = tpu.memref_slice %arg17[%add3A_92, %dma_start3A] : memref<10240x128xf32, #tpu.memory_space<vmem_shared>> -> memref<32x128xf32, #tpu.memory_space<vmem_shared>>
      %dma_start3A_429 = arith.constant 0 : i32
      %dma_start3A_430 = tpu.memref_slice %arg17[%add3A_92, %dma_start3A_429] : memref<10240x128xf32, #tpu.memory_space<vmem_shared>> -> memref<32x128xf32, #tpu.memory_space<vmem_shared>>
      tpu.enqueue_dma source(%arg16 : memref<32x128xf32, #tpu.memory_space<vmem>>) target(%dma_start3A_430 : memref<32x128xf32, #tpu.memory_space<vmem_shared>>) target_semaphore(%run_scoped3A_427 : memref<!tpu.dma_semaphore, #tpu.memory_space<semaphore_mem>>)
      %dma_wait3A = arith.constant 0 : i32
      %dma_wait3A_431 = tpu.memref_slice %arg17[%add3A_92, %dma_wait3A] : memref<10240x128xf32, #tpu.memory_space<vmem_shared>> -> memref<32x128xf32, #tpu.memory_space<vmem_shared>>
      %dma_wait3A_432 = arith.constant 0 : i32
      %dma_wait3A_433 = tpu.memref_slice %arg17[%add3A_92, %dma_wait3A_432] : memref<10240x128xf32, #tpu.memory_space<vmem_shared>> -> memref<32x128xf32, #tpu.memory_space<vmem_shared>>
      tpu.wait_dma2 semaphore(%run_scoped3A_427 : memref<!tpu.dma_semaphore, #tpu.memory_space<semaphore_mem>>) src(%arg16 : memref<32x128xf32, #tpu.memory_space<vmem>>) dst(%dma_wait3A_433 : memref<32x128xf32, #tpu.memory_space<vmem_shared>>)
      tpu.yield
    }) : () -> ()
    %mul3A_93 = arith.constant 640 : i32
    %mul3A_94 = arith.muli %arg1, %mul3A_93 : i32
    %add3A_95 = arith.constant 608 : i32
    %add3A_96 = arith.addi %mul3A_94, %add3A_95 : i32
    "tpu.region"() ({
      %run_scoped3A_427 = tpu.sem_alloc : memref<!tpu.dma_semaphore, #tpu.memory_space<semaphore_mem>>
      %dma_start3A = arith.constant 0 : i32
      %dma_start3A_428 = tpu.memref_slice %arg17[%add3A_96, %dma_start3A] : memref<10240x128xf32, #tpu.memory_space<vmem_shared>> -> memref<32x128xf32, #tpu.memory_space<vmem_shared>>
      %dma_start3A_429 = arith.constant 0 : i32
      %dma_start3A_430 = tpu.memref_slice %arg17[%add3A_96, %dma_start3A_429] : memref<10240x128xf32, #tpu.memory_space<vmem_shared>> -> memref<32x128xf32, #tpu.memory_space<vmem_shared>>
      tpu.enqueue_dma source(%arg16 : memref<32x128xf32, #tpu.memory_space<vmem>>) target(%dma_start3A_430 : memref<32x128xf32, #tpu.memory_space<vmem_shared>>) target_semaphore(%run_scoped3A_427 : memref<!tpu.dma_semaphore, #tpu.memory_space<semaphore_mem>>)
      %dma_wait3A = arith.constant 0 : i32
      %dma_wait3A_431 = tpu.memref_slice %arg17[%add3A_96, %dma_wait3A] : memref<10240x128xf32, #tpu.memory_space<vmem_shared>> -> memref<32x128xf32, #tpu.memory_space<vmem_shared>>
      %dma_wait3A_432 = arith.constant 0 : i32
      %dma_wait3A_433 = tpu.memref_slice %arg17[%add3A_96, %dma_wait3A_432] : memref<10240x128xf32, #tpu.memory_space<vmem_shared>> -> memref<32x128xf32, #tpu.memory_space<vmem_shared>>
      tpu.wait_dma2 semaphore(%run_scoped3A_427 : memref<!tpu.dma_semaphore, #tpu.memory_space<semaphore_mem>>) src(%arg16 : memref<32x128xf32, #tpu.memory_space<vmem>>) dst(%dma_wait3A_433 : memref<32x128xf32, #tpu.memory_space<vmem_shared>>)
      tpu.yield
    }) : () -> ()
    %barrier3A = arith.constant 0 : index
    tpu.barrier barrier_id(%barrier3A)
    %scan3A_97 = arith.constant 0 : i32
    %scan3A_98 = arith.constant 0 : i32
    %scan3A_99 = arith.constant 162 : i32
    %scan3A_100 = arith.addi %scan3A_98, %scan3A_99 : i32
    %scan3A_101 = arith.constant 1 : i32
    %scan3A_102 = scf.for %scan3A_427 = %scan3A_98 to %scan3A_100 step %scan3A_101 iter_args(%scan3A_428 = %scan3A_97) -> (i32)  : i32 {
      %mul3A_429 = arith.constant 64 : i32
      %mul3A_430 = arith.muli %scan3A_427, %mul3A_429 : i32
      %add3A_431 = arith.addi %mul3A_2, %mul3A_430 : i32
      %run_scoped3A_432 = arith.constant 0 : i32
      "tpu.region"() ({
        %run_scoped3A_558 = tpu.sem_alloc : memref<!tpu.dma_semaphore, #tpu.memory_space<semaphore_mem>>
        %dma_start3A_559 = tpu.memref_slice %arg5[%run_scoped3A_432, %add3A_431] : memref<4x331776xi32, #tpu.memory_space<hbm>> -> memref<1x64xi32, #tpu.memory_space<hbm>>
        %dma_start3A_560 = tpu.memref_squeeze %dma_start3A_559 : memref<1x64xi32, #tpu.memory_space<hbm>> -> memref<64xi32, #tpu.memory_space<hbm>>
        %dma_start3A_561 = tpu.memref_slice %arg5[%run_scoped3A_432, %add3A_431] : memref<4x331776xi32, #tpu.memory_space<hbm>> -> memref<1x64xi32, #tpu.memory_space<hbm>>
        %dma_start3A_562 = tpu.memref_squeeze %dma_start3A_561 : memref<1x64xi32, #tpu.memory_space<hbm>> -> memref<64xi32, #tpu.memory_space<hbm>>
        tpu.enqueue_dma source(%dma_start3A_562 : memref<64xi32, #tpu.memory_space<hbm>>) target(%arg12 : memref<64xi32, #tpu.memory_space<vmem>>) target_semaphore(%run_scoped3A_558 : memref<!tpu.dma_semaphore, #tpu.memory_space<semaphore_mem>>)
        %dma_wait3A_563 = tpu.memref_slice %arg5[%run_scoped3A_432, %add3A_431] : memref<4x331776xi32, #tpu.memory_space<hbm>> -> memref<1x64xi32, #tpu.memory_space<hbm>>
        %dma_wait3A_564 = tpu.memref_squeeze %dma_wait3A_563 : memref<1x64xi32, #tpu.memory_space<hbm>> -> memref<64xi32, #tpu.memory_space<hbm>>
        %dma_wait3A_565 = tpu.memref_slice %arg5[%run_scoped3A_432, %add3A_431] : memref<4x331776xi32, #tpu.memory_space<hbm>> -> memref<1x64xi32, #tpu.memory_space<hbm>>
        %dma_wait3A_566 = tpu.memref_squeeze %dma_wait3A_565 : memref<1x64xi32, #tpu.memory_space<hbm>> -> memref<64xi32, #tpu.memory_space<hbm>>
        tpu.wait_dma2 semaphore(%run_scoped3A_558 : memref<!tpu.dma_semaphore, #tpu.memory_space<semaphore_mem>>) src(%dma_wait3A_566 : memref<64xi32, #tpu.memory_space<hbm>>) dst(%arg12 : memref<64xi32, #tpu.memory_space<vmem>>)
        tpu.yield
      }) : () -> ()
      "tpu.region"() ({
        %run_scoped3A_558 = tpu.sem_alloc : memref<!tpu.dma_semaphore, #tpu.memory_space<semaphore_mem>>
        %dma_start3A_559 = tpu.memref_slice %arg6[%add3A_431] : memref<331776xi32, #tpu.memory_space<hbm>> -> memref<64xi32, #tpu.memory_space<hbm>>
        %dma_start3A_560 = tpu.memref_slice %arg6[%add3A_431] : memref<331776xi32, #tpu.memory_space<hbm>> -> memref<64xi32, #tpu.memory_space<hbm>>
        tpu.enqueue_dma source(%dma_start3A_560 : memref<64xi32, #tpu.memory_space<hbm>>) target(%arg13 : memref<64xi32, #tpu.memory_space<vmem>>) target_semaphore(%run_scoped3A_558 : memref<!tpu.dma_semaphore, #tpu.memory_space<semaphore_mem>>)
        %dma_wait3A_561 = tpu.memref_slice %arg6[%add3A_431] : memref<331776xi32, #tpu.memory_space<hbm>> -> memref<64xi32, #tpu.memory_space<hbm>>
        %dma_wait3A_562 = tpu.memref_slice %arg6[%add3A_431] : memref<331776xi32, #tpu.memory_space<hbm>> -> memref<64xi32, #tpu.memory_space<hbm>>
        tpu.wait_dma2 semaphore(%run_scoped3A_558 : memref<!tpu.dma_semaphore, #tpu.memory_space<semaphore_mem>>) src(%dma_wait3A_562 : memref<64xi32, #tpu.memory_space<hbm>>) dst(%arg13 : memref<64xi32, #tpu.memory_space<vmem>>)
        tpu.yield
      }) : () -> ()
      %dma_start3A = arith.constant 0 : i32
      %dma_start3A_433 = arith.constant 0 : i32
      %dma_start3A_434 = tpu.memref_slice %arg2[%dma_start3A, %dma_start3A_433] : memref<40960x128xf32, #tpu.memory_space<hbm>> -> memref<40960x128xf32, #tpu.memory_space<hbm>>
      tpu.enqueue_indirect_dma source(%dma_start3A_434 : memref<40960x128xf32, #tpu.memory_space<hbm>>) target(%arg14 : memref<64x128xf32, #tpu.memory_space<vmem>>) offsets(%arg12 : memref<64xi32, #tpu.memory_space<vmem>>) semaphore(%arg18 : memref<!tpu.dma_semaphore, #tpu.memory_space<semaphore_mem>>)
      %get3A = arith.constant 0 : index
      %get3A_435 = tpu.vector_load %arg12[%get3A] {strides = array<i32>} : memref<64xi32, #tpu.memory_space<vmem>>, vector<16xi32>,
      %sub3A = arith.constant 0 : i32
      %sub3A_436 = vector.broadcast %sub3A : i32 to vector<16xi32>
      %sub3A_437 = arith.subi %get3A_435, %sub3A_436 : vector<16xi32>
      %get3A_438 = arith.constant 0 : index
      %get3A_439 = tpu.vector_load %arg13[%get3A_438] {strides = array<i32>} : memref<64xi32, #tpu.memory_space<vmem>>, vector<16xi32>,
      %gather3A = tpu.vector_load_idx %arg9[%sub3A_437] : memref<10240xf32, #tpu.memory_space<vmem>>[vector<16xi32>], vector<16xf32>,
      %gather3A_440 = tpu.vector_load_idx %arg10[%get3A_439] : memref<10240xf32, #tpu.memory_space<vmem>>[vector<16xi32>], vector<16xf32>,
      %add3A_441 = arith.addf %gather3A, %gather3A_440 : vector<16xf32>
      %ge3A = arith.constant 0.000000e+00 : f32
      %ge3A_442 = vector.broadcast %ge3A : f32 to vector<16xf32>
      %ge3A_443 = arith.cmpf oge, %add3A_441, %ge3A_442 : vector<16xf32>
      %mul3A_444 = arith.constant 2.000000e-01 : f32
      %mul3A_445 = vector.broadcast %mul3A_444 : f32 to vector<16xf32>
      %mul3A_446 = arith.mulf %add3A_441, %mul3A_445 : vector<16xf32>
      %select_n3A = arith.select %ge3A_443, %add3A_441, %mul3A_446 : vector<16xi1>, vector<16xf32>
      %exp3A = math.exp %select_n3A : vector<16xf32>
      %add3A_447 = arith.constant 0 : i32
      %add3A_448 = arith.addi %add3A_431, %add3A_447 : i32
      %iota3A = tpu.iota {dimensions = array<i32: 0>} : vector<16xi32>
      %add3A_449 = vector.broadcast %add3A_448 : i32 to vector<16xi32>
      %add3A_450 = arith.addi %add3A_449, %iota3A : vector<16xi32>
      %lt3A = arith.constant 330000 : i32
      %lt3A_451 = vector.broadcast %lt3A : i32 to vector<16xi32>
      %lt3A_452 = arith.cmpi slt, %add3A_450, %lt3A_451 : vector<16xi32>
      %jit3A = arith.constant 0.000000e+00 : f32
      %broadcast_in_dim3A = vector.broadcast %jit3A : f32 to vector<16xf32>
      %select_n3A_453 = arith.select %lt3A_452, %exp3A, %broadcast_in_dim3A : vector<16xi1>, vector<16xf32>
      tpu.vector_store_idx %arg11[%get3A_439], %select_n3A_453 {add = true} : memref<10240xf32, #tpu.memory_space<vmem>>[vector<16xi32>], vector<16xf32>,
      %swap3A = arith.constant 0 : index
      %swap3A_454 = tpu.vector_load %arg15[%swap3A] {strides = array<i32>} : memref<64xf32, #tpu.memory_space<vmem>>, vector<16xf32>,
      tpu.vector_store %arg15[%swap3A], %select_n3A_453 {strides = array<i32>} : memref<64xf32, #tpu.memory_space<vmem>>, vector<16xf32>,
      %get3A_455 = arith.constant 16 : index
      %get3A_456 = tpu.vector_load %arg12[%get3A_455] {strides = array<i32>} : memref<64xi32, #tpu.memory_space<vmem>>, vector<16xi32>,
      %sub3A_457 = arith.constant 0 : i32
      %sub3A_458 = vector.broadcast %sub3A_457 : i32 to vector<16xi32>
      %sub3A_459 = arith.subi %get3A_456, %sub3A_458 : vector<16xi32>
      %get3A_460 = arith.constant 16 : index
      %get3A_461 = tpu.vector_load %arg13[%get3A_460] {strides = array<i32>} : memref<64xi32, #tpu.memory_space<vmem>>, vector<16xi32>,
      %gather3A_462 = tpu.vector_load_idx %arg9[%sub3A_459] : memref<10240xf32, #tpu.memory_space<vmem>>[vector<16xi32>], vector<16xf32>,
      %gather3A_463 = tpu.vector_load_idx %arg10[%get3A_461] : memref<10240xf32, #tpu.memory_space<vmem>>[vector<16xi32>], vector<16xf32>,
      %add3A_464 = arith.addf %gather3A_462, %gather3A_463 : vector<16xf32>
      %ge3A_465 = arith.constant 0.000000e+00 : f32
      %ge3A_466 = vector.broadcast %ge3A_465 : f32 to vector<16xf32>
      %ge3A_467 = arith.cmpf oge, %add3A_464, %ge3A_466 : vector<16xf32>
      %mul3A_468 = arith.constant 2.000000e-01 : f32
      %mul3A_469 = vector.broadcast %mul3A_468 : f32 to vector<16xf32>
      %mul3A_470 = arith.mulf %add3A_464, %mul3A_469 : vector<16xf32>
      %select_n3A_471 = arith.select %ge3A_467, %add3A_464, %mul3A_470 : vector<16xi1>, vector<16xf32>
      %exp3A_472 = math.exp %select_n3A_471 : vector<16xf32>
      %add3A_473 = arith.constant 16 : i32
      %add3A_474 = arith.addi %add3A_431, %add3A_473 : i32
      %iota3A_475 = tpu.iota {dimensions = array<i32: 0>} : vector<16xi32>
      %add3A_476 = vector.broadcast %add3A_474 : i32 to vector<16xi32>
      %add3A_477 = arith.addi %add3A_476, %iota3A_475 : vector<16xi32>
      %lt3A_478 = arith.constant 330000 : i32
      %lt3A_479 = vector.broadcast %lt3A_478 : i32 to vector<16xi32>
      %lt3A_480 = arith.cmpi slt, %add3A_477, %lt3A_479 : vector<16xi32>
      %jit3A_481 = arith.constant 0.000000e+00 : f32
      %broadcast_in_dim3A_482 = vector.broadcast %jit3A_481 : f32 to vector<16xf32>
      %select_n3A_483 = arith.select %lt3A_480, %exp3A_472, %broadcast_in_dim3A_482 : vector<16xi1>, vector<16xf32>
      tpu.vector_store_idx %arg11[%get3A_461], %select_n3A_483 {add = true} : memref<10240xf32, #tpu.memory_space<vmem>>[vector<16xi32>], vector<16xf32>,
      %swap3A_484 = arith.constant 16 : index
      %swap3A_485 = tpu.vector_load %arg15[%swap3A_484] {strides = array<i32>} : memref<64xf32, #tpu.memory_space<vmem>>, vector<16xf32>,
      tpu.vector_store %arg15[%swap3A_484], %select_n3A_483 {strides = array<i32>} : memref<64xf32, #tpu.memory_space<vmem>>, vector<16xf32>,
      %get3A_486 = arith.constant 32 : index
      %get3A_487 = tpu.vector_load %arg12[%get3A_486] {strides = array<i32>} : memref<64xi32, #tpu.memory_space<vmem>>, vector<16xi32>,
      %sub3A_488 = arith.constant 0 : i32
      %sub3A_489 = vector.broadcast %sub3A_488 : i32 to vector<16xi32>
      %sub3A_490 = arith.subi %get3A_487, %sub3A_489 : vector<16xi32>
      %get3A_491 = arith.constant 32 : index
      %get3A_492 = tpu.vector_load %arg13[%get3A_491] {strides = array<i32>} : memref<64xi32, #tpu.memory_space<vmem>>, vector<16xi32>,
      %gather3A_493 = tpu.vector_load_idx %arg9[%sub3A_490] : memref<10240xf32, #tpu.memory_space<vmem>>[vector<16xi32>], vector<16xf32>,
      %gather3A_494 = tpu.vector_load_idx %arg10[%get3A_492] : memref<10240xf32, #tpu.memory_space<vmem>>[vector<16xi32>], vector<16xf32>,
      %add3A_495 = arith.addf %gather3A_493, %gather3A_494 : vector<16xf32>
      %ge3A_496 = arith.constant 0.000000e+00 : f32
      %ge3A_497 = vector.broadcast %ge3A_496 : f32 to vector<16xf32>
      %ge3A_498 = arith.cmpf oge, %add3A_495, %ge3A_497 : vector<16xf32>
      %mul3A_499 = arith.constant 2.000000e-01 : f32
      %mul3A_500 = vector.broadcast %mul3A_499 : f32 to vector<16xf32>
      %mul3A_501 = arith.mulf %add3A_495, %mul3A_500 : vector<16xf32>
      %select_n3A_502 = arith.select %ge3A_498, %add3A_495, %mul3A_501 : vector<16xi1>, vector<16xf32>
      %exp3A_503 = math.exp %select_n3A_502 : vector<16xf32>
      %add3A_504 = arith.constant 32 : i32
      %add3A_505 = arith.addi %add3A_431, %add3A_504 : i32
      %iota3A_506 = tpu.iota {dimensions = array<i32: 0>} : vector<16xi32>
      %add3A_507 = vector.broadcast %add3A_505 : i32 to vector<16xi32>
      %add3A_508 = arith.addi %add3A_507, %iota3A_506 : vector<16xi32>
      %lt3A_509 = arith.constant 330000 : i32
      %lt3A_510 = vector.broadcast %lt3A_509 : i32 to vector<16xi32>
      %lt3A_511 = arith.cmpi slt, %add3A_508, %lt3A_510 : vector<16xi32>
      %jit3A_512 = arith.constant 0.000000e+00 : f32
      %broadcast_in_dim3A_513 = vector.broadcast %jit3A_512 : f32 to vector<16xf32>
      %select_n3A_514 = arith.select %lt3A_511, %exp3A_503, %broadcast_in_dim3A_513 : vector<16xi1>, vector<16xf32>
      tpu.vector_store_idx %arg11[%get3A_492], %select_n3A_514 {add = true} : memref<10240xf32, #tpu.memory_space<vmem>>[vector<16xi32>], vector<16xf32>,
      %swap3A_515 = arith.constant 32 : index
      %swap3A_516 = tpu.vector_load %arg15[%swap3A_515] {strides = array<i32>} : memref<64xf32, #tpu.memory_space<vmem>>, vector<16xf32>,
      tpu.vector_store %arg15[%swap3A_515], %select_n3A_514 {strides = array<i32>} : memref<64xf32, #tpu.memory_space<vmem>>, vector<16xf32>,
      %get3A_517 = arith.constant 48 : index
      %get3A_518 = tpu.vector_load %arg12[%get3A_517] {strides = array<i32>} : memref<64xi32, #tpu.memory_space<vmem>>, vector<16xi32>,
      %sub3A_519 = arith.constant 0 : i32
      %sub3A_520 = vector.broadcast %sub3A_519 : i32 to vector<16xi32>
      %sub3A_521 = arith.subi %get3A_518, %sub3A_520 : vector<16xi32>
      %get3A_522 = arith.constant 48 : index
      %get3A_523 = tpu.vector_load %arg13[%get3A_522] {strides = array<i32>} : memref<64xi32, #tpu.memory_space<vmem>>, vector<16xi32>,
      %gather3A_524 = tpu.vector_load_idx %arg9[%sub3A_521] : memref<10240xf32, #tpu.memory_space<vmem>>[vector<16xi32>], vector<16xf32>,
      %gather3A_525 = tpu.vector_load_idx %arg10[%get3A_523] : memref<10240xf32, #tpu.memory_space<vmem>>[vector<16xi32>], vector<16xf32>,
      %add3A_526 = arith.addf %gather3A_524, %gather3A_525 : vector<16xf32>
      %ge3A_527 = arith.constant 0.000000e+00 : f32
      %ge3A_528 = vector.broadcast %ge3A_527 : f32 to vector<16xf32>
      %ge3A_529 = arith.cmpf oge, %add3A_526, %ge3A_528 : vector<16xf32>
      %mul3A_530 = arith.constant 2.000000e-01 : f32
      %mul3A_531 = vector.broadcast %mul3A_530 : f32 to vector<16xf32>
      %mul3A_532 = arith.mulf %add3A_526, %mul3A_531 : vector<16xf32>
      %select_n3A_533 = arith.select %ge3A_529, %add3A_526, %mul3A_532 : vector<16xi1>, vector<16xf32>
      %exp3A_534 = math.exp %select_n3A_533 : vector<16xf32>
      %add3A_535 = arith.constant 48 : i32
      %add3A_536 = arith.addi %add3A_431, %add3A_535 : i32
      %iota3A_537 = tpu.iota {dimensions = array<i32: 0>} : vector<16xi32>
      %add3A_538 = vector.broadcast %add3A_536 : i32 to vector<16xi32>
      %add3A_539 = arith.addi %add3A_538, %iota3A_537 : vector<16xi32>
      %lt3A_540 = arith.constant 330000 : i32
      %lt3A_541 = vector.broadcast %lt3A_540 : i32 to vector<16xi32>
      %lt3A_542 = arith.cmpi slt, %add3A_539, %lt3A_541 : vector<16xi32>
      %jit3A_543 = arith.constant 0.000000e+00 : f32
      %broadcast_in_dim3A_544 = vector.broadcast %jit3A_543 : f32 to vector<16xf32>
      %select_n3A_545 = arith.select %lt3A_542, %exp3A_534, %broadcast_in_dim3A_544 : vector<16xi1>, vector<16xf32>
      tpu.vector_store_idx %arg11[%get3A_523], %select_n3A_545 {add = true} : memref<10240xf32, #tpu.memory_space<vmem>>[vector<16xi32>], vector<16xf32>,
      %swap3A_546 = arith.constant 48 : index
      %swap3A_547 = tpu.vector_load %arg15[%swap3A_546] {strides = array<i32>} : memref<64xf32, #tpu.memory_space<vmem>>, vector<16xf32>,
      tpu.vector_store %arg15[%swap3A_546], %select_n3A_545 {strides = array<i32>} : memref<64xf32, #tpu.memory_space<vmem>>, vector<16xf32>,
      %dma_wait3A = arith.constant 0 : i32
      %dma_wait3A_548 = arith.constant 0 : i32
      %dma_wait3A_549 = tpu.memref_slice %arg2[%dma_wait3A, %dma_wait3A_548] : memref<40960x128xf32, #tpu.memory_space<hbm>> -> memref<40960x128xf32, #tpu.memory_space<hbm>>
      tpu.wait_indirect_dma semaphore(%arg18 : memref<!tpu.dma_semaphore, #tpu.memory_space<semaphore_mem>>) src(%dma_wait3A_549 : memref<40960x128xf32, #tpu.memory_space<hbm>>) dst(%arg14 : memref<64x128xf32, #tpu.memory_space<vmem>>)
      %scan3A_550 = arith.constant 0 : i32
      %scan3A_551 = arith.constant 0 : i32
      %scan3A_552 = arith.constant 64 : i32
      %scan3A_553 = arith.addi %scan3A_551, %scan3A_552 : i32
      %scan3A_554 = arith.constant 1 : i32
      %scan3A_555 = scf.for %scan3A_558 = %scan3A_551 to %scan3A_553 step %scan3A_554 iter_args(%scan3A_559 = %scan3A_550) -> (i32)  : i32 {
        %broadcast_in_dim3A_560 = vector.broadcast %scan3A_558 : i32 to vector<16xi32>
        %gather3A_561 = tpu.vector_load_idx %arg15[%broadcast_in_dim3A_560] : memref<64xf32, #tpu.memory_space<vmem>>[vector<16xi32>], vector<16xf32>,
        %get3A_562 = arith.index_cast %scan3A_558 : i32 to index
        %get3A_563 = arith.constant 0 : index
        %get3A_564 = tpu.vector_load %arg14[%get3A_562, %get3A_563] {strides = array<i32>} : memref<64x128xf32, #tpu.memory_space<vmem>>, vector<16xf32>,
        %mul3A_565 = arith.mulf %get3A_564, %gather3A_561 : vector<16xf32>
        %swap3A_566 = arith.index_cast %scan3A_558 : i32 to index
        %swap3A_567 = arith.constant 0 : index
        %swap3A_568 = tpu.vector_load %arg14[%swap3A_566, %swap3A_567] {strides = array<i32>} : memref<64x128xf32, #tpu.memory_space<vmem>>, vector<16xf32>,
        tpu.vector_store %arg14[%swap3A_566, %swap3A_567], %mul3A_565 {strides = array<i32>} : memref<64x128xf32, #tpu.memory_space<vmem>>, vector<16xf32>,
        %get3A_569 = arith.index_cast %scan3A_558 : i32 to index
        %get3A_570 = arith.constant 16 : index
        %get3A_571 = tpu.vector_load %arg14[%get3A_569, %get3A_570] {strides = array<i32>} : memref<64x128xf32, #tpu.memory_space<vmem>>, vector<16xf32>,
        %mul3A_572 = arith.mulf %get3A_571, %gather3A_561 : vector<16xf32>
        %swap3A_573 = arith.index_cast %scan3A_558 : i32 to index
        %swap3A_574 = arith.constant 16 : index
        %swap3A_575 = tpu.vector_load %arg14[%swap3A_573, %swap3A_574] {strides = array<i32>} : memref<64x128xf32, #tpu.memory_space<vmem>>, vector<16xf32>,
        tpu.vector_store %arg14[%swap3A_573, %swap3A_574], %mul3A_572 {strides = array<i32>} : memref<64x128xf32, #tpu.memory_space<vmem>>, vector<16xf32>,
        %get3A_576 = arith.index_cast %scan3A_558 : i32 to index
        %get3A_577 = arith.constant 32 : index
        %get3A_578 = tpu.vector_load %arg14[%get3A_576, %get3A_577] {strides = array<i32>} : memref<64x128xf32, #tpu.memory_space<vmem>>, vector<16xf32>,
        %mul3A_579 = arith.mulf %get3A_578, %gather3A_561 : vector<16xf32>
        %swap3A_580 = arith.index_cast %scan3A_558 : i32 to index
        %swap3A_581 = arith.constant 32 : index
        %swap3A_582 = tpu.vector_load %arg14[%swap3A_580, %swap3A_581] {strides = array<i32>} : memref<64x128xf32, #tpu.memory_space<vmem>>, vector<16xf32>,
        tpu.vector_store %arg14[%swap3A_580, %swap3A_581], %mul3A_579 {strides = array<i32>} : memref<64x128xf32, #tpu.memory_space<vmem>>, vector<16xf32>,
        %get3A_583 = arith.index_cast %scan3A_558 : i32 to index
        %get3A_584 = arith.constant 48 : index
        %get3A_585 = tpu.vector_load %arg14[%get3A_583, %get3A_584] {strides = array<i32>} : memref<64x128xf32, #tpu.memory_space<vmem>>, vector<16xf32>,
        %mul3A_586 = arith.mulf %get3A_585, %gather3A_561 : vector<16xf32>
        %swap3A_587 = arith.index_cast %scan3A_558 : i32 to index
        %swap3A_588 = arith.constant 48 : index
        %swap3A_589 = tpu.vector_load %arg14[%swap3A_587, %swap3A_588] {strides = array<i32>} : memref<64x128xf32, #tpu.memory_space<vmem>>, vector<16xf32>,
        tpu.vector_store %arg14[%swap3A_587, %swap3A_588], %mul3A_586 {strides = array<i32>} : memref<64x128xf32, #tpu.memory_space<vmem>>, vector<16xf32>,
        %get3A_590 = arith.index_cast %scan3A_558 : i32 to index
        %get3A_591 = arith.constant 64 : index
        %get3A_592 = tpu.vector_load %arg14[%get3A_590, %get3A_591] {strides = array<i32>} : memref<64x128xf32, #tpu.memory_space<vmem>>, vector<16xf32>,
        %mul3A_593 = arith.mulf %get3A_592, %gather3A_561 : vector<16xf32>
        %swap3A_594 = arith.index_cast %scan3A_558 : i32 to index
        %swap3A_595 = arith.constant 64 : index
        %swap3A_596 = tpu.vector_load %arg14[%swap3A_594, %swap3A_595] {strides = array<i32>} : memref<64x128xf32, #tpu.memory_space<vmem>>, vector<16xf32>,
        tpu.vector_store %arg14[%swap3A_594, %swap3A_595], %mul3A_593 {strides = array<i32>} : memref<64x128xf32, #tpu.memory_space<vmem>>, vector<16xf32>,
        %get3A_597 = arith.index_cast %scan3A_558 : i32 to index
        %get3A_598 = arith.constant 80 : index
        %get3A_599 = tpu.vector_load %arg14[%get3A_597, %get3A_598] {strides = array<i32>} : memref<64x128xf32, #tpu.memory_space<vmem>>, vector<16xf32>,
        %mul3A_600 = arith.mulf %get3A_599, %gather3A_561 : vector<16xf32>
        %swap3A_601 = arith.index_cast %scan3A_558 : i32 to index
        %swap3A_602 = arith.constant 80 : index
        %swap3A_603 = tpu.vector_load %arg14[%swap3A_601, %swap3A_602] {strides = array<i32>} : memref<64x128xf32, #tpu.memory_space<vmem>>, vector<16xf32>,
        tpu.vector_store %arg14[%swap3A_601, %swap3A_602], %mul3A_600 {strides = array<i32>} : memref<64x128xf32, #tpu.memory_space<vmem>>, vector<16xf32>,
        %get3A_604 = arith.index_cast %scan3A_558 : i32 to index
        %get3A_605 = arith.constant 96 : index
        %get3A_606 = tpu.vector_load %arg14[%get3A_604, %get3A_605] {strides = array<i32>} : memref<64x128xf32, #tpu.memory_space<vmem>>, vector<16xf32>,
        %mul3A_607 = arith.mulf %get3A_606, %gather3A_561 : vector<16xf32>
        %swap3A_608 = arith.index_cast %scan3A_558 : i32 to index
        %swap3A_609 = arith.constant 96 : index
        %swap3A_610 = tpu.vector_load %arg14[%swap3A_608, %swap3A_609] {strides = array<i32>} : memref<64x128xf32, #tpu.memory_space<vmem>>, vector<16xf32>,
        tpu.vector_store %arg14[%swap3A_608, %swap3A_609], %mul3A_607 {strides = array<i32>} : memref<64x128xf32, #tpu.memory_space<vmem>>, vector<16xf32>,
        %get3A_611 = arith.index_cast %scan3A_558 : i32 to index
        %get3A_612 = arith.constant 112 : index
        %get3A_613 = tpu.vector_load %arg14[%get3A_611, %get3A_612] {strides = array<i32>} : memref<64x128xf32, #tpu.memory_space<vmem>>, vector<16xf32>,
        %mul3A_614 = arith.mulf %get3A_613, %gather3A_561 : vector<16xf32>
        %swap3A_615 = arith.index_cast %scan3A_558 : i32 to index
        %swap3A_616 = arith.constant 112 : index
        %swap3A_617 = tpu.vector_load %arg14[%swap3A_615, %swap3A_616] {strides = array<i32>} : memref<64x128xf32, #tpu.memory_space<vmem>>, vector<16xf32>,
        tpu.vector_store %arg14[%swap3A_615, %swap3A_616], %mul3A_614 {strides = array<i32>} : memref<64x128xf32, #tpu.memory_space<vmem>>, vector<16xf32>,
        %scan3A_618 = arith.constant 0 : i32
        scf.yield %scan3A_618 : i32
      }
      %scan3A_556 = arith.constant 64 : i32
      "tpu.region"() ({
        %run_scoped3A_558 = tpu.sem_alloc : memref<!tpu.dma_semaphore, #tpu.memory_space<semaphore_mem>>
        %dma_start3A_559 = arith.constant 0 : i32
        %dma_start3A_560 = arith.constant 0 : i32
        %dma_start3A_561 = tpu.memref_slice %arg17[%dma_start3A_559, %dma_start3A_560] : memref<10240x128xf32, #tpu.memory_space<vmem_shared>> -> memref<10240x128xf32, #tpu.memory_space<vmem_shared>>
        tpu.enqueue_indirect_dma source(%arg14 : memref<64x128xf32, #tpu.memory_space<vmem>>) target(%dma_start3A_561 : memref<10240x128xf32, #tpu.memory_space<vmem_shared>>) offsets(%arg13 : memref<64xi32, #tpu.memory_space<vmem>>) semaphore(%run_scoped3A_558 : memref<!tpu.dma_semaphore, #tpu.memory_space<semaphore_mem>>) {add = true}
        %dma_wait3A_562 = arith.constant 0 : i32
        %dma_wait3A_563 = arith.constant 0 : i32
        %dma_wait3A_564 = tpu.memref_slice %arg17[%dma_wait3A_562, %dma_wait3A_563] : memref<10240x128xf32, #tpu.memory_space<vmem_shared>> -> memref<10240x128xf32, #tpu.memory_space<vmem_shared>>
        tpu.wait_indirect_dma semaphore(%run_scoped3A_558 : memref<!tpu.dma_semaphore, #tpu.memory_space<semaphore_mem>>) src(%arg14 : memref<64x128xf32, #tpu.memory_space<vmem>>) dst(%dma_wait3A_564 : memref<10240x128xf32, #tpu.memory_space<vmem_shared>>)
        tpu.yield
      }) : () -> ()
      %scan3A_557 = arith.constant 0 : i32
      scf.yield %scan3A_557 : i32
    }
    %scan3A_103 = arith.constant 162 : i32
    %barrier3A_104 = arith.constant 0 : index
    tpu.barrier barrier_id(%barrier3A_104)
    %mul3A_105 = arith.constant 640 : i32
    %mul3A_106 = arith.muli %arg1, %mul3A_105 : i32
    %mul3A_107 = arith.constant 640 : i32
    %mul3A_108 = arith.muli %arg1, %mul3A_107 : i32
    %run_scoped3A_109 = arith.constant 0 : i32
    "tpu.region"() ({
      %run_scoped3A_427 = tpu.sem_alloc : memref<!tpu.dma_semaphore, #tpu.memory_space<semaphore_mem>>
      %dma_start3A = arith.constant 0 : i32
      %dma_start3A_428 = tpu.memref_slice %arg7[%arg0, %run_scoped3A_109, %mul3A_108, %dma_start3A] : memref<2x4x10240x128xf32, #tpu.memory_space<hbm>> -> memref<1x1x640x128xf32, #tpu.memory_space<hbm>>
      %dma_start3A_429 = tpu.memref_squeeze %dma_start3A_428 : memref<1x1x640x128xf32, #tpu.memory_space<hbm>> -> memref<640x128xf32, #tpu.memory_space<hbm>>
      %dma_start3A_430 = arith.constant 0 : i32
      %dma_start3A_431 = tpu.memref_slice %arg17[%mul3A_106, %dma_start3A_430] : memref<10240x128xf32, #tpu.memory_space<vmem_shared>> -> memref<640x128xf32, #tpu.memory_space<vmem_shared>>
      tpu.enqueue_dma source(%dma_start3A_431 : memref<640x128xf32, #tpu.memory_space<vmem_shared>>) target(%dma_start3A_429 : memref<640x128xf32, #tpu.memory_space<hbm>>) target_semaphore(%run_scoped3A_427 : memref<!tpu.dma_semaphore, #tpu.memory_space<semaphore_mem>>)
      %dma_wait3A = arith.constant 0 : i32
      %dma_wait3A_432 = tpu.memref_slice %arg7[%arg0, %run_scoped3A_109, %mul3A_108, %dma_wait3A] : memref<2x4x10240x128xf32, #tpu.memory_space<hbm>> -> memref<1x1x640x128xf32, #tpu.memory_space<hbm>>
      %dma_wait3A_433 = tpu.memref_squeeze %dma_wait3A_432 : memref<1x1x640x128xf32, #tpu.memory_space<hbm>> -> memref<640x128xf32, #tpu.memory_space<hbm>>
      %dma_wait3A_434 = arith.constant 0 : i32
      %dma_wait3A_435 = tpu.memref_slice %arg17[%mul3A_106, %dma_wait3A_434] : memref<10240x128xf32, #tpu.memory_space<vmem_shared>> -> memref<640x128xf32, #tpu.memory_space<vmem_shared>>
      tpu.wait_dma2 semaphore(%run_scoped3A_427 : memref<!tpu.dma_semaphore, #tpu.memory_space<semaphore_mem>>) src(%dma_wait3A_435 : memref<640x128xf32, #tpu.memory_space<vmem_shared>>) dst(%dma_wait3A_433 : memref<640x128xf32, #tpu.memory_space<hbm>>)
      tpu.yield
    }) : () -> ()
    %run_scoped3A_110 = arith.constant 0 : i32
    "tpu.region"() ({
      %run_scoped3A_427 = tpu.sem_alloc : memref<!tpu.dma_semaphore, #tpu.memory_space<semaphore_mem>>
      %dma_start3A = arith.constant 0 : i32
      %dma_start3A_428 = tpu.memref_slice %arg8[%arg0, %run_scoped3A_110, %arg1, %dma_start3A] : memref<2x4x16x10240xf32, #tpu.memory_space<hbm>> -> memref<1x1x1x10240xf32, #tpu.memory_space<hbm>>
      %dma_start3A_429 = tpu.memref_squeeze %dma_start3A_428 : memref<1x1x1x10240xf32, #tpu.memory_space<hbm>> -> memref<10240xf32, #tpu.memory_space<hbm>>
      %dma_start3A_430 = arith.constant 0 : i32
      %dma_start3A_431 = tpu.memref_slice %arg8[%arg0, %run_scoped3A_110, %arg1, %dma_start3A_430] : memref<2x4x16x10240xf32, #tpu.memory_space<hbm>> -> memref<1x1x1x10240xf32, #tpu.memory_space<hbm>>
      %dma_start3A_432 = tpu.memref_squeeze %dma_start3A_431 : memref<1x1x1x10240xf32, #tpu.memory_space<hbm>> -> memref<10240xf32, #tpu.memory_space<hbm>>
      tpu.enqueue_dma source(%arg11 : memref<10240xf32, #tpu.memory_space<vmem>>) target(%dma_start3A_432 : memref<10240xf32, #tpu.memory_space<hbm>>) target_semaphore(%run_scoped3A_427 : memref<!tpu.dma_semaphore, #tpu.memory_space<semaphore_mem>>)
      %dma_wait3A = arith.constant 0 : i32
      %dma_wait3A_433 = tpu.memref_slice %arg8[%arg0, %run_scoped3A_110, %arg1, %dma_wait3A] : memref<2x4x16x10240xf32, #tpu.memory_space<hbm>> -> memref<1x1x1x10240xf32, #tpu.memory_space<hbm>>
      %dma_wait3A_434 = tpu.memref_squeeze %dma_wait3A_433 : memref<1x1x1x10240xf32, #tpu.memory_space<hbm>> -> memref<10240xf32, #tpu.memory_space<hbm>>
      %dma_wait3A_435 = arith.constant 0 : i32
      %dma_wait3A_436 = tpu.memref_slice %arg8[%arg0, %run_scoped3A_110, %arg1, %dma_wait3A_435] : memref<2x4x16x10240xf32, #tpu.memory_space<hbm>> -> memref<1x1x1x10240xf32, #tpu.memory_space<hbm>>
      %dma_wait3A_437 = tpu.memref_squeeze %dma_wait3A_436 : memref<1x1x1x10240xf32, #tpu.memory_space<hbm>> -> memref<10240xf32, #tpu.memory_space<hbm>>
      tpu.wait_dma2 semaphore(%run_scoped3A_427 : memref<!tpu.dma_semaphore, #tpu.memory_space<semaphore_mem>>) src(%arg11 : memref<10240xf32, #tpu.memory_space<vmem>>) dst(%dma_wait3A_437 : memref<10240xf32, #tpu.memory_space<hbm>>)
      tpu.yield
    }) : () -> ()
    %barrier3A_111 = arith.constant 0 : index
    tpu.barrier barrier_id(%barrier3A_111)
    %run_scoped3A_112 = arith.constant 1 : i32
    "tpu.region"() ({
      %run_scoped3A_427 = tpu.sem_alloc : memref<!tpu.dma_semaphore, #tpu.memory_space<semaphore_mem>>
      %dma_start3A = arith.constant 0 : i32
      %dma_start3A_428 = tpu.memref_slice %arg3[%run_scoped3A_112, %dma_start3A] : memref<4x10240xf32, #tpu.memory_space<hbm>> -> memref<1x10240xf32, #tpu.memory_space<hbm>>
      %dma_start3A_429 = tpu.memref_squeeze %dma_start3A_428 : memref<1x10240xf32, #tpu.memory_space<hbm>> -> memref<10240xf32, #tpu.memory_space<hbm>>
      %dma_start3A_430 = arith.constant 0 : i32
      %dma_start3A_431 = tpu.memref_slice %arg3[%run_scoped3A_112, %dma_start3A_430] : memref<4x10240xf32, #tpu.memory_space<hbm>> -> memref<1x10240xf32, #tpu.memory_space<hbm>>
      %dma_start3A_432 = tpu.memref_squeeze %dma_start3A_431 : memref<1x10240xf32, #tpu.memory_space<hbm>> -> memref<10240xf32, #tpu.memory_space<hbm>>
      tpu.enqueue_dma source(%dma_start3A_432 : memref<10240xf32, #tpu.memory_space<hbm>>) target(%arg9 : memref<10240xf32, #tpu.memory_space<vmem>>) target_semaphore(%run_scoped3A_427 : memref<!tpu.dma_semaphore, #tpu.memory_space<semaphore_mem>>)
      %dma_wait3A = arith.constant 0 : i32
      %dma_wait3A_433 = tpu.memref_slice %arg3[%run_scoped3A_112, %dma_wait3A] : memref<4x10240xf32, #tpu.memory_space<hbm>> -> memref<1x10240xf32, #tpu.memory_space<hbm>>
      %dma_wait3A_434 = tpu.memref_squeeze %dma_wait3A_433 : memref<1x10240xf32, #tpu.memory_space<hbm>> -> memref<10240xf32, #tpu.memory_space<hbm>>
      %dma_wait3A_435 = arith.constant 0 : i32
      %dma_wait3A_436 = tpu.memref_slice %arg3[%run_scoped3A_112, %dma_wait3A_435] : memref<4x10240xf32, #tpu.memory_space<hbm>> -> memref<1x10240xf32, #tpu.memory_space<hbm>>
      %dma_wait3A_437 = tpu.memref_squeeze %dma_wait3A_436 : memref<1x10240xf32, #tpu.memory_space<hbm>> -> memref<10240xf32, #tpu.memory_space<hbm>>
      tpu.wait_dma2 semaphore(%run_scoped3A_427 : memref<!tpu.dma_semaphore, #tpu.memory_space<semaphore_mem>>) src(%dma_wait3A_437 : memref<10240xf32, #tpu.memory_space<hbm>>) dst(%arg9 : memref<10240xf32, #tpu.memory_space<vmem>>)
      tpu.yield
    }) : () -> ()
    %run_scoped3A_113 = arith.constant 1 : i32
    "tpu.region"() ({
      %run_scoped3A_427 = tpu.sem_alloc : memref<!tpu.dma_semaphore, #tpu.memory_space<semaphore_mem>>
      %dma_start3A = arith.constant 0 : i32
      %dma_start3A_428 = tpu.memref_slice %arg4[%run_scoped3A_113, %dma_start3A] : memref<4x10240xf32, #tpu.memory_space<hbm>> -> memref<1x10240xf32, #tpu.memory_space<hbm>>
      %dma_start3A_429 = tpu.memref_squeeze %dma_start3A_428 : memref<1x10240xf32, #tpu.memory_space<hbm>> -> memref<10240xf32, #tpu.memory_space<hbm>>
      %dma_start3A_430 = arith.constant 0 : i32
      %dma_start3A_431 = tpu.memref_slice %arg4[%run_scoped3A_113, %dma_start3A_430] : memref<4x10240xf32, #tpu.memory_space<hbm>> -> memref<1x10240xf32, #tpu.memory_space<hbm>>
      %dma_start3A_432 = tpu.memref_squeeze %dma_start3A_431 : memref<1x10240xf32, #tpu.memory_space<hbm>> -> memref<10240xf32, #tpu.memory_space<hbm>>
      tpu.enqueue_dma source(%dma_start3A_432 : memref<10240xf32, #tpu.memory_space<hbm>>) target(%arg10 : memref<10240xf32, #tpu.memory_space<vmem>>) target_semaphore(%run_scoped3A_427 : memref<!tpu.dma_semaphore, #tpu.memory_space<semaphore_mem>>)
      %dma_wait3A = arith.constant 0 : i32
      %dma_wait3A_433 = tpu.memref_slice %arg4[%run_scoped3A_113, %dma_wait3A] : memref<4x10240xf32, #tpu.memory_space<hbm>> -> memref<1x10240xf32, #tpu.memory_space<hbm>>
      %dma_wait3A_434 = tpu.memref_squeeze %dma_wait3A_433 : memref<1x10240xf32, #tpu.memory_space<hbm>> -> memref<10240xf32, #tpu.memory_space<hbm>>
      %dma_wait3A_435 = arith.constant 0 : i32
      %dma_wait3A_436 = tpu.memref_slice %arg4[%run_scoped3A_113, %dma_wait3A_435] : memref<4x10240xf32, #tpu.memory_space<hbm>> -> memref<1x10240xf32, #tpu.memory_space<hbm>>
      %dma_wait3A_437 = tpu.memref_squeeze %dma_wait3A_436 : memref<1x10240xf32, #tpu.memory_space<hbm>> -> memref<10240xf32, #tpu.memory_space<hbm>>
      tpu.wait_dma2 semaphore(%run_scoped3A_427 : memref<!tpu.dma_semaphore, #tpu.memory_space<semaphore_mem>>) src(%dma_wait3A_437 : memref<10240xf32, #tpu.memory_space<hbm>>) dst(%arg10 : memref<10240xf32, #tpu.memory_space<vmem>>)
      tpu.yield
    }) : () -> ()
    %scan3A_114 = arith.constant 0 : i32
    %scan3A_115 = arith.constant 0 : i32
    %scan3A_116 = arith.constant 640 : i32
    %scan3A_117 = arith.addi %scan3A_115, %scan3A_116 : i32
    %scan3A_118 = arith.constant 1 : i32
    %scan3A_119 = scf.for %scan3A_427 = %scan3A_115 to %scan3A_117 step %scan3A_118 iter_args(%scan3A_428 = %scan3A_114) -> (i32)  : i32 {
      %broadcast_in_dim3A = arith.constant 0.000000e+00 : f32
      %broadcast_in_dim3A_429 = vector.broadcast %broadcast_in_dim3A : f32 to vector<16xf32>
      %mul3A_430 = arith.constant 16 : i32
      %mul3A_431 = arith.muli %scan3A_427, %mul3A_430 : i32
      %swap3A = arith.index_cast %mul3A_431 : i32 to index
      %swap3A_432 = tpu.vector_load %arg11[%swap3A] {strides = array<i32>} : memref<10240xf32, #tpu.memory_space<vmem>>, vector<16xf32>,
      tpu.vector_store %arg11[%swap3A], %broadcast_in_dim3A_429 {strides = array<i32>} : memref<10240xf32, #tpu.memory_space<vmem>>, vector<16xf32>,
      %scan3A_433 = arith.constant 0 : i32
      scf.yield %scan3A_433 : i32
    }
    %scan3A_120 = arith.constant 640 : i32
    %mul3A_121 = arith.constant 640 : i32
    %mul3A_122 = arith.muli %arg1, %mul3A_121 : i32
    %add3A_123 = arith.constant 0 : i32
    %add3A_124 = arith.addi %mul3A_122, %add3A_123 : i32
    "tpu.region"() ({
      %run_scoped3A_427 = tpu.sem_alloc : memref<!tpu.dma_semaphore, #tpu.memory_space<semaphore_mem>>
      %dma_start3A = arith.constant 0 : i32
      %dma_start3A_428 = tpu.memref_slice %arg17[%add3A_124, %dma_start3A] : memref<10240x128xf32, #tpu.memory_space<vmem_shared>> -> memref<32x128xf32, #tpu.memory_space<vmem_shared>>
      %dma_start3A_429 = arith.constant 0 : i32
      %dma_start3A_430 = tpu.memref_slice %arg17[%add3A_124, %dma_start3A_429] : memref<10240x128xf32, #tpu.memory_space<vmem_shared>> -> memref<32x128xf32, #tpu.memory_space<vmem_shared>>
      tpu.enqueue_dma source(%arg16 : memref<32x128xf32, #tpu.memory_space<vmem>>) target(%dma_start3A_430 : memref<32x128xf32, #tpu.memory_space<vmem_shared>>) target_semaphore(%run_scoped3A_427 : memref<!tpu.dma_semaphore, #tpu.memory_space<semaphore_mem>>)
      %dma_wait3A = arith.constant 0 : i32
      %dma_wait3A_431 = tpu.memref_slice %arg17[%add3A_124, %dma_wait3A] : memref<10240x128xf32, #tpu.memory_space<vmem_shared>> -> memref<32x128xf32, #tpu.memory_space<vmem_shared>>
      %dma_wait3A_432 = arith.constant 0 : i32
      %dma_wait3A_433 = tpu.memref_slice %arg17[%add3A_124, %dma_wait3A_432] : memref<10240x128xf32, #tpu.memory_space<vmem_shared>> -> memref<32x128xf32, #tpu.memory_space<vmem_shared>>
      tpu.wait_dma2 semaphore(%run_scoped3A_427 : memref<!tpu.dma_semaphore, #tpu.memory_space<semaphore_mem>>) src(%arg16 : memref<32x128xf32, #tpu.memory_space<vmem>>) dst(%dma_wait3A_433 : memref<32x128xf32, #tpu.memory_space<vmem_shared>>)
      tpu.yield
    }) : () -> ()
    %mul3A_125 = arith.constant 640 : i32
    %mul3A_126 = arith.muli %arg1, %mul3A_125 : i32
    %add3A_127 = arith.constant 32 : i32
    %add3A_128 = arith.addi %mul3A_126, %add3A_127 : i32
    "tpu.region"() ({
      %run_scoped3A_427 = tpu.sem_alloc : memref<!tpu.dma_semaphore, #tpu.memory_space<semaphore_mem>>
      %dma_start3A = arith.constant 0 : i32
      %dma_start3A_428 = tpu.memref_slice %arg17[%add3A_128, %dma_start3A] : memref<10240x128xf32, #tpu.memory_space<vmem_shared>> -> memref<32x128xf32, #tpu.memory_space<vmem_shared>>
      %dma_start3A_429 = arith.constant 0 : i32
      %dma_start3A_430 = tpu.memref_slice %arg17[%add3A_128, %dma_start3A_429] : memref<10240x128xf32, #tpu.memory_space<vmem_shared>> -> memref<32x128xf32, #tpu.memory_space<vmem_shared>>
      tpu.enqueue_dma source(%arg16 : memref<32x128xf32, #tpu.memory_space<vmem>>) target(%dma_start3A_430 : memref<32x128xf32, #tpu.memory_space<vmem_shared>>) target_semaphore(%run_scoped3A_427 : memref<!tpu.dma_semaphore, #tpu.memory_space<semaphore_mem>>)
      %dma_wait3A = arith.constant 0 : i32
      %dma_wait3A_431 = tpu.memref_slice %arg17[%add3A_128, %dma_wait3A] : memref<10240x128xf32, #tpu.memory_space<vmem_shared>> -> memref<32x128xf32, #tpu.memory_space<vmem_shared>>
      %dma_wait3A_432 = arith.constant 0 : i32
      %dma_wait3A_433 = tpu.memref_slice %arg17[%add3A_128, %dma_wait3A_432] : memref<10240x128xf32, #tpu.memory_space<vmem_shared>> -> memref<32x128xf32, #tpu.memory_space<vmem_shared>>
      tpu.wait_dma2 semaphore(%run_scoped3A_427 : memref<!tpu.dma_semaphore, #tpu.memory_space<semaphore_mem>>) src(%arg16 : memref<32x128xf32, #tpu.memory_space<vmem>>) dst(%dma_wait3A_433 : memref<32x128xf32, #tpu.memory_space<vmem_shared>>)
      tpu.yield
    }) : () -> ()
    %mul3A_129 = arith.constant 640 : i32
    %mul3A_130 = arith.muli %arg1, %mul3A_129 : i32
    %add3A_131 = arith.constant 64 : i32
    %add3A_132 = arith.addi %mul3A_130, %add3A_131 : i32
    "tpu.region"() ({
      %run_scoped3A_427 = tpu.sem_alloc : memref<!tpu.dma_semaphore, #tpu.memory_space<semaphore_mem>>
      %dma_start3A = arith.constant 0 : i32
      %dma_start3A_428 = tpu.memref_slice %arg17[%add3A_132, %dma_start3A] : memref<10240x128xf32, #tpu.memory_space<vmem_shared>> -> memref<32x128xf32, #tpu.memory_space<vmem_shared>>
      %dma_start3A_429 = arith.constant 0 : i32
      %dma_start3A_430 = tpu.memref_slice %arg17[%add3A_132, %dma_start3A_429] : memref<10240x128xf32, #tpu.memory_space<vmem_shared>> -> memref<32x128xf32, #tpu.memory_space<vmem_shared>>
      tpu.enqueue_dma source(%arg16 : memref<32x128xf32, #tpu.memory_space<vmem>>) target(%dma_start3A_430 : memref<32x128xf32, #tpu.memory_space<vmem_shared>>) target_semaphore(%run_scoped3A_427 : memref<!tpu.dma_semaphore, #tpu.memory_space<semaphore_mem>>)
      %dma_wait3A = arith.constant 0 : i32
      %dma_wait3A_431 = tpu.memref_slice %arg17[%add3A_132, %dma_wait3A] : memref<10240x128xf32, #tpu.memory_space<vmem_shared>> -> memref<32x128xf32, #tpu.memory_space<vmem_shared>>
      %dma_wait3A_432 = arith.constant 0 : i32
      %dma_wait3A_433 = tpu.memref_slice %arg17[%add3A_132, %dma_wait3A_432] : memref<10240x128xf32, #tpu.memory_space<vmem_shared>> -> memref<32x128xf32, #tpu.memory_space<vmem_shared>>
      tpu.wait_dma2 semaphore(%run_scoped3A_427 : memref<!tpu.dma_semaphore, #tpu.memory_space<semaphore_mem>>) src(%arg16 : memref<32x128xf32, #tpu.memory_space<vmem>>) dst(%dma_wait3A_433 : memref<32x128xf32, #tpu.memory_space<vmem_shared>>)
      tpu.yield
    }) : () -> ()
    %mul3A_133 = arith.constant 640 : i32
    %mul3A_134 = arith.muli %arg1, %mul3A_133 : i32
    %add3A_135 = arith.constant 96 : i32
    %add3A_136 = arith.addi %mul3A_134, %add3A_135 : i32
    "tpu.region"() ({
      %run_scoped3A_427 = tpu.sem_alloc : memref<!tpu.dma_semaphore, #tpu.memory_space<semaphore_mem>>
      %dma_start3A = arith.constant 0 : i32
      %dma_start3A_428 = tpu.memref_slice %arg17[%add3A_136, %dma_start3A] : memref<10240x128xf32, #tpu.memory_space<vmem_shared>> -> memref<32x128xf32, #tpu.memory_space<vmem_shared>>
      %dma_start3A_429 = arith.constant 0 : i32
      %dma_start3A_430 = tpu.memref_slice %arg17[%add3A_136, %dma_start3A_429] : memref<10240x128xf32, #tpu.memory_space<vmem_shared>> -> memref<32x128xf32, #tpu.memory_space<vmem_shared>>
      tpu.enqueue_dma source(%arg16 : memref<32x128xf32, #tpu.memory_space<vmem>>) target(%dma_start3A_430 : memref<32x128xf32, #tpu.memory_space<vmem_shared>>) target_semaphore(%run_scoped3A_427 : memref<!tpu.dma_semaphore, #tpu.memory_space<semaphore_mem>>)
      %dma_wait3A = arith.constant 0 : i32
      %dma_wait3A_431 = tpu.memref_slice %arg17[%add3A_136, %dma_wait3A] : memref<10240x128xf32, #tpu.memory_space<vmem_shared>> -> memref<32x128xf32, #tpu.memory_space<vmem_shared>>
      %dma_wait3A_432 = arith.constant 0 : i32
      %dma_wait3A_433 = tpu.memref_slice %arg17[%add3A_136, %dma_wait3A_432] : memref<10240x128xf32, #tpu.memory_space<vmem_shared>> -> memref<32x128xf32, #tpu.memory_space<vmem_shared>>
      tpu.wait_dma2 semaphore(%run_scoped3A_427 : memref<!tpu.dma_semaphore, #tpu.memory_space<semaphore_mem>>) src(%arg16 : memref<32x128xf32, #tpu.memory_space<vmem>>) dst(%dma_wait3A_433 : memref<32x128xf32, #tpu.memory_space<vmem_shared>>)
      tpu.yield
    }) : () -> ()
    %mul3A_137 = arith.constant 640 : i32
    %mul3A_138 = arith.muli %arg1, %mul3A_137 : i32
    %add3A_139 = arith.constant 128 : i32
    %add3A_140 = arith.addi %mul3A_138, %add3A_139 : i32
    "tpu.region"() ({
      %run_scoped3A_427 = tpu.sem_alloc : memref<!tpu.dma_semaphore, #tpu.memory_space<semaphore_mem>>
      %dma_start3A = arith.constant 0 : i32
      %dma_start3A_428 = tpu.memref_slice %arg17[%add3A_140, %dma_start3A] : memref<10240x128xf32, #tpu.memory_space<vmem_shared>> -> memref<32x128xf32, #tpu.memory_space<vmem_shared>>
      %dma_start3A_429 = arith.constant 0 : i32
      %dma_start3A_430 = tpu.memref_slice %arg17[%add3A_140, %dma_start3A_429] : memref<10240x128xf32, #tpu.memory_space<vmem_shared>> -> memref<32x128xf32, #tpu.memory_space<vmem_shared>>
      tpu.enqueue_dma source(%arg16 : memref<32x128xf32, #tpu.memory_space<vmem>>) target(%dma_start3A_430 : memref<32x128xf32, #tpu.memory_space<vmem_shared>>) target_semaphore(%run_scoped3A_427 : memref<!tpu.dma_semaphore, #tpu.memory_space<semaphore_mem>>)
      %dma_wait3A = arith.constant 0 : i32
      %dma_wait3A_431 = tpu.memref_slice %arg17[%add3A_140, %dma_wait3A] : memref<10240x128xf32, #tpu.memory_space<vmem_shared>> -> memref<32x128xf32, #tpu.memory_space<vmem_shared>>
      %dma_wait3A_432 = arith.constant 0 : i32
      %dma_wait3A_433 = tpu.memref_slice %arg17[%add3A_140, %dma_wait3A_432] : memref<10240x128xf32, #tpu.memory_space<vmem_shared>> -> memref<32x128xf32, #tpu.memory_space<vmem_shared>>
      tpu.wait_dma2 semaphore(%run_scoped3A_427 : memref<!tpu.dma_semaphore, #tpu.memory_space<semaphore_mem>>) src(%arg16 : memref<32x128xf32, #tpu.memory_space<vmem>>) dst(%dma_wait3A_433 : memref<32x128xf32, #tpu.memory_space<vmem_shared>>)
      tpu.yield
    }) : () -> ()
    %mul3A_141 = arith.constant 640 : i32
    %mul3A_142 = arith.muli %arg1, %mul3A_141 : i32
    %add3A_143 = arith.constant 160 : i32
    %add3A_144 = arith.addi %mul3A_142, %add3A_143 : i32
    "tpu.region"() ({
      %run_scoped3A_427 = tpu.sem_alloc : memref<!tpu.dma_semaphore, #tpu.memory_space<semaphore_mem>>
      %dma_start3A = arith.constant 0 : i32
      %dma_start3A_428 = tpu.memref_slice %arg17[%add3A_144, %dma_start3A] : memref<10240x128xf32, #tpu.memory_space<vmem_shared>> -> memref<32x128xf32, #tpu.memory_space<vmem_shared>>
      %dma_start3A_429 = arith.constant 0 : i32
      %dma_start3A_430 = tpu.memref_slice %arg17[%add3A_144, %dma_start3A_429] : memref<10240x128xf32, #tpu.memory_space<vmem_shared>> -> memref<32x128xf32, #tpu.memory_space<vmem_shared>>
      tpu.enqueue_dma source(%arg16 : memref<32x128xf32, #tpu.memory_space<vmem>>) target(%dma_start3A_430 : memref<32x128xf32, #tpu.memory_space<vmem_shared>>) target_semaphore(%run_scoped3A_427 : memref<!tpu.dma_semaphore, #tpu.memory_space<semaphore_mem>>)
      %dma_wait3A = arith.constant 0 : i32
      %dma_wait3A_431 = tpu.memref_slice %arg17[%add3A_144, %dma_wait3A] : memref<10240x128xf32, #tpu.memory_space<vmem_shared>> -> memref<32x128xf32, #tpu.memory_space<vmem_shared>>
      %dma_wait3A_432 = arith.constant 0 : i32
      %dma_wait3A_433 = tpu.memref_slice %arg17[%add3A_144, %dma_wait3A_432] : memref<10240x128xf32, #tpu.memory_space<vmem_shared>> -> memref<32x128xf32, #tpu.memory_space<vmem_shared>>
      tpu.wait_dma2 semaphore(%run_scoped3A_427 : memref<!tpu.dma_semaphore, #tpu.memory_space<semaphore_mem>>) src(%arg16 : memref<32x128xf32, #tpu.memory_space<vmem>>) dst(%dma_wait3A_433 : memref<32x128xf32, #tpu.memory_space<vmem_shared>>)
      tpu.yield
    }) : () -> ()
    %mul3A_145 = arith.constant 640 : i32
    %mul3A_146 = arith.muli %arg1, %mul3A_145 : i32
    %add3A_147 = arith.constant 192 : i32
    %add3A_148 = arith.addi %mul3A_146, %add3A_147 : i32
    "tpu.region"() ({
      %run_scoped3A_427 = tpu.sem_alloc : memref<!tpu.dma_semaphore, #tpu.memory_space<semaphore_mem>>
      %dma_start3A = arith.constant 0 : i32
      %dma_start3A_428 = tpu.memref_slice %arg17[%add3A_148, %dma_start3A] : memref<10240x128xf32, #tpu.memory_space<vmem_shared>> -> memref<32x128xf32, #tpu.memory_space<vmem_shared>>
      %dma_start3A_429 = arith.constant 0 : i32
      %dma_start3A_430 = tpu.memref_slice %arg17[%add3A_148, %dma_start3A_429] : memref<10240x128xf32, #tpu.memory_space<vmem_shared>> -> memref<32x128xf32, #tpu.memory_space<vmem_shared>>
      tpu.enqueue_dma source(%arg16 : memref<32x128xf32, #tpu.memory_space<vmem>>) target(%dma_start3A_430 : memref<32x128xf32, #tpu.memory_space<vmem_shared>>) target_semaphore(%run_scoped3A_427 : memref<!tpu.dma_semaphore, #tpu.memory_space<semaphore_mem>>)
      %dma_wait3A = arith.constant 0 : i32
      %dma_wait3A_431 = tpu.memref_slice %arg17[%add3A_148, %dma_wait3A] : memref<10240x128xf32, #tpu.memory_space<vmem_shared>> -> memref<32x128xf32, #tpu.memory_space<vmem_shared>>
      %dma_wait3A_432 = arith.constant 0 : i32
      %dma_wait3A_433 = tpu.memref_slice %arg17[%add3A_148, %dma_wait3A_432] : memref<10240x128xf32, #tpu.memory_space<vmem_shared>> -> memref<32x128xf32, #tpu.memory_space<vmem_shared>>
      tpu.wait_dma2 semaphore(%run_scoped3A_427 : memref<!tpu.dma_semaphore, #tpu.memory_space<semaphore_mem>>) src(%arg16 : memref<32x128xf32, #tpu.memory_space<vmem>>) dst(%dma_wait3A_433 : memref<32x128xf32, #tpu.memory_space<vmem_shared>>)
      tpu.yield
    }) : () -> ()
    %mul3A_149 = arith.constant 640 : i32
    %mul3A_150 = arith.muli %arg1, %mul3A_149 : i32
    %add3A_151 = arith.constant 224 : i32
    %add3A_152 = arith.addi %mul3A_150, %add3A_151 : i32
    "tpu.region"() ({
      %run_scoped3A_427 = tpu.sem_alloc : memref<!tpu.dma_semaphore, #tpu.memory_space<semaphore_mem>>
      %dma_start3A = arith.constant 0 : i32
      %dma_start3A_428 = tpu.memref_slice %arg17[%add3A_152, %dma_start3A] : memref<10240x128xf32, #tpu.memory_space<vmem_shared>> -> memref<32x128xf32, #tpu.memory_space<vmem_shared>>
      %dma_start3A_429 = arith.constant 0 : i32
      %dma_start3A_430 = tpu.memref_slice %arg17[%add3A_152, %dma_start3A_429] : memref<10240x128xf32, #tpu.memory_space<vmem_shared>> -> memref<32x128xf32, #tpu.memory_space<vmem_shared>>
      tpu.enqueue_dma source(%arg16 : memref<32x128xf32, #tpu.memory_space<vmem>>) target(%dma_start3A_430 : memref<32x128xf32, #tpu.memory_space<vmem_shared>>) target_semaphore(%run_scoped3A_427 : memref<!tpu.dma_semaphore, #tpu.memory_space<semaphore_mem>>)
      %dma_wait3A = arith.constant 0 : i32
      %dma_wait3A_431 = tpu.memref_slice %arg17[%add3A_152, %dma_wait3A] : memref<10240x128xf32, #tpu.memory_space<vmem_shared>> -> memref<32x128xf32, #tpu.memory_space<vmem_shared>>
      %dma_wait3A_432 = arith.constant 0 : i32
      %dma_wait3A_433 = tpu.memref_slice %arg17[%add3A_152, %dma_wait3A_432] : memref<10240x128xf32, #tpu.memory_space<vmem_shared>> -> memref<32x128xf32, #tpu.memory_space<vmem_shared>>
      tpu.wait_dma2 semaphore(%run_scoped3A_427 : memref<!tpu.dma_semaphore, #tpu.memory_space<semaphore_mem>>) src(%arg16 : memref<32x128xf32, #tpu.memory_space<vmem>>) dst(%dma_wait3A_433 : memref<32x128xf32, #tpu.memory_space<vmem_shared>>)
      tpu.yield
    }) : () -> ()
    %mul3A_153 = arith.constant 640 : i32
    %mul3A_154 = arith.muli %arg1, %mul3A_153 : i32
    %add3A_155 = arith.constant 256 : i32
    %add3A_156 = arith.addi %mul3A_154, %add3A_155 : i32
    "tpu.region"() ({
      %run_scoped3A_427 = tpu.sem_alloc : memref<!tpu.dma_semaphore, #tpu.memory_space<semaphore_mem>>
      %dma_start3A = arith.constant 0 : i32
      %dma_start3A_428 = tpu.memref_slice %arg17[%add3A_156, %dma_start3A] : memref<10240x128xf32, #tpu.memory_space<vmem_shared>> -> memref<32x128xf32, #tpu.memory_space<vmem_shared>>
      %dma_start3A_429 = arith.constant 0 : i32
      %dma_start3A_430 = tpu.memref_slice %arg17[%add3A_156, %dma_start3A_429] : memref<10240x128xf32, #tpu.memory_space<vmem_shared>> -> memref<32x128xf32, #tpu.memory_space<vmem_shared>>
      tpu.enqueue_dma source(%arg16 : memref<32x128xf32, #tpu.memory_space<vmem>>) target(%dma_start3A_430 : memref<32x128xf32, #tpu.memory_space<vmem_shared>>) target_semaphore(%run_scoped3A_427 : memref<!tpu.dma_semaphore, #tpu.memory_space<semaphore_mem>>)
      %dma_wait3A = arith.constant 0 : i32
      %dma_wait3A_431 = tpu.memref_slice %arg17[%add3A_156, %dma_wait3A] : memref<10240x128xf32, #tpu.memory_space<vmem_shared>> -> memref<32x128xf32, #tpu.memory_space<vmem_shared>>
      %dma_wait3A_432 = arith.constant 0 : i32
      %dma_wait3A_433 = tpu.memref_slice %arg17[%add3A_156, %dma_wait3A_432] : memref<10240x128xf32, #tpu.memory_space<vmem_shared>> -> memref<32x128xf32, #tpu.memory_space<vmem_shared>>
      tpu.wait_dma2 semaphore(%run_scoped3A_427 : memref<!tpu.dma_semaphore, #tpu.memory_space<semaphore_mem>>) src(%arg16 : memref<32x128xf32, #tpu.memory_space<vmem>>) dst(%dma_wait3A_433 : memref<32x128xf32, #tpu.memory_space<vmem_shared>>)
      tpu.yield
    }) : () -> ()
    %mul3A_157 = arith.constant 640 : i32
    %mul3A_158 = arith.muli %arg1, %mul3A_157 : i32
    %add3A_159 = arith.constant 288 : i32
    %add3A_160 = arith.addi %mul3A_158, %add3A_159 : i32
    "tpu.region"() ({
      %run_scoped3A_427 = tpu.sem_alloc : memref<!tpu.dma_semaphore, #tpu.memory_space<semaphore_mem>>
      %dma_start3A = arith.constant 0 : i32
      %dma_start3A_428 = tpu.memref_slice %arg17[%add3A_160, %dma_start3A] : memref<10240x128xf32, #tpu.memory_space<vmem_shared>> -> memref<32x128xf32, #tpu.memory_space<vmem_shared>>
      %dma_start3A_429 = arith.constant 0 : i32
      %dma_start3A_430 = tpu.memref_slice %arg17[%add3A_160, %dma_start3A_429] : memref<10240x128xf32, #tpu.memory_space<vmem_shared>> -> memref<32x128xf32, #tpu.memory_space<vmem_shared>>
      tpu.enqueue_dma source(%arg16 : memref<32x128xf32, #tpu.memory_space<vmem>>) target(%dma_start3A_430 : memref<32x128xf32, #tpu.memory_space<vmem_shared>>) target_semaphore(%run_scoped3A_427 : memref<!tpu.dma_semaphore, #tpu.memory_space<semaphore_mem>>)
      %dma_wait3A = arith.constant 0 : i32
      %dma_wait3A_431 = tpu.memref_slice %arg17[%add3A_160, %dma_wait3A] : memref<10240x128xf32, #tpu.memory_space<vmem_shared>> -> memref<32x128xf32, #tpu.memory_space<vmem_shared>>
      %dma_wait3A_432 = arith.constant 0 : i32
      %dma_wait3A_433 = tpu.memref_slice %arg17[%add3A_160, %dma_wait3A_432] : memref<10240x128xf32, #tpu.memory_space<vmem_shared>> -> memref<32x128xf32, #tpu.memory_space<vmem_shared>>
      tpu.wait_dma2 semaphore(%run_scoped3A_427 : memref<!tpu.dma_semaphore, #tpu.memory_space<semaphore_mem>>) src(%arg16 : memref<32x128xf32, #tpu.memory_space<vmem>>) dst(%dma_wait3A_433 : memref<32x128xf32, #tpu.memory_space<vmem_shared>>)
      tpu.yield
    }) : () -> ()
    %mul3A_161 = arith.constant 640 : i32
    %mul3A_162 = arith.muli %arg1, %mul3A_161 : i32
    %add3A_163 = arith.constant 320 : i32
    %add3A_164 = arith.addi %mul3A_162, %add3A_163 : i32
    "tpu.region"() ({
      %run_scoped3A_427 = tpu.sem_alloc : memref<!tpu.dma_semaphore, #tpu.memory_space<semaphore_mem>>
      %dma_start3A = arith.constant 0 : i32
      %dma_start3A_428 = tpu.memref_slice %arg17[%add3A_164, %dma_start3A] : memref<10240x128xf32, #tpu.memory_space<vmem_shared>> -> memref<32x128xf32, #tpu.memory_space<vmem_shared>>
      %dma_start3A_429 = arith.constant 0 : i32
      %dma_start3A_430 = tpu.memref_slice %arg17[%add3A_164, %dma_start3A_429] : memref<10240x128xf32, #tpu.memory_space<vmem_shared>> -> memref<32x128xf32, #tpu.memory_space<vmem_shared>>
      tpu.enqueue_dma source(%arg16 : memref<32x128xf32, #tpu.memory_space<vmem>>) target(%dma_start3A_430 : memref<32x128xf32, #tpu.memory_space<vmem_shared>>) target_semaphore(%run_scoped3A_427 : memref<!tpu.dma_semaphore, #tpu.memory_space<semaphore_mem>>)
      %dma_wait3A = arith.constant 0 : i32
      %dma_wait3A_431 = tpu.memref_slice %arg17[%add3A_164, %dma_wait3A] : memref<10240x128xf32, #tpu.memory_space<vmem_shared>> -> memref<32x128xf32, #tpu.memory_space<vmem_shared>>
      %dma_wait3A_432 = arith.constant 0 : i32
      %dma_wait3A_433 = tpu.memref_slice %arg17[%add3A_164, %dma_wait3A_432] : memref<10240x128xf32, #tpu.memory_space<vmem_shared>> -> memref<32x128xf32, #tpu.memory_space<vmem_shared>>
      tpu.wait_dma2 semaphore(%run_scoped3A_427 : memref<!tpu.dma_semaphore, #tpu.memory_space<semaphore_mem>>) src(%arg16 : memref<32x128xf32, #tpu.memory_space<vmem>>) dst(%dma_wait3A_433 : memref<32x128xf32, #tpu.memory_space<vmem_shared>>)
      tpu.yield
    }) : () -> ()
    %mul3A_165 = arith.constant 640 : i32
    %mul3A_166 = arith.muli %arg1, %mul3A_165 : i32
    %add3A_167 = arith.constant 352 : i32
    %add3A_168 = arith.addi %mul3A_166, %add3A_167 : i32
    "tpu.region"() ({
      %run_scoped3A_427 = tpu.sem_alloc : memref<!tpu.dma_semaphore, #tpu.memory_space<semaphore_mem>>
      %dma_start3A = arith.constant 0 : i32
      %dma_start3A_428 = tpu.memref_slice %arg17[%add3A_168, %dma_start3A] : memref<10240x128xf32, #tpu.memory_space<vmem_shared>> -> memref<32x128xf32, #tpu.memory_space<vmem_shared>>
      %dma_start3A_429 = arith.constant 0 : i32
      %dma_start3A_430 = tpu.memref_slice %arg17[%add3A_168, %dma_start3A_429] : memref<10240x128xf32, #tpu.memory_space<vmem_shared>> -> memref<32x128xf32, #tpu.memory_space<vmem_shared>>
      tpu.enqueue_dma source(%arg16 : memref<32x128xf32, #tpu.memory_space<vmem>>) target(%dma_start3A_430 : memref<32x128xf32, #tpu.memory_space<vmem_shared>>) target_semaphore(%run_scoped3A_427 : memref<!tpu.dma_semaphore, #tpu.memory_space<semaphore_mem>>)
      %dma_wait3A = arith.constant 0 : i32
      %dma_wait3A_431 = tpu.memref_slice %arg17[%add3A_168, %dma_wait3A] : memref<10240x128xf32, #tpu.memory_space<vmem_shared>> -> memref<32x128xf32, #tpu.memory_space<vmem_shared>>
      %dma_wait3A_432 = arith.constant 0 : i32
      %dma_wait3A_433 = tpu.memref_slice %arg17[%add3A_168, %dma_wait3A_432] : memref<10240x128xf32, #tpu.memory_space<vmem_shared>> -> memref<32x128xf32, #tpu.memory_space<vmem_shared>>
      tpu.wait_dma2 semaphore(%run_scoped3A_427 : memref<!tpu.dma_semaphore, #tpu.memory_space<semaphore_mem>>) src(%arg16 : memref<32x128xf32, #tpu.memory_space<vmem>>) dst(%dma_wait3A_433 : memref<32x128xf32, #tpu.memory_space<vmem_shared>>)
      tpu.yield
    }) : () -> ()
    %mul3A_169 = arith.constant 640 : i32
    %mul3A_170 = arith.muli %arg1, %mul3A_169 : i32
    %add3A_171 = arith.constant 384 : i32
    %add3A_172 = arith.addi %mul3A_170, %add3A_171 : i32
    "tpu.region"() ({
      %run_scoped3A_427 = tpu.sem_alloc : memref<!tpu.dma_semaphore, #tpu.memory_space<semaphore_mem>>
      %dma_start3A = arith.constant 0 : i32
      %dma_start3A_428 = tpu.memref_slice %arg17[%add3A_172, %dma_start3A] : memref<10240x128xf32, #tpu.memory_space<vmem_shared>> -> memref<32x128xf32, #tpu.memory_space<vmem_shared>>
      %dma_start3A_429 = arith.constant 0 : i32
      %dma_start3A_430 = tpu.memref_slice %arg17[%add3A_172, %dma_start3A_429] : memref<10240x128xf32, #tpu.memory_space<vmem_shared>> -> memref<32x128xf32, #tpu.memory_space<vmem_shared>>
      tpu.enqueue_dma source(%arg16 : memref<32x128xf32, #tpu.memory_space<vmem>>) target(%dma_start3A_430 : memref<32x128xf32, #tpu.memory_space<vmem_shared>>) target_semaphore(%run_scoped3A_427 : memref<!tpu.dma_semaphore, #tpu.memory_space<semaphore_mem>>)
      %dma_wait3A = arith.constant 0 : i32
      %dma_wait3A_431 = tpu.memref_slice %arg17[%add3A_172, %dma_wait3A] : memref<10240x128xf32, #tpu.memory_space<vmem_shared>> -> memref<32x128xf32, #tpu.memory_space<vmem_shared>>
      %dma_wait3A_432 = arith.constant 0 : i32
      %dma_wait3A_433 = tpu.memref_slice %arg17[%add3A_172, %dma_wait3A_432] : memref<10240x128xf32, #tpu.memory_space<vmem_shared>> -> memref<32x128xf32, #tpu.memory_space<vmem_shared>>
      tpu.wait_dma2 semaphore(%run_scoped3A_427 : memref<!tpu.dma_semaphore, #tpu.memory_space<semaphore_mem>>) src(%arg16 : memref<32x128xf32, #tpu.memory_space<vmem>>) dst(%dma_wait3A_433 : memref<32x128xf32, #tpu.memory_space<vmem_shared>>)
      tpu.yield
    }) : () -> ()
    %mul3A_173 = arith.constant 640 : i32
    %mul3A_174 = arith.muli %arg1, %mul3A_173 : i32
    %add3A_175 = arith.constant 416 : i32
    %add3A_176 = arith.addi %mul3A_174, %add3A_175 : i32
    "tpu.region"() ({
      %run_scoped3A_427 = tpu.sem_alloc : memref<!tpu.dma_semaphore, #tpu.memory_space<semaphore_mem>>
      %dma_start3A = arith.constant 0 : i32
      %dma_start3A_428 = tpu.memref_slice %arg17[%add3A_176, %dma_start3A] : memref<10240x128xf32, #tpu.memory_space<vmem_shared>> -> memref<32x128xf32, #tpu.memory_space<vmem_shared>>
      %dma_start3A_429 = arith.constant 0 : i32
      %dma_start3A_430 = tpu.memref_slice %arg17[%add3A_176, %dma_start3A_429] : memref<10240x128xf32, #tpu.memory_space<vmem_shared>> -> memref<32x128xf32, #tpu.memory_space<vmem_shared>>
      tpu.enqueue_dma source(%arg16 : memref<32x128xf32, #tpu.memory_space<vmem>>) target(%dma_start3A_430 : memref<32x128xf32, #tpu.memory_space<vmem_shared>>) target_semaphore(%run_scoped3A_427 : memref<!tpu.dma_semaphore, #tpu.memory_space<semaphore_mem>>)
      %dma_wait3A = arith.constant 0 : i32
      %dma_wait3A_431 = tpu.memref_slice %arg17[%add3A_176, %dma_wait3A] : memref<10240x128xf32, #tpu.memory_space<vmem_shared>> -> memref<32x128xf32, #tpu.memory_space<vmem_shared>>
      %dma_wait3A_432 = arith.constant 0 : i32
      %dma_wait3A_433 = tpu.memref_slice %arg17[%add3A_176, %dma_wait3A_432] : memref<10240x128xf32, #tpu.memory_space<vmem_shared>> -> memref<32x128xf32, #tpu.memory_space<vmem_shared>>
      tpu.wait_dma2 semaphore(%run_scoped3A_427 : memref<!tpu.dma_semaphore, #tpu.memory_space<semaphore_mem>>) src(%arg16 : memref<32x128xf32, #tpu.memory_space<vmem>>) dst(%dma_wait3A_433 : memref<32x128xf32, #tpu.memory_space<vmem_shared>>)
      tpu.yield
    }) : () -> ()
    %mul3A_177 = arith.constant 640 : i32
    %mul3A_178 = arith.muli %arg1, %mul3A_177 : i32
    %add3A_179 = arith.constant 448 : i32
    %add3A_180 = arith.addi %mul3A_178, %add3A_179 : i32
    "tpu.region"() ({
      %run_scoped3A_427 = tpu.sem_alloc : memref<!tpu.dma_semaphore, #tpu.memory_space<semaphore_mem>>
      %dma_start3A = arith.constant 0 : i32
      %dma_start3A_428 = tpu.memref_slice %arg17[%add3A_180, %dma_start3A] : memref<10240x128xf32, #tpu.memory_space<vmem_shared>> -> memref<32x128xf32, #tpu.memory_space<vmem_shared>>
      %dma_start3A_429 = arith.constant 0 : i32
      %dma_start3A_430 = tpu.memref_slice %arg17[%add3A_180, %dma_start3A_429] : memref<10240x128xf32, #tpu.memory_space<vmem_shared>> -> memref<32x128xf32, #tpu.memory_space<vmem_shared>>
      tpu.enqueue_dma source(%arg16 : memref<32x128xf32, #tpu.memory_space<vmem>>) target(%dma_start3A_430 : memref<32x128xf32, #tpu.memory_space<vmem_shared>>) target_semaphore(%run_scoped3A_427 : memref<!tpu.dma_semaphore, #tpu.memory_space<semaphore_mem>>)
      %dma_wait3A = arith.constant 0 : i32
      %dma_wait3A_431 = tpu.memref_slice %arg17[%add3A_180, %dma_wait3A] : memref<10240x128xf32, #tpu.memory_space<vmem_shared>> -> memref<32x128xf32, #tpu.memory_space<vmem_shared>>
      %dma_wait3A_432 = arith.constant 0 : i32
      %dma_wait3A_433 = tpu.memref_slice %arg17[%add3A_180, %dma_wait3A_432] : memref<10240x128xf32, #tpu.memory_space<vmem_shared>> -> memref<32x128xf32, #tpu.memory_space<vmem_shared>>
      tpu.wait_dma2 semaphore(%run_scoped3A_427 : memref<!tpu.dma_semaphore, #tpu.memory_space<semaphore_mem>>) src(%arg16 : memref<32x128xf32, #tpu.memory_space<vmem>>) dst(%dma_wait3A_433 : memref<32x128xf32, #tpu.memory_space<vmem_shared>>)
      tpu.yield
    }) : () -> ()
    %mul3A_181 = arith.constant 640 : i32
    %mul3A_182 = arith.muli %arg1, %mul3A_181 : i32
    %add3A_183 = arith.constant 480 : i32
    %add3A_184 = arith.addi %mul3A_182, %add3A_183 : i32
    "tpu.region"() ({
      %run_scoped3A_427 = tpu.sem_alloc : memref<!tpu.dma_semaphore, #tpu.memory_space<semaphore_mem>>
      %dma_start3A = arith.constant 0 : i32
      %dma_start3A_428 = tpu.memref_slice %arg17[%add3A_184, %dma_start3A] : memref<10240x128xf32, #tpu.memory_space<vmem_shared>> -> memref<32x128xf32, #tpu.memory_space<vmem_shared>>
      %dma_start3A_429 = arith.constant 0 : i32
      %dma_start3A_430 = tpu.memref_slice %arg17[%add3A_184, %dma_start3A_429] : memref<10240x128xf32, #tpu.memory_space<vmem_shared>> -> memref<32x128xf32, #tpu.memory_space<vmem_shared>>
      tpu.enqueue_dma source(%arg16 : memref<32x128xf32, #tpu.memory_space<vmem>>) target(%dma_start3A_430 : memref<32x128xf32, #tpu.memory_space<vmem_shared>>) target_semaphore(%run_scoped3A_427 : memref<!tpu.dma_semaphore, #tpu.memory_space<semaphore_mem>>)
      %dma_wait3A = arith.constant 0 : i32
      %dma_wait3A_431 = tpu.memref_slice %arg17[%add3A_184, %dma_wait3A] : memref<10240x128xf32, #tpu.memory_space<vmem_shared>> -> memref<32x128xf32, #tpu.memory_space<vmem_shared>>
      %dma_wait3A_432 = arith.constant 0 : i32
      %dma_wait3A_433 = tpu.memref_slice %arg17[%add3A_184, %dma_wait3A_432] : memref<10240x128xf32, #tpu.memory_space<vmem_shared>> -> memref<32x128xf32, #tpu.memory_space<vmem_shared>>
      tpu.wait_dma2 semaphore(%run_scoped3A_427 : memref<!tpu.dma_semaphore, #tpu.memory_space<semaphore_mem>>) src(%arg16 : memref<32x128xf32, #tpu.memory_space<vmem>>) dst(%dma_wait3A_433 : memref<32x128xf32, #tpu.memory_space<vmem_shared>>)
      tpu.yield
    }) : () -> ()
    %mul3A_185 = arith.constant 640 : i32
    %mul3A_186 = arith.muli %arg1, %mul3A_185 : i32
    %add3A_187 = arith.constant 512 : i32
    %add3A_188 = arith.addi %mul3A_186, %add3A_187 : i32
    "tpu.region"() ({
      %run_scoped3A_427 = tpu.sem_alloc : memref<!tpu.dma_semaphore, #tpu.memory_space<semaphore_mem>>
      %dma_start3A = arith.constant 0 : i32
      %dma_start3A_428 = tpu.memref_slice %arg17[%add3A_188, %dma_start3A] : memref<10240x128xf32, #tpu.memory_space<vmem_shared>> -> memref<32x128xf32, #tpu.memory_space<vmem_shared>>
      %dma_start3A_429 = arith.constant 0 : i32
      %dma_start3A_430 = tpu.memref_slice %arg17[%add3A_188, %dma_start3A_429] : memref<10240x128xf32, #tpu.memory_space<vmem_shared>> -> memref<32x128xf32, #tpu.memory_space<vmem_shared>>
      tpu.enqueue_dma source(%arg16 : memref<32x128xf32, #tpu.memory_space<vmem>>) target(%dma_start3A_430 : memref<32x128xf32, #tpu.memory_space<vmem_shared>>) target_semaphore(%run_scoped3A_427 : memref<!tpu.dma_semaphore, #tpu.memory_space<semaphore_mem>>)
      %dma_wait3A = arith.constant 0 : i32
      %dma_wait3A_431 = tpu.memref_slice %arg17[%add3A_188, %dma_wait3A] : memref<10240x128xf32, #tpu.memory_space<vmem_shared>> -> memref<32x128xf32, #tpu.memory_space<vmem_shared>>
      %dma_wait3A_432 = arith.constant 0 : i32
      %dma_wait3A_433 = tpu.memref_slice %arg17[%add3A_188, %dma_wait3A_432] : memref<10240x128xf32, #tpu.memory_space<vmem_shared>> -> memref<32x128xf32, #tpu.memory_space<vmem_shared>>
      tpu.wait_dma2 semaphore(%run_scoped3A_427 : memref<!tpu.dma_semaphore, #tpu.memory_space<semaphore_mem>>) src(%arg16 : memref<32x128xf32, #tpu.memory_space<vmem>>) dst(%dma_wait3A_433 : memref<32x128xf32, #tpu.memory_space<vmem_shared>>)
      tpu.yield
    }) : () -> ()
    %mul3A_189 = arith.constant 640 : i32
    %mul3A_190 = arith.muli %arg1, %mul3A_189 : i32
    %add3A_191 = arith.constant 544 : i32
    %add3A_192 = arith.addi %mul3A_190, %add3A_191 : i32
    "tpu.region"() ({
      %run_scoped3A_427 = tpu.sem_alloc : memref<!tpu.dma_semaphore, #tpu.memory_space<semaphore_mem>>
      %dma_start3A = arith.constant 0 : i32
      %dma_start3A_428 = tpu.memref_slice %arg17[%add3A_192, %dma_start3A] : memref<10240x128xf32, #tpu.memory_space<vmem_shared>> -> memref<32x128xf32, #tpu.memory_space<vmem_shared>>
      %dma_start3A_429 = arith.constant 0 : i32
      %dma_start3A_430 = tpu.memref_slice %arg17[%add3A_192, %dma_start3A_429] : memref<10240x128xf32, #tpu.memory_space<vmem_shared>> -> memref<32x128xf32, #tpu.memory_space<vmem_shared>>
      tpu.enqueue_dma source(%arg16 : memref<32x128xf32, #tpu.memory_space<vmem>>) target(%dma_start3A_430 : memref<32x128xf32, #tpu.memory_space<vmem_shared>>) target_semaphore(%run_scoped3A_427 : memref<!tpu.dma_semaphore, #tpu.memory_space<semaphore_mem>>)
      %dma_wait3A = arith.constant 0 : i32
      %dma_wait3A_431 = tpu.memref_slice %arg17[%add3A_192, %dma_wait3A] : memref<10240x128xf32, #tpu.memory_space<vmem_shared>> -> memref<32x128xf32, #tpu.memory_space<vmem_shared>>
      %dma_wait3A_432 = arith.constant 0 : i32
      %dma_wait3A_433 = tpu.memref_slice %arg17[%add3A_192, %dma_wait3A_432] : memref<10240x128xf32, #tpu.memory_space<vmem_shared>> -> memref<32x128xf32, #tpu.memory_space<vmem_shared>>
      tpu.wait_dma2 semaphore(%run_scoped3A_427 : memref<!tpu.dma_semaphore, #tpu.memory_space<semaphore_mem>>) src(%arg16 : memref<32x128xf32, #tpu.memory_space<vmem>>) dst(%dma_wait3A_433 : memref<32x128xf32, #tpu.memory_space<vmem_shared>>)
      tpu.yield
    }) : () -> ()
    %mul3A_193 = arith.constant 640 : i32
    %mul3A_194 = arith.muli %arg1, %mul3A_193 : i32
    %add3A_195 = arith.constant 576 : i32
    %add3A_196 = arith.addi %mul3A_194, %add3A_195 : i32
    "tpu.region"() ({
      %run_scoped3A_427 = tpu.sem_alloc : memref<!tpu.dma_semaphore, #tpu.memory_space<semaphore_mem>>
      %dma_start3A = arith.constant 0 : i32
      %dma_start3A_428 = tpu.memref_slice %arg17[%add3A_196, %dma_start3A] : memref<10240x128xf32, #tpu.memory_space<vmem_shared>> -> memref<32x128xf32, #tpu.memory_space<vmem_shared>>
      %dma_start3A_429 = arith.constant 0 : i32
      %dma_start3A_430 = tpu.memref_slice %arg17[%add3A_196, %dma_start3A_429] : memref<10240x128xf32, #tpu.memory_space<vmem_shared>> -> memref<32x128xf32, #tpu.memory_space<vmem_shared>>
      tpu.enqueue_dma source(%arg16 : memref<32x128xf32, #tpu.memory_space<vmem>>) target(%dma_start3A_430 : memref<32x128xf32, #tpu.memory_space<vmem_shared>>) target_semaphore(%run_scoped3A_427 : memref<!tpu.dma_semaphore, #tpu.memory_space<semaphore_mem>>)
      %dma_wait3A = arith.constant 0 : i32
      %dma_wait3A_431 = tpu.memref_slice %arg17[%add3A_196, %dma_wait3A] : memref<10240x128xf32, #tpu.memory_space<vmem_shared>> -> memref<32x128xf32, #tpu.memory_space<vmem_shared>>
      %dma_wait3A_432 = arith.constant 0 : i32
      %dma_wait3A_433 = tpu.memref_slice %arg17[%add3A_196, %dma_wait3A_432] : memref<10240x128xf32, #tpu.memory_space<vmem_shared>> -> memref<32x128xf32, #tpu.memory_space<vmem_shared>>
      tpu.wait_dma2 semaphore(%run_scoped3A_427 : memref<!tpu.dma_semaphore, #tpu.memory_space<semaphore_mem>>) src(%arg16 : memref<32x128xf32, #tpu.memory_space<vmem>>) dst(%dma_wait3A_433 : memref<32x128xf32, #tpu.memory_space<vmem_shared>>)
      tpu.yield
    }) : () -> ()
    %mul3A_197 = arith.constant 640 : i32
    %mul3A_198 = arith.muli %arg1, %mul3A_197 : i32
    %add3A_199 = arith.constant 608 : i32
    %add3A_200 = arith.addi %mul3A_198, %add3A_199 : i32
    "tpu.region"() ({
      %run_scoped3A_427 = tpu.sem_alloc : memref<!tpu.dma_semaphore, #tpu.memory_space<semaphore_mem>>
      %dma_start3A = arith.constant 0 : i32
      %dma_start3A_428 = tpu.memref_slice %arg17[%add3A_200, %dma_start3A] : memref<10240x128xf32, #tpu.memory_space<vmem_shared>> -> memref<32x128xf32, #tpu.memory_space<vmem_shared>>
      %dma_start3A_429 = arith.constant 0 : i32
      %dma_start3A_430 = tpu.memref_slice %arg17[%add3A_200, %dma_start3A_429] : memref<10240x128xf32, #tpu.memory_space<vmem_shared>> -> memref<32x128xf32, #tpu.memory_space<vmem_shared>>
      tpu.enqueue_dma source(%arg16 : memref<32x128xf32, #tpu.memory_space<vmem>>) target(%dma_start3A_430 : memref<32x128xf32, #tpu.memory_space<vmem_shared>>) target_semaphore(%run_scoped3A_427 : memref<!tpu.dma_semaphore, #tpu.memory_space<semaphore_mem>>)
      %dma_wait3A = arith.constant 0 : i32
      %dma_wait3A_431 = tpu.memref_slice %arg17[%add3A_200, %dma_wait3A] : memref<10240x128xf32, #tpu.memory_space<vmem_shared>> -> memref<32x128xf32, #tpu.memory_space<vmem_shared>>
      %dma_wait3A_432 = arith.constant 0 : i32
      %dma_wait3A_433 = tpu.memref_slice %arg17[%add3A_200, %dma_wait3A_432] : memref<10240x128xf32, #tpu.memory_space<vmem_shared>> -> memref<32x128xf32, #tpu.memory_space<vmem_shared>>
      tpu.wait_dma2 semaphore(%run_scoped3A_427 : memref<!tpu.dma_semaphore, #tpu.memory_space<semaphore_mem>>) src(%arg16 : memref<32x128xf32, #tpu.memory_space<vmem>>) dst(%dma_wait3A_433 : memref<32x128xf32, #tpu.memory_space<vmem_shared>>)
      tpu.yield
    }) : () -> ()
    %barrier3A_201 = arith.constant 0 : index
    tpu.barrier barrier_id(%barrier3A_201)
    %scan3A_202 = arith.constant 0 : i32
    %scan3A_203 = arith.constant 0 : i32
    %scan3A_204 = arith.constant 162 : i32
    %scan3A_205 = arith.addi %scan3A_203, %scan3A_204 : i32
    %scan3A_206 = arith.constant 1 : i32
    %scan3A_207 = scf.for %scan3A_427 = %scan3A_203 to %scan3A_205 step %scan3A_206 iter_args(%scan3A_428 = %scan3A_202) -> (i32)  : i32 {
      %mul3A_429 = arith.constant 64 : i32
      %mul3A_430 = arith.muli %scan3A_427, %mul3A_429 : i32
      %add3A_431 = arith.addi %mul3A_2, %mul3A_430 : i32
      %run_scoped3A_432 = arith.constant 1 : i32
      "tpu.region"() ({
        %run_scoped3A_558 = tpu.sem_alloc : memref<!tpu.dma_semaphore, #tpu.memory_space<semaphore_mem>>
        %dma_start3A_559 = tpu.memref_slice %arg5[%run_scoped3A_432, %add3A_431] : memref<4x331776xi32, #tpu.memory_space<hbm>> -> memref<1x64xi32, #tpu.memory_space<hbm>>
        %dma_start3A_560 = tpu.memref_squeeze %dma_start3A_559 : memref<1x64xi32, #tpu.memory_space<hbm>> -> memref<64xi32, #tpu.memory_space<hbm>>
        %dma_start3A_561 = tpu.memref_slice %arg5[%run_scoped3A_432, %add3A_431] : memref<4x331776xi32, #tpu.memory_space<hbm>> -> memref<1x64xi32, #tpu.memory_space<hbm>>
        %dma_start3A_562 = tpu.memref_squeeze %dma_start3A_561 : memref<1x64xi32, #tpu.memory_space<hbm>> -> memref<64xi32, #tpu.memory_space<hbm>>
        tpu.enqueue_dma source(%dma_start3A_562 : memref<64xi32, #tpu.memory_space<hbm>>) target(%arg12 : memref<64xi32, #tpu.memory_space<vmem>>) target_semaphore(%run_scoped3A_558 : memref<!tpu.dma_semaphore, #tpu.memory_space<semaphore_mem>>)
        %dma_wait3A_563 = tpu.memref_slice %arg5[%run_scoped3A_432, %add3A_431] : memref<4x331776xi32, #tpu.memory_space<hbm>> -> memref<1x64xi32, #tpu.memory_space<hbm>>
        %dma_wait3A_564 = tpu.memref_squeeze %dma_wait3A_563 : memref<1x64xi32, #tpu.memory_space<hbm>> -> memref<64xi32, #tpu.memory_space<hbm>>
        %dma_wait3A_565 = tpu.memref_slice %arg5[%run_scoped3A_432, %add3A_431] : memref<4x331776xi32, #tpu.memory_space<hbm>> -> memref<1x64xi32, #tpu.memory_space<hbm>>
        %dma_wait3A_566 = tpu.memref_squeeze %dma_wait3A_565 : memref<1x64xi32, #tpu.memory_space<hbm>> -> memref<64xi32, #tpu.memory_space<hbm>>
        tpu.wait_dma2 semaphore(%run_scoped3A_558 : memref<!tpu.dma_semaphore, #tpu.memory_space<semaphore_mem>>) src(%dma_wait3A_566 : memref<64xi32, #tpu.memory_space<hbm>>) dst(%arg12 : memref<64xi32, #tpu.memory_space<vmem>>)
        tpu.yield
      }) : () -> ()
      "tpu.region"() ({
        %run_scoped3A_558 = tpu.sem_alloc : memref<!tpu.dma_semaphore, #tpu.memory_space<semaphore_mem>>
        %dma_start3A_559 = tpu.memref_slice %arg6[%add3A_431] : memref<331776xi32, #tpu.memory_space<hbm>> -> memref<64xi32, #tpu.memory_space<hbm>>
        %dma_start3A_560 = tpu.memref_slice %arg6[%add3A_431] : memref<331776xi32, #tpu.memory_space<hbm>> -> memref<64xi32, #tpu.memory_space<hbm>>
        tpu.enqueue_dma source(%dma_start3A_560 : memref<64xi32, #tpu.memory_space<hbm>>) target(%arg13 : memref<64xi32, #tpu.memory_space<vmem>>) target_semaphore(%run_scoped3A_558 : memref<!tpu.dma_semaphore, #tpu.memory_space<semaphore_mem>>)
        %dma_wait3A_561 = tpu.memref_slice %arg6[%add3A_431] : memref<331776xi32, #tpu.memory_space<hbm>> -> memref<64xi32, #tpu.memory_space<hbm>>
        %dma_wait3A_562 = tpu.memref_slice %arg6[%add3A_431] : memref<331776xi32, #tpu.memory_space<hbm>> -> memref<64xi32, #tpu.memory_space<hbm>>
        tpu.wait_dma2 semaphore(%run_scoped3A_558 : memref<!tpu.dma_semaphore, #tpu.memory_space<semaphore_mem>>) src(%dma_wait3A_562 : memref<64xi32, #tpu.memory_space<hbm>>) dst(%arg13 : memref<64xi32, #tpu.memory_space<vmem>>)
        tpu.yield
      }) : () -> ()
      %dma_start3A = arith.constant 0 : i32
      %dma_start3A_433 = arith.constant 0 : i32
      %dma_start3A_434 = tpu.memref_slice %arg2[%dma_start3A, %dma_start3A_433] : memref<40960x128xf32, #tpu.memory_space<hbm>> -> memref<40960x128xf32, #tpu.memory_space<hbm>>
      tpu.enqueue_indirect_dma source(%dma_start3A_434 : memref<40960x128xf32, #tpu.memory_space<hbm>>) target(%arg14 : memref<64x128xf32, #tpu.memory_space<vmem>>) offsets(%arg12 : memref<64xi32, #tpu.memory_space<vmem>>) semaphore(%arg18 : memref<!tpu.dma_semaphore, #tpu.memory_space<semaphore_mem>>)
      %get3A = arith.constant 0 : index
      %get3A_435 = tpu.vector_load %arg12[%get3A] {strides = array<i32>} : memref<64xi32, #tpu.memory_space<vmem>>, vector<16xi32>,
      %sub3A = arith.constant 10240 : i32
      %sub3A_436 = vector.broadcast %sub3A : i32 to vector<16xi32>
      %sub3A_437 = arith.subi %get3A_435, %sub3A_436 : vector<16xi32>
      %get3A_438 = arith.constant 0 : index
      %get3A_439 = tpu.vector_load %arg13[%get3A_438] {strides = array<i32>} : memref<64xi32, #tpu.memory_space<vmem>>, vector<16xi32>,
      %gather3A = tpu.vector_load_idx %arg9[%sub3A_437] : memref<10240xf32, #tpu.memory_space<vmem>>[vector<16xi32>], vector<16xf32>,
      %gather3A_440 = tpu.vector_load_idx %arg10[%get3A_439] : memref<10240xf32, #tpu.memory_space<vmem>>[vector<16xi32>], vector<16xf32>,
      %add3A_441 = arith.addf %gather3A, %gather3A_440 : vector<16xf32>
      %ge3A = arith.constant 0.000000e+00 : f32
      %ge3A_442 = vector.broadcast %ge3A : f32 to vector<16xf32>
      %ge3A_443 = arith.cmpf oge, %add3A_441, %ge3A_442 : vector<16xf32>
      %mul3A_444 = arith.constant 2.000000e-01 : f32
      %mul3A_445 = vector.broadcast %mul3A_444 : f32 to vector<16xf32>
      %mul3A_446 = arith.mulf %add3A_441, %mul3A_445 : vector<16xf32>
      %select_n3A = arith.select %ge3A_443, %add3A_441, %mul3A_446 : vector<16xi1>, vector<16xf32>
      %exp3A = math.exp %select_n3A : vector<16xf32>
      %add3A_447 = arith.constant 0 : i32
      %add3A_448 = arith.addi %add3A_431, %add3A_447 : i32
      %iota3A = tpu.iota {dimensions = array<i32: 0>} : vector<16xi32>
      %add3A_449 = vector.broadcast %add3A_448 : i32 to vector<16xi32>
      %add3A_450 = arith.addi %add3A_449, %iota3A : vector<16xi32>
      %lt3A = arith.constant 330000 : i32
      %lt3A_451 = vector.broadcast %lt3A : i32 to vector<16xi32>
      %lt3A_452 = arith.cmpi slt, %add3A_450, %lt3A_451 : vector<16xi32>
      %jit3A = arith.constant 0.000000e+00 : f32
      %broadcast_in_dim3A = vector.broadcast %jit3A : f32 to vector<16xf32>
      %select_n3A_453 = arith.select %lt3A_452, %exp3A, %broadcast_in_dim3A : vector<16xi1>, vector<16xf32>
      tpu.vector_store_idx %arg11[%get3A_439], %select_n3A_453 {add = true} : memref<10240xf32, #tpu.memory_space<vmem>>[vector<16xi32>], vector<16xf32>,
      %swap3A = arith.constant 0 : index
      %swap3A_454 = tpu.vector_load %arg15[%swap3A] {strides = array<i32>} : memref<64xf32, #tpu.memory_space<vmem>>, vector<16xf32>,
      tpu.vector_store %arg15[%swap3A], %select_n3A_453 {strides = array<i32>} : memref<64xf32, #tpu.memory_space<vmem>>, vector<16xf32>,
      %get3A_455 = arith.constant 16 : index
      %get3A_456 = tpu.vector_load %arg12[%get3A_455] {strides = array<i32>} : memref<64xi32, #tpu.memory_space<vmem>>, vector<16xi32>,
      %sub3A_457 = arith.constant 10240 : i32
      %sub3A_458 = vector.broadcast %sub3A_457 : i32 to vector<16xi32>
      %sub3A_459 = arith.subi %get3A_456, %sub3A_458 : vector<16xi32>
      %get3A_460 = arith.constant 16 : index
      %get3A_461 = tpu.vector_load %arg13[%get3A_460] {strides = array<i32>} : memref<64xi32, #tpu.memory_space<vmem>>, vector<16xi32>,
      %gather3A_462 = tpu.vector_load_idx %arg9[%sub3A_459] : memref<10240xf32, #tpu.memory_space<vmem>>[vector<16xi32>], vector<16xf32>,
      %gather3A_463 = tpu.vector_load_idx %arg10[%get3A_461] : memref<10240xf32, #tpu.memory_space<vmem>>[vector<16xi32>], vector<16xf32>,
      %add3A_464 = arith.addf %gather3A_462, %gather3A_463 : vector<16xf32>
      %ge3A_465 = arith.constant 0.000000e+00 : f32
      %ge3A_466 = vector.broadcast %ge3A_465 : f32 to vector<16xf32>
      %ge3A_467 = arith.cmpf oge, %add3A_464, %ge3A_466 : vector<16xf32>
      %mul3A_468 = arith.constant 2.000000e-01 : f32
      %mul3A_469 = vector.broadcast %mul3A_468 : f32 to vector<16xf32>
      %mul3A_470 = arith.mulf %add3A_464, %mul3A_469 : vector<16xf32>
      %select_n3A_471 = arith.select %ge3A_467, %add3A_464, %mul3A_470 : vector<16xi1>, vector<16xf32>
      %exp3A_472 = math.exp %select_n3A_471 : vector<16xf32>
      %add3A_473 = arith.constant 16 : i32
      %add3A_474 = arith.addi %add3A_431, %add3A_473 : i32
      %iota3A_475 = tpu.iota {dimensions = array<i32: 0>} : vector<16xi32>
      %add3A_476 = vector.broadcast %add3A_474 : i32 to vector<16xi32>
      %add3A_477 = arith.addi %add3A_476, %iota3A_475 : vector<16xi32>
      %lt3A_478 = arith.constant 330000 : i32
      %lt3A_479 = vector.broadcast %lt3A_478 : i32 to vector<16xi32>
      %lt3A_480 = arith.cmpi slt, %add3A_477, %lt3A_479 : vector<16xi32>
      %jit3A_481 = arith.constant 0.000000e+00 : f32
      %broadcast_in_dim3A_482 = vector.broadcast %jit3A_481 : f32 to vector<16xf32>
      %select_n3A_483 = arith.select %lt3A_480, %exp3A_472, %broadcast_in_dim3A_482 : vector<16xi1>, vector<16xf32>
      tpu.vector_store_idx %arg11[%get3A_461], %select_n3A_483 {add = true} : memref<10240xf32, #tpu.memory_space<vmem>>[vector<16xi32>], vector<16xf32>,
      %swap3A_484 = arith.constant 16 : index
      %swap3A_485 = tpu.vector_load %arg15[%swap3A_484] {strides = array<i32>} : memref<64xf32, #tpu.memory_space<vmem>>, vector<16xf32>,
      tpu.vector_store %arg15[%swap3A_484], %select_n3A_483 {strides = array<i32>} : memref<64xf32, #tpu.memory_space<vmem>>, vector<16xf32>,
      %get3A_486 = arith.constant 32 : index
      %get3A_487 = tpu.vector_load %arg12[%get3A_486] {strides = array<i32>} : memref<64xi32, #tpu.memory_space<vmem>>, vector<16xi32>,
      %sub3A_488 = arith.constant 10240 : i32
      %sub3A_489 = vector.broadcast %sub3A_488 : i32 to vector<16xi32>
      %sub3A_490 = arith.subi %get3A_487, %sub3A_489 : vector<16xi32>
      %get3A_491 = arith.constant 32 : index
      %get3A_492 = tpu.vector_load %arg13[%get3A_491] {strides = array<i32>} : memref<64xi32, #tpu.memory_space<vmem>>, vector<16xi32>,
      %gather3A_493 = tpu.vector_load_idx %arg9[%sub3A_490] : memref<10240xf32, #tpu.memory_space<vmem>>[vector<16xi32>], vector<16xf32>,
      %gather3A_494 = tpu.vector_load_idx %arg10[%get3A_492] : memref<10240xf32, #tpu.memory_space<vmem>>[vector<16xi32>], vector<16xf32>,
      %add3A_495 = arith.addf %gather3A_493, %gather3A_494 : vector<16xf32>
      %ge3A_496 = arith.constant 0.000000e+00 : f32
      %ge3A_497 = vector.broadcast %ge3A_496 : f32 to vector<16xf32>
      %ge3A_498 = arith.cmpf oge, %add3A_495, %ge3A_497 : vector<16xf32>
      %mul3A_499 = arith.constant 2.000000e-01 : f32
      %mul3A_500 = vector.broadcast %mul3A_499 : f32 to vector<16xf32>
      %mul3A_501 = arith.mulf %add3A_495, %mul3A_500 : vector<16xf32>
      %select_n3A_502 = arith.select %ge3A_498, %add3A_495, %mul3A_501 : vector<16xi1>, vector<16xf32>
      %exp3A_503 = math.exp %select_n3A_502 : vector<16xf32>
      %add3A_504 = arith.constant 32 : i32
      %add3A_505 = arith.addi %add3A_431, %add3A_504 : i32
      %iota3A_506 = tpu.iota {dimensions = array<i32: 0>} : vector<16xi32>
      %add3A_507 = vector.broadcast %add3A_505 : i32 to vector<16xi32>
      %add3A_508 = arith.addi %add3A_507, %iota3A_506 : vector<16xi32>
      %lt3A_509 = arith.constant 330000 : i32
      %lt3A_510 = vector.broadcast %lt3A_509 : i32 to vector<16xi32>
      %lt3A_511 = arith.cmpi slt, %add3A_508, %lt3A_510 : vector<16xi32>
      %jit3A_512 = arith.constant 0.000000e+00 : f32
      %broadcast_in_dim3A_513 = vector.broadcast %jit3A_512 : f32 to vector<16xf32>
      %select_n3A_514 = arith.select %lt3A_511, %exp3A_503, %broadcast_in_dim3A_513 : vector<16xi1>, vector<16xf32>
      tpu.vector_store_idx %arg11[%get3A_492], %select_n3A_514 {add = true} : memref<10240xf32, #tpu.memory_space<vmem>>[vector<16xi32>], vector<16xf32>,
      %swap3A_515 = arith.constant 32 : index
      %swap3A_516 = tpu.vector_load %arg15[%swap3A_515] {strides = array<i32>} : memref<64xf32, #tpu.memory_space<vmem>>, vector<16xf32>,
      tpu.vector_store %arg15[%swap3A_515], %select_n3A_514 {strides = array<i32>} : memref<64xf32, #tpu.memory_space<vmem>>, vector<16xf32>,
      %get3A_517 = arith.constant 48 : index
      %get3A_518 = tpu.vector_load %arg12[%get3A_517] {strides = array<i32>} : memref<64xi32, #tpu.memory_space<vmem>>, vector<16xi32>,
      %sub3A_519 = arith.constant 10240 : i32
      %sub3A_520 = vector.broadcast %sub3A_519 : i32 to vector<16xi32>
      %sub3A_521 = arith.subi %get3A_518, %sub3A_520 : vector<16xi32>
      %get3A_522 = arith.constant 48 : index
      %get3A_523 = tpu.vector_load %arg13[%get3A_522] {strides = array<i32>} : memref<64xi32, #tpu.memory_space<vmem>>, vector<16xi32>,
      %gather3A_524 = tpu.vector_load_idx %arg9[%sub3A_521] : memref<10240xf32, #tpu.memory_space<vmem>>[vector<16xi32>], vector<16xf32>,
      %gather3A_525 = tpu.vector_load_idx %arg10[%get3A_523] : memref<10240xf32, #tpu.memory_space<vmem>>[vector<16xi32>], vector<16xf32>,
      %add3A_526 = arith.addf %gather3A_524, %gather3A_525 : vector<16xf32>
      %ge3A_527 = arith.constant 0.000000e+00 : f32
      %ge3A_528 = vector.broadcast %ge3A_527 : f32 to vector<16xf32>
      %ge3A_529 = arith.cmpf oge, %add3A_526, %ge3A_528 : vector<16xf32>
      %mul3A_530 = arith.constant 2.000000e-01 : f32
      %mul3A_531 = vector.broadcast %mul3A_530 : f32 to vector<16xf32>
      %mul3A_532 = arith.mulf %add3A_526, %mul3A_531 : vector<16xf32>
      %select_n3A_533 = arith.select %ge3A_529, %add3A_526, %mul3A_532 : vector<16xi1>, vector<16xf32>
      %exp3A_534 = math.exp %select_n3A_533 : vector<16xf32>
      %add3A_535 = arith.constant 48 : i32
      %add3A_536 = arith.addi %add3A_431, %add3A_535 : i32
      %iota3A_537 = tpu.iota {dimensions = array<i32: 0>} : vector<16xi32>
      %add3A_538 = vector.broadcast %add3A_536 : i32 to vector<16xi32>
      %add3A_539 = arith.addi %add3A_538, %iota3A_537 : vector<16xi32>
      %lt3A_540 = arith.constant 330000 : i32
      %lt3A_541 = vector.broadcast %lt3A_540 : i32 to vector<16xi32>
      %lt3A_542 = arith.cmpi slt, %add3A_539, %lt3A_541 : vector<16xi32>
      %jit3A_543 = arith.constant 0.000000e+00 : f32
      %broadcast_in_dim3A_544 = vector.broadcast %jit3A_543 : f32 to vector<16xf32>
      %select_n3A_545 = arith.select %lt3A_542, %exp3A_534, %broadcast_in_dim3A_544 : vector<16xi1>, vector<16xf32>
      tpu.vector_store_idx %arg11[%get3A_523], %select_n3A_545 {add = true} : memref<10240xf32, #tpu.memory_space<vmem>>[vector<16xi32>], vector<16xf32>,
      %swap3A_546 = arith.constant 48 : index
      %swap3A_547 = tpu.vector_load %arg15[%swap3A_546] {strides = array<i32>} : memref<64xf32, #tpu.memory_space<vmem>>, vector<16xf32>,
      tpu.vector_store %arg15[%swap3A_546], %select_n3A_545 {strides = array<i32>} : memref<64xf32, #tpu.memory_space<vmem>>, vector<16xf32>,
      %dma_wait3A = arith.constant 0 : i32
      %dma_wait3A_548 = arith.constant 0 : i32
      %dma_wait3A_549 = tpu.memref_slice %arg2[%dma_wait3A, %dma_wait3A_548] : memref<40960x128xf32, #tpu.memory_space<hbm>> -> memref<40960x128xf32, #tpu.memory_space<hbm>>
      tpu.wait_indirect_dma semaphore(%arg18 : memref<!tpu.dma_semaphore, #tpu.memory_space<semaphore_mem>>) src(%dma_wait3A_549 : memref<40960x128xf32, #tpu.memory_space<hbm>>) dst(%arg14 : memref<64x128xf32, #tpu.memory_space<vmem>>)
      %scan3A_550 = arith.constant 0 : i32
      %scan3A_551 = arith.constant 0 : i32
      %scan3A_552 = arith.constant 64 : i32
      %scan3A_553 = arith.addi %scan3A_551, %scan3A_552 : i32
      %scan3A_554 = arith.constant 1 : i32
      %scan3A_555 = scf.for %scan3A_558 = %scan3A_551 to %scan3A_553 step %scan3A_554 iter_args(%scan3A_559 = %scan3A_550) -> (i32)  : i32 {
        %broadcast_in_dim3A_560 = vector.broadcast %scan3A_558 : i32 to vector<16xi32>
        %gather3A_561 = tpu.vector_load_idx %arg15[%broadcast_in_dim3A_560] : memref<64xf32, #tpu.memory_space<vmem>>[vector<16xi32>], vector<16xf32>,
        %get3A_562 = arith.index_cast %scan3A_558 : i32 to index
        %get3A_563 = arith.constant 0 : index
        %get3A_564 = tpu.vector_load %arg14[%get3A_562, %get3A_563] {strides = array<i32>} : memref<64x128xf32, #tpu.memory_space<vmem>>, vector<16xf32>,
        %mul3A_565 = arith.mulf %get3A_564, %gather3A_561 : vector<16xf32>
        %swap3A_566 = arith.index_cast %scan3A_558 : i32 to index
        %swap3A_567 = arith.constant 0 : index
        %swap3A_568 = tpu.vector_load %arg14[%swap3A_566, %swap3A_567] {strides = array<i32>} : memref<64x128xf32, #tpu.memory_space<vmem>>, vector<16xf32>,
        tpu.vector_store %arg14[%swap3A_566, %swap3A_567], %mul3A_565 {strides = array<i32>} : memref<64x128xf32, #tpu.memory_space<vmem>>, vector<16xf32>,
        %get3A_569 = arith.index_cast %scan3A_558 : i32 to index
        %get3A_570 = arith.constant 16 : index
        %get3A_571 = tpu.vector_load %arg14[%get3A_569, %get3A_570] {strides = array<i32>} : memref<64x128xf32, #tpu.memory_space<vmem>>, vector<16xf32>,
        %mul3A_572 = arith.mulf %get3A_571, %gather3A_561 : vector<16xf32>
        %swap3A_573 = arith.index_cast %scan3A_558 : i32 to index
        %swap3A_574 = arith.constant 16 : index
        %swap3A_575 = tpu.vector_load %arg14[%swap3A_573, %swap3A_574] {strides = array<i32>} : memref<64x128xf32, #tpu.memory_space<vmem>>, vector<16xf32>,
        tpu.vector_store %arg14[%swap3A_573, %swap3A_574], %mul3A_572 {strides = array<i32>} : memref<64x128xf32, #tpu.memory_space<vmem>>, vector<16xf32>,
        %get3A_576 = arith.index_cast %scan3A_558 : i32 to index
        %get3A_577 = arith.constant 32 : index
        %get3A_578 = tpu.vector_load %arg14[%get3A_576, %get3A_577] {strides = array<i32>} : memref<64x128xf32, #tpu.memory_space<vmem>>, vector<16xf32>,
        %mul3A_579 = arith.mulf %get3A_578, %gather3A_561 : vector<16xf32>
        %swap3A_580 = arith.index_cast %scan3A_558 : i32 to index
        %swap3A_581 = arith.constant 32 : index
        %swap3A_582 = tpu.vector_load %arg14[%swap3A_580, %swap3A_581] {strides = array<i32>} : memref<64x128xf32, #tpu.memory_space<vmem>>, vector<16xf32>,
        tpu.vector_store %arg14[%swap3A_580, %swap3A_581], %mul3A_579 {strides = array<i32>} : memref<64x128xf32, #tpu.memory_space<vmem>>, vector<16xf32>,
        %get3A_583 = arith.index_cast %scan3A_558 : i32 to index
        %get3A_584 = arith.constant 48 : index
        %get3A_585 = tpu.vector_load %arg14[%get3A_583, %get3A_584] {strides = array<i32>} : memref<64x128xf32, #tpu.memory_space<vmem>>, vector<16xf32>,
        %mul3A_586 = arith.mulf %get3A_585, %gather3A_561 : vector<16xf32>
        %swap3A_587 = arith.index_cast %scan3A_558 : i32 to index
        %swap3A_588 = arith.constant 48 : index
        %swap3A_589 = tpu.vector_load %arg14[%swap3A_587, %swap3A_588] {strides = array<i32>} : memref<64x128xf32, #tpu.memory_space<vmem>>, vector<16xf32>,
        tpu.vector_store %arg14[%swap3A_587, %swap3A_588], %mul3A_586 {strides = array<i32>} : memref<64x128xf32, #tpu.memory_space<vmem>>, vector<16xf32>,
        %get3A_590 = arith.index_cast %scan3A_558 : i32 to index
        %get3A_591 = arith.constant 64 : index
        %get3A_592 = tpu.vector_load %arg14[%get3A_590, %get3A_591] {strides = array<i32>} : memref<64x128xf32, #tpu.memory_space<vmem>>, vector<16xf32>,
        %mul3A_593 = arith.mulf %get3A_592, %gather3A_561 : vector<16xf32>
        %swap3A_594 = arith.index_cast %scan3A_558 : i32 to index
        %swap3A_595 = arith.constant 64 : index
        %swap3A_596 = tpu.vector_load %arg14[%swap3A_594, %swap3A_595] {strides = array<i32>} : memref<64x128xf32, #tpu.memory_space<vmem>>, vector<16xf32>,
        tpu.vector_store %arg14[%swap3A_594, %swap3A_595], %mul3A_593 {strides = array<i32>} : memref<64x128xf32, #tpu.memory_space<vmem>>, vector<16xf32>,
        %get3A_597 = arith.index_cast %scan3A_558 : i32 to index
        %get3A_598 = arith.constant 80 : index
        %get3A_599 = tpu.vector_load %arg14[%get3A_597, %get3A_598] {strides = array<i32>} : memref<64x128xf32, #tpu.memory_space<vmem>>, vector<16xf32>,
        %mul3A_600 = arith.mulf %get3A_599, %gather3A_561 : vector<16xf32>
        %swap3A_601 = arith.index_cast %scan3A_558 : i32 to index
        %swap3A_602 = arith.constant 80 : index
        %swap3A_603 = tpu.vector_load %arg14[%swap3A_601, %swap3A_602] {strides = array<i32>} : memref<64x128xf32, #tpu.memory_space<vmem>>, vector<16xf32>,
        tpu.vector_store %arg14[%swap3A_601, %swap3A_602], %mul3A_600 {strides = array<i32>} : memref<64x128xf32, #tpu.memory_space<vmem>>, vector<16xf32>,
        %get3A_604 = arith.index_cast %scan3A_558 : i32 to index
        %get3A_605 = arith.constant 96 : index
        %get3A_606 = tpu.vector_load %arg14[%get3A_604, %get3A_605] {strides = array<i32>} : memref<64x128xf32, #tpu.memory_space<vmem>>, vector<16xf32>,
        %mul3A_607 = arith.mulf %get3A_606, %gather3A_561 : vector<16xf32>
        %swap3A_608 = arith.index_cast %scan3A_558 : i32 to index
        %swap3A_609 = arith.constant 96 : index
        %swap3A_610 = tpu.vector_load %arg14[%swap3A_608, %swap3A_609] {strides = array<i32>} : memref<64x128xf32, #tpu.memory_space<vmem>>, vector<16xf32>,
        tpu.vector_store %arg14[%swap3A_608, %swap3A_609], %mul3A_607 {strides = array<i32>} : memref<64x128xf32, #tpu.memory_space<vmem>>, vector<16xf32>,
        %get3A_611 = arith.index_cast %scan3A_558 : i32 to index
        %get3A_612 = arith.constant 112 : index
        %get3A_613 = tpu.vector_load %arg14[%get3A_611, %get3A_612] {strides = array<i32>} : memref<64x128xf32, #tpu.memory_space<vmem>>, vector<16xf32>,
        %mul3A_614 = arith.mulf %get3A_613, %gather3A_561 : vector<16xf32>
        %swap3A_615 = arith.index_cast %scan3A_558 : i32 to index
        %swap3A_616 = arith.constant 112 : index
        %swap3A_617 = tpu.vector_load %arg14[%swap3A_615, %swap3A_616] {strides = array<i32>} : memref<64x128xf32, #tpu.memory_space<vmem>>, vector<16xf32>,
        tpu.vector_store %arg14[%swap3A_615, %swap3A_616], %mul3A_614 {strides = array<i32>} : memref<64x128xf32, #tpu.memory_space<vmem>>, vector<16xf32>,
        %scan3A_618 = arith.constant 0 : i32
        scf.yield %scan3A_618 : i32
      }
      %scan3A_556 = arith.constant 64 : i32
      "tpu.region"() ({
        %run_scoped3A_558 = tpu.sem_alloc : memref<!tpu.dma_semaphore, #tpu.memory_space<semaphore_mem>>
        %dma_start3A_559 = arith.constant 0 : i32
        %dma_start3A_560 = arith.constant 0 : i32
        %dma_start3A_561 = tpu.memref_slice %arg17[%dma_start3A_559, %dma_start3A_560] : memref<10240x128xf32, #tpu.memory_space<vmem_shared>> -> memref<10240x128xf32, #tpu.memory_space<vmem_shared>>
        tpu.enqueue_indirect_dma source(%arg14 : memref<64x128xf32, #tpu.memory_space<vmem>>) target(%dma_start3A_561 : memref<10240x128xf32, #tpu.memory_space<vmem_shared>>) offsets(%arg13 : memref<64xi32, #tpu.memory_space<vmem>>) semaphore(%run_scoped3A_558 : memref<!tpu.dma_semaphore, #tpu.memory_space<semaphore_mem>>) {add = true}
        %dma_wait3A_562 = arith.constant 0 : i32
        %dma_wait3A_563 = arith.constant 0 : i32
        %dma_wait3A_564 = tpu.memref_slice %arg17[%dma_wait3A_562, %dma_wait3A_563] : memref<10240x128xf32, #tpu.memory_space<vmem_shared>> -> memref<10240x128xf32, #tpu.memory_space<vmem_shared>>
        tpu.wait_indirect_dma semaphore(%run_scoped3A_558 : memref<!tpu.dma_semaphore, #tpu.memory_space<semaphore_mem>>) src(%arg14 : memref<64x128xf32, #tpu.memory_space<vmem>>) dst(%dma_wait3A_564 : memref<10240x128xf32, #tpu.memory_space<vmem_shared>>)
        tpu.yield
      }) : () -> ()
      %scan3A_557 = arith.constant 0 : i32
      scf.yield %scan3A_557 : i32
    }
    %scan3A_208 = arith.constant 162 : i32
    %barrier3A_209 = arith.constant 0 : index
    tpu.barrier barrier_id(%barrier3A_209)
    %mul3A_210 = arith.constant 640 : i32
    %mul3A_211 = arith.muli %arg1, %mul3A_210 : i32
    %mul3A_212 = arith.constant 640 : i32
    %mul3A_213 = arith.muli %arg1, %mul3A_212 : i32
    %run_scoped3A_214 = arith.constant 1 : i32
    "tpu.region"() ({
      %run_scoped3A_427 = tpu.sem_alloc : memref<!tpu.dma_semaphore, #tpu.memory_space<semaphore_mem>>
      %dma_start3A = arith.constant 0 : i32
      %dma_start3A_428 = tpu.memref_slice %arg7[%arg0, %run_scoped3A_214, %mul3A_213, %dma_start3A] : memref<2x4x10240x128xf32, #tpu.memory_space<hbm>> -> memref<1x1x640x128xf32, #tpu.memory_space<hbm>>
      %dma_start3A_429 = tpu.memref_squeeze %dma_start3A_428 : memref<1x1x640x128xf32, #tpu.memory_space<hbm>> -> memref<640x128xf32, #tpu.memory_space<hbm>>
      %dma_start3A_430 = arith.constant 0 : i32
      %dma_start3A_431 = tpu.memref_slice %arg17[%mul3A_211, %dma_start3A_430] : memref<10240x128xf32, #tpu.memory_space<vmem_shared>> -> memref<640x128xf32, #tpu.memory_space<vmem_shared>>
      tpu.enqueue_dma source(%dma_start3A_431 : memref<640x128xf32, #tpu.memory_space<vmem_shared>>) target(%dma_start3A_429 : memref<640x128xf32, #tpu.memory_space<hbm>>) target_semaphore(%run_scoped3A_427 : memref<!tpu.dma_semaphore, #tpu.memory_space<semaphore_mem>>)
      %dma_wait3A = arith.constant 0 : i32
      %dma_wait3A_432 = tpu.memref_slice %arg7[%arg0, %run_scoped3A_214, %mul3A_213, %dma_wait3A] : memref<2x4x10240x128xf32, #tpu.memory_space<hbm>> -> memref<1x1x640x128xf32, #tpu.memory_space<hbm>>
      %dma_wait3A_433 = tpu.memref_squeeze %dma_wait3A_432 : memref<1x1x640x128xf32, #tpu.memory_space<hbm>> -> memref<640x128xf32, #tpu.memory_space<hbm>>
      %dma_wait3A_434 = arith.constant 0 : i32
      %dma_wait3A_435 = tpu.memref_slice %arg17[%mul3A_211, %dma_wait3A_434] : memref<10240x128xf32, #tpu.memory_space<vmem_shared>> -> memref<640x128xf32, #tpu.memory_space<vmem_shared>>
      tpu.wait_dma2 semaphore(%run_scoped3A_427 : memref<!tpu.dma_semaphore, #tpu.memory_space<semaphore_mem>>) src(%dma_wait3A_435 : memref<640x128xf32, #tpu.memory_space<vmem_shared>>) dst(%dma_wait3A_433 : memref<640x128xf32, #tpu.memory_space<hbm>>)
      tpu.yield
    }) : () -> ()
    %run_scoped3A_215 = arith.constant 1 : i32
    "tpu.region"() ({
      %run_scoped3A_427 = tpu.sem_alloc : memref<!tpu.dma_semaphore, #tpu.memory_space<semaphore_mem>>
      %dma_start3A = arith.constant 0 : i32
      %dma_start3A_428 = tpu.memref_slice %arg8[%arg0, %run_scoped3A_215, %arg1, %dma_start3A] : memref<2x4x16x10240xf32, #tpu.memory_space<hbm>> -> memref<1x1x1x10240xf32, #tpu.memory_space<hbm>>
      %dma_start3A_429 = tpu.memref_squeeze %dma_start3A_428 : memref<1x1x1x10240xf32, #tpu.memory_space<hbm>> -> memref<10240xf32, #tpu.memory_space<hbm>>
      %dma_start3A_430 = arith.constant 0 : i32
      %dma_start3A_431 = tpu.memref_slice %arg8[%arg0, %run_scoped3A_215, %arg1, %dma_start3A_430] : memref<2x4x16x10240xf32, #tpu.memory_space<hbm>> -> memref<1x1x1x10240xf32, #tpu.memory_space<hbm>>
      %dma_start3A_432 = tpu.memref_squeeze %dma_start3A_431 : memref<1x1x1x10240xf32, #tpu.memory_space<hbm>> -> memref<10240xf32, #tpu.memory_space<hbm>>
      tpu.enqueue_dma source(%arg11 : memref<10240xf32, #tpu.memory_space<vmem>>) target(%dma_start3A_432 : memref<10240xf32, #tpu.memory_space<hbm>>) target_semaphore(%run_scoped3A_427 : memref<!tpu.dma_semaphore, #tpu.memory_space<semaphore_mem>>)
      %dma_wait3A = arith.constant 0 : i32
      %dma_wait3A_433 = tpu.memref_slice %arg8[%arg0, %run_scoped3A_215, %arg1, %dma_wait3A] : memref<2x4x16x10240xf32, #tpu.memory_space<hbm>> -> memref<1x1x1x10240xf32, #tpu.memory_space<hbm>>
      %dma_wait3A_434 = tpu.memref_squeeze %dma_wait3A_433 : memref<1x1x1x10240xf32, #tpu.memory_space<hbm>> -> memref<10240xf32, #tpu.memory_space<hbm>>
      %dma_wait3A_435 = arith.constant 0 : i32
      %dma_wait3A_436 = tpu.memref_slice %arg8[%arg0, %run_scoped3A_215, %arg1, %dma_wait3A_435] : memref<2x4x16x10240xf32, #tpu.memory_space<hbm>> -> memref<1x1x1x10240xf32, #tpu.memory_space<hbm>>
      %dma_wait3A_437 = tpu.memref_squeeze %dma_wait3A_436 : memref<1x1x1x10240xf32, #tpu.memory_space<hbm>> -> memref<10240xf32, #tpu.memory_space<hbm>>
      tpu.wait_dma2 semaphore(%run_scoped3A_427 : memref<!tpu.dma_semaphore, #tpu.memory_space<semaphore_mem>>) src(%arg11 : memref<10240xf32, #tpu.memory_space<vmem>>) dst(%dma_wait3A_437 : memref<10240xf32, #tpu.memory_space<hbm>>)
      tpu.yield
    }) : () -> ()
    %barrier3A_216 = arith.constant 0 : index
    tpu.barrier barrier_id(%barrier3A_216)
    %run_scoped3A_217 = arith.constant 2 : i32
    "tpu.region"() ({
      %run_scoped3A_427 = tpu.sem_alloc : memref<!tpu.dma_semaphore, #tpu.memory_space<semaphore_mem>>
      %dma_start3A = arith.constant 0 : i32
      %dma_start3A_428 = tpu.memref_slice %arg3[%run_scoped3A_217, %dma_start3A] : memref<4x10240xf32, #tpu.memory_space<hbm>> -> memref<1x10240xf32, #tpu.memory_space<hbm>>
      %dma_start3A_429 = tpu.memref_squeeze %dma_start3A_428 : memref<1x10240xf32, #tpu.memory_space<hbm>> -> memref<10240xf32, #tpu.memory_space<hbm>>
      %dma_start3A_430 = arith.constant 0 : i32
      %dma_start3A_431 = tpu.memref_slice %arg3[%run_scoped3A_217, %dma_start3A_430] : memref<4x10240xf32, #tpu.memory_space<hbm>> -> memref<1x10240xf32, #tpu.memory_space<hbm>>
      %dma_start3A_432 = tpu.memref_squeeze %dma_start3A_431 : memref<1x10240xf32, #tpu.memory_space<hbm>> -> memref<10240xf32, #tpu.memory_space<hbm>>
      tpu.enqueue_dma source(%dma_start3A_432 : memref<10240xf32, #tpu.memory_space<hbm>>) target(%arg9 : memref<10240xf32, #tpu.memory_space<vmem>>) target_semaphore(%run_scoped3A_427 : memref<!tpu.dma_semaphore, #tpu.memory_space<semaphore_mem>>)
      %dma_wait3A = arith.constant 0 : i32
      %dma_wait3A_433 = tpu.memref_slice %arg3[%run_scoped3A_217, %dma_wait3A] : memref<4x10240xf32, #tpu.memory_space<hbm>> -> memref<1x10240xf32, #tpu.memory_space<hbm>>
      %dma_wait3A_434 = tpu.memref_squeeze %dma_wait3A_433 : memref<1x10240xf32, #tpu.memory_space<hbm>> -> memref<10240xf32, #tpu.memory_space<hbm>>
      %dma_wait3A_435 = arith.constant 0 : i32
      %dma_wait3A_436 = tpu.memref_slice %arg3[%run_scoped3A_217, %dma_wait3A_435] : memref<4x10240xf32, #tpu.memory_space<hbm>> -> memref<1x10240xf32, #tpu.memory_space<hbm>>
      %dma_wait3A_437 = tpu.memref_squeeze %dma_wait3A_436 : memref<1x10240xf32, #tpu.memory_space<hbm>> -> memref<10240xf32, #tpu.memory_space<hbm>>
      tpu.wait_dma2 semaphore(%run_scoped3A_427 : memref<!tpu.dma_semaphore, #tpu.memory_space<semaphore_mem>>) src(%dma_wait3A_437 : memref<10240xf32, #tpu.memory_space<hbm>>) dst(%arg9 : memref<10240xf32, #tpu.memory_space<vmem>>)
      tpu.yield
    }) : () -> ()
    %run_scoped3A_218 = arith.constant 2 : i32
    "tpu.region"() ({
      %run_scoped3A_427 = tpu.sem_alloc : memref<!tpu.dma_semaphore, #tpu.memory_space<semaphore_mem>>
      %dma_start3A = arith.constant 0 : i32
      %dma_start3A_428 = tpu.memref_slice %arg4[%run_scoped3A_218, %dma_start3A] : memref<4x10240xf32, #tpu.memory_space<hbm>> -> memref<1x10240xf32, #tpu.memory_space<hbm>>
      %dma_start3A_429 = tpu.memref_squeeze %dma_start3A_428 : memref<1x10240xf32, #tpu.memory_space<hbm>> -> memref<10240xf32, #tpu.memory_space<hbm>>
      %dma_start3A_430 = arith.constant 0 : i32
      %dma_start3A_431 = tpu.memref_slice %arg4[%run_scoped3A_218, %dma_start3A_430] : memref<4x10240xf32, #tpu.memory_space<hbm>> -> memref<1x10240xf32, #tpu.memory_space<hbm>>
      %dma_start3A_432 = tpu.memref_squeeze %dma_start3A_431 : memref<1x10240xf32, #tpu.memory_space<hbm>> -> memref<10240xf32, #tpu.memory_space<hbm>>
      tpu.enqueue_dma source(%dma_start3A_432 : memref<10240xf32, #tpu.memory_space<hbm>>) target(%arg10 : memref<10240xf32, #tpu.memory_space<vmem>>) target_semaphore(%run_scoped3A_427 : memref<!tpu.dma_semaphore, #tpu.memory_space<semaphore_mem>>)
      %dma_wait3A = arith.constant 0 : i32
      %dma_wait3A_433 = tpu.memref_slice %arg4[%run_scoped3A_218, %dma_wait3A] : memref<4x10240xf32, #tpu.memory_space<hbm>> -> memref<1x10240xf32, #tpu.memory_space<hbm>>
      %dma_wait3A_434 = tpu.memref_squeeze %dma_wait3A_433 : memref<1x10240xf32, #tpu.memory_space<hbm>> -> memref<10240xf32, #tpu.memory_space<hbm>>
      %dma_wait3A_435 = arith.constant 0 : i32
      %dma_wait3A_436 = tpu.memref_slice %arg4[%run_scoped3A_218, %dma_wait3A_435] : memref<4x10240xf32, #tpu.memory_space<hbm>> -> memref<1x10240xf32, #tpu.memory_space<hbm>>
      %dma_wait3A_437 = tpu.memref_squeeze %dma_wait3A_436 : memref<1x10240xf32, #tpu.memory_space<hbm>> -> memref<10240xf32, #tpu.memory_space<hbm>>
      tpu.wait_dma2 semaphore(%run_scoped3A_427 : memref<!tpu.dma_semaphore, #tpu.memory_space<semaphore_mem>>) src(%dma_wait3A_437 : memref<10240xf32, #tpu.memory_space<hbm>>) dst(%arg10 : memref<10240xf32, #tpu.memory_space<vmem>>)
      tpu.yield
    }) : () -> ()
    %scan3A_219 = arith.constant 0 : i32
    %scan3A_220 = arith.constant 0 : i32
    %scan3A_221 = arith.constant 640 : i32
    %scan3A_222 = arith.addi %scan3A_220, %scan3A_221 : i32
    %scan3A_223 = arith.constant 1 : i32
    %scan3A_224 = scf.for %scan3A_427 = %scan3A_220 to %scan3A_222 step %scan3A_223 iter_args(%scan3A_428 = %scan3A_219) -> (i32)  : i32 {
      %broadcast_in_dim3A = arith.constant 0.000000e+00 : f32
      %broadcast_in_dim3A_429 = vector.broadcast %broadcast_in_dim3A : f32 to vector<16xf32>
      %mul3A_430 = arith.constant 16 : i32
      %mul3A_431 = arith.muli %scan3A_427, %mul3A_430 : i32
      %swap3A = arith.index_cast %mul3A_431 : i32 to index
      %swap3A_432 = tpu.vector_load %arg11[%swap3A] {strides = array<i32>} : memref<10240xf32, #tpu.memory_space<vmem>>, vector<16xf32>,
      tpu.vector_store %arg11[%swap3A], %broadcast_in_dim3A_429 {strides = array<i32>} : memref<10240xf32, #tpu.memory_space<vmem>>, vector<16xf32>,
      %scan3A_433 = arith.constant 0 : i32
      scf.yield %scan3A_433 : i32
    }
    %scan3A_225 = arith.constant 640 : i32
    %mul3A_226 = arith.constant 640 : i32
    %mul3A_227 = arith.muli %arg1, %mul3A_226 : i32
    %add3A_228 = arith.constant 0 : i32
    %add3A_229 = arith.addi %mul3A_227, %add3A_228 : i32
    "tpu.region"() ({
      %run_scoped3A_427 = tpu.sem_alloc : memref<!tpu.dma_semaphore, #tpu.memory_space<semaphore_mem>>
      %dma_start3A = arith.constant 0 : i32
      %dma_start3A_428 = tpu.memref_slice %arg17[%add3A_229, %dma_start3A] : memref<10240x128xf32, #tpu.memory_space<vmem_shared>> -> memref<32x128xf32, #tpu.memory_space<vmem_shared>>
      %dma_start3A_429 = arith.constant 0 : i32
      %dma_start3A_430 = tpu.memref_slice %arg17[%add3A_229, %dma_start3A_429] : memref<10240x128xf32, #tpu.memory_space<vmem_shared>> -> memref<32x128xf32, #tpu.memory_space<vmem_shared>>
      tpu.enqueue_dma source(%arg16 : memref<32x128xf32, #tpu.memory_space<vmem>>) target(%dma_start3A_430 : memref<32x128xf32, #tpu.memory_space<vmem_shared>>) target_semaphore(%run_scoped3A_427 : memref<!tpu.dma_semaphore, #tpu.memory_space<semaphore_mem>>)
      %dma_wait3A = arith.constant 0 : i32
      %dma_wait3A_431 = tpu.memref_slice %arg17[%add3A_229, %dma_wait3A] : memref<10240x128xf32, #tpu.memory_space<vmem_shared>> -> memref<32x128xf32, #tpu.memory_space<vmem_shared>>
      %dma_wait3A_432 = arith.constant 0 : i32
      %dma_wait3A_433 = tpu.memref_slice %arg17[%add3A_229, %dma_wait3A_432] : memref<10240x128xf32, #tpu.memory_space<vmem_shared>> -> memref<32x128xf32, #tpu.memory_space<vmem_shared>>
      tpu.wait_dma2 semaphore(%run_scoped3A_427 : memref<!tpu.dma_semaphore, #tpu.memory_space<semaphore_mem>>) src(%arg16 : memref<32x128xf32, #tpu.memory_space<vmem>>) dst(%dma_wait3A_433 : memref<32x128xf32, #tpu.memory_space<vmem_shared>>)
      tpu.yield
    }) : () -> ()
    %mul3A_230 = arith.constant 640 : i32
    %mul3A_231 = arith.muli %arg1, %mul3A_230 : i32
    %add3A_232 = arith.constant 32 : i32
    %add3A_233 = arith.addi %mul3A_231, %add3A_232 : i32
    "tpu.region"() ({
      %run_scoped3A_427 = tpu.sem_alloc : memref<!tpu.dma_semaphore, #tpu.memory_space<semaphore_mem>>
      %dma_start3A = arith.constant 0 : i32
      %dma_start3A_428 = tpu.memref_slice %arg17[%add3A_233, %dma_start3A] : memref<10240x128xf32, #tpu.memory_space<vmem_shared>> -> memref<32x128xf32, #tpu.memory_space<vmem_shared>>
      %dma_start3A_429 = arith.constant 0 : i32
      %dma_start3A_430 = tpu.memref_slice %arg17[%add3A_233, %dma_start3A_429] : memref<10240x128xf32, #tpu.memory_space<vmem_shared>> -> memref<32x128xf32, #tpu.memory_space<vmem_shared>>
      tpu.enqueue_dma source(%arg16 : memref<32x128xf32, #tpu.memory_space<vmem>>) target(%dma_start3A_430 : memref<32x128xf32, #tpu.memory_space<vmem_shared>>) target_semaphore(%run_scoped3A_427 : memref<!tpu.dma_semaphore, #tpu.memory_space<semaphore_mem>>)
      %dma_wait3A = arith.constant 0 : i32
      %dma_wait3A_431 = tpu.memref_slice %arg17[%add3A_233, %dma_wait3A] : memref<10240x128xf32, #tpu.memory_space<vmem_shared>> -> memref<32x128xf32, #tpu.memory_space<vmem_shared>>
      %dma_wait3A_432 = arith.constant 0 : i32
      %dma_wait3A_433 = tpu.memref_slice %arg17[%add3A_233, %dma_wait3A_432] : memref<10240x128xf32, #tpu.memory_space<vmem_shared>> -> memref<32x128xf32, #tpu.memory_space<vmem_shared>>
      tpu.wait_dma2 semaphore(%run_scoped3A_427 : memref<!tpu.dma_semaphore, #tpu.memory_space<semaphore_mem>>) src(%arg16 : memref<32x128xf32, #tpu.memory_space<vmem>>) dst(%dma_wait3A_433 : memref<32x128xf32, #tpu.memory_space<vmem_shared>>)
      tpu.yield
    }) : () -> ()
    %mul3A_234 = arith.constant 640 : i32
    %mul3A_235 = arith.muli %arg1, %mul3A_234 : i32
    %add3A_236 = arith.constant 64 : i32
    %add3A_237 = arith.addi %mul3A_235, %add3A_236 : i32
    "tpu.region"() ({
      %run_scoped3A_427 = tpu.sem_alloc : memref<!tpu.dma_semaphore, #tpu.memory_space<semaphore_mem>>
      %dma_start3A = arith.constant 0 : i32
      %dma_start3A_428 = tpu.memref_slice %arg17[%add3A_237, %dma_start3A] : memref<10240x128xf32, #tpu.memory_space<vmem_shared>> -> memref<32x128xf32, #tpu.memory_space<vmem_shared>>
      %dma_start3A_429 = arith.constant 0 : i32
      %dma_start3A_430 = tpu.memref_slice %arg17[%add3A_237, %dma_start3A_429] : memref<10240x128xf32, #tpu.memory_space<vmem_shared>> -> memref<32x128xf32, #tpu.memory_space<vmem_shared>>
      tpu.enqueue_dma source(%arg16 : memref<32x128xf32, #tpu.memory_space<vmem>>) target(%dma_start3A_430 : memref<32x128xf32, #tpu.memory_space<vmem_shared>>) target_semaphore(%run_scoped3A_427 : memref<!tpu.dma_semaphore, #tpu.memory_space<semaphore_mem>>)
      %dma_wait3A = arith.constant 0 : i32
      %dma_wait3A_431 = tpu.memref_slice %arg17[%add3A_237, %dma_wait3A] : memref<10240x128xf32, #tpu.memory_space<vmem_shared>> -> memref<32x128xf32, #tpu.memory_space<vmem_shared>>
      %dma_wait3A_432 = arith.constant 0 : i32
      %dma_wait3A_433 = tpu.memref_slice %arg17[%add3A_237, %dma_wait3A_432] : memref<10240x128xf32, #tpu.memory_space<vmem_shared>> -> memref<32x128xf32, #tpu.memory_space<vmem_shared>>
      tpu.wait_dma2 semaphore(%run_scoped3A_427 : memref<!tpu.dma_semaphore, #tpu.memory_space<semaphore_mem>>) src(%arg16 : memref<32x128xf32, #tpu.memory_space<vmem>>) dst(%dma_wait3A_433 : memref<32x128xf32, #tpu.memory_space<vmem_shared>>)
      tpu.yield
    }) : () -> ()
    %mul3A_238 = arith.constant 640 : i32
    %mul3A_239 = arith.muli %arg1, %mul3A_238 : i32
    %add3A_240 = arith.constant 96 : i32
    %add3A_241 = arith.addi %mul3A_239, %add3A_240 : i32
    "tpu.region"() ({
      %run_scoped3A_427 = tpu.sem_alloc : memref<!tpu.dma_semaphore, #tpu.memory_space<semaphore_mem>>
      %dma_start3A = arith.constant 0 : i32
      %dma_start3A_428 = tpu.memref_slice %arg17[%add3A_241, %dma_start3A] : memref<10240x128xf32, #tpu.memory_space<vmem_shared>> -> memref<32x128xf32, #tpu.memory_space<vmem_shared>>
      %dma_start3A_429 = arith.constant 0 : i32
      %dma_start3A_430 = tpu.memref_slice %arg17[%add3A_241, %dma_start3A_429] : memref<10240x128xf32, #tpu.memory_space<vmem_shared>> -> memref<32x128xf32, #tpu.memory_space<vmem_shared>>
      tpu.enqueue_dma source(%arg16 : memref<32x128xf32, #tpu.memory_space<vmem>>) target(%dma_start3A_430 : memref<32x128xf32, #tpu.memory_space<vmem_shared>>) target_semaphore(%run_scoped3A_427 : memref<!tpu.dma_semaphore, #tpu.memory_space<semaphore_mem>>)
      %dma_wait3A = arith.constant 0 : i32
      %dma_wait3A_431 = tpu.memref_slice %arg17[%add3A_241, %dma_wait3A] : memref<10240x128xf32, #tpu.memory_space<vmem_shared>> -> memref<32x128xf32, #tpu.memory_space<vmem_shared>>
      %dma_wait3A_432 = arith.constant 0 : i32
      %dma_wait3A_433 = tpu.memref_slice %arg17[%add3A_241, %dma_wait3A_432] : memref<10240x128xf32, #tpu.memory_space<vmem_shared>> -> memref<32x128xf32, #tpu.memory_space<vmem_shared>>
      tpu.wait_dma2 semaphore(%run_scoped3A_427 : memref<!tpu.dma_semaphore, #tpu.memory_space<semaphore_mem>>) src(%arg16 : memref<32x128xf32, #tpu.memory_space<vmem>>) dst(%dma_wait3A_433 : memref<32x128xf32, #tpu.memory_space<vmem_shared>>)
      tpu.yield
    }) : () -> ()
    %mul3A_242 = arith.constant 640 : i32
    %mul3A_243 = arith.muli %arg1, %mul3A_242 : i32
    %add3A_244 = arith.constant 128 : i32
    %add3A_245 = arith.addi %mul3A_243, %add3A_244 : i32
    "tpu.region"() ({
      %run_scoped3A_427 = tpu.sem_alloc : memref<!tpu.dma_semaphore, #tpu.memory_space<semaphore_mem>>
      %dma_start3A = arith.constant 0 : i32
      %dma_start3A_428 = tpu.memref_slice %arg17[%add3A_245, %dma_start3A] : memref<10240x128xf32, #tpu.memory_space<vmem_shared>> -> memref<32x128xf32, #tpu.memory_space<vmem_shared>>
      %dma_start3A_429 = arith.constant 0 : i32
      %dma_start3A_430 = tpu.memref_slice %arg17[%add3A_245, %dma_start3A_429] : memref<10240x128xf32, #tpu.memory_space<vmem_shared>> -> memref<32x128xf32, #tpu.memory_space<vmem_shared>>
      tpu.enqueue_dma source(%arg16 : memref<32x128xf32, #tpu.memory_space<vmem>>) target(%dma_start3A_430 : memref<32x128xf32, #tpu.memory_space<vmem_shared>>) target_semaphore(%run_scoped3A_427 : memref<!tpu.dma_semaphore, #tpu.memory_space<semaphore_mem>>)
      %dma_wait3A = arith.constant 0 : i32
      %dma_wait3A_431 = tpu.memref_slice %arg17[%add3A_245, %dma_wait3A] : memref<10240x128xf32, #tpu.memory_space<vmem_shared>> -> memref<32x128xf32, #tpu.memory_space<vmem_shared>>
      %dma_wait3A_432 = arith.constant 0 : i32
      %dma_wait3A_433 = tpu.memref_slice %arg17[%add3A_245, %dma_wait3A_432] : memref<10240x128xf32, #tpu.memory_space<vmem_shared>> -> memref<32x128xf32, #tpu.memory_space<vmem_shared>>
      tpu.wait_dma2 semaphore(%run_scoped3A_427 : memref<!tpu.dma_semaphore, #tpu.memory_space<semaphore_mem>>) src(%arg16 : memref<32x128xf32, #tpu.memory_space<vmem>>) dst(%dma_wait3A_433 : memref<32x128xf32, #tpu.memory_space<vmem_shared>>)
      tpu.yield
    }) : () -> ()
    %mul3A_246 = arith.constant 640 : i32
    %mul3A_247 = arith.muli %arg1, %mul3A_246 : i32
    %add3A_248 = arith.constant 160 : i32
    %add3A_249 = arith.addi %mul3A_247, %add3A_248 : i32
    "tpu.region"() ({
      %run_scoped3A_427 = tpu.sem_alloc : memref<!tpu.dma_semaphore, #tpu.memory_space<semaphore_mem>>
      %dma_start3A = arith.constant 0 : i32
      %dma_start3A_428 = tpu.memref_slice %arg17[%add3A_249, %dma_start3A] : memref<10240x128xf32, #tpu.memory_space<vmem_shared>> -> memref<32x128xf32, #tpu.memory_space<vmem_shared>>
      %dma_start3A_429 = arith.constant 0 : i32
      %dma_start3A_430 = tpu.memref_slice %arg17[%add3A_249, %dma_start3A_429] : memref<10240x128xf32, #tpu.memory_space<vmem_shared>> -> memref<32x128xf32, #tpu.memory_space<vmem_shared>>
      tpu.enqueue_dma source(%arg16 : memref<32x128xf32, #tpu.memory_space<vmem>>) target(%dma_start3A_430 : memref<32x128xf32, #tpu.memory_space<vmem_shared>>) target_semaphore(%run_scoped3A_427 : memref<!tpu.dma_semaphore, #tpu.memory_space<semaphore_mem>>)
      %dma_wait3A = arith.constant 0 : i32
      %dma_wait3A_431 = tpu.memref_slice %arg17[%add3A_249, %dma_wait3A] : memref<10240x128xf32, #tpu.memory_space<vmem_shared>> -> memref<32x128xf32, #tpu.memory_space<vmem_shared>>
      %dma_wait3A_432 = arith.constant 0 : i32
      %dma_wait3A_433 = tpu.memref_slice %arg17[%add3A_249, %dma_wait3A_432] : memref<10240x128xf32, #tpu.memory_space<vmem_shared>> -> memref<32x128xf32, #tpu.memory_space<vmem_shared>>
      tpu.wait_dma2 semaphore(%run_scoped3A_427 : memref<!tpu.dma_semaphore, #tpu.memory_space<semaphore_mem>>) src(%arg16 : memref<32x128xf32, #tpu.memory_space<vmem>>) dst(%dma_wait3A_433 : memref<32x128xf32, #tpu.memory_space<vmem_shared>>)
      tpu.yield
    }) : () -> ()
    %mul3A_250 = arith.constant 640 : i32
    %mul3A_251 = arith.muli %arg1, %mul3A_250 : i32
    %add3A_252 = arith.constant 192 : i32
    %add3A_253 = arith.addi %mul3A_251, %add3A_252 : i32
    "tpu.region"() ({
      %run_scoped3A_427 = tpu.sem_alloc : memref<!tpu.dma_semaphore, #tpu.memory_space<semaphore_mem>>
      %dma_start3A = arith.constant 0 : i32
      %dma_start3A_428 = tpu.memref_slice %arg17[%add3A_253, %dma_start3A] : memref<10240x128xf32, #tpu.memory_space<vmem_shared>> -> memref<32x128xf32, #tpu.memory_space<vmem_shared>>
      %dma_start3A_429 = arith.constant 0 : i32
      %dma_start3A_430 = tpu.memref_slice %arg17[%add3A_253, %dma_start3A_429] : memref<10240x128xf32, #tpu.memory_space<vmem_shared>> -> memref<32x128xf32, #tpu.memory_space<vmem_shared>>
      tpu.enqueue_dma source(%arg16 : memref<32x128xf32, #tpu.memory_space<vmem>>) target(%dma_start3A_430 : memref<32x128xf32, #tpu.memory_space<vmem_shared>>) target_semaphore(%run_scoped3A_427 : memref<!tpu.dma_semaphore, #tpu.memory_space<semaphore_mem>>)
      %dma_wait3A = arith.constant 0 : i32
      %dma_wait3A_431 = tpu.memref_slice %arg17[%add3A_253, %dma_wait3A] : memref<10240x128xf32, #tpu.memory_space<vmem_shared>> -> memref<32x128xf32, #tpu.memory_space<vmem_shared>>
      %dma_wait3A_432 = arith.constant 0 : i32
      %dma_wait3A_433 = tpu.memref_slice %arg17[%add3A_253, %dma_wait3A_432] : memref<10240x128xf32, #tpu.memory_space<vmem_shared>> -> memref<32x128xf32, #tpu.memory_space<vmem_shared>>
      tpu.wait_dma2 semaphore(%run_scoped3A_427 : memref<!tpu.dma_semaphore, #tpu.memory_space<semaphore_mem>>) src(%arg16 : memref<32x128xf32, #tpu.memory_space<vmem>>) dst(%dma_wait3A_433 : memref<32x128xf32, #tpu.memory_space<vmem_shared>>)
      tpu.yield
    }) : () -> ()
    %mul3A_254 = arith.constant 640 : i32
    %mul3A_255 = arith.muli %arg1, %mul3A_254 : i32
    %add3A_256 = arith.constant 224 : i32
    %add3A_257 = arith.addi %mul3A_255, %add3A_256 : i32
    "tpu.region"() ({
      %run_scoped3A_427 = tpu.sem_alloc : memref<!tpu.dma_semaphore, #tpu.memory_space<semaphore_mem>>
      %dma_start3A = arith.constant 0 : i32
      %dma_start3A_428 = tpu.memref_slice %arg17[%add3A_257, %dma_start3A] : memref<10240x128xf32, #tpu.memory_space<vmem_shared>> -> memref<32x128xf32, #tpu.memory_space<vmem_shared>>
      %dma_start3A_429 = arith.constant 0 : i32
      %dma_start3A_430 = tpu.memref_slice %arg17[%add3A_257, %dma_start3A_429] : memref<10240x128xf32, #tpu.memory_space<vmem_shared>> -> memref<32x128xf32, #tpu.memory_space<vmem_shared>>
      tpu.enqueue_dma source(%arg16 : memref<32x128xf32, #tpu.memory_space<vmem>>) target(%dma_start3A_430 : memref<32x128xf32, #tpu.memory_space<vmem_shared>>) target_semaphore(%run_scoped3A_427 : memref<!tpu.dma_semaphore, #tpu.memory_space<semaphore_mem>>)
      %dma_wait3A = arith.constant 0 : i32
      %dma_wait3A_431 = tpu.memref_slice %arg17[%add3A_257, %dma_wait3A] : memref<10240x128xf32, #tpu.memory_space<vmem_shared>> -> memref<32x128xf32, #tpu.memory_space<vmem_shared>>
      %dma_wait3A_432 = arith.constant 0 : i32
      %dma_wait3A_433 = tpu.memref_slice %arg17[%add3A_257, %dma_wait3A_432] : memref<10240x128xf32, #tpu.memory_space<vmem_shared>> -> memref<32x128xf32, #tpu.memory_space<vmem_shared>>
      tpu.wait_dma2 semaphore(%run_scoped3A_427 : memref<!tpu.dma_semaphore, #tpu.memory_space<semaphore_mem>>) src(%arg16 : memref<32x128xf32, #tpu.memory_space<vmem>>) dst(%dma_wait3A_433 : memref<32x128xf32, #tpu.memory_space<vmem_shared>>)
      tpu.yield
    }) : () -> ()
    %mul3A_258 = arith.constant 640 : i32
    %mul3A_259 = arith.muli %arg1, %mul3A_258 : i32
    %add3A_260 = arith.constant 256 : i32
    %add3A_261 = arith.addi %mul3A_259, %add3A_260 : i32
    "tpu.region"() ({
      %run_scoped3A_427 = tpu.sem_alloc : memref<!tpu.dma_semaphore, #tpu.memory_space<semaphore_mem>>
      %dma_start3A = arith.constant 0 : i32
      %dma_start3A_428 = tpu.memref_slice %arg17[%add3A_261, %dma_start3A] : memref<10240x128xf32, #tpu.memory_space<vmem_shared>> -> memref<32x128xf32, #tpu.memory_space<vmem_shared>>
      %dma_start3A_429 = arith.constant 0 : i32
      %dma_start3A_430 = tpu.memref_slice %arg17[%add3A_261, %dma_start3A_429] : memref<10240x128xf32, #tpu.memory_space<vmem_shared>> -> memref<32x128xf32, #tpu.memory_space<vmem_shared>>
      tpu.enqueue_dma source(%arg16 : memref<32x128xf32, #tpu.memory_space<vmem>>) target(%dma_start3A_430 : memref<32x128xf32, #tpu.memory_space<vmem_shared>>) target_semaphore(%run_scoped3A_427 : memref<!tpu.dma_semaphore, #tpu.memory_space<semaphore_mem>>)
      %dma_wait3A = arith.constant 0 : i32
      %dma_wait3A_431 = tpu.memref_slice %arg17[%add3A_261, %dma_wait3A] : memref<10240x128xf32, #tpu.memory_space<vmem_shared>> -> memref<32x128xf32, #tpu.memory_space<vmem_shared>>
      %dma_wait3A_432 = arith.constant 0 : i32
      %dma_wait3A_433 = tpu.memref_slice %arg17[%add3A_261, %dma_wait3A_432] : memref<10240x128xf32, #tpu.memory_space<vmem_shared>> -> memref<32x128xf32, #tpu.memory_space<vmem_shared>>
      tpu.wait_dma2 semaphore(%run_scoped3A_427 : memref<!tpu.dma_semaphore, #tpu.memory_space<semaphore_mem>>) src(%arg16 : memref<32x128xf32, #tpu.memory_space<vmem>>) dst(%dma_wait3A_433 : memref<32x128xf32, #tpu.memory_space<vmem_shared>>)
      tpu.yield
    }) : () -> ()
    %mul3A_262 = arith.constant 640 : i32
    %mul3A_263 = arith.muli %arg1, %mul3A_262 : i32
    %add3A_264 = arith.constant 288 : i32
    %add3A_265 = arith.addi %mul3A_263, %add3A_264 : i32
    "tpu.region"() ({
      %run_scoped3A_427 = tpu.sem_alloc : memref<!tpu.dma_semaphore, #tpu.memory_space<semaphore_mem>>
      %dma_start3A = arith.constant 0 : i32
      %dma_start3A_428 = tpu.memref_slice %arg17[%add3A_265, %dma_start3A] : memref<10240x128xf32, #tpu.memory_space<vmem_shared>> -> memref<32x128xf32, #tpu.memory_space<vmem_shared>>
      %dma_start3A_429 = arith.constant 0 : i32
      %dma_start3A_430 = tpu.memref_slice %arg17[%add3A_265, %dma_start3A_429] : memref<10240x128xf32, #tpu.memory_space<vmem_shared>> -> memref<32x128xf32, #tpu.memory_space<vmem_shared>>
      tpu.enqueue_dma source(%arg16 : memref<32x128xf32, #tpu.memory_space<vmem>>) target(%dma_start3A_430 : memref<32x128xf32, #tpu.memory_space<vmem_shared>>) target_semaphore(%run_scoped3A_427 : memref<!tpu.dma_semaphore, #tpu.memory_space<semaphore_mem>>)
      %dma_wait3A = arith.constant 0 : i32
      %dma_wait3A_431 = tpu.memref_slice %arg17[%add3A_265, %dma_wait3A] : memref<10240x128xf32, #tpu.memory_space<vmem_shared>> -> memref<32x128xf32, #tpu.memory_space<vmem_shared>>
      %dma_wait3A_432 = arith.constant 0 : i32
      %dma_wait3A_433 = tpu.memref_slice %arg17[%add3A_265, %dma_wait3A_432] : memref<10240x128xf32, #tpu.memory_space<vmem_shared>> -> memref<32x128xf32, #tpu.memory_space<vmem_shared>>
      tpu.wait_dma2 semaphore(%run_scoped3A_427 : memref<!tpu.dma_semaphore, #tpu.memory_space<semaphore_mem>>) src(%arg16 : memref<32x128xf32, #tpu.memory_space<vmem>>) dst(%dma_wait3A_433 : memref<32x128xf32, #tpu.memory_space<vmem_shared>>)
      tpu.yield
    }) : () -> ()
    %mul3A_266 = arith.constant 640 : i32
    %mul3A_267 = arith.muli %arg1, %mul3A_266 : i32
    %add3A_268 = arith.constant 320 : i32
    %add3A_269 = arith.addi %mul3A_267, %add3A_268 : i32
    "tpu.region"() ({
      %run_scoped3A_427 = tpu.sem_alloc : memref<!tpu.dma_semaphore, #tpu.memory_space<semaphore_mem>>
      %dma_start3A = arith.constant 0 : i32
      %dma_start3A_428 = tpu.memref_slice %arg17[%add3A_269, %dma_start3A] : memref<10240x128xf32, #tpu.memory_space<vmem_shared>> -> memref<32x128xf32, #tpu.memory_space<vmem_shared>>
      %dma_start3A_429 = arith.constant 0 : i32
      %dma_start3A_430 = tpu.memref_slice %arg17[%add3A_269, %dma_start3A_429] : memref<10240x128xf32, #tpu.memory_space<vmem_shared>> -> memref<32x128xf32, #tpu.memory_space<vmem_shared>>
      tpu.enqueue_dma source(%arg16 : memref<32x128xf32, #tpu.memory_space<vmem>>) target(%dma_start3A_430 : memref<32x128xf32, #tpu.memory_space<vmem_shared>>) target_semaphore(%run_scoped3A_427 : memref<!tpu.dma_semaphore, #tpu.memory_space<semaphore_mem>>)
      %dma_wait3A = arith.constant 0 : i32
      %dma_wait3A_431 = tpu.memref_slice %arg17[%add3A_269, %dma_wait3A] : memref<10240x128xf32, #tpu.memory_space<vmem_shared>> -> memref<32x128xf32, #tpu.memory_space<vmem_shared>>
      %dma_wait3A_432 = arith.constant 0 : i32
      %dma_wait3A_433 = tpu.memref_slice %arg17[%add3A_269, %dma_wait3A_432] : memref<10240x128xf32, #tpu.memory_space<vmem_shared>> -> memref<32x128xf32, #tpu.memory_space<vmem_shared>>
      tpu.wait_dma2 semaphore(%run_scoped3A_427 : memref<!tpu.dma_semaphore, #tpu.memory_space<semaphore_mem>>) src(%arg16 : memref<32x128xf32, #tpu.memory_space<vmem>>) dst(%dma_wait3A_433 : memref<32x128xf32, #tpu.memory_space<vmem_shared>>)
      tpu.yield
    }) : () -> ()
    %mul3A_270 = arith.constant 640 : i32
    %mul3A_271 = arith.muli %arg1, %mul3A_270 : i32
    %add3A_272 = arith.constant 352 : i32
    %add3A_273 = arith.addi %mul3A_271, %add3A_272 : i32
    "tpu.region"() ({
      %run_scoped3A_427 = tpu.sem_alloc : memref<!tpu.dma_semaphore, #tpu.memory_space<semaphore_mem>>
      %dma_start3A = arith.constant 0 : i32
      %dma_start3A_428 = tpu.memref_slice %arg17[%add3A_273, %dma_start3A] : memref<10240x128xf32, #tpu.memory_space<vmem_shared>> -> memref<32x128xf32, #tpu.memory_space<vmem_shared>>
      %dma_start3A_429 = arith.constant 0 : i32
      %dma_start3A_430 = tpu.memref_slice %arg17[%add3A_273, %dma_start3A_429] : memref<10240x128xf32, #tpu.memory_space<vmem_shared>> -> memref<32x128xf32, #tpu.memory_space<vmem_shared>>
      tpu.enqueue_dma source(%arg16 : memref<32x128xf32, #tpu.memory_space<vmem>>) target(%dma_start3A_430 : memref<32x128xf32, #tpu.memory_space<vmem_shared>>) target_semaphore(%run_scoped3A_427 : memref<!tpu.dma_semaphore, #tpu.memory_space<semaphore_mem>>)
      %dma_wait3A = arith.constant 0 : i32
      %dma_wait3A_431 = tpu.memref_slice %arg17[%add3A_273, %dma_wait3A] : memref<10240x128xf32, #tpu.memory_space<vmem_shared>> -> memref<32x128xf32, #tpu.memory_space<vmem_shared>>
      %dma_wait3A_432 = arith.constant 0 : i32
      %dma_wait3A_433 = tpu.memref_slice %arg17[%add3A_273, %dma_wait3A_432] : memref<10240x128xf32, #tpu.memory_space<vmem_shared>> -> memref<32x128xf32, #tpu.memory_space<vmem_shared>>
      tpu.wait_dma2 semaphore(%run_scoped3A_427 : memref<!tpu.dma_semaphore, #tpu.memory_space<semaphore_mem>>) src(%arg16 : memref<32x128xf32, #tpu.memory_space<vmem>>) dst(%dma_wait3A_433 : memref<32x128xf32, #tpu.memory_space<vmem_shared>>)
      tpu.yield
    }) : () -> ()
    %mul3A_274 = arith.constant 640 : i32
    %mul3A_275 = arith.muli %arg1, %mul3A_274 : i32
    %add3A_276 = arith.constant 384 : i32
    %add3A_277 = arith.addi %mul3A_275, %add3A_276 : i32
    "tpu.region"() ({
      %run_scoped3A_427 = tpu.sem_alloc : memref<!tpu.dma_semaphore, #tpu.memory_space<semaphore_mem>>
      %dma_start3A = arith.constant 0 : i32
      %dma_start3A_428 = tpu.memref_slice %arg17[%add3A_277, %dma_start3A] : memref<10240x128xf32, #tpu.memory_space<vmem_shared>> -> memref<32x128xf32, #tpu.memory_space<vmem_shared>>
      %dma_start3A_429 = arith.constant 0 : i32
      %dma_start3A_430 = tpu.memref_slice %arg17[%add3A_277, %dma_start3A_429] : memref<10240x128xf32, #tpu.memory_space<vmem_shared>> -> memref<32x128xf32, #tpu.memory_space<vmem_shared>>
      tpu.enqueue_dma source(%arg16 : memref<32x128xf32, #tpu.memory_space<vmem>>) target(%dma_start3A_430 : memref<32x128xf32, #tpu.memory_space<vmem_shared>>) target_semaphore(%run_scoped3A_427 : memref<!tpu.dma_semaphore, #tpu.memory_space<semaphore_mem>>)
      %dma_wait3A = arith.constant 0 : i32
      %dma_wait3A_431 = tpu.memref_slice %arg17[%add3A_277, %dma_wait3A] : memref<10240x128xf32, #tpu.memory_space<vmem_shared>> -> memref<32x128xf32, #tpu.memory_space<vmem_shared>>
      %dma_wait3A_432 = arith.constant 0 : i32
      %dma_wait3A_433 = tpu.memref_slice %arg17[%add3A_277, %dma_wait3A_432] : memref<10240x128xf32, #tpu.memory_space<vmem_shared>> -> memref<32x128xf32, #tpu.memory_space<vmem_shared>>
      tpu.wait_dma2 semaphore(%run_scoped3A_427 : memref<!tpu.dma_semaphore, #tpu.memory_space<semaphore_mem>>) src(%arg16 : memref<32x128xf32, #tpu.memory_space<vmem>>) dst(%dma_wait3A_433 : memref<32x128xf32, #tpu.memory_space<vmem_shared>>)
      tpu.yield
    }) : () -> ()
    %mul3A_278 = arith.constant 640 : i32
    %mul3A_279 = arith.muli %arg1, %mul3A_278 : i32
    %add3A_280 = arith.constant 416 : i32
    %add3A_281 = arith.addi %mul3A_279, %add3A_280 : i32
    "tpu.region"() ({
      %run_scoped3A_427 = tpu.sem_alloc : memref<!tpu.dma_semaphore, #tpu.memory_space<semaphore_mem>>
      %dma_start3A = arith.constant 0 : i32
      %dma_start3A_428 = tpu.memref_slice %arg17[%add3A_281, %dma_start3A] : memref<10240x128xf32, #tpu.memory_space<vmem_shared>> -> memref<32x128xf32, #tpu.memory_space<vmem_shared>>
      %dma_start3A_429 = arith.constant 0 : i32
      %dma_start3A_430 = tpu.memref_slice %arg17[%add3A_281, %dma_start3A_429] : memref<10240x128xf32, #tpu.memory_space<vmem_shared>> -> memref<32x128xf32, #tpu.memory_space<vmem_shared>>
      tpu.enqueue_dma source(%arg16 : memref<32x128xf32, #tpu.memory_space<vmem>>) target(%dma_start3A_430 : memref<32x128xf32, #tpu.memory_space<vmem_shared>>) target_semaphore(%run_scoped3A_427 : memref<!tpu.dma_semaphore, #tpu.memory_space<semaphore_mem>>)
      %dma_wait3A = arith.constant 0 : i32
      %dma_wait3A_431 = tpu.memref_slice %arg17[%add3A_281, %dma_wait3A] : memref<10240x128xf32, #tpu.memory_space<vmem_shared>> -> memref<32x128xf32, #tpu.memory_space<vmem_shared>>
      %dma_wait3A_432 = arith.constant 0 : i32
      %dma_wait3A_433 = tpu.memref_slice %arg17[%add3A_281, %dma_wait3A_432] : memref<10240x128xf32, #tpu.memory_space<vmem_shared>> -> memref<32x128xf32, #tpu.memory_space<vmem_shared>>
      tpu.wait_dma2 semaphore(%run_scoped3A_427 : memref<!tpu.dma_semaphore, #tpu.memory_space<semaphore_mem>>) src(%arg16 : memref<32x128xf32, #tpu.memory_space<vmem>>) dst(%dma_wait3A_433 : memref<32x128xf32, #tpu.memory_space<vmem_shared>>)
      tpu.yield
    }) : () -> ()
    %mul3A_282 = arith.constant 640 : i32
    %mul3A_283 = arith.muli %arg1, %mul3A_282 : i32
    %add3A_284 = arith.constant 448 : i32
    %add3A_285 = arith.addi %mul3A_283, %add3A_284 : i32
    "tpu.region"() ({
      %run_scoped3A_427 = tpu.sem_alloc : memref<!tpu.dma_semaphore, #tpu.memory_space<semaphore_mem>>
      %dma_start3A = arith.constant 0 : i32
      %dma_start3A_428 = tpu.memref_slice %arg17[%add3A_285, %dma_start3A] : memref<10240x128xf32, #tpu.memory_space<vmem_shared>> -> memref<32x128xf32, #tpu.memory_space<vmem_shared>>
      %dma_start3A_429 = arith.constant 0 : i32
      %dma_start3A_430 = tpu.memref_slice %arg17[%add3A_285, %dma_start3A_429] : memref<10240x128xf32, #tpu.memory_space<vmem_shared>> -> memref<32x128xf32, #tpu.memory_space<vmem_shared>>
      tpu.enqueue_dma source(%arg16 : memref<32x128xf32, #tpu.memory_space<vmem>>) target(%dma_start3A_430 : memref<32x128xf32, #tpu.memory_space<vmem_shared>>) target_semaphore(%run_scoped3A_427 : memref<!tpu.dma_semaphore, #tpu.memory_space<semaphore_mem>>)
      %dma_wait3A = arith.constant 0 : i32
      %dma_wait3A_431 = tpu.memref_slice %arg17[%add3A_285, %dma_wait3A] : memref<10240x128xf32, #tpu.memory_space<vmem_shared>> -> memref<32x128xf32, #tpu.memory_space<vmem_shared>>
      %dma_wait3A_432 = arith.constant 0 : i32
      %dma_wait3A_433 = tpu.memref_slice %arg17[%add3A_285, %dma_wait3A_432] : memref<10240x128xf32, #tpu.memory_space<vmem_shared>> -> memref<32x128xf32, #tpu.memory_space<vmem_shared>>
      tpu.wait_dma2 semaphore(%run_scoped3A_427 : memref<!tpu.dma_semaphore, #tpu.memory_space<semaphore_mem>>) src(%arg16 : memref<32x128xf32, #tpu.memory_space<vmem>>) dst(%dma_wait3A_433 : memref<32x128xf32, #tpu.memory_space<vmem_shared>>)
      tpu.yield
    }) : () -> ()
    %mul3A_286 = arith.constant 640 : i32
    %mul3A_287 = arith.muli %arg1, %mul3A_286 : i32
    %add3A_288 = arith.constant 480 : i32
    %add3A_289 = arith.addi %mul3A_287, %add3A_288 : i32
    "tpu.region"() ({
      %run_scoped3A_427 = tpu.sem_alloc : memref<!tpu.dma_semaphore, #tpu.memory_space<semaphore_mem>>
      %dma_start3A = arith.constant 0 : i32
      %dma_start3A_428 = tpu.memref_slice %arg17[%add3A_289, %dma_start3A] : memref<10240x128xf32, #tpu.memory_space<vmem_shared>> -> memref<32x128xf32, #tpu.memory_space<vmem_shared>>
      %dma_start3A_429 = arith.constant 0 : i32
      %dma_start3A_430 = tpu.memref_slice %arg17[%add3A_289, %dma_start3A_429] : memref<10240x128xf32, #tpu.memory_space<vmem_shared>> -> memref<32x128xf32, #tpu.memory_space<vmem_shared>>
      tpu.enqueue_dma source(%arg16 : memref<32x128xf32, #tpu.memory_space<vmem>>) target(%dma_start3A_430 : memref<32x128xf32, #tpu.memory_space<vmem_shared>>) target_semaphore(%run_scoped3A_427 : memref<!tpu.dma_semaphore, #tpu.memory_space<semaphore_mem>>)
      %dma_wait3A = arith.constant 0 : i32
      %dma_wait3A_431 = tpu.memref_slice %arg17[%add3A_289, %dma_wait3A] : memref<10240x128xf32, #tpu.memory_space<vmem_shared>> -> memref<32x128xf32, #tpu.memory_space<vmem_shared>>
      %dma_wait3A_432 = arith.constant 0 : i32
      %dma_wait3A_433 = tpu.memref_slice %arg17[%add3A_289, %dma_wait3A_432] : memref<10240x128xf32, #tpu.memory_space<vmem_shared>> -> memref<32x128xf32, #tpu.memory_space<vmem_shared>>
      tpu.wait_dma2 semaphore(%run_scoped3A_427 : memref<!tpu.dma_semaphore, #tpu.memory_space<semaphore_mem>>) src(%arg16 : memref<32x128xf32, #tpu.memory_space<vmem>>) dst(%dma_wait3A_433 : memref<32x128xf32, #tpu.memory_space<vmem_shared>>)
      tpu.yield
    }) : () -> ()
    %mul3A_290 = arith.constant 640 : i32
    %mul3A_291 = arith.muli %arg1, %mul3A_290 : i32
    %add3A_292 = arith.constant 512 : i32
    %add3A_293 = arith.addi %mul3A_291, %add3A_292 : i32
    "tpu.region"() ({
      %run_scoped3A_427 = tpu.sem_alloc : memref<!tpu.dma_semaphore, #tpu.memory_space<semaphore_mem>>
      %dma_start3A = arith.constant 0 : i32
      %dma_start3A_428 = tpu.memref_slice %arg17[%add3A_293, %dma_start3A] : memref<10240x128xf32, #tpu.memory_space<vmem_shared>> -> memref<32x128xf32, #tpu.memory_space<vmem_shared>>
      %dma_start3A_429 = arith.constant 0 : i32
      %dma_start3A_430 = tpu.memref_slice %arg17[%add3A_293, %dma_start3A_429] : memref<10240x128xf32, #tpu.memory_space<vmem_shared>> -> memref<32x128xf32, #tpu.memory_space<vmem_shared>>
      tpu.enqueue_dma source(%arg16 : memref<32x128xf32, #tpu.memory_space<vmem>>) target(%dma_start3A_430 : memref<32x128xf32, #tpu.memory_space<vmem_shared>>) target_semaphore(%run_scoped3A_427 : memref<!tpu.dma_semaphore, #tpu.memory_space<semaphore_mem>>)
      %dma_wait3A = arith.constant 0 : i32
      %dma_wait3A_431 = tpu.memref_slice %arg17[%add3A_293, %dma_wait3A] : memref<10240x128xf32, #tpu.memory_space<vmem_shared>> -> memref<32x128xf32, #tpu.memory_space<vmem_shared>>
      %dma_wait3A_432 = arith.constant 0 : i32
      %dma_wait3A_433 = tpu.memref_slice %arg17[%add3A_293, %dma_wait3A_432] : memref<10240x128xf32, #tpu.memory_space<vmem_shared>> -> memref<32x128xf32, #tpu.memory_space<vmem_shared>>
      tpu.wait_dma2 semaphore(%run_scoped3A_427 : memref<!tpu.dma_semaphore, #tpu.memory_space<semaphore_mem>>) src(%arg16 : memref<32x128xf32, #tpu.memory_space<vmem>>) dst(%dma_wait3A_433 : memref<32x128xf32, #tpu.memory_space<vmem_shared>>)
      tpu.yield
    }) : () -> ()
    %mul3A_294 = arith.constant 640 : i32
    %mul3A_295 = arith.muli %arg1, %mul3A_294 : i32
    %add3A_296 = arith.constant 544 : i32
    %add3A_297 = arith.addi %mul3A_295, %add3A_296 : i32
    "tpu.region"() ({
      %run_scoped3A_427 = tpu.sem_alloc : memref<!tpu.dma_semaphore, #tpu.memory_space<semaphore_mem>>
      %dma_start3A = arith.constant 0 : i32
      %dma_start3A_428 = tpu.memref_slice %arg17[%add3A_297, %dma_start3A] : memref<10240x128xf32, #tpu.memory_space<vmem_shared>> -> memref<32x128xf32, #tpu.memory_space<vmem_shared>>
      %dma_start3A_429 = arith.constant 0 : i32
      %dma_start3A_430 = tpu.memref_slice %arg17[%add3A_297, %dma_start3A_429] : memref<10240x128xf32, #tpu.memory_space<vmem_shared>> -> memref<32x128xf32, #tpu.memory_space<vmem_shared>>
      tpu.enqueue_dma source(%arg16 : memref<32x128xf32, #tpu.memory_space<vmem>>) target(%dma_start3A_430 : memref<32x128xf32, #tpu.memory_space<vmem_shared>>) target_semaphore(%run_scoped3A_427 : memref<!tpu.dma_semaphore, #tpu.memory_space<semaphore_mem>>)
      %dma_wait3A = arith.constant 0 : i32
      %dma_wait3A_431 = tpu.memref_slice %arg17[%add3A_297, %dma_wait3A] : memref<10240x128xf32, #tpu.memory_space<vmem_shared>> -> memref<32x128xf32, #tpu.memory_space<vmem_shared>>
      %dma_wait3A_432 = arith.constant 0 : i32
      %dma_wait3A_433 = tpu.memref_slice %arg17[%add3A_297, %dma_wait3A_432] : memref<10240x128xf32, #tpu.memory_space<vmem_shared>> -> memref<32x128xf32, #tpu.memory_space<vmem_shared>>
      tpu.wait_dma2 semaphore(%run_scoped3A_427 : memref<!tpu.dma_semaphore, #tpu.memory_space<semaphore_mem>>) src(%arg16 : memref<32x128xf32, #tpu.memory_space<vmem>>) dst(%dma_wait3A_433 : memref<32x128xf32, #tpu.memory_space<vmem_shared>>)
      tpu.yield
    }) : () -> ()
    %mul3A_298 = arith.constant 640 : i32
    %mul3A_299 = arith.muli %arg1, %mul3A_298 : i32
    %add3A_300 = arith.constant 576 : i32
    %add3A_301 = arith.addi %mul3A_299, %add3A_300 : i32
    "tpu.region"() ({
      %run_scoped3A_427 = tpu.sem_alloc : memref<!tpu.dma_semaphore, #tpu.memory_space<semaphore_mem>>
      %dma_start3A = arith.constant 0 : i32
      %dma_start3A_428 = tpu.memref_slice %arg17[%add3A_301, %dma_start3A] : memref<10240x128xf32, #tpu.memory_space<vmem_shared>> -> memref<32x128xf32, #tpu.memory_space<vmem_shared>>
      %dma_start3A_429 = arith.constant 0 : i32
      %dma_start3A_430 = tpu.memref_slice %arg17[%add3A_301, %dma_start3A_429] : memref<10240x128xf32, #tpu.memory_space<vmem_shared>> -> memref<32x128xf32, #tpu.memory_space<vmem_shared>>
      tpu.enqueue_dma source(%arg16 : memref<32x128xf32, #tpu.memory_space<vmem>>) target(%dma_start3A_430 : memref<32x128xf32, #tpu.memory_space<vmem_shared>>) target_semaphore(%run_scoped3A_427 : memref<!tpu.dma_semaphore, #tpu.memory_space<semaphore_mem>>)
      %dma_wait3A = arith.constant 0 : i32
      %dma_wait3A_431 = tpu.memref_slice %arg17[%add3A_301, %dma_wait3A] : memref<10240x128xf32, #tpu.memory_space<vmem_shared>> -> memref<32x128xf32, #tpu.memory_space<vmem_shared>>
      %dma_wait3A_432 = arith.constant 0 : i32
      %dma_wait3A_433 = tpu.memref_slice %arg17[%add3A_301, %dma_wait3A_432] : memref<10240x128xf32, #tpu.memory_space<vmem_shared>> -> memref<32x128xf32, #tpu.memory_space<vmem_shared>>
      tpu.wait_dma2 semaphore(%run_scoped3A_427 : memref<!tpu.dma_semaphore, #tpu.memory_space<semaphore_mem>>) src(%arg16 : memref<32x128xf32, #tpu.memory_space<vmem>>) dst(%dma_wait3A_433 : memref<32x128xf32, #tpu.memory_space<vmem_shared>>)
      tpu.yield
    }) : () -> ()
    %mul3A_302 = arith.constant 640 : i32
    %mul3A_303 = arith.muli %arg1, %mul3A_302 : i32
    %add3A_304 = arith.constant 608 : i32
    %add3A_305 = arith.addi %mul3A_303, %add3A_304 : i32
    "tpu.region"() ({
      %run_scoped3A_427 = tpu.sem_alloc : memref<!tpu.dma_semaphore, #tpu.memory_space<semaphore_mem>>
      %dma_start3A = arith.constant 0 : i32
      %dma_start3A_428 = tpu.memref_slice %arg17[%add3A_305, %dma_start3A] : memref<10240x128xf32, #tpu.memory_space<vmem_shared>> -> memref<32x128xf32, #tpu.memory_space<vmem_shared>>
      %dma_start3A_429 = arith.constant 0 : i32
      %dma_start3A_430 = tpu.memref_slice %arg17[%add3A_305, %dma_start3A_429] : memref<10240x128xf32, #tpu.memory_space<vmem_shared>> -> memref<32x128xf32, #tpu.memory_space<vmem_shared>>
      tpu.enqueue_dma source(%arg16 : memref<32x128xf32, #tpu.memory_space<vmem>>) target(%dma_start3A_430 : memref<32x128xf32, #tpu.memory_space<vmem_shared>>) target_semaphore(%run_scoped3A_427 : memref<!tpu.dma_semaphore, #tpu.memory_space<semaphore_mem>>)
      %dma_wait3A = arith.constant 0 : i32
      %dma_wait3A_431 = tpu.memref_slice %arg17[%add3A_305, %dma_wait3A] : memref<10240x128xf32, #tpu.memory_space<vmem_shared>> -> memref<32x128xf32, #tpu.memory_space<vmem_shared>>
      %dma_wait3A_432 = arith.constant 0 : i32
      %dma_wait3A_433 = tpu.memref_slice %arg17[%add3A_305, %dma_wait3A_432] : memref<10240x128xf32, #tpu.memory_space<vmem_shared>> -> memref<32x128xf32, #tpu.memory_space<vmem_shared>>
      tpu.wait_dma2 semaphore(%run_scoped3A_427 : memref<!tpu.dma_semaphore, #tpu.memory_space<semaphore_mem>>) src(%arg16 : memref<32x128xf32, #tpu.memory_space<vmem>>) dst(%dma_wait3A_433 : memref<32x128xf32, #tpu.memory_space<vmem_shared>>)
      tpu.yield
    }) : () -> ()
    %barrier3A_306 = arith.constant 0 : index
    tpu.barrier barrier_id(%barrier3A_306)
    %scan3A_307 = arith.constant 0 : i32
    %scan3A_308 = arith.constant 0 : i32
    %scan3A_309 = arith.constant 162 : i32
    %scan3A_310 = arith.addi %scan3A_308, %scan3A_309 : i32
    %scan3A_311 = arith.constant 1 : i32
    %scan3A_312 = scf.for %scan3A_427 = %scan3A_308 to %scan3A_310 step %scan3A_311 iter_args(%scan3A_428 = %scan3A_307) -> (i32)  : i32 {
      %mul3A_429 = arith.constant 64 : i32
      %mul3A_430 = arith.muli %scan3A_427, %mul3A_429 : i32
      %add3A_431 = arith.addi %mul3A_2, %mul3A_430 : i32
      %run_scoped3A_432 = arith.constant 2 : i32
      "tpu.region"() ({
        %run_scoped3A_558 = tpu.sem_alloc : memref<!tpu.dma_semaphore, #tpu.memory_space<semaphore_mem>>
        %dma_start3A_559 = tpu.memref_slice %arg5[%run_scoped3A_432, %add3A_431] : memref<4x331776xi32, #tpu.memory_space<hbm>> -> memref<1x64xi32, #tpu.memory_space<hbm>>
        %dma_start3A_560 = tpu.memref_squeeze %dma_start3A_559 : memref<1x64xi32, #tpu.memory_space<hbm>> -> memref<64xi32, #tpu.memory_space<hbm>>
        %dma_start3A_561 = tpu.memref_slice %arg5[%run_scoped3A_432, %add3A_431] : memref<4x331776xi32, #tpu.memory_space<hbm>> -> memref<1x64xi32, #tpu.memory_space<hbm>>
        %dma_start3A_562 = tpu.memref_squeeze %dma_start3A_561 : memref<1x64xi32, #tpu.memory_space<hbm>> -> memref<64xi32, #tpu.memory_space<hbm>>
        tpu.enqueue_dma source(%dma_start3A_562 : memref<64xi32, #tpu.memory_space<hbm>>) target(%arg12 : memref<64xi32, #tpu.memory_space<vmem>>) target_semaphore(%run_scoped3A_558 : memref<!tpu.dma_semaphore, #tpu.memory_space<semaphore_mem>>)
        %dma_wait3A_563 = tpu.memref_slice %arg5[%run_scoped3A_432, %add3A_431] : memref<4x331776xi32, #tpu.memory_space<hbm>> -> memref<1x64xi32, #tpu.memory_space<hbm>>
        %dma_wait3A_564 = tpu.memref_squeeze %dma_wait3A_563 : memref<1x64xi32, #tpu.memory_space<hbm>> -> memref<64xi32, #tpu.memory_space<hbm>>
        %dma_wait3A_565 = tpu.memref_slice %arg5[%run_scoped3A_432, %add3A_431] : memref<4x331776xi32, #tpu.memory_space<hbm>> -> memref<1x64xi32, #tpu.memory_space<hbm>>
        %dma_wait3A_566 = tpu.memref_squeeze %dma_wait3A_565 : memref<1x64xi32, #tpu.memory_space<hbm>> -> memref<64xi32, #tpu.memory_space<hbm>>
        tpu.wait_dma2 semaphore(%run_scoped3A_558 : memref<!tpu.dma_semaphore, #tpu.memory_space<semaphore_mem>>) src(%dma_wait3A_566 : memref<64xi32, #tpu.memory_space<hbm>>) dst(%arg12 : memref<64xi32, #tpu.memory_space<vmem>>)
        tpu.yield
      }) : () -> ()
      "tpu.region"() ({
        %run_scoped3A_558 = tpu.sem_alloc : memref<!tpu.dma_semaphore, #tpu.memory_space<semaphore_mem>>
        %dma_start3A_559 = tpu.memref_slice %arg6[%add3A_431] : memref<331776xi32, #tpu.memory_space<hbm>> -> memref<64xi32, #tpu.memory_space<hbm>>
        %dma_start3A_560 = tpu.memref_slice %arg6[%add3A_431] : memref<331776xi32, #tpu.memory_space<hbm>> -> memref<64xi32, #tpu.memory_space<hbm>>
        tpu.enqueue_dma source(%dma_start3A_560 : memref<64xi32, #tpu.memory_space<hbm>>) target(%arg13 : memref<64xi32, #tpu.memory_space<vmem>>) target_semaphore(%run_scoped3A_558 : memref<!tpu.dma_semaphore, #tpu.memory_space<semaphore_mem>>)
        %dma_wait3A_561 = tpu.memref_slice %arg6[%add3A_431] : memref<331776xi32, #tpu.memory_space<hbm>> -> memref<64xi32, #tpu.memory_space<hbm>>
        %dma_wait3A_562 = tpu.memref_slice %arg6[%add3A_431] : memref<331776xi32, #tpu.memory_space<hbm>> -> memref<64xi32, #tpu.memory_space<hbm>>
        tpu.wait_dma2 semaphore(%run_scoped3A_558 : memref<!tpu.dma_semaphore, #tpu.memory_space<semaphore_mem>>) src(%dma_wait3A_562 : memref<64xi32, #tpu.memory_space<hbm>>) dst(%arg13 : memref<64xi32, #tpu.memory_space<vmem>>)
        tpu.yield
      }) : () -> ()
      %dma_start3A = arith.constant 0 : i32
      %dma_start3A_433 = arith.constant 0 : i32
      %dma_start3A_434 = tpu.memref_slice %arg2[%dma_start3A, %dma_start3A_433] : memref<40960x128xf32, #tpu.memory_space<hbm>> -> memref<40960x128xf32, #tpu.memory_space<hbm>>
      tpu.enqueue_indirect_dma source(%dma_start3A_434 : memref<40960x128xf32, #tpu.memory_space<hbm>>) target(%arg14 : memref<64x128xf32, #tpu.memory_space<vmem>>) offsets(%arg12 : memref<64xi32, #tpu.memory_space<vmem>>) semaphore(%arg18 : memref<!tpu.dma_semaphore, #tpu.memory_space<semaphore_mem>>)
      %get3A = arith.constant 0 : index
      %get3A_435 = tpu.vector_load %arg12[%get3A] {strides = array<i32>} : memref<64xi32, #tpu.memory_space<vmem>>, vector<16xi32>,
      %sub3A = arith.constant 20480 : i32
      %sub3A_436 = vector.broadcast %sub3A : i32 to vector<16xi32>
      %sub3A_437 = arith.subi %get3A_435, %sub3A_436 : vector<16xi32>
      %get3A_438 = arith.constant 0 : index
      %get3A_439 = tpu.vector_load %arg13[%get3A_438] {strides = array<i32>} : memref<64xi32, #tpu.memory_space<vmem>>, vector<16xi32>,
      %gather3A = tpu.vector_load_idx %arg9[%sub3A_437] : memref<10240xf32, #tpu.memory_space<vmem>>[vector<16xi32>], vector<16xf32>,
      %gather3A_440 = tpu.vector_load_idx %arg10[%get3A_439] : memref<10240xf32, #tpu.memory_space<vmem>>[vector<16xi32>], vector<16xf32>,
      %add3A_441 = arith.addf %gather3A, %gather3A_440 : vector<16xf32>
      %ge3A = arith.constant 0.000000e+00 : f32
      %ge3A_442 = vector.broadcast %ge3A : f32 to vector<16xf32>
      %ge3A_443 = arith.cmpf oge, %add3A_441, %ge3A_442 : vector<16xf32>
      %mul3A_444 = arith.constant 2.000000e-01 : f32
      %mul3A_445 = vector.broadcast %mul3A_444 : f32 to vector<16xf32>
      %mul3A_446 = arith.mulf %add3A_441, %mul3A_445 : vector<16xf32>
      %select_n3A = arith.select %ge3A_443, %add3A_441, %mul3A_446 : vector<16xi1>, vector<16xf32>
      %exp3A = math.exp %select_n3A : vector<16xf32>
      %add3A_447 = arith.constant 0 : i32
      %add3A_448 = arith.addi %add3A_431, %add3A_447 : i32
      %iota3A = tpu.iota {dimensions = array<i32: 0>} : vector<16xi32>
      %add3A_449 = vector.broadcast %add3A_448 : i32 to vector<16xi32>
      %add3A_450 = arith.addi %add3A_449, %iota3A : vector<16xi32>
      %lt3A = arith.constant 330000 : i32
      %lt3A_451 = vector.broadcast %lt3A : i32 to vector<16xi32>
      %lt3A_452 = arith.cmpi slt, %add3A_450, %lt3A_451 : vector<16xi32>
      %jit3A = arith.constant 0.000000e+00 : f32
      %broadcast_in_dim3A = vector.broadcast %jit3A : f32 to vector<16xf32>
      %select_n3A_453 = arith.select %lt3A_452, %exp3A, %broadcast_in_dim3A : vector<16xi1>, vector<16xf32>
      tpu.vector_store_idx %arg11[%get3A_439], %select_n3A_453 {add = true} : memref<10240xf32, #tpu.memory_space<vmem>>[vector<16xi32>], vector<16xf32>,
      %swap3A = arith.constant 0 : index
      %swap3A_454 = tpu.vector_load %arg15[%swap3A] {strides = array<i32>} : memref<64xf32, #tpu.memory_space<vmem>>, vector<16xf32>,
      tpu.vector_store %arg15[%swap3A], %select_n3A_453 {strides = array<i32>} : memref<64xf32, #tpu.memory_space<vmem>>, vector<16xf32>,
      %get3A_455 = arith.constant 16 : index
      %get3A_456 = tpu.vector_load %arg12[%get3A_455] {strides = array<i32>} : memref<64xi32, #tpu.memory_space<vmem>>, vector<16xi32>,
      %sub3A_457 = arith.constant 20480 : i32
      %sub3A_458 = vector.broadcast %sub3A_457 : i32 to vector<16xi32>
      %sub3A_459 = arith.subi %get3A_456, %sub3A_458 : vector<16xi32>
      %get3A_460 = arith.constant 16 : index
      %get3A_461 = tpu.vector_load %arg13[%get3A_460] {strides = array<i32>} : memref<64xi32, #tpu.memory_space<vmem>>, vector<16xi32>,
      %gather3A_462 = tpu.vector_load_idx %arg9[%sub3A_459] : memref<10240xf32, #tpu.memory_space<vmem>>[vector<16xi32>], vector<16xf32>,
      %gather3A_463 = tpu.vector_load_idx %arg10[%get3A_461] : memref<10240xf32, #tpu.memory_space<vmem>>[vector<16xi32>], vector<16xf32>,
      %add3A_464 = arith.addf %gather3A_462, %gather3A_463 : vector<16xf32>
      %ge3A_465 = arith.constant 0.000000e+00 : f32
      %ge3A_466 = vector.broadcast %ge3A_465 : f32 to vector<16xf32>
      %ge3A_467 = arith.cmpf oge, %add3A_464, %ge3A_466 : vector<16xf32>
      %mul3A_468 = arith.constant 2.000000e-01 : f32
      %mul3A_469 = vector.broadcast %mul3A_468 : f32 to vector<16xf32>
      %mul3A_470 = arith.mulf %add3A_464, %mul3A_469 : vector<16xf32>
      %select_n3A_471 = arith.select %ge3A_467, %add3A_464, %mul3A_470 : vector<16xi1>, vector<16xf32>
      %exp3A_472 = math.exp %select_n3A_471 : vector<16xf32>
      %add3A_473 = arith.constant 16 : i32
      %add3A_474 = arith.addi %add3A_431, %add3A_473 : i32
      %iota3A_475 = tpu.iota {dimensions = array<i32: 0>} : vector<16xi32>
      %add3A_476 = vector.broadcast %add3A_474 : i32 to vector<16xi32>
      %add3A_477 = arith.addi %add3A_476, %iota3A_475 : vector<16xi32>
      %lt3A_478 = arith.constant 330000 : i32
      %lt3A_479 = vector.broadcast %lt3A_478 : i32 to vector<16xi32>
      %lt3A_480 = arith.cmpi slt, %add3A_477, %lt3A_479 : vector<16xi32>
      %jit3A_481 = arith.constant 0.000000e+00 : f32
      %broadcast_in_dim3A_482 = vector.broadcast %jit3A_481 : f32 to vector<16xf32>
      %select_n3A_483 = arith.select %lt3A_480, %exp3A_472, %broadcast_in_dim3A_482 : vector<16xi1>, vector<16xf32>
      tpu.vector_store_idx %arg11[%get3A_461], %select_n3A_483 {add = true} : memref<10240xf32, #tpu.memory_space<vmem>>[vector<16xi32>], vector<16xf32>,
      %swap3A_484 = arith.constant 16 : index
      %swap3A_485 = tpu.vector_load %arg15[%swap3A_484] {strides = array<i32>} : memref<64xf32, #tpu.memory_space<vmem>>, vector<16xf32>,
      tpu.vector_store %arg15[%swap3A_484], %select_n3A_483 {strides = array<i32>} : memref<64xf32, #tpu.memory_space<vmem>>, vector<16xf32>,
      %get3A_486 = arith.constant 32 : index
      %get3A_487 = tpu.vector_load %arg12[%get3A_486] {strides = array<i32>} : memref<64xi32, #tpu.memory_space<vmem>>, vector<16xi32>,
      %sub3A_488 = arith.constant 20480 : i32
      %sub3A_489 = vector.broadcast %sub3A_488 : i32 to vector<16xi32>
      %sub3A_490 = arith.subi %get3A_487, %sub3A_489 : vector<16xi32>
      %get3A_491 = arith.constant 32 : index
      %get3A_492 = tpu.vector_load %arg13[%get3A_491] {strides = array<i32>} : memref<64xi32, #tpu.memory_space<vmem>>, vector<16xi32>,
      %gather3A_493 = tpu.vector_load_idx %arg9[%sub3A_490] : memref<10240xf32, #tpu.memory_space<vmem>>[vector<16xi32>], vector<16xf32>,
      %gather3A_494 = tpu.vector_load_idx %arg10[%get3A_492] : memref<10240xf32, #tpu.memory_space<vmem>>[vector<16xi32>], vector<16xf32>,
      %add3A_495 = arith.addf %gather3A_493, %gather3A_494 : vector<16xf32>
      %ge3A_496 = arith.constant 0.000000e+00 : f32
      %ge3A_497 = vector.broadcast %ge3A_496 : f32 to vector<16xf32>
      %ge3A_498 = arith.cmpf oge, %add3A_495, %ge3A_497 : vector<16xf32>
      %mul3A_499 = arith.constant 2.000000e-01 : f32
      %mul3A_500 = vector.broadcast %mul3A_499 : f32 to vector<16xf32>
      %mul3A_501 = arith.mulf %add3A_495, %mul3A_500 : vector<16xf32>
      %select_n3A_502 = arith.select %ge3A_498, %add3A_495, %mul3A_501 : vector<16xi1>, vector<16xf32>
      %exp3A_503 = math.exp %select_n3A_502 : vector<16xf32>
      %add3A_504 = arith.constant 32 : i32
      %add3A_505 = arith.addi %add3A_431, %add3A_504 : i32
      %iota3A_506 = tpu.iota {dimensions = array<i32: 0>} : vector<16xi32>
      %add3A_507 = vector.broadcast %add3A_505 : i32 to vector<16xi32>
      %add3A_508 = arith.addi %add3A_507, %iota3A_506 : vector<16xi32>
      %lt3A_509 = arith.constant 330000 : i32
      %lt3A_510 = vector.broadcast %lt3A_509 : i32 to vector<16xi32>
      %lt3A_511 = arith.cmpi slt, %add3A_508, %lt3A_510 : vector<16xi32>
      %jit3A_512 = arith.constant 0.000000e+00 : f32
      %broadcast_in_dim3A_513 = vector.broadcast %jit3A_512 : f32 to vector<16xf32>
      %select_n3A_514 = arith.select %lt3A_511, %exp3A_503, %broadcast_in_dim3A_513 : vector<16xi1>, vector<16xf32>
      tpu.vector_store_idx %arg11[%get3A_492], %select_n3A_514 {add = true} : memref<10240xf32, #tpu.memory_space<vmem>>[vector<16xi32>], vector<16xf32>,
      %swap3A_515 = arith.constant 32 : index
      %swap3A_516 = tpu.vector_load %arg15[%swap3A_515] {strides = array<i32>} : memref<64xf32, #tpu.memory_space<vmem>>, vector<16xf32>,
      tpu.vector_store %arg15[%swap3A_515], %select_n3A_514 {strides = array<i32>} : memref<64xf32, #tpu.memory_space<vmem>>, vector<16xf32>,
      %get3A_517 = arith.constant 48 : index
      %get3A_518 = tpu.vector_load %arg12[%get3A_517] {strides = array<i32>} : memref<64xi32, #tpu.memory_space<vmem>>, vector<16xi32>,
      %sub3A_519 = arith.constant 20480 : i32
      %sub3A_520 = vector.broadcast %sub3A_519 : i32 to vector<16xi32>
      %sub3A_521 = arith.subi %get3A_518, %sub3A_520 : vector<16xi32>
      %get3A_522 = arith.constant 48 : index
      %get3A_523 = tpu.vector_load %arg13[%get3A_522] {strides = array<i32>} : memref<64xi32, #tpu.memory_space<vmem>>, vector<16xi32>,
      %gather3A_524 = tpu.vector_load_idx %arg9[%sub3A_521] : memref<10240xf32, #tpu.memory_space<vmem>>[vector<16xi32>], vector<16xf32>,
      %gather3A_525 = tpu.vector_load_idx %arg10[%get3A_523] : memref<10240xf32, #tpu.memory_space<vmem>>[vector<16xi32>], vector<16xf32>,
      %add3A_526 = arith.addf %gather3A_524, %gather3A_525 : vector<16xf32>
      %ge3A_527 = arith.constant 0.000000e+00 : f32
      %ge3A_528 = vector.broadcast %ge3A_527 : f32 to vector<16xf32>
      %ge3A_529 = arith.cmpf oge, %add3A_526, %ge3A_528 : vector<16xf32>
      %mul3A_530 = arith.constant 2.000000e-01 : f32
      %mul3A_531 = vector.broadcast %mul3A_530 : f32 to vector<16xf32>
      %mul3A_532 = arith.mulf %add3A_526, %mul3A_531 : vector<16xf32>
      %select_n3A_533 = arith.select %ge3A_529, %add3A_526, %mul3A_532 : vector<16xi1>, vector<16xf32>
      %exp3A_534 = math.exp %select_n3A_533 : vector<16xf32>
      %add3A_535 = arith.constant 48 : i32
      %add3A_536 = arith.addi %add3A_431, %add3A_535 : i32
      %iota3A_537 = tpu.iota {dimensions = array<i32: 0>} : vector<16xi32>
      %add3A_538 = vector.broadcast %add3A_536 : i32 to vector<16xi32>
      %add3A_539 = arith.addi %add3A_538, %iota3A_537 : vector<16xi32>
      %lt3A_540 = arith.constant 330000 : i32
      %lt3A_541 = vector.broadcast %lt3A_540 : i32 to vector<16xi32>
      %lt3A_542 = arith.cmpi slt, %add3A_539, %lt3A_541 : vector<16xi32>
      %jit3A_543 = arith.constant 0.000000e+00 : f32
      %broadcast_in_dim3A_544 = vector.broadcast %jit3A_543 : f32 to vector<16xf32>
      %select_n3A_545 = arith.select %lt3A_542, %exp3A_534, %broadcast_in_dim3A_544 : vector<16xi1>, vector<16xf32>
      tpu.vector_store_idx %arg11[%get3A_523], %select_n3A_545 {add = true} : memref<10240xf32, #tpu.memory_space<vmem>>[vector<16xi32>], vector<16xf32>,
      %swap3A_546 = arith.constant 48 : index
      %swap3A_547 = tpu.vector_load %arg15[%swap3A_546] {strides = array<i32>} : memref<64xf32, #tpu.memory_space<vmem>>, vector<16xf32>,
      tpu.vector_store %arg15[%swap3A_546], %select_n3A_545 {strides = array<i32>} : memref<64xf32, #tpu.memory_space<vmem>>, vector<16xf32>,
      %dma_wait3A = arith.constant 0 : i32
      %dma_wait3A_548 = arith.constant 0 : i32
      %dma_wait3A_549 = tpu.memref_slice %arg2[%dma_wait3A, %dma_wait3A_548] : memref<40960x128xf32, #tpu.memory_space<hbm>> -> memref<40960x128xf32, #tpu.memory_space<hbm>>
      tpu.wait_indirect_dma semaphore(%arg18 : memref<!tpu.dma_semaphore, #tpu.memory_space<semaphore_mem>>) src(%dma_wait3A_549 : memref<40960x128xf32, #tpu.memory_space<hbm>>) dst(%arg14 : memref<64x128xf32, #tpu.memory_space<vmem>>)
      %scan3A_550 = arith.constant 0 : i32
      %scan3A_551 = arith.constant 0 : i32
      %scan3A_552 = arith.constant 64 : i32
      %scan3A_553 = arith.addi %scan3A_551, %scan3A_552 : i32
      %scan3A_554 = arith.constant 1 : i32
      %scan3A_555 = scf.for %scan3A_558 = %scan3A_551 to %scan3A_553 step %scan3A_554 iter_args(%scan3A_559 = %scan3A_550) -> (i32)  : i32 {
        %broadcast_in_dim3A_560 = vector.broadcast %scan3A_558 : i32 to vector<16xi32>
        %gather3A_561 = tpu.vector_load_idx %arg15[%broadcast_in_dim3A_560] : memref<64xf32, #tpu.memory_space<vmem>>[vector<16xi32>], vector<16xf32>,
        %get3A_562 = arith.index_cast %scan3A_558 : i32 to index
        %get3A_563 = arith.constant 0 : index
        %get3A_564 = tpu.vector_load %arg14[%get3A_562, %get3A_563] {strides = array<i32>} : memref<64x128xf32, #tpu.memory_space<vmem>>, vector<16xf32>,
        %mul3A_565 = arith.mulf %get3A_564, %gather3A_561 : vector<16xf32>
        %swap3A_566 = arith.index_cast %scan3A_558 : i32 to index
        %swap3A_567 = arith.constant 0 : index
        %swap3A_568 = tpu.vector_load %arg14[%swap3A_566, %swap3A_567] {strides = array<i32>} : memref<64x128xf32, #tpu.memory_space<vmem>>, vector<16xf32>,
        tpu.vector_store %arg14[%swap3A_566, %swap3A_567], %mul3A_565 {strides = array<i32>} : memref<64x128xf32, #tpu.memory_space<vmem>>, vector<16xf32>,
        %get3A_569 = arith.index_cast %scan3A_558 : i32 to index
        %get3A_570 = arith.constant 16 : index
        %get3A_571 = tpu.vector_load %arg14[%get3A_569, %get3A_570] {strides = array<i32>} : memref<64x128xf32, #tpu.memory_space<vmem>>, vector<16xf32>,
        %mul3A_572 = arith.mulf %get3A_571, %gather3A_561 : vector<16xf32>
        %swap3A_573 = arith.index_cast %scan3A_558 : i32 to index
        %swap3A_574 = arith.constant 16 : index
        %swap3A_575 = tpu.vector_load %arg14[%swap3A_573, %swap3A_574] {strides = array<i32>} : memref<64x128xf32, #tpu.memory_space<vmem>>, vector<16xf32>,
        tpu.vector_store %arg14[%swap3A_573, %swap3A_574], %mul3A_572 {strides = array<i32>} : memref<64x128xf32, #tpu.memory_space<vmem>>, vector<16xf32>,
        %get3A_576 = arith.index_cast %scan3A_558 : i32 to index
        %get3A_577 = arith.constant 32 : index
        %get3A_578 = tpu.vector_load %arg14[%get3A_576, %get3A_577] {strides = array<i32>} : memref<64x128xf32, #tpu.memory_space<vmem>>, vector<16xf32>,
        %mul3A_579 = arith.mulf %get3A_578, %gather3A_561 : vector<16xf32>
        %swap3A_580 = arith.index_cast %scan3A_558 : i32 to index
        %swap3A_581 = arith.constant 32 : index
        %swap3A_582 = tpu.vector_load %arg14[%swap3A_580, %swap3A_581] {strides = array<i32>} : memref<64x128xf32, #tpu.memory_space<vmem>>, vector<16xf32>,
        tpu.vector_store %arg14[%swap3A_580, %swap3A_581], %mul3A_579 {strides = array<i32>} : memref<64x128xf32, #tpu.memory_space<vmem>>, vector<16xf32>,
        %get3A_583 = arith.index_cast %scan3A_558 : i32 to index
        %get3A_584 = arith.constant 48 : index
        %get3A_585 = tpu.vector_load %arg14[%get3A_583, %get3A_584] {strides = array<i32>} : memref<64x128xf32, #tpu.memory_space<vmem>>, vector<16xf32>,
        %mul3A_586 = arith.mulf %get3A_585, %gather3A_561 : vector<16xf32>
        %swap3A_587 = arith.index_cast %scan3A_558 : i32 to index
        %swap3A_588 = arith.constant 48 : index
        %swap3A_589 = tpu.vector_load %arg14[%swap3A_587, %swap3A_588] {strides = array<i32>} : memref<64x128xf32, #tpu.memory_space<vmem>>, vector<16xf32>,
        tpu.vector_store %arg14[%swap3A_587, %swap3A_588], %mul3A_586 {strides = array<i32>} : memref<64x128xf32, #tpu.memory_space<vmem>>, vector<16xf32>,
        %get3A_590 = arith.index_cast %scan3A_558 : i32 to index
        %get3A_591 = arith.constant 64 : index
        %get3A_592 = tpu.vector_load %arg14[%get3A_590, %get3A_591] {strides = array<i32>} : memref<64x128xf32, #tpu.memory_space<vmem>>, vector<16xf32>,
        %mul3A_593 = arith.mulf %get3A_592, %gather3A_561 : vector<16xf32>
        %swap3A_594 = arith.index_cast %scan3A_558 : i32 to index
        %swap3A_595 = arith.constant 64 : index
        %swap3A_596 = tpu.vector_load %arg14[%swap3A_594, %swap3A_595] {strides = array<i32>} : memref<64x128xf32, #tpu.memory_space<vmem>>, vector<16xf32>,
        tpu.vector_store %arg14[%swap3A_594, %swap3A_595], %mul3A_593 {strides = array<i32>} : memref<64x128xf32, #tpu.memory_space<vmem>>, vector<16xf32>,
        %get3A_597 = arith.index_cast %scan3A_558 : i32 to index
        %get3A_598 = arith.constant 80 : index
        %get3A_599 = tpu.vector_load %arg14[%get3A_597, %get3A_598] {strides = array<i32>} : memref<64x128xf32, #tpu.memory_space<vmem>>, vector<16xf32>,
        %mul3A_600 = arith.mulf %get3A_599, %gather3A_561 : vector<16xf32>
        %swap3A_601 = arith.index_cast %scan3A_558 : i32 to index
        %swap3A_602 = arith.constant 80 : index
        %swap3A_603 = tpu.vector_load %arg14[%swap3A_601, %swap3A_602] {strides = array<i32>} : memref<64x128xf32, #tpu.memory_space<vmem>>, vector<16xf32>,
        tpu.vector_store %arg14[%swap3A_601, %swap3A_602], %mul3A_600 {strides = array<i32>} : memref<64x128xf32, #tpu.memory_space<vmem>>, vector<16xf32>,
        %get3A_604 = arith.index_cast %scan3A_558 : i32 to index
        %get3A_605 = arith.constant 96 : index
        %get3A_606 = tpu.vector_load %arg14[%get3A_604, %get3A_605] {strides = array<i32>} : memref<64x128xf32, #tpu.memory_space<vmem>>, vector<16xf32>,
        %mul3A_607 = arith.mulf %get3A_606, %gather3A_561 : vector<16xf32>
        %swap3A_608 = arith.index_cast %scan3A_558 : i32 to index
        %swap3A_609 = arith.constant 96 : index
        %swap3A_610 = tpu.vector_load %arg14[%swap3A_608, %swap3A_609] {strides = array<i32>} : memref<64x128xf32, #tpu.memory_space<vmem>>, vector<16xf32>,
        tpu.vector_store %arg14[%swap3A_608, %swap3A_609], %mul3A_607 {strides = array<i32>} : memref<64x128xf32, #tpu.memory_space<vmem>>, vector<16xf32>,
        %get3A_611 = arith.index_cast %scan3A_558 : i32 to index
        %get3A_612 = arith.constant 112 : index
        %get3A_613 = tpu.vector_load %arg14[%get3A_611, %get3A_612] {strides = array<i32>} : memref<64x128xf32, #tpu.memory_space<vmem>>, vector<16xf32>,
        %mul3A_614 = arith.mulf %get3A_613, %gather3A_561 : vector<16xf32>
        %swap3A_615 = arith.index_cast %scan3A_558 : i32 to index
        %swap3A_616 = arith.constant 112 : index
        %swap3A_617 = tpu.vector_load %arg14[%swap3A_615, %swap3A_616] {strides = array<i32>} : memref<64x128xf32, #tpu.memory_space<vmem>>, vector<16xf32>,
        tpu.vector_store %arg14[%swap3A_615, %swap3A_616], %mul3A_614 {strides = array<i32>} : memref<64x128xf32, #tpu.memory_space<vmem>>, vector<16xf32>,
        %scan3A_618 = arith.constant 0 : i32
        scf.yield %scan3A_618 : i32
      }
      %scan3A_556 = arith.constant 64 : i32
      "tpu.region"() ({
        %run_scoped3A_558 = tpu.sem_alloc : memref<!tpu.dma_semaphore, #tpu.memory_space<semaphore_mem>>
        %dma_start3A_559 = arith.constant 0 : i32
        %dma_start3A_560 = arith.constant 0 : i32
        %dma_start3A_561 = tpu.memref_slice %arg17[%dma_start3A_559, %dma_start3A_560] : memref<10240x128xf32, #tpu.memory_space<vmem_shared>> -> memref<10240x128xf32, #tpu.memory_space<vmem_shared>>
        tpu.enqueue_indirect_dma source(%arg14 : memref<64x128xf32, #tpu.memory_space<vmem>>) target(%dma_start3A_561 : memref<10240x128xf32, #tpu.memory_space<vmem_shared>>) offsets(%arg13 : memref<64xi32, #tpu.memory_space<vmem>>) semaphore(%run_scoped3A_558 : memref<!tpu.dma_semaphore, #tpu.memory_space<semaphore_mem>>) {add = true}
        %dma_wait3A_562 = arith.constant 0 : i32
        %dma_wait3A_563 = arith.constant 0 : i32
        %dma_wait3A_564 = tpu.memref_slice %arg17[%dma_wait3A_562, %dma_wait3A_563] : memref<10240x128xf32, #tpu.memory_space<vmem_shared>> -> memref<10240x128xf32, #tpu.memory_space<vmem_shared>>
        tpu.wait_indirect_dma semaphore(%run_scoped3A_558 : memref<!tpu.dma_semaphore, #tpu.memory_space<semaphore_mem>>) src(%arg14 : memref<64x128xf32, #tpu.memory_space<vmem>>) dst(%dma_wait3A_564 : memref<10240x128xf32, #tpu.memory_space<vmem_shared>>)
        tpu.yield
      }) : () -> ()
      %scan3A_557 = arith.constant 0 : i32
      scf.yield %scan3A_557 : i32
    }
    %scan3A_313 = arith.constant 162 : i32
    %barrier3A_314 = arith.constant 0 : index
    tpu.barrier barrier_id(%barrier3A_314)
    %mul3A_315 = arith.constant 640 : i32
    %mul3A_316 = arith.muli %arg1, %mul3A_315 : i32
    %mul3A_317 = arith.constant 640 : i32
    %mul3A_318 = arith.muli %arg1, %mul3A_317 : i32
    %run_scoped3A_319 = arith.constant 2 : i32
    "tpu.region"() ({
      %run_scoped3A_427 = tpu.sem_alloc : memref<!tpu.dma_semaphore, #tpu.memory_space<semaphore_mem>>
      %dma_start3A = arith.constant 0 : i32
      %dma_start3A_428 = tpu.memref_slice %arg7[%arg0, %run_scoped3A_319, %mul3A_318, %dma_start3A] : memref<2x4x10240x128xf32, #tpu.memory_space<hbm>> -> memref<1x1x640x128xf32, #tpu.memory_space<hbm>>
      %dma_start3A_429 = tpu.memref_squeeze %dma_start3A_428 : memref<1x1x640x128xf32, #tpu.memory_space<hbm>> -> memref<640x128xf32, #tpu.memory_space<hbm>>
      %dma_start3A_430 = arith.constant 0 : i32
      %dma_start3A_431 = tpu.memref_slice %arg17[%mul3A_316, %dma_start3A_430] : memref<10240x128xf32, #tpu.memory_space<vmem_shared>> -> memref<640x128xf32, #tpu.memory_space<vmem_shared>>
      tpu.enqueue_dma source(%dma_start3A_431 : memref<640x128xf32, #tpu.memory_space<vmem_shared>>) target(%dma_start3A_429 : memref<640x128xf32, #tpu.memory_space<hbm>>) target_semaphore(%run_scoped3A_427 : memref<!tpu.dma_semaphore, #tpu.memory_space<semaphore_mem>>)
      %dma_wait3A = arith.constant 0 : i32
      %dma_wait3A_432 = tpu.memref_slice %arg7[%arg0, %run_scoped3A_319, %mul3A_318, %dma_wait3A] : memref<2x4x10240x128xf32, #tpu.memory_space<hbm>> -> memref<1x1x640x128xf32, #tpu.memory_space<hbm>>
      %dma_wait3A_433 = tpu.memref_squeeze %dma_wait3A_432 : memref<1x1x640x128xf32, #tpu.memory_space<hbm>> -> memref<640x128xf32, #tpu.memory_space<hbm>>
      %dma_wait3A_434 = arith.constant 0 : i32
      %dma_wait3A_435 = tpu.memref_slice %arg17[%mul3A_316, %dma_wait3A_434] : memref<10240x128xf32, #tpu.memory_space<vmem_shared>> -> memref<640x128xf32, #tpu.memory_space<vmem_shared>>
      tpu.wait_dma2 semaphore(%run_scoped3A_427 : memref<!tpu.dma_semaphore, #tpu.memory_space<semaphore_mem>>) src(%dma_wait3A_435 : memref<640x128xf32, #tpu.memory_space<vmem_shared>>) dst(%dma_wait3A_433 : memref<640x128xf32, #tpu.memory_space<hbm>>)
      tpu.yield
    }) : () -> ()
    %run_scoped3A_320 = arith.constant 2 : i32
    "tpu.region"() ({
      %run_scoped3A_427 = tpu.sem_alloc : memref<!tpu.dma_semaphore, #tpu.memory_space<semaphore_mem>>
      %dma_start3A = arith.constant 0 : i32
      %dma_start3A_428 = tpu.memref_slice %arg8[%arg0, %run_scoped3A_320, %arg1, %dma_start3A] : memref<2x4x16x10240xf32, #tpu.memory_space<hbm>> -> memref<1x1x1x10240xf32, #tpu.memory_space<hbm>>
      %dma_start3A_429 = tpu.memref_squeeze %dma_start3A_428 : memref<1x1x1x10240xf32, #tpu.memory_space<hbm>> -> memref<10240xf32, #tpu.memory_space<hbm>>
      %dma_start3A_430 = arith.constant 0 : i32
      %dma_start3A_431 = tpu.memref_slice %arg8[%arg0, %run_scoped3A_320, %arg1, %dma_start3A_430] : memref<2x4x16x10240xf32, #tpu.memory_space<hbm>> -> memref<1x1x1x10240xf32, #tpu.memory_space<hbm>>
      %dma_start3A_432 = tpu.memref_squeeze %dma_start3A_431 : memref<1x1x1x10240xf32, #tpu.memory_space<hbm>> -> memref<10240xf32, #tpu.memory_space<hbm>>
      tpu.enqueue_dma source(%arg11 : memref<10240xf32, #tpu.memory_space<vmem>>) target(%dma_start3A_432 : memref<10240xf32, #tpu.memory_space<hbm>>) target_semaphore(%run_scoped3A_427 : memref<!tpu.dma_semaphore, #tpu.memory_space<semaphore_mem>>)
      %dma_wait3A = arith.constant 0 : i32
      %dma_wait3A_433 = tpu.memref_slice %arg8[%arg0, %run_scoped3A_320, %arg1, %dma_wait3A] : memref<2x4x16x10240xf32, #tpu.memory_space<hbm>> -> memref<1x1x1x10240xf32, #tpu.memory_space<hbm>>
      %dma_wait3A_434 = tpu.memref_squeeze %dma_wait3A_433 : memref<1x1x1x10240xf32, #tpu.memory_space<hbm>> -> memref<10240xf32, #tpu.memory_space<hbm>>
      %dma_wait3A_435 = arith.constant 0 : i32
      %dma_wait3A_436 = tpu.memref_slice %arg8[%arg0, %run_scoped3A_320, %arg1, %dma_wait3A_435] : memref<2x4x16x10240xf32, #tpu.memory_space<hbm>> -> memref<1x1x1x10240xf32, #tpu.memory_space<hbm>>
      %dma_wait3A_437 = tpu.memref_squeeze %dma_wait3A_436 : memref<1x1x1x10240xf32, #tpu.memory_space<hbm>> -> memref<10240xf32, #tpu.memory_space<hbm>>
      tpu.wait_dma2 semaphore(%run_scoped3A_427 : memref<!tpu.dma_semaphore, #tpu.memory_space<semaphore_mem>>) src(%arg11 : memref<10240xf32, #tpu.memory_space<vmem>>) dst(%dma_wait3A_437 : memref<10240xf32, #tpu.memory_space<hbm>>)
      tpu.yield
    }) : () -> ()
    %barrier3A_321 = arith.constant 0 : index
    tpu.barrier barrier_id(%barrier3A_321)
    %run_scoped3A_322 = arith.constant 3 : i32
    "tpu.region"() ({
      %run_scoped3A_427 = tpu.sem_alloc : memref<!tpu.dma_semaphore, #tpu.memory_space<semaphore_mem>>
      %dma_start3A = arith.constant 0 : i32
      %dma_start3A_428 = tpu.memref_slice %arg3[%run_scoped3A_322, %dma_start3A] : memref<4x10240xf32, #tpu.memory_space<hbm>> -> memref<1x10240xf32, #tpu.memory_space<hbm>>
      %dma_start3A_429 = tpu.memref_squeeze %dma_start3A_428 : memref<1x10240xf32, #tpu.memory_space<hbm>> -> memref<10240xf32, #tpu.memory_space<hbm>>
      %dma_start3A_430 = arith.constant 0 : i32
      %dma_start3A_431 = tpu.memref_slice %arg3[%run_scoped3A_322, %dma_start3A_430] : memref<4x10240xf32, #tpu.memory_space<hbm>> -> memref<1x10240xf32, #tpu.memory_space<hbm>>
      %dma_start3A_432 = tpu.memref_squeeze %dma_start3A_431 : memref<1x10240xf32, #tpu.memory_space<hbm>> -> memref<10240xf32, #tpu.memory_space<hbm>>
      tpu.enqueue_dma source(%dma_start3A_432 : memref<10240xf32, #tpu.memory_space<hbm>>) target(%arg9 : memref<10240xf32, #tpu.memory_space<vmem>>) target_semaphore(%run_scoped3A_427 : memref<!tpu.dma_semaphore, #tpu.memory_space<semaphore_mem>>)
      %dma_wait3A = arith.constant 0 : i32
      %dma_wait3A_433 = tpu.memref_slice %arg3[%run_scoped3A_322, %dma_wait3A] : memref<4x10240xf32, #tpu.memory_space<hbm>> -> memref<1x10240xf32, #tpu.memory_space<hbm>>
      %dma_wait3A_434 = tpu.memref_squeeze %dma_wait3A_433 : memref<1x10240xf32, #tpu.memory_space<hbm>> -> memref<10240xf32, #tpu.memory_space<hbm>>
      %dma_wait3A_435 = arith.constant 0 : i32
      %dma_wait3A_436 = tpu.memref_slice %arg3[%run_scoped3A_322, %dma_wait3A_435] : memref<4x10240xf32, #tpu.memory_space<hbm>> -> memref<1x10240xf32, #tpu.memory_space<hbm>>
      %dma_wait3A_437 = tpu.memref_squeeze %dma_wait3A_436 : memref<1x10240xf32, #tpu.memory_space<hbm>> -> memref<10240xf32, #tpu.memory_space<hbm>>
      tpu.wait_dma2 semaphore(%run_scoped3A_427 : memref<!tpu.dma_semaphore, #tpu.memory_space<semaphore_mem>>) src(%dma_wait3A_437 : memref<10240xf32, #tpu.memory_space<hbm>>) dst(%arg9 : memref<10240xf32, #tpu.memory_space<vmem>>)
      tpu.yield
    }) : () -> ()
    %run_scoped3A_323 = arith.constant 3 : i32
    "tpu.region"() ({
      %run_scoped3A_427 = tpu.sem_alloc : memref<!tpu.dma_semaphore, #tpu.memory_space<semaphore_mem>>
      %dma_start3A = arith.constant 0 : i32
      %dma_start3A_428 = tpu.memref_slice %arg4[%run_scoped3A_323, %dma_start3A] : memref<4x10240xf32, #tpu.memory_space<hbm>> -> memref<1x10240xf32, #tpu.memory_space<hbm>>
      %dma_start3A_429 = tpu.memref_squeeze %dma_start3A_428 : memref<1x10240xf32, #tpu.memory_space<hbm>> -> memref<10240xf32, #tpu.memory_space<hbm>>
      %dma_start3A_430 = arith.constant 0 : i32
      %dma_start3A_431 = tpu.memref_slice %arg4[%run_scoped3A_323, %dma_start3A_430] : memref<4x10240xf32, #tpu.memory_space<hbm>> -> memref<1x10240xf32, #tpu.memory_space<hbm>>
      %dma_start3A_432 = tpu.memref_squeeze %dma_start3A_431 : memref<1x10240xf32, #tpu.memory_space<hbm>> -> memref<10240xf32, #tpu.memory_space<hbm>>
      tpu.enqueue_dma source(%dma_start3A_432 : memref<10240xf32, #tpu.memory_space<hbm>>) target(%arg10 : memref<10240xf32, #tpu.memory_space<vmem>>) target_semaphore(%run_scoped3A_427 : memref<!tpu.dma_semaphore, #tpu.memory_space<semaphore_mem>>)
      %dma_wait3A = arith.constant 0 : i32
      %dma_wait3A_433 = tpu.memref_slice %arg4[%run_scoped3A_323, %dma_wait3A] : memref<4x10240xf32, #tpu.memory_space<hbm>> -> memref<1x10240xf32, #tpu.memory_space<hbm>>
      %dma_wait3A_434 = tpu.memref_squeeze %dma_wait3A_433 : memref<1x10240xf32, #tpu.memory_space<hbm>> -> memref<10240xf32, #tpu.memory_space<hbm>>
      %dma_wait3A_435 = arith.constant 0 : i32
      %dma_wait3A_436 = tpu.memref_slice %arg4[%run_scoped3A_323, %dma_wait3A_435] : memref<4x10240xf32, #tpu.memory_space<hbm>> -> memref<1x10240xf32, #tpu.memory_space<hbm>>
      %dma_wait3A_437 = tpu.memref_squeeze %dma_wait3A_436 : memref<1x10240xf32, #tpu.memory_space<hbm>> -> memref<10240xf32, #tpu.memory_space<hbm>>
      tpu.wait_dma2 semaphore(%run_scoped3A_427 : memref<!tpu.dma_semaphore, #tpu.memory_space<semaphore_mem>>) src(%dma_wait3A_437 : memref<10240xf32, #tpu.memory_space<hbm>>) dst(%arg10 : memref<10240xf32, #tpu.memory_space<vmem>>)
      tpu.yield
    }) : () -> ()
    %scan3A_324 = arith.constant 0 : i32
    %scan3A_325 = arith.constant 0 : i32
    %scan3A_326 = arith.constant 640 : i32
    %scan3A_327 = arith.addi %scan3A_325, %scan3A_326 : i32
    %scan3A_328 = arith.constant 1 : i32
    %scan3A_329 = scf.for %scan3A_427 = %scan3A_325 to %scan3A_327 step %scan3A_328 iter_args(%scan3A_428 = %scan3A_324) -> (i32)  : i32 {
      %broadcast_in_dim3A = arith.constant 0.000000e+00 : f32
      %broadcast_in_dim3A_429 = vector.broadcast %broadcast_in_dim3A : f32 to vector<16xf32>
      %mul3A_430 = arith.constant 16 : i32
      %mul3A_431 = arith.muli %scan3A_427, %mul3A_430 : i32
      %swap3A = arith.index_cast %mul3A_431 : i32 to index
      %swap3A_432 = tpu.vector_load %arg11[%swap3A] {strides = array<i32>} : memref<10240xf32, #tpu.memory_space<vmem>>, vector<16xf32>,
      tpu.vector_store %arg11[%swap3A], %broadcast_in_dim3A_429 {strides = array<i32>} : memref<10240xf32, #tpu.memory_space<vmem>>, vector<16xf32>,
      %scan3A_433 = arith.constant 0 : i32
      scf.yield %scan3A_433 : i32
    }
    %scan3A_330 = arith.constant 640 : i32
    %mul3A_331 = arith.constant 640 : i32
    %mul3A_332 = arith.muli %arg1, %mul3A_331 : i32
    %add3A_333 = arith.constant 0 : i32
    %add3A_334 = arith.addi %mul3A_332, %add3A_333 : i32
    "tpu.region"() ({
      %run_scoped3A_427 = tpu.sem_alloc : memref<!tpu.dma_semaphore, #tpu.memory_space<semaphore_mem>>
      %dma_start3A = arith.constant 0 : i32
      %dma_start3A_428 = tpu.memref_slice %arg17[%add3A_334, %dma_start3A] : memref<10240x128xf32, #tpu.memory_space<vmem_shared>> -> memref<32x128xf32, #tpu.memory_space<vmem_shared>>
      %dma_start3A_429 = arith.constant 0 : i32
      %dma_start3A_430 = tpu.memref_slice %arg17[%add3A_334, %dma_start3A_429] : memref<10240x128xf32, #tpu.memory_space<vmem_shared>> -> memref<32x128xf32, #tpu.memory_space<vmem_shared>>
      tpu.enqueue_dma source(%arg16 : memref<32x128xf32, #tpu.memory_space<vmem>>) target(%dma_start3A_430 : memref<32x128xf32, #tpu.memory_space<vmem_shared>>) target_semaphore(%run_scoped3A_427 : memref<!tpu.dma_semaphore, #tpu.memory_space<semaphore_mem>>)
      %dma_wait3A = arith.constant 0 : i32
      %dma_wait3A_431 = tpu.memref_slice %arg17[%add3A_334, %dma_wait3A] : memref<10240x128xf32, #tpu.memory_space<vmem_shared>> -> memref<32x128xf32, #tpu.memory_space<vmem_shared>>
      %dma_wait3A_432 = arith.constant 0 : i32
      %dma_wait3A_433 = tpu.memref_slice %arg17[%add3A_334, %dma_wait3A_432] : memref<10240x128xf32, #tpu.memory_space<vmem_shared>> -> memref<32x128xf32, #tpu.memory_space<vmem_shared>>
      tpu.wait_dma2 semaphore(%run_scoped3A_427 : memref<!tpu.dma_semaphore, #tpu.memory_space<semaphore_mem>>) src(%arg16 : memref<32x128xf32, #tpu.memory_space<vmem>>) dst(%dma_wait3A_433 : memref<32x128xf32, #tpu.memory_space<vmem_shared>>)
      tpu.yield
    }) : () -> ()
    %mul3A_335 = arith.constant 640 : i32
    %mul3A_336 = arith.muli %arg1, %mul3A_335 : i32
    %add3A_337 = arith.constant 32 : i32
    %add3A_338 = arith.addi %mul3A_336, %add3A_337 : i32
    "tpu.region"() ({
      %run_scoped3A_427 = tpu.sem_alloc : memref<!tpu.dma_semaphore, #tpu.memory_space<semaphore_mem>>
      %dma_start3A = arith.constant 0 : i32
      %dma_start3A_428 = tpu.memref_slice %arg17[%add3A_338, %dma_start3A] : memref<10240x128xf32, #tpu.memory_space<vmem_shared>> -> memref<32x128xf32, #tpu.memory_space<vmem_shared>>
      %dma_start3A_429 = arith.constant 0 : i32
      %dma_start3A_430 = tpu.memref_slice %arg17[%add3A_338, %dma_start3A_429] : memref<10240x128xf32, #tpu.memory_space<vmem_shared>> -> memref<32x128xf32, #tpu.memory_space<vmem_shared>>
      tpu.enqueue_dma source(%arg16 : memref<32x128xf32, #tpu.memory_space<vmem>>) target(%dma_start3A_430 : memref<32x128xf32, #tpu.memory_space<vmem_shared>>) target_semaphore(%run_scoped3A_427 : memref<!tpu.dma_semaphore, #tpu.memory_space<semaphore_mem>>)
      %dma_wait3A = arith.constant 0 : i32
      %dma_wait3A_431 = tpu.memref_slice %arg17[%add3A_338, %dma_wait3A] : memref<10240x128xf32, #tpu.memory_space<vmem_shared>> -> memref<32x128xf32, #tpu.memory_space<vmem_shared>>
      %dma_wait3A_432 = arith.constant 0 : i32
      %dma_wait3A_433 = tpu.memref_slice %arg17[%add3A_338, %dma_wait3A_432] : memref<10240x128xf32, #tpu.memory_space<vmem_shared>> -> memref<32x128xf32, #tpu.memory_space<vmem_shared>>
      tpu.wait_dma2 semaphore(%run_scoped3A_427 : memref<!tpu.dma_semaphore, #tpu.memory_space<semaphore_mem>>) src(%arg16 : memref<32x128xf32, #tpu.memory_space<vmem>>) dst(%dma_wait3A_433 : memref<32x128xf32, #tpu.memory_space<vmem_shared>>)
      tpu.yield
    }) : () -> ()
    %mul3A_339 = arith.constant 640 : i32
    %mul3A_340 = arith.muli %arg1, %mul3A_339 : i32
    %add3A_341 = arith.constant 64 : i32
    %add3A_342 = arith.addi %mul3A_340, %add3A_341 : i32
    "tpu.region"() ({
      %run_scoped3A_427 = tpu.sem_alloc : memref<!tpu.dma_semaphore, #tpu.memory_space<semaphore_mem>>
      %dma_start3A = arith.constant 0 : i32
      %dma_start3A_428 = tpu.memref_slice %arg17[%add3A_342, %dma_start3A] : memref<10240x128xf32, #tpu.memory_space<vmem_shared>> -> memref<32x128xf32, #tpu.memory_space<vmem_shared>>
      %dma_start3A_429 = arith.constant 0 : i32
      %dma_start3A_430 = tpu.memref_slice %arg17[%add3A_342, %dma_start3A_429] : memref<10240x128xf32, #tpu.memory_space<vmem_shared>> -> memref<32x128xf32, #tpu.memory_space<vmem_shared>>
      tpu.enqueue_dma source(%arg16 : memref<32x128xf32, #tpu.memory_space<vmem>>) target(%dma_start3A_430 : memref<32x128xf32, #tpu.memory_space<vmem_shared>>) target_semaphore(%run_scoped3A_427 : memref<!tpu.dma_semaphore, #tpu.memory_space<semaphore_mem>>)
      %dma_wait3A = arith.constant 0 : i32
      %dma_wait3A_431 = tpu.memref_slice %arg17[%add3A_342, %dma_wait3A] : memref<10240x128xf32, #tpu.memory_space<vmem_shared>> -> memref<32x128xf32, #tpu.memory_space<vmem_shared>>
      %dma_wait3A_432 = arith.constant 0 : i32
      %dma_wait3A_433 = tpu.memref_slice %arg17[%add3A_342, %dma_wait3A_432] : memref<10240x128xf32, #tpu.memory_space<vmem_shared>> -> memref<32x128xf32, #tpu.memory_space<vmem_shared>>
      tpu.wait_dma2 semaphore(%run_scoped3A_427 : memref<!tpu.dma_semaphore, #tpu.memory_space<semaphore_mem>>) src(%arg16 : memref<32x128xf32, #tpu.memory_space<vmem>>) dst(%dma_wait3A_433 : memref<32x128xf32, #tpu.memory_space<vmem_shared>>)
      tpu.yield
    }) : () -> ()
    %mul3A_343 = arith.constant 640 : i32
    %mul3A_344 = arith.muli %arg1, %mul3A_343 : i32
    %add3A_345 = arith.constant 96 : i32
    %add3A_346 = arith.addi %mul3A_344, %add3A_345 : i32
    "tpu.region"() ({
      %run_scoped3A_427 = tpu.sem_alloc : memref<!tpu.dma_semaphore, #tpu.memory_space<semaphore_mem>>
      %dma_start3A = arith.constant 0 : i32
      %dma_start3A_428 = tpu.memref_slice %arg17[%add3A_346, %dma_start3A] : memref<10240x128xf32, #tpu.memory_space<vmem_shared>> -> memref<32x128xf32, #tpu.memory_space<vmem_shared>>
      %dma_start3A_429 = arith.constant 0 : i32
      %dma_start3A_430 = tpu.memref_slice %arg17[%add3A_346, %dma_start3A_429] : memref<10240x128xf32, #tpu.memory_space<vmem_shared>> -> memref<32x128xf32, #tpu.memory_space<vmem_shared>>
      tpu.enqueue_dma source(%arg16 : memref<32x128xf32, #tpu.memory_space<vmem>>) target(%dma_start3A_430 : memref<32x128xf32, #tpu.memory_space<vmem_shared>>) target_semaphore(%run_scoped3A_427 : memref<!tpu.dma_semaphore, #tpu.memory_space<semaphore_mem>>)
      %dma_wait3A = arith.constant 0 : i32
      %dma_wait3A_431 = tpu.memref_slice %arg17[%add3A_346, %dma_wait3A] : memref<10240x128xf32, #tpu.memory_space<vmem_shared>> -> memref<32x128xf32, #tpu.memory_space<vmem_shared>>
      %dma_wait3A_432 = arith.constant 0 : i32
      %dma_wait3A_433 = tpu.memref_slice %arg17[%add3A_346, %dma_wait3A_432] : memref<10240x128xf32, #tpu.memory_space<vmem_shared>> -> memref<32x128xf32, #tpu.memory_space<vmem_shared>>
      tpu.wait_dma2 semaphore(%run_scoped3A_427 : memref<!tpu.dma_semaphore, #tpu.memory_space<semaphore_mem>>) src(%arg16 : memref<32x128xf32, #tpu.memory_space<vmem>>) dst(%dma_wait3A_433 : memref<32x128xf32, #tpu.memory_space<vmem_shared>>)
      tpu.yield
    }) : () -> ()
    %mul3A_347 = arith.constant 640 : i32
    %mul3A_348 = arith.muli %arg1, %mul3A_347 : i32
    %add3A_349 = arith.constant 128 : i32
    %add3A_350 = arith.addi %mul3A_348, %add3A_349 : i32
    "tpu.region"() ({
      %run_scoped3A_427 = tpu.sem_alloc : memref<!tpu.dma_semaphore, #tpu.memory_space<semaphore_mem>>
      %dma_start3A = arith.constant 0 : i32
      %dma_start3A_428 = tpu.memref_slice %arg17[%add3A_350, %dma_start3A] : memref<10240x128xf32, #tpu.memory_space<vmem_shared>> -> memref<32x128xf32, #tpu.memory_space<vmem_shared>>
      %dma_start3A_429 = arith.constant 0 : i32
      %dma_start3A_430 = tpu.memref_slice %arg17[%add3A_350, %dma_start3A_429] : memref<10240x128xf32, #tpu.memory_space<vmem_shared>> -> memref<32x128xf32, #tpu.memory_space<vmem_shared>>
      tpu.enqueue_dma source(%arg16 : memref<32x128xf32, #tpu.memory_space<vmem>>) target(%dma_start3A_430 : memref<32x128xf32, #tpu.memory_space<vmem_shared>>) target_semaphore(%run_scoped3A_427 : memref<!tpu.dma_semaphore, #tpu.memory_space<semaphore_mem>>)
      %dma_wait3A = arith.constant 0 : i32
      %dma_wait3A_431 = tpu.memref_slice %arg17[%add3A_350, %dma_wait3A] : memref<10240x128xf32, #tpu.memory_space<vmem_shared>> -> memref<32x128xf32, #tpu.memory_space<vmem_shared>>
      %dma_wait3A_432 = arith.constant 0 : i32
      %dma_wait3A_433 = tpu.memref_slice %arg17[%add3A_350, %dma_wait3A_432] : memref<10240x128xf32, #tpu.memory_space<vmem_shared>> -> memref<32x128xf32, #tpu.memory_space<vmem_shared>>
      tpu.wait_dma2 semaphore(%run_scoped3A_427 : memref<!tpu.dma_semaphore, #tpu.memory_space<semaphore_mem>>) src(%arg16 : memref<32x128xf32, #tpu.memory_space<vmem>>) dst(%dma_wait3A_433 : memref<32x128xf32, #tpu.memory_space<vmem_shared>>)
      tpu.yield
    }) : () -> ()
    %mul3A_351 = arith.constant 640 : i32
    %mul3A_352 = arith.muli %arg1, %mul3A_351 : i32
    %add3A_353 = arith.constant 160 : i32
    %add3A_354 = arith.addi %mul3A_352, %add3A_353 : i32
    "tpu.region"() ({
      %run_scoped3A_427 = tpu.sem_alloc : memref<!tpu.dma_semaphore, #tpu.memory_space<semaphore_mem>>
      %dma_start3A = arith.constant 0 : i32
      %dma_start3A_428 = tpu.memref_slice %arg17[%add3A_354, %dma_start3A] : memref<10240x128xf32, #tpu.memory_space<vmem_shared>> -> memref<32x128xf32, #tpu.memory_space<vmem_shared>>
      %dma_start3A_429 = arith.constant 0 : i32
      %dma_start3A_430 = tpu.memref_slice %arg17[%add3A_354, %dma_start3A_429] : memref<10240x128xf32, #tpu.memory_space<vmem_shared>> -> memref<32x128xf32, #tpu.memory_space<vmem_shared>>
      tpu.enqueue_dma source(%arg16 : memref<32x128xf32, #tpu.memory_space<vmem>>) target(%dma_start3A_430 : memref<32x128xf32, #tpu.memory_space<vmem_shared>>) target_semaphore(%run_scoped3A_427 : memref<!tpu.dma_semaphore, #tpu.memory_space<semaphore_mem>>)
      %dma_wait3A = arith.constant 0 : i32
      %dma_wait3A_431 = tpu.memref_slice %arg17[%add3A_354, %dma_wait3A] : memref<10240x128xf32, #tpu.memory_space<vmem_shared>> -> memref<32x128xf32, #tpu.memory_space<vmem_shared>>
      %dma_wait3A_432 = arith.constant 0 : i32
      %dma_wait3A_433 = tpu.memref_slice %arg17[%add3A_354, %dma_wait3A_432] : memref<10240x128xf32, #tpu.memory_space<vmem_shared>> -> memref<32x128xf32, #tpu.memory_space<vmem_shared>>
      tpu.wait_dma2 semaphore(%run_scoped3A_427 : memref<!tpu.dma_semaphore, #tpu.memory_space<semaphore_mem>>) src(%arg16 : memref<32x128xf32, #tpu.memory_space<vmem>>) dst(%dma_wait3A_433 : memref<32x128xf32, #tpu.memory_space<vmem_shared>>)
      tpu.yield
    }) : () -> ()
    %mul3A_355 = arith.constant 640 : i32
    %mul3A_356 = arith.muli %arg1, %mul3A_355 : i32
    %add3A_357 = arith.constant 192 : i32
    %add3A_358 = arith.addi %mul3A_356, %add3A_357 : i32
    "tpu.region"() ({
      %run_scoped3A_427 = tpu.sem_alloc : memref<!tpu.dma_semaphore, #tpu.memory_space<semaphore_mem>>
      %dma_start3A = arith.constant 0 : i32
      %dma_start3A_428 = tpu.memref_slice %arg17[%add3A_358, %dma_start3A] : memref<10240x128xf32, #tpu.memory_space<vmem_shared>> -> memref<32x128xf32, #tpu.memory_space<vmem_shared>>
      %dma_start3A_429 = arith.constant 0 : i32
      %dma_start3A_430 = tpu.memref_slice %arg17[%add3A_358, %dma_start3A_429] : memref<10240x128xf32, #tpu.memory_space<vmem_shared>> -> memref<32x128xf32, #tpu.memory_space<vmem_shared>>
      tpu.enqueue_dma source(%arg16 : memref<32x128xf32, #tpu.memory_space<vmem>>) target(%dma_start3A_430 : memref<32x128xf32, #tpu.memory_space<vmem_shared>>) target_semaphore(%run_scoped3A_427 : memref<!tpu.dma_semaphore, #tpu.memory_space<semaphore_mem>>)
      %dma_wait3A = arith.constant 0 : i32
      %dma_wait3A_431 = tpu.memref_slice %arg17[%add3A_358, %dma_wait3A] : memref<10240x128xf32, #tpu.memory_space<vmem_shared>> -> memref<32x128xf32, #tpu.memory_space<vmem_shared>>
      %dma_wait3A_432 = arith.constant 0 : i32
      %dma_wait3A_433 = tpu.memref_slice %arg17[%add3A_358, %dma_wait3A_432] : memref<10240x128xf32, #tpu.memory_space<vmem_shared>> -> memref<32x128xf32, #tpu.memory_space<vmem_shared>>
      tpu.wait_dma2 semaphore(%run_scoped3A_427 : memref<!tpu.dma_semaphore, #tpu.memory_space<semaphore_mem>>) src(%arg16 : memref<32x128xf32, #tpu.memory_space<vmem>>) dst(%dma_wait3A_433 : memref<32x128xf32, #tpu.memory_space<vmem_shared>>)
      tpu.yield
    }) : () -> ()
    %mul3A_359 = arith.constant 640 : i32
    %mul3A_360 = arith.muli %arg1, %mul3A_359 : i32
    %add3A_361 = arith.constant 224 : i32
    %add3A_362 = arith.addi %mul3A_360, %add3A_361 : i32
    "tpu.region"() ({
      %run_scoped3A_427 = tpu.sem_alloc : memref<!tpu.dma_semaphore, #tpu.memory_space<semaphore_mem>>
      %dma_start3A = arith.constant 0 : i32
      %dma_start3A_428 = tpu.memref_slice %arg17[%add3A_362, %dma_start3A] : memref<10240x128xf32, #tpu.memory_space<vmem_shared>> -> memref<32x128xf32, #tpu.memory_space<vmem_shared>>
      %dma_start3A_429 = arith.constant 0 : i32
      %dma_start3A_430 = tpu.memref_slice %arg17[%add3A_362, %dma_start3A_429] : memref<10240x128xf32, #tpu.memory_space<vmem_shared>> -> memref<32x128xf32, #tpu.memory_space<vmem_shared>>
      tpu.enqueue_dma source(%arg16 : memref<32x128xf32, #tpu.memory_space<vmem>>) target(%dma_start3A_430 : memref<32x128xf32, #tpu.memory_space<vmem_shared>>) target_semaphore(%run_scoped3A_427 : memref<!tpu.dma_semaphore, #tpu.memory_space<semaphore_mem>>)
      %dma_wait3A = arith.constant 0 : i32
      %dma_wait3A_431 = tpu.memref_slice %arg17[%add3A_362, %dma_wait3A] : memref<10240x128xf32, #tpu.memory_space<vmem_shared>> -> memref<32x128xf32, #tpu.memory_space<vmem_shared>>
      %dma_wait3A_432 = arith.constant 0 : i32
      %dma_wait3A_433 = tpu.memref_slice %arg17[%add3A_362, %dma_wait3A_432] : memref<10240x128xf32, #tpu.memory_space<vmem_shared>> -> memref<32x128xf32, #tpu.memory_space<vmem_shared>>
      tpu.wait_dma2 semaphore(%run_scoped3A_427 : memref<!tpu.dma_semaphore, #tpu.memory_space<semaphore_mem>>) src(%arg16 : memref<32x128xf32, #tpu.memory_space<vmem>>) dst(%dma_wait3A_433 : memref<32x128xf32, #tpu.memory_space<vmem_shared>>)
      tpu.yield
    }) : () -> ()
    %mul3A_363 = arith.constant 640 : i32
    %mul3A_364 = arith.muli %arg1, %mul3A_363 : i32
    %add3A_365 = arith.constant 256 : i32
    %add3A_366 = arith.addi %mul3A_364, %add3A_365 : i32
    "tpu.region"() ({
      %run_scoped3A_427 = tpu.sem_alloc : memref<!tpu.dma_semaphore, #tpu.memory_space<semaphore_mem>>
      %dma_start3A = arith.constant 0 : i32
      %dma_start3A_428 = tpu.memref_slice %arg17[%add3A_366, %dma_start3A] : memref<10240x128xf32, #tpu.memory_space<vmem_shared>> -> memref<32x128xf32, #tpu.memory_space<vmem_shared>>
      %dma_start3A_429 = arith.constant 0 : i32
      %dma_start3A_430 = tpu.memref_slice %arg17[%add3A_366, %dma_start3A_429] : memref<10240x128xf32, #tpu.memory_space<vmem_shared>> -> memref<32x128xf32, #tpu.memory_space<vmem_shared>>
      tpu.enqueue_dma source(%arg16 : memref<32x128xf32, #tpu.memory_space<vmem>>) target(%dma_start3A_430 : memref<32x128xf32, #tpu.memory_space<vmem_shared>>) target_semaphore(%run_scoped3A_427 : memref<!tpu.dma_semaphore, #tpu.memory_space<semaphore_mem>>)
      %dma_wait3A = arith.constant 0 : i32
      %dma_wait3A_431 = tpu.memref_slice %arg17[%add3A_366, %dma_wait3A] : memref<10240x128xf32, #tpu.memory_space<vmem_shared>> -> memref<32x128xf32, #tpu.memory_space<vmem_shared>>
      %dma_wait3A_432 = arith.constant 0 : i32
      %dma_wait3A_433 = tpu.memref_slice %arg17[%add3A_366, %dma_wait3A_432] : memref<10240x128xf32, #tpu.memory_space<vmem_shared>> -> memref<32x128xf32, #tpu.memory_space<vmem_shared>>
      tpu.wait_dma2 semaphore(%run_scoped3A_427 : memref<!tpu.dma_semaphore, #tpu.memory_space<semaphore_mem>>) src(%arg16 : memref<32x128xf32, #tpu.memory_space<vmem>>) dst(%dma_wait3A_433 : memref<32x128xf32, #tpu.memory_space<vmem_shared>>)
      tpu.yield
    }) : () -> ()
    %mul3A_367 = arith.constant 640 : i32
    %mul3A_368 = arith.muli %arg1, %mul3A_367 : i32
    %add3A_369 = arith.constant 288 : i32
    %add3A_370 = arith.addi %mul3A_368, %add3A_369 : i32
    "tpu.region"() ({
      %run_scoped3A_427 = tpu.sem_alloc : memref<!tpu.dma_semaphore, #tpu.memory_space<semaphore_mem>>
      %dma_start3A = arith.constant 0 : i32
      %dma_start3A_428 = tpu.memref_slice %arg17[%add3A_370, %dma_start3A] : memref<10240x128xf32, #tpu.memory_space<vmem_shared>> -> memref<32x128xf32, #tpu.memory_space<vmem_shared>>
      %dma_start3A_429 = arith.constant 0 : i32
      %dma_start3A_430 = tpu.memref_slice %arg17[%add3A_370, %dma_start3A_429] : memref<10240x128xf32, #tpu.memory_space<vmem_shared>> -> memref<32x128xf32, #tpu.memory_space<vmem_shared>>
      tpu.enqueue_dma source(%arg16 : memref<32x128xf32, #tpu.memory_space<vmem>>) target(%dma_start3A_430 : memref<32x128xf32, #tpu.memory_space<vmem_shared>>) target_semaphore(%run_scoped3A_427 : memref<!tpu.dma_semaphore, #tpu.memory_space<semaphore_mem>>)
      %dma_wait3A = arith.constant 0 : i32
      %dma_wait3A_431 = tpu.memref_slice %arg17[%add3A_370, %dma_wait3A] : memref<10240x128xf32, #tpu.memory_space<vmem_shared>> -> memref<32x128xf32, #tpu.memory_space<vmem_shared>>
      %dma_wait3A_432 = arith.constant 0 : i32
      %dma_wait3A_433 = tpu.memref_slice %arg17[%add3A_370, %dma_wait3A_432] : memref<10240x128xf32, #tpu.memory_space<vmem_shared>> -> memref<32x128xf32, #tpu.memory_space<vmem_shared>>
      tpu.wait_dma2 semaphore(%run_scoped3A_427 : memref<!tpu.dma_semaphore, #tpu.memory_space<semaphore_mem>>) src(%arg16 : memref<32x128xf32, #tpu.memory_space<vmem>>) dst(%dma_wait3A_433 : memref<32x128xf32, #tpu.memory_space<vmem_shared>>)
      tpu.yield
    }) : () -> ()
    %mul3A_371 = arith.constant 640 : i32
    %mul3A_372 = arith.muli %arg1, %mul3A_371 : i32
    %add3A_373 = arith.constant 320 : i32
    %add3A_374 = arith.addi %mul3A_372, %add3A_373 : i32
    "tpu.region"() ({
      %run_scoped3A_427 = tpu.sem_alloc : memref<!tpu.dma_semaphore, #tpu.memory_space<semaphore_mem>>
      %dma_start3A = arith.constant 0 : i32
      %dma_start3A_428 = tpu.memref_slice %arg17[%add3A_374, %dma_start3A] : memref<10240x128xf32, #tpu.memory_space<vmem_shared>> -> memref<32x128xf32, #tpu.memory_space<vmem_shared>>
      %dma_start3A_429 = arith.constant 0 : i32
      %dma_start3A_430 = tpu.memref_slice %arg17[%add3A_374, %dma_start3A_429] : memref<10240x128xf32, #tpu.memory_space<vmem_shared>> -> memref<32x128xf32, #tpu.memory_space<vmem_shared>>
      tpu.enqueue_dma source(%arg16 : memref<32x128xf32, #tpu.memory_space<vmem>>) target(%dma_start3A_430 : memref<32x128xf32, #tpu.memory_space<vmem_shared>>) target_semaphore(%run_scoped3A_427 : memref<!tpu.dma_semaphore, #tpu.memory_space<semaphore_mem>>)
      %dma_wait3A = arith.constant 0 : i32
      %dma_wait3A_431 = tpu.memref_slice %arg17[%add3A_374, %dma_wait3A] : memref<10240x128xf32, #tpu.memory_space<vmem_shared>> -> memref<32x128xf32, #tpu.memory_space<vmem_shared>>
      %dma_wait3A_432 = arith.constant 0 : i32
      %dma_wait3A_433 = tpu.memref_slice %arg17[%add3A_374, %dma_wait3A_432] : memref<10240x128xf32, #tpu.memory_space<vmem_shared>> -> memref<32x128xf32, #tpu.memory_space<vmem_shared>>
      tpu.wait_dma2 semaphore(%run_scoped3A_427 : memref<!tpu.dma_semaphore, #tpu.memory_space<semaphore_mem>>) src(%arg16 : memref<32x128xf32, #tpu.memory_space<vmem>>) dst(%dma_wait3A_433 : memref<32x128xf32, #tpu.memory_space<vmem_shared>>)
      tpu.yield
    }) : () -> ()
    %mul3A_375 = arith.constant 640 : i32
    %mul3A_376 = arith.muli %arg1, %mul3A_375 : i32
    %add3A_377 = arith.constant 352 : i32
    %add3A_378 = arith.addi %mul3A_376, %add3A_377 : i32
    "tpu.region"() ({
      %run_scoped3A_427 = tpu.sem_alloc : memref<!tpu.dma_semaphore, #tpu.memory_space<semaphore_mem>>
      %dma_start3A = arith.constant 0 : i32
      %dma_start3A_428 = tpu.memref_slice %arg17[%add3A_378, %dma_start3A] : memref<10240x128xf32, #tpu.memory_space<vmem_shared>> -> memref<32x128xf32, #tpu.memory_space<vmem_shared>>
      %dma_start3A_429 = arith.constant 0 : i32
      %dma_start3A_430 = tpu.memref_slice %arg17[%add3A_378, %dma_start3A_429] : memref<10240x128xf32, #tpu.memory_space<vmem_shared>> -> memref<32x128xf32, #tpu.memory_space<vmem_shared>>
      tpu.enqueue_dma source(%arg16 : memref<32x128xf32, #tpu.memory_space<vmem>>) target(%dma_start3A_430 : memref<32x128xf32, #tpu.memory_space<vmem_shared>>) target_semaphore(%run_scoped3A_427 : memref<!tpu.dma_semaphore, #tpu.memory_space<semaphore_mem>>)
      %dma_wait3A = arith.constant 0 : i32
      %dma_wait3A_431 = tpu.memref_slice %arg17[%add3A_378, %dma_wait3A] : memref<10240x128xf32, #tpu.memory_space<vmem_shared>> -> memref<32x128xf32, #tpu.memory_space<vmem_shared>>
      %dma_wait3A_432 = arith.constant 0 : i32
      %dma_wait3A_433 = tpu.memref_slice %arg17[%add3A_378, %dma_wait3A_432] : memref<10240x128xf32, #tpu.memory_space<vmem_shared>> -> memref<32x128xf32, #tpu.memory_space<vmem_shared>>
      tpu.wait_dma2 semaphore(%run_scoped3A_427 : memref<!tpu.dma_semaphore, #tpu.memory_space<semaphore_mem>>) src(%arg16 : memref<32x128xf32, #tpu.memory_space<vmem>>) dst(%dma_wait3A_433 : memref<32x128xf32, #tpu.memory_space<vmem_shared>>)
      tpu.yield
    }) : () -> ()
    %mul3A_379 = arith.constant 640 : i32
    %mul3A_380 = arith.muli %arg1, %mul3A_379 : i32
    %add3A_381 = arith.constant 384 : i32
    %add3A_382 = arith.addi %mul3A_380, %add3A_381 : i32
    "tpu.region"() ({
      %run_scoped3A_427 = tpu.sem_alloc : memref<!tpu.dma_semaphore, #tpu.memory_space<semaphore_mem>>
      %dma_start3A = arith.constant 0 : i32
      %dma_start3A_428 = tpu.memref_slice %arg17[%add3A_382, %dma_start3A] : memref<10240x128xf32, #tpu.memory_space<vmem_shared>> -> memref<32x128xf32, #tpu.memory_space<vmem_shared>>
      %dma_start3A_429 = arith.constant 0 : i32
      %dma_start3A_430 = tpu.memref_slice %arg17[%add3A_382, %dma_start3A_429] : memref<10240x128xf32, #tpu.memory_space<vmem_shared>> -> memref<32x128xf32, #tpu.memory_space<vmem_shared>>
      tpu.enqueue_dma source(%arg16 : memref<32x128xf32, #tpu.memory_space<vmem>>) target(%dma_start3A_430 : memref<32x128xf32, #tpu.memory_space<vmem_shared>>) target_semaphore(%run_scoped3A_427 : memref<!tpu.dma_semaphore, #tpu.memory_space<semaphore_mem>>)
      %dma_wait3A = arith.constant 0 : i32
      %dma_wait3A_431 = tpu.memref_slice %arg17[%add3A_382, %dma_wait3A] : memref<10240x128xf32, #tpu.memory_space<vmem_shared>> -> memref<32x128xf32, #tpu.memory_space<vmem_shared>>
      %dma_wait3A_432 = arith.constant 0 : i32
      %dma_wait3A_433 = tpu.memref_slice %arg17[%add3A_382, %dma_wait3A_432] : memref<10240x128xf32, #tpu.memory_space<vmem_shared>> -> memref<32x128xf32, #tpu.memory_space<vmem_shared>>
      tpu.wait_dma2 semaphore(%run_scoped3A_427 : memref<!tpu.dma_semaphore, #tpu.memory_space<semaphore_mem>>) src(%arg16 : memref<32x128xf32, #tpu.memory_space<vmem>>) dst(%dma_wait3A_433 : memref<32x128xf32, #tpu.memory_space<vmem_shared>>)
      tpu.yield
    }) : () -> ()
    %mul3A_383 = arith.constant 640 : i32
    %mul3A_384 = arith.muli %arg1, %mul3A_383 : i32
    %add3A_385 = arith.constant 416 : i32
    %add3A_386 = arith.addi %mul3A_384, %add3A_385 : i32
    "tpu.region"() ({
      %run_scoped3A_427 = tpu.sem_alloc : memref<!tpu.dma_semaphore, #tpu.memory_space<semaphore_mem>>
      %dma_start3A = arith.constant 0 : i32
      %dma_start3A_428 = tpu.memref_slice %arg17[%add3A_386, %dma_start3A] : memref<10240x128xf32, #tpu.memory_space<vmem_shared>> -> memref<32x128xf32, #tpu.memory_space<vmem_shared>>
      %dma_start3A_429 = arith.constant 0 : i32
      %dma_start3A_430 = tpu.memref_slice %arg17[%add3A_386, %dma_start3A_429] : memref<10240x128xf32, #tpu.memory_space<vmem_shared>> -> memref<32x128xf32, #tpu.memory_space<vmem_shared>>
      tpu.enqueue_dma source(%arg16 : memref<32x128xf32, #tpu.memory_space<vmem>>) target(%dma_start3A_430 : memref<32x128xf32, #tpu.memory_space<vmem_shared>>) target_semaphore(%run_scoped3A_427 : memref<!tpu.dma_semaphore, #tpu.memory_space<semaphore_mem>>)
      %dma_wait3A = arith.constant 0 : i32
      %dma_wait3A_431 = tpu.memref_slice %arg17[%add3A_386, %dma_wait3A] : memref<10240x128xf32, #tpu.memory_space<vmem_shared>> -> memref<32x128xf32, #tpu.memory_space<vmem_shared>>
      %dma_wait3A_432 = arith.constant 0 : i32
      %dma_wait3A_433 = tpu.memref_slice %arg17[%add3A_386, %dma_wait3A_432] : memref<10240x128xf32, #tpu.memory_space<vmem_shared>> -> memref<32x128xf32, #tpu.memory_space<vmem_shared>>
      tpu.wait_dma2 semaphore(%run_scoped3A_427 : memref<!tpu.dma_semaphore, #tpu.memory_space<semaphore_mem>>) src(%arg16 : memref<32x128xf32, #tpu.memory_space<vmem>>) dst(%dma_wait3A_433 : memref<32x128xf32, #tpu.memory_space<vmem_shared>>)
      tpu.yield
    }) : () -> ()
    %mul3A_387 = arith.constant 640 : i32
    %mul3A_388 = arith.muli %arg1, %mul3A_387 : i32
    %add3A_389 = arith.constant 448 : i32
    %add3A_390 = arith.addi %mul3A_388, %add3A_389 : i32
    "tpu.region"() ({
      %run_scoped3A_427 = tpu.sem_alloc : memref<!tpu.dma_semaphore, #tpu.memory_space<semaphore_mem>>
      %dma_start3A = arith.constant 0 : i32
      %dma_start3A_428 = tpu.memref_slice %arg17[%add3A_390, %dma_start3A] : memref<10240x128xf32, #tpu.memory_space<vmem_shared>> -> memref<32x128xf32, #tpu.memory_space<vmem_shared>>
      %dma_start3A_429 = arith.constant 0 : i32
      %dma_start3A_430 = tpu.memref_slice %arg17[%add3A_390, %dma_start3A_429] : memref<10240x128xf32, #tpu.memory_space<vmem_shared>> -> memref<32x128xf32, #tpu.memory_space<vmem_shared>>
      tpu.enqueue_dma source(%arg16 : memref<32x128xf32, #tpu.memory_space<vmem>>) target(%dma_start3A_430 : memref<32x128xf32, #tpu.memory_space<vmem_shared>>) target_semaphore(%run_scoped3A_427 : memref<!tpu.dma_semaphore, #tpu.memory_space<semaphore_mem>>)
      %dma_wait3A = arith.constant 0 : i32
      %dma_wait3A_431 = tpu.memref_slice %arg17[%add3A_390, %dma_wait3A] : memref<10240x128xf32, #tpu.memory_space<vmem_shared>> -> memref<32x128xf32, #tpu.memory_space<vmem_shared>>
      %dma_wait3A_432 = arith.constant 0 : i32
      %dma_wait3A_433 = tpu.memref_slice %arg17[%add3A_390, %dma_wait3A_432] : memref<10240x128xf32, #tpu.memory_space<vmem_shared>> -> memref<32x128xf32, #tpu.memory_space<vmem_shared>>
      tpu.wait_dma2 semaphore(%run_scoped3A_427 : memref<!tpu.dma_semaphore, #tpu.memory_space<semaphore_mem>>) src(%arg16 : memref<32x128xf32, #tpu.memory_space<vmem>>) dst(%dma_wait3A_433 : memref<32x128xf32, #tpu.memory_space<vmem_shared>>)
      tpu.yield
    }) : () -> ()
    %mul3A_391 = arith.constant 640 : i32
    %mul3A_392 = arith.muli %arg1, %mul3A_391 : i32
    %add3A_393 = arith.constant 480 : i32
    %add3A_394 = arith.addi %mul3A_392, %add3A_393 : i32
    "tpu.region"() ({
      %run_scoped3A_427 = tpu.sem_alloc : memref<!tpu.dma_semaphore, #tpu.memory_space<semaphore_mem>>
      %dma_start3A = arith.constant 0 : i32
      %dma_start3A_428 = tpu.memref_slice %arg17[%add3A_394, %dma_start3A] : memref<10240x128xf32, #tpu.memory_space<vmem_shared>> -> memref<32x128xf32, #tpu.memory_space<vmem_shared>>
      %dma_start3A_429 = arith.constant 0 : i32
      %dma_start3A_430 = tpu.memref_slice %arg17[%add3A_394, %dma_start3A_429] : memref<10240x128xf32, #tpu.memory_space<vmem_shared>> -> memref<32x128xf32, #tpu.memory_space<vmem_shared>>
      tpu.enqueue_dma source(%arg16 : memref<32x128xf32, #tpu.memory_space<vmem>>) target(%dma_start3A_430 : memref<32x128xf32, #tpu.memory_space<vmem_shared>>) target_semaphore(%run_scoped3A_427 : memref<!tpu.dma_semaphore, #tpu.memory_space<semaphore_mem>>)
      %dma_wait3A = arith.constant 0 : i32
      %dma_wait3A_431 = tpu.memref_slice %arg17[%add3A_394, %dma_wait3A] : memref<10240x128xf32, #tpu.memory_space<vmem_shared>> -> memref<32x128xf32, #tpu.memory_space<vmem_shared>>
      %dma_wait3A_432 = arith.constant 0 : i32
      %dma_wait3A_433 = tpu.memref_slice %arg17[%add3A_394, %dma_wait3A_432] : memref<10240x128xf32, #tpu.memory_space<vmem_shared>> -> memref<32x128xf32, #tpu.memory_space<vmem_shared>>
      tpu.wait_dma2 semaphore(%run_scoped3A_427 : memref<!tpu.dma_semaphore, #tpu.memory_space<semaphore_mem>>) src(%arg16 : memref<32x128xf32, #tpu.memory_space<vmem>>) dst(%dma_wait3A_433 : memref<32x128xf32, #tpu.memory_space<vmem_shared>>)
      tpu.yield
    }) : () -> ()
    %mul3A_395 = arith.constant 640 : i32
    %mul3A_396 = arith.muli %arg1, %mul3A_395 : i32
    %add3A_397 = arith.constant 512 : i32
    %add3A_398 = arith.addi %mul3A_396, %add3A_397 : i32
    "tpu.region"() ({
      %run_scoped3A_427 = tpu.sem_alloc : memref<!tpu.dma_semaphore, #tpu.memory_space<semaphore_mem>>
      %dma_start3A = arith.constant 0 : i32
      %dma_start3A_428 = tpu.memref_slice %arg17[%add3A_398, %dma_start3A] : memref<10240x128xf32, #tpu.memory_space<vmem_shared>> -> memref<32x128xf32, #tpu.memory_space<vmem_shared>>
      %dma_start3A_429 = arith.constant 0 : i32
      %dma_start3A_430 = tpu.memref_slice %arg17[%add3A_398, %dma_start3A_429] : memref<10240x128xf32, #tpu.memory_space<vmem_shared>> -> memref<32x128xf32, #tpu.memory_space<vmem_shared>>
      tpu.enqueue_dma source(%arg16 : memref<32x128xf32, #tpu.memory_space<vmem>>) target(%dma_start3A_430 : memref<32x128xf32, #tpu.memory_space<vmem_shared>>) target_semaphore(%run_scoped3A_427 : memref<!tpu.dma_semaphore, #tpu.memory_space<semaphore_mem>>)
      %dma_wait3A = arith.constant 0 : i32
      %dma_wait3A_431 = tpu.memref_slice %arg17[%add3A_398, %dma_wait3A] : memref<10240x128xf32, #tpu.memory_space<vmem_shared>> -> memref<32x128xf32, #tpu.memory_space<vmem_shared>>
      %dma_wait3A_432 = arith.constant 0 : i32
      %dma_wait3A_433 = tpu.memref_slice %arg17[%add3A_398, %dma_wait3A_432] : memref<10240x128xf32, #tpu.memory_space<vmem_shared>> -> memref<32x128xf32, #tpu.memory_space<vmem_shared>>
      tpu.wait_dma2 semaphore(%run_scoped3A_427 : memref<!tpu.dma_semaphore, #tpu.memory_space<semaphore_mem>>) src(%arg16 : memref<32x128xf32, #tpu.memory_space<vmem>>) dst(%dma_wait3A_433 : memref<32x128xf32, #tpu.memory_space<vmem_shared>>)
      tpu.yield
    }) : () -> ()
    %mul3A_399 = arith.constant 640 : i32
    %mul3A_400 = arith.muli %arg1, %mul3A_399 : i32
    %add3A_401 = arith.constant 544 : i32
    %add3A_402 = arith.addi %mul3A_400, %add3A_401 : i32
    "tpu.region"() ({
      %run_scoped3A_427 = tpu.sem_alloc : memref<!tpu.dma_semaphore, #tpu.memory_space<semaphore_mem>>
      %dma_start3A = arith.constant 0 : i32
      %dma_start3A_428 = tpu.memref_slice %arg17[%add3A_402, %dma_start3A] : memref<10240x128xf32, #tpu.memory_space<vmem_shared>> -> memref<32x128xf32, #tpu.memory_space<vmem_shared>>
      %dma_start3A_429 = arith.constant 0 : i32
      %dma_start3A_430 = tpu.memref_slice %arg17[%add3A_402, %dma_start3A_429] : memref<10240x128xf32, #tpu.memory_space<vmem_shared>> -> memref<32x128xf32, #tpu.memory_space<vmem_shared>>
      tpu.enqueue_dma source(%arg16 : memref<32x128xf32, #tpu.memory_space<vmem>>) target(%dma_start3A_430 : memref<32x128xf32, #tpu.memory_space<vmem_shared>>) target_semaphore(%run_scoped3A_427 : memref<!tpu.dma_semaphore, #tpu.memory_space<semaphore_mem>>)
      %dma_wait3A = arith.constant 0 : i32
      %dma_wait3A_431 = tpu.memref_slice %arg17[%add3A_402, %dma_wait3A] : memref<10240x128xf32, #tpu.memory_space<vmem_shared>> -> memref<32x128xf32, #tpu.memory_space<vmem_shared>>
      %dma_wait3A_432 = arith.constant 0 : i32
      %dma_wait3A_433 = tpu.memref_slice %arg17[%add3A_402, %dma_wait3A_432] : memref<10240x128xf32, #tpu.memory_space<vmem_shared>> -> memref<32x128xf32, #tpu.memory_space<vmem_shared>>
      tpu.wait_dma2 semaphore(%run_scoped3A_427 : memref<!tpu.dma_semaphore, #tpu.memory_space<semaphore_mem>>) src(%arg16 : memref<32x128xf32, #tpu.memory_space<vmem>>) dst(%dma_wait3A_433 : memref<32x128xf32, #tpu.memory_space<vmem_shared>>)
      tpu.yield
    }) : () -> ()
    %mul3A_403 = arith.constant 640 : i32
    %mul3A_404 = arith.muli %arg1, %mul3A_403 : i32
    %add3A_405 = arith.constant 576 : i32
    %add3A_406 = arith.addi %mul3A_404, %add3A_405 : i32
    "tpu.region"() ({
      %run_scoped3A_427 = tpu.sem_alloc : memref<!tpu.dma_semaphore, #tpu.memory_space<semaphore_mem>>
      %dma_start3A = arith.constant 0 : i32
      %dma_start3A_428 = tpu.memref_slice %arg17[%add3A_406, %dma_start3A] : memref<10240x128xf32, #tpu.memory_space<vmem_shared>> -> memref<32x128xf32, #tpu.memory_space<vmem_shared>>
      %dma_start3A_429 = arith.constant 0 : i32
      %dma_start3A_430 = tpu.memref_slice %arg17[%add3A_406, %dma_start3A_429] : memref<10240x128xf32, #tpu.memory_space<vmem_shared>> -> memref<32x128xf32, #tpu.memory_space<vmem_shared>>
      tpu.enqueue_dma source(%arg16 : memref<32x128xf32, #tpu.memory_space<vmem>>) target(%dma_start3A_430 : memref<32x128xf32, #tpu.memory_space<vmem_shared>>) target_semaphore(%run_scoped3A_427 : memref<!tpu.dma_semaphore, #tpu.memory_space<semaphore_mem>>)
      %dma_wait3A = arith.constant 0 : i32
      %dma_wait3A_431 = tpu.memref_slice %arg17[%add3A_406, %dma_wait3A] : memref<10240x128xf32, #tpu.memory_space<vmem_shared>> -> memref<32x128xf32, #tpu.memory_space<vmem_shared>>
      %dma_wait3A_432 = arith.constant 0 : i32
      %dma_wait3A_433 = tpu.memref_slice %arg17[%add3A_406, %dma_wait3A_432] : memref<10240x128xf32, #tpu.memory_space<vmem_shared>> -> memref<32x128xf32, #tpu.memory_space<vmem_shared>>
      tpu.wait_dma2 semaphore(%run_scoped3A_427 : memref<!tpu.dma_semaphore, #tpu.memory_space<semaphore_mem>>) src(%arg16 : memref<32x128xf32, #tpu.memory_space<vmem>>) dst(%dma_wait3A_433 : memref<32x128xf32, #tpu.memory_space<vmem_shared>>)
      tpu.yield
    }) : () -> ()
    %mul3A_407 = arith.constant 640 : i32
    %mul3A_408 = arith.muli %arg1, %mul3A_407 : i32
    %add3A_409 = arith.constant 608 : i32
    %add3A_410 = arith.addi %mul3A_408, %add3A_409 : i32
    "tpu.region"() ({
      %run_scoped3A_427 = tpu.sem_alloc : memref<!tpu.dma_semaphore, #tpu.memory_space<semaphore_mem>>
      %dma_start3A = arith.constant 0 : i32
      %dma_start3A_428 = tpu.memref_slice %arg17[%add3A_410, %dma_start3A] : memref<10240x128xf32, #tpu.memory_space<vmem_shared>> -> memref<32x128xf32, #tpu.memory_space<vmem_shared>>
      %dma_start3A_429 = arith.constant 0 : i32
      %dma_start3A_430 = tpu.memref_slice %arg17[%add3A_410, %dma_start3A_429] : memref<10240x128xf32, #tpu.memory_space<vmem_shared>> -> memref<32x128xf32, #tpu.memory_space<vmem_shared>>
      tpu.enqueue_dma source(%arg16 : memref<32x128xf32, #tpu.memory_space<vmem>>) target(%dma_start3A_430 : memref<32x128xf32, #tpu.memory_space<vmem_shared>>) target_semaphore(%run_scoped3A_427 : memref<!tpu.dma_semaphore, #tpu.memory_space<semaphore_mem>>)
      %dma_wait3A = arith.constant 0 : i32
      %dma_wait3A_431 = tpu.memref_slice %arg17[%add3A_410, %dma_wait3A] : memref<10240x128xf32, #tpu.memory_space<vmem_shared>> -> memref<32x128xf32, #tpu.memory_space<vmem_shared>>
      %dma_wait3A_432 = arith.constant 0 : i32
      %dma_wait3A_433 = tpu.memref_slice %arg17[%add3A_410, %dma_wait3A_432] : memref<10240x128xf32, #tpu.memory_space<vmem_shared>> -> memref<32x128xf32, #tpu.memory_space<vmem_shared>>
      tpu.wait_dma2 semaphore(%run_scoped3A_427 : memref<!tpu.dma_semaphore, #tpu.memory_space<semaphore_mem>>) src(%arg16 : memref<32x128xf32, #tpu.memory_space<vmem>>) dst(%dma_wait3A_433 : memref<32x128xf32, #tpu.memory_space<vmem_shared>>)
      tpu.yield
    }) : () -> ()
    %barrier3A_411 = arith.constant 0 : index
    tpu.barrier barrier_id(%barrier3A_411)
    %scan3A_412 = arith.constant 0 : i32
    %scan3A_413 = arith.constant 0 : i32
    %scan3A_414 = arith.constant 162 : i32
    %scan3A_415 = arith.addi %scan3A_413, %scan3A_414 : i32
    %scan3A_416 = arith.constant 1 : i32
    %scan3A_417 = scf.for %scan3A_427 = %scan3A_413 to %scan3A_415 step %scan3A_416 iter_args(%scan3A_428 = %scan3A_412) -> (i32)  : i32 {
      %mul3A_429 = arith.constant 64 : i32
      %mul3A_430 = arith.muli %scan3A_427, %mul3A_429 : i32
      %add3A_431 = arith.addi %mul3A_2, %mul3A_430 : i32
      %run_scoped3A_432 = arith.constant 3 : i32
      "tpu.region"() ({
        %run_scoped3A_558 = tpu.sem_alloc : memref<!tpu.dma_semaphore, #tpu.memory_space<semaphore_mem>>
        %dma_start3A_559 = tpu.memref_slice %arg5[%run_scoped3A_432, %add3A_431] : memref<4x331776xi32, #tpu.memory_space<hbm>> -> memref<1x64xi32, #tpu.memory_space<hbm>>
        %dma_start3A_560 = tpu.memref_squeeze %dma_start3A_559 : memref<1x64xi32, #tpu.memory_space<hbm>> -> memref<64xi32, #tpu.memory_space<hbm>>
        %dma_start3A_561 = tpu.memref_slice %arg5[%run_scoped3A_432, %add3A_431] : memref<4x331776xi32, #tpu.memory_space<hbm>> -> memref<1x64xi32, #tpu.memory_space<hbm>>
        %dma_start3A_562 = tpu.memref_squeeze %dma_start3A_561 : memref<1x64xi32, #tpu.memory_space<hbm>> -> memref<64xi32, #tpu.memory_space<hbm>>
        tpu.enqueue_dma source(%dma_start3A_562 : memref<64xi32, #tpu.memory_space<hbm>>) target(%arg12 : memref<64xi32, #tpu.memory_space<vmem>>) target_semaphore(%run_scoped3A_558 : memref<!tpu.dma_semaphore, #tpu.memory_space<semaphore_mem>>)
        %dma_wait3A_563 = tpu.memref_slice %arg5[%run_scoped3A_432, %add3A_431] : memref<4x331776xi32, #tpu.memory_space<hbm>> -> memref<1x64xi32, #tpu.memory_space<hbm>>
        %dma_wait3A_564 = tpu.memref_squeeze %dma_wait3A_563 : memref<1x64xi32, #tpu.memory_space<hbm>> -> memref<64xi32, #tpu.memory_space<hbm>>
        %dma_wait3A_565 = tpu.memref_slice %arg5[%run_scoped3A_432, %add3A_431] : memref<4x331776xi32, #tpu.memory_space<hbm>> -> memref<1x64xi32, #tpu.memory_space<hbm>>
        %dma_wait3A_566 = tpu.memref_squeeze %dma_wait3A_565 : memref<1x64xi32, #tpu.memory_space<hbm>> -> memref<64xi32, #tpu.memory_space<hbm>>
        tpu.wait_dma2 semaphore(%run_scoped3A_558 : memref<!tpu.dma_semaphore, #tpu.memory_space<semaphore_mem>>) src(%dma_wait3A_566 : memref<64xi32, #tpu.memory_space<hbm>>) dst(%arg12 : memref<64xi32, #tpu.memory_space<vmem>>)
        tpu.yield
      }) : () -> ()
      "tpu.region"() ({
        %run_scoped3A_558 = tpu.sem_alloc : memref<!tpu.dma_semaphore, #tpu.memory_space<semaphore_mem>>
        %dma_start3A_559 = tpu.memref_slice %arg6[%add3A_431] : memref<331776xi32, #tpu.memory_space<hbm>> -> memref<64xi32, #tpu.memory_space<hbm>>
        %dma_start3A_560 = tpu.memref_slice %arg6[%add3A_431] : memref<331776xi32, #tpu.memory_space<hbm>> -> memref<64xi32, #tpu.memory_space<hbm>>
        tpu.enqueue_dma source(%dma_start3A_560 : memref<64xi32, #tpu.memory_space<hbm>>) target(%arg13 : memref<64xi32, #tpu.memory_space<vmem>>) target_semaphore(%run_scoped3A_558 : memref<!tpu.dma_semaphore, #tpu.memory_space<semaphore_mem>>)
        %dma_wait3A_561 = tpu.memref_slice %arg6[%add3A_431] : memref<331776xi32, #tpu.memory_space<hbm>> -> memref<64xi32, #tpu.memory_space<hbm>>
        %dma_wait3A_562 = tpu.memref_slice %arg6[%add3A_431] : memref<331776xi32, #tpu.memory_space<hbm>> -> memref<64xi32, #tpu.memory_space<hbm>>
        tpu.wait_dma2 semaphore(%run_scoped3A_558 : memref<!tpu.dma_semaphore, #tpu.memory_space<semaphore_mem>>) src(%dma_wait3A_562 : memref<64xi32, #tpu.memory_space<hbm>>) dst(%arg13 : memref<64xi32, #tpu.memory_space<vmem>>)
        tpu.yield
      }) : () -> ()
      %dma_start3A = arith.constant 0 : i32
      %dma_start3A_433 = arith.constant 0 : i32
      %dma_start3A_434 = tpu.memref_slice %arg2[%dma_start3A, %dma_start3A_433] : memref<40960x128xf32, #tpu.memory_space<hbm>> -> memref<40960x128xf32, #tpu.memory_space<hbm>>
      tpu.enqueue_indirect_dma source(%dma_start3A_434 : memref<40960x128xf32, #tpu.memory_space<hbm>>) target(%arg14 : memref<64x128xf32, #tpu.memory_space<vmem>>) offsets(%arg12 : memref<64xi32, #tpu.memory_space<vmem>>) semaphore(%arg18 : memref<!tpu.dma_semaphore, #tpu.memory_space<semaphore_mem>>)
      %get3A = arith.constant 0 : index
      %get3A_435 = tpu.vector_load %arg12[%get3A] {strides = array<i32>} : memref<64xi32, #tpu.memory_space<vmem>>, vector<16xi32>,
      %sub3A = arith.constant 30720 : i32
      %sub3A_436 = vector.broadcast %sub3A : i32 to vector<16xi32>
      %sub3A_437 = arith.subi %get3A_435, %sub3A_436 : vector<16xi32>
      %get3A_438 = arith.constant 0 : index
      %get3A_439 = tpu.vector_load %arg13[%get3A_438] {strides = array<i32>} : memref<64xi32, #tpu.memory_space<vmem>>, vector<16xi32>,
      %gather3A = tpu.vector_load_idx %arg9[%sub3A_437] : memref<10240xf32, #tpu.memory_space<vmem>>[vector<16xi32>], vector<16xf32>,
      %gather3A_440 = tpu.vector_load_idx %arg10[%get3A_439] : memref<10240xf32, #tpu.memory_space<vmem>>[vector<16xi32>], vector<16xf32>,
      %add3A_441 = arith.addf %gather3A, %gather3A_440 : vector<16xf32>
      %ge3A = arith.constant 0.000000e+00 : f32
      %ge3A_442 = vector.broadcast %ge3A : f32 to vector<16xf32>
      %ge3A_443 = arith.cmpf oge, %add3A_441, %ge3A_442 : vector<16xf32>
      %mul3A_444 = arith.constant 2.000000e-01 : f32
      %mul3A_445 = vector.broadcast %mul3A_444 : f32 to vector<16xf32>
      %mul3A_446 = arith.mulf %add3A_441, %mul3A_445 : vector<16xf32>
      %select_n3A = arith.select %ge3A_443, %add3A_441, %mul3A_446 : vector<16xi1>, vector<16xf32>
      %exp3A = math.exp %select_n3A : vector<16xf32>
      %add3A_447 = arith.constant 0 : i32
      %add3A_448 = arith.addi %add3A_431, %add3A_447 : i32
      %iota3A = tpu.iota {dimensions = array<i32: 0>} : vector<16xi32>
      %add3A_449 = vector.broadcast %add3A_448 : i32 to vector<16xi32>
      %add3A_450 = arith.addi %add3A_449, %iota3A : vector<16xi32>
      %lt3A = arith.constant 330000 : i32
      %lt3A_451 = vector.broadcast %lt3A : i32 to vector<16xi32>
      %lt3A_452 = arith.cmpi slt, %add3A_450, %lt3A_451 : vector<16xi32>
      %jit3A = arith.constant 0.000000e+00 : f32
      %broadcast_in_dim3A = vector.broadcast %jit3A : f32 to vector<16xf32>
      %select_n3A_453 = arith.select %lt3A_452, %exp3A, %broadcast_in_dim3A : vector<16xi1>, vector<16xf32>
      tpu.vector_store_idx %arg11[%get3A_439], %select_n3A_453 {add = true} : memref<10240xf32, #tpu.memory_space<vmem>>[vector<16xi32>], vector<16xf32>,
      %swap3A = arith.constant 0 : index
      %swap3A_454 = tpu.vector_load %arg15[%swap3A] {strides = array<i32>} : memref<64xf32, #tpu.memory_space<vmem>>, vector<16xf32>,
      tpu.vector_store %arg15[%swap3A], %select_n3A_453 {strides = array<i32>} : memref<64xf32, #tpu.memory_space<vmem>>, vector<16xf32>,
      %get3A_455 = arith.constant 16 : index
      %get3A_456 = tpu.vector_load %arg12[%get3A_455] {strides = array<i32>} : memref<64xi32, #tpu.memory_space<vmem>>, vector<16xi32>,
      %sub3A_457 = arith.constant 30720 : i32
      %sub3A_458 = vector.broadcast %sub3A_457 : i32 to vector<16xi32>
      %sub3A_459 = arith.subi %get3A_456, %sub3A_458 : vector<16xi32>
      %get3A_460 = arith.constant 16 : index
      %get3A_461 = tpu.vector_load %arg13[%get3A_460] {strides = array<i32>} : memref<64xi32, #tpu.memory_space<vmem>>, vector<16xi32>,
      %gather3A_462 = tpu.vector_load_idx %arg9[%sub3A_459] : memref<10240xf32, #tpu.memory_space<vmem>>[vector<16xi32>], vector<16xf32>,
      %gather3A_463 = tpu.vector_load_idx %arg10[%get3A_461] : memref<10240xf32, #tpu.memory_space<vmem>>[vector<16xi32>], vector<16xf32>,
      %add3A_464 = arith.addf %gather3A_462, %gather3A_463 : vector<16xf32>
      %ge3A_465 = arith.constant 0.000000e+00 : f32
      %ge3A_466 = vector.broadcast %ge3A_465 : f32 to vector<16xf32>
      %ge3A_467 = arith.cmpf oge, %add3A_464, %ge3A_466 : vector<16xf32>
      %mul3A_468 = arith.constant 2.000000e-01 : f32
      %mul3A_469 = vector.broadcast %mul3A_468 : f32 to vector<16xf32>
      %mul3A_470 = arith.mulf %add3A_464, %mul3A_469 : vector<16xf32>
      %select_n3A_471 = arith.select %ge3A_467, %add3A_464, %mul3A_470 : vector<16xi1>, vector<16xf32>
      %exp3A_472 = math.exp %select_n3A_471 : vector<16xf32>
      %add3A_473 = arith.constant 16 : i32
      %add3A_474 = arith.addi %add3A_431, %add3A_473 : i32
      %iota3A_475 = tpu.iota {dimensions = array<i32: 0>} : vector<16xi32>
      %add3A_476 = vector.broadcast %add3A_474 : i32 to vector<16xi32>
      %add3A_477 = arith.addi %add3A_476, %iota3A_475 : vector<16xi32>
      %lt3A_478 = arith.constant 330000 : i32
      %lt3A_479 = vector.broadcast %lt3A_478 : i32 to vector<16xi32>
      %lt3A_480 = arith.cmpi slt, %add3A_477, %lt3A_479 : vector<16xi32>
      %jit3A_481 = arith.constant 0.000000e+00 : f32
      %broadcast_in_dim3A_482 = vector.broadcast %jit3A_481 : f32 to vector<16xf32>
      %select_n3A_483 = arith.select %lt3A_480, %exp3A_472, %broadcast_in_dim3A_482 : vector<16xi1>, vector<16xf32>
      tpu.vector_store_idx %arg11[%get3A_461], %select_n3A_483 {add = true} : memref<10240xf32, #tpu.memory_space<vmem>>[vector<16xi32>], vector<16xf32>,
      %swap3A_484 = arith.constant 16 : index
      %swap3A_485 = tpu.vector_load %arg15[%swap3A_484] {strides = array<i32>} : memref<64xf32, #tpu.memory_space<vmem>>, vector<16xf32>,
      tpu.vector_store %arg15[%swap3A_484], %select_n3A_483 {strides = array<i32>} : memref<64xf32, #tpu.memory_space<vmem>>, vector<16xf32>,
      %get3A_486 = arith.constant 32 : index
      %get3A_487 = tpu.vector_load %arg12[%get3A_486] {strides = array<i32>} : memref<64xi32, #tpu.memory_space<vmem>>, vector<16xi32>,
      %sub3A_488 = arith.constant 30720 : i32
      %sub3A_489 = vector.broadcast %sub3A_488 : i32 to vector<16xi32>
      %sub3A_490 = arith.subi %get3A_487, %sub3A_489 : vector<16xi32>
      %get3A_491 = arith.constant 32 : index
      %get3A_492 = tpu.vector_load %arg13[%get3A_491] {strides = array<i32>} : memref<64xi32, #tpu.memory_space<vmem>>, vector<16xi32>,
      %gather3A_493 = tpu.vector_load_idx %arg9[%sub3A_490] : memref<10240xf32, #tpu.memory_space<vmem>>[vector<16xi32>], vector<16xf32>,
      %gather3A_494 = tpu.vector_load_idx %arg10[%get3A_492] : memref<10240xf32, #tpu.memory_space<vmem>>[vector<16xi32>], vector<16xf32>,
      %add3A_495 = arith.addf %gather3A_493, %gather3A_494 : vector<16xf32>
      %ge3A_496 = arith.constant 0.000000e+00 : f32
      %ge3A_497 = vector.broadcast %ge3A_496 : f32 to vector<16xf32>
      %ge3A_498 = arith.cmpf oge, %add3A_495, %ge3A_497 : vector<16xf32>
      %mul3A_499 = arith.constant 2.000000e-01 : f32
      %mul3A_500 = vector.broadcast %mul3A_499 : f32 to vector<16xf32>
      %mul3A_501 = arith.mulf %add3A_495, %mul3A_500 : vector<16xf32>
      %select_n3A_502 = arith.select %ge3A_498, %add3A_495, %mul3A_501 : vector<16xi1>, vector<16xf32>
      %exp3A_503 = math.exp %select_n3A_502 : vector<16xf32>
      %add3A_504 = arith.constant 32 : i32
      %add3A_505 = arith.addi %add3A_431, %add3A_504 : i32
      %iota3A_506 = tpu.iota {dimensions = array<i32: 0>} : vector<16xi32>
      %add3A_507 = vector.broadcast %add3A_505 : i32 to vector<16xi32>
      %add3A_508 = arith.addi %add3A_507, %iota3A_506 : vector<16xi32>
      %lt3A_509 = arith.constant 330000 : i32
      %lt3A_510 = vector.broadcast %lt3A_509 : i32 to vector<16xi32>
      %lt3A_511 = arith.cmpi slt, %add3A_508, %lt3A_510 : vector<16xi32>
      %jit3A_512 = arith.constant 0.000000e+00 : f32
      %broadcast_in_dim3A_513 = vector.broadcast %jit3A_512 : f32 to vector<16xf32>
      %select_n3A_514 = arith.select %lt3A_511, %exp3A_503, %broadcast_in_dim3A_513 : vector<16xi1>, vector<16xf32>
      tpu.vector_store_idx %arg11[%get3A_492], %select_n3A_514 {add = true} : memref<10240xf32, #tpu.memory_space<vmem>>[vector<16xi32>], vector<16xf32>,
      %swap3A_515 = arith.constant 32 : index
      %swap3A_516 = tpu.vector_load %arg15[%swap3A_515] {strides = array<i32>} : memref<64xf32, #tpu.memory_space<vmem>>, vector<16xf32>,
      tpu.vector_store %arg15[%swap3A_515], %select_n3A_514 {strides = array<i32>} : memref<64xf32, #tpu.memory_space<vmem>>, vector<16xf32>,
      %get3A_517 = arith.constant 48 : index
      %get3A_518 = tpu.vector_load %arg12[%get3A_517] {strides = array<i32>} : memref<64xi32, #tpu.memory_space<vmem>>, vector<16xi32>,
      %sub3A_519 = arith.constant 30720 : i32
      %sub3A_520 = vector.broadcast %sub3A_519 : i32 to vector<16xi32>
      %sub3A_521 = arith.subi %get3A_518, %sub3A_520 : vector<16xi32>
      %get3A_522 = arith.constant 48 : index
      %get3A_523 = tpu.vector_load %arg13[%get3A_522] {strides = array<i32>} : memref<64xi32, #tpu.memory_space<vmem>>, vector<16xi32>,
      %gather3A_524 = tpu.vector_load_idx %arg9[%sub3A_521] : memref<10240xf32, #tpu.memory_space<vmem>>[vector<16xi32>], vector<16xf32>,
      %gather3A_525 = tpu.vector_load_idx %arg10[%get3A_523] : memref<10240xf32, #tpu.memory_space<vmem>>[vector<16xi32>], vector<16xf32>,
      %add3A_526 = arith.addf %gather3A_524, %gather3A_525 : vector<16xf32>
      %ge3A_527 = arith.constant 0.000000e+00 : f32
      %ge3A_528 = vector.broadcast %ge3A_527 : f32 to vector<16xf32>
      %ge3A_529 = arith.cmpf oge, %add3A_526, %ge3A_528 : vector<16xf32>
      %mul3A_530 = arith.constant 2.000000e-01 : f32
      %mul3A_531 = vector.broadcast %mul3A_530 : f32 to vector<16xf32>
      %mul3A_532 = arith.mulf %add3A_526, %mul3A_531 : vector<16xf32>
      %select_n3A_533 = arith.select %ge3A_529, %add3A_526, %mul3A_532 : vector<16xi1>, vector<16xf32>
      %exp3A_534 = math.exp %select_n3A_533 : vector<16xf32>
      %add3A_535 = arith.constant 48 : i32
      %add3A_536 = arith.addi %add3A_431, %add3A_535 : i32
      %iota3A_537 = tpu.iota {dimensions = array<i32: 0>} : vector<16xi32>
      %add3A_538 = vector.broadcast %add3A_536 : i32 to vector<16xi32>
      %add3A_539 = arith.addi %add3A_538, %iota3A_537 : vector<16xi32>
      %lt3A_540 = arith.constant 330000 : i32
      %lt3A_541 = vector.broadcast %lt3A_540 : i32 to vector<16xi32>
      %lt3A_542 = arith.cmpi slt, %add3A_539, %lt3A_541 : vector<16xi32>
      %jit3A_543 = arith.constant 0.000000e+00 : f32
      %broadcast_in_dim3A_544 = vector.broadcast %jit3A_543 : f32 to vector<16xf32>
      %select_n3A_545 = arith.select %lt3A_542, %exp3A_534, %broadcast_in_dim3A_544 : vector<16xi1>, vector<16xf32>
      tpu.vector_store_idx %arg11[%get3A_523], %select_n3A_545 {add = true} : memref<10240xf32, #tpu.memory_space<vmem>>[vector<16xi32>], vector<16xf32>,
      %swap3A_546 = arith.constant 48 : index
      %swap3A_547 = tpu.vector_load %arg15[%swap3A_546] {strides = array<i32>} : memref<64xf32, #tpu.memory_space<vmem>>, vector<16xf32>,
      tpu.vector_store %arg15[%swap3A_546], %select_n3A_545 {strides = array<i32>} : memref<64xf32, #tpu.memory_space<vmem>>, vector<16xf32>,
      %dma_wait3A = arith.constant 0 : i32
      %dma_wait3A_548 = arith.constant 0 : i32
      %dma_wait3A_549 = tpu.memref_slice %arg2[%dma_wait3A, %dma_wait3A_548] : memref<40960x128xf32, #tpu.memory_space<hbm>> -> memref<40960x128xf32, #tpu.memory_space<hbm>>
      tpu.wait_indirect_dma semaphore(%arg18 : memref<!tpu.dma_semaphore, #tpu.memory_space<semaphore_mem>>) src(%dma_wait3A_549 : memref<40960x128xf32, #tpu.memory_space<hbm>>) dst(%arg14 : memref<64x128xf32, #tpu.memory_space<vmem>>)
      %scan3A_550 = arith.constant 0 : i32
      %scan3A_551 = arith.constant 0 : i32
      %scan3A_552 = arith.constant 64 : i32
      %scan3A_553 = arith.addi %scan3A_551, %scan3A_552 : i32
      %scan3A_554 = arith.constant 1 : i32
      %scan3A_555 = scf.for %scan3A_558 = %scan3A_551 to %scan3A_553 step %scan3A_554 iter_args(%scan3A_559 = %scan3A_550) -> (i32)  : i32 {
        %broadcast_in_dim3A_560 = vector.broadcast %scan3A_558 : i32 to vector<16xi32>
        %gather3A_561 = tpu.vector_load_idx %arg15[%broadcast_in_dim3A_560] : memref<64xf32, #tpu.memory_space<vmem>>[vector<16xi32>], vector<16xf32>,
        %get3A_562 = arith.index_cast %scan3A_558 : i32 to index
        %get3A_563 = arith.constant 0 : index
        %get3A_564 = tpu.vector_load %arg14[%get3A_562, %get3A_563] {strides = array<i32>} : memref<64x128xf32, #tpu.memory_space<vmem>>, vector<16xf32>,
        %mul3A_565 = arith.mulf %get3A_564, %gather3A_561 : vector<16xf32>
        %swap3A_566 = arith.index_cast %scan3A_558 : i32 to index
        %swap3A_567 = arith.constant 0 : index
        %swap3A_568 = tpu.vector_load %arg14[%swap3A_566, %swap3A_567] {strides = array<i32>} : memref<64x128xf32, #tpu.memory_space<vmem>>, vector<16xf32>,
        tpu.vector_store %arg14[%swap3A_566, %swap3A_567], %mul3A_565 {strides = array<i32>} : memref<64x128xf32, #tpu.memory_space<vmem>>, vector<16xf32>,
        %get3A_569 = arith.index_cast %scan3A_558 : i32 to index
        %get3A_570 = arith.constant 16 : index
        %get3A_571 = tpu.vector_load %arg14[%get3A_569, %get3A_570] {strides = array<i32>} : memref<64x128xf32, #tpu.memory_space<vmem>>, vector<16xf32>,
        %mul3A_572 = arith.mulf %get3A_571, %gather3A_561 : vector<16xf32>
        %swap3A_573 = arith.index_cast %scan3A_558 : i32 to index
        %swap3A_574 = arith.constant 16 : index
        %swap3A_575 = tpu.vector_load %arg14[%swap3A_573, %swap3A_574] {strides = array<i32>} : memref<64x128xf32, #tpu.memory_space<vmem>>, vector<16xf32>,
        tpu.vector_store %arg14[%swap3A_573, %swap3A_574], %mul3A_572 {strides = array<i32>} : memref<64x128xf32, #tpu.memory_space<vmem>>, vector<16xf32>,
        %get3A_576 = arith.index_cast %scan3A_558 : i32 to index
        %get3A_577 = arith.constant 32 : index
        %get3A_578 = tpu.vector_load %arg14[%get3A_576, %get3A_577] {strides = array<i32>} : memref<64x128xf32, #tpu.memory_space<vmem>>, vector<16xf32>,
        %mul3A_579 = arith.mulf %get3A_578, %gather3A_561 : vector<16xf32>
        %swap3A_580 = arith.index_cast %scan3A_558 : i32 to index
        %swap3A_581 = arith.constant 32 : index
        %swap3A_582 = tpu.vector_load %arg14[%swap3A_580, %swap3A_581] {strides = array<i32>} : memref<64x128xf32, #tpu.memory_space<vmem>>, vector<16xf32>,
        tpu.vector_store %arg14[%swap3A_580, %swap3A_581], %mul3A_579 {strides = array<i32>} : memref<64x128xf32, #tpu.memory_space<vmem>>, vector<16xf32>,
        %get3A_583 = arith.index_cast %scan3A_558 : i32 to index
        %get3A_584 = arith.constant 48 : index
        %get3A_585 = tpu.vector_load %arg14[%get3A_583, %get3A_584] {strides = array<i32>} : memref<64x128xf32, #tpu.memory_space<vmem>>, vector<16xf32>,
        %mul3A_586 = arith.mulf %get3A_585, %gather3A_561 : vector<16xf32>
        %swap3A_587 = arith.index_cast %scan3A_558 : i32 to index
        %swap3A_588 = arith.constant 48 : index
        %swap3A_589 = tpu.vector_load %arg14[%swap3A_587, %swap3A_588] {strides = array<i32>} : memref<64x128xf32, #tpu.memory_space<vmem>>, vector<16xf32>,
        tpu.vector_store %arg14[%swap3A_587, %swap3A_588], %mul3A_586 {strides = array<i32>} : memref<64x128xf32, #tpu.memory_space<vmem>>, vector<16xf32>,
        %get3A_590 = arith.index_cast %scan3A_558 : i32 to index
        %get3A_591 = arith.constant 64 : index
        %get3A_592 = tpu.vector_load %arg14[%get3A_590, %get3A_591] {strides = array<i32>} : memref<64x128xf32, #tpu.memory_space<vmem>>, vector<16xf32>,
        %mul3A_593 = arith.mulf %get3A_592, %gather3A_561 : vector<16xf32>
        %swap3A_594 = arith.index_cast %scan3A_558 : i32 to index
        %swap3A_595 = arith.constant 64 : index
        %swap3A_596 = tpu.vector_load %arg14[%swap3A_594, %swap3A_595] {strides = array<i32>} : memref<64x128xf32, #tpu.memory_space<vmem>>, vector<16xf32>,
        tpu.vector_store %arg14[%swap3A_594, %swap3A_595], %mul3A_593 {strides = array<i32>} : memref<64x128xf32, #tpu.memory_space<vmem>>, vector<16xf32>,
        %get3A_597 = arith.index_cast %scan3A_558 : i32 to index
        %get3A_598 = arith.constant 80 : index
        %get3A_599 = tpu.vector_load %arg14[%get3A_597, %get3A_598] {strides = array<i32>} : memref<64x128xf32, #tpu.memory_space<vmem>>, vector<16xf32>,
        %mul3A_600 = arith.mulf %get3A_599, %gather3A_561 : vector<16xf32>
        %swap3A_601 = arith.index_cast %scan3A_558 : i32 to index
        %swap3A_602 = arith.constant 80 : index
        %swap3A_603 = tpu.vector_load %arg14[%swap3A_601, %swap3A_602] {strides = array<i32>} : memref<64x128xf32, #tpu.memory_space<vmem>>, vector<16xf32>,
        tpu.vector_store %arg14[%swap3A_601, %swap3A_602], %mul3A_600 {strides = array<i32>} : memref<64x128xf32, #tpu.memory_space<vmem>>, vector<16xf32>,
        %get3A_604 = arith.index_cast %scan3A_558 : i32 to index
        %get3A_605 = arith.constant 96 : index
        %get3A_606 = tpu.vector_load %arg14[%get3A_604, %get3A_605] {strides = array<i32>} : memref<64x128xf32, #tpu.memory_space<vmem>>, vector<16xf32>,
        %mul3A_607 = arith.mulf %get3A_606, %gather3A_561 : vector<16xf32>
        %swap3A_608 = arith.index_cast %scan3A_558 : i32 to index
        %swap3A_609 = arith.constant 96 : index
        %swap3A_610 = tpu.vector_load %arg14[%swap3A_608, %swap3A_609] {strides = array<i32>} : memref<64x128xf32, #tpu.memory_space<vmem>>, vector<16xf32>,
        tpu.vector_store %arg14[%swap3A_608, %swap3A_609], %mul3A_607 {strides = array<i32>} : memref<64x128xf32, #tpu.memory_space<vmem>>, vector<16xf32>,
        %get3A_611 = arith.index_cast %scan3A_558 : i32 to index
        %get3A_612 = arith.constant 112 : index
        %get3A_613 = tpu.vector_load %arg14[%get3A_611, %get3A_612] {strides = array<i32>} : memref<64x128xf32, #tpu.memory_space<vmem>>, vector<16xf32>,
        %mul3A_614 = arith.mulf %get3A_613, %gather3A_561 : vector<16xf32>
        %swap3A_615 = arith.index_cast %scan3A_558 : i32 to index
        %swap3A_616 = arith.constant 112 : index
        %swap3A_617 = tpu.vector_load %arg14[%swap3A_615, %swap3A_616] {strides = array<i32>} : memref<64x128xf32, #tpu.memory_space<vmem>>, vector<16xf32>,
        tpu.vector_store %arg14[%swap3A_615, %swap3A_616], %mul3A_614 {strides = array<i32>} : memref<64x128xf32, #tpu.memory_space<vmem>>, vector<16xf32>,
        %scan3A_618 = arith.constant 0 : i32
        scf.yield %scan3A_618 : i32
      }
      %scan3A_556 = arith.constant 64 : i32
      "tpu.region"() ({
        %run_scoped3A_558 = tpu.sem_alloc : memref<!tpu.dma_semaphore, #tpu.memory_space<semaphore_mem>>
        %dma_start3A_559 = arith.constant 0 : i32
        %dma_start3A_560 = arith.constant 0 : i32
        %dma_start3A_561 = tpu.memref_slice %arg17[%dma_start3A_559, %dma_start3A_560] : memref<10240x128xf32, #tpu.memory_space<vmem_shared>> -> memref<10240x128xf32, #tpu.memory_space<vmem_shared>>
        tpu.enqueue_indirect_dma source(%arg14 : memref<64x128xf32, #tpu.memory_space<vmem>>) target(%dma_start3A_561 : memref<10240x128xf32, #tpu.memory_space<vmem_shared>>) offsets(%arg13 : memref<64xi32, #tpu.memory_space<vmem>>) semaphore(%run_scoped3A_558 : memref<!tpu.dma_semaphore, #tpu.memory_space<semaphore_mem>>) {add = true}
        %dma_wait3A_562 = arith.constant 0 : i32
        %dma_wait3A_563 = arith.constant 0 : i32
        %dma_wait3A_564 = tpu.memref_slice %arg17[%dma_wait3A_562, %dma_wait3A_563] : memref<10240x128xf32, #tpu.memory_space<vmem_shared>> -> memref<10240x128xf32, #tpu.memory_space<vmem_shared>>
        tpu.wait_indirect_dma semaphore(%run_scoped3A_558 : memref<!tpu.dma_semaphore, #tpu.memory_space<semaphore_mem>>) src(%arg14 : memref<64x128xf32, #tpu.memory_space<vmem>>) dst(%dma_wait3A_564 : memref<10240x128xf32, #tpu.memory_space<vmem_shared>>)
        tpu.yield
      }) : () -> ()
      %scan3A_557 = arith.constant 0 : i32
      scf.yield %scan3A_557 : i32
    }
    %scan3A_418 = arith.constant 162 : i32
    %barrier3A_419 = arith.constant 0 : index
    tpu.barrier barrier_id(%barrier3A_419)
    %mul3A_420 = arith.constant 640 : i32
    %mul3A_421 = arith.muli %arg1, %mul3A_420 : i32
    %mul3A_422 = arith.constant 640 : i32
    %mul3A_423 = arith.muli %arg1, %mul3A_422 : i32
    %run_scoped3A_424 = arith.constant 3 : i32
    "tpu.region"() ({
      %run_scoped3A_427 = tpu.sem_alloc : memref<!tpu.dma_semaphore, #tpu.memory_space<semaphore_mem>>
      %dma_start3A = arith.constant 0 : i32
      %dma_start3A_428 = tpu.memref_slice %arg7[%arg0, %run_scoped3A_424, %mul3A_423, %dma_start3A] : memref<2x4x10240x128xf32, #tpu.memory_space<hbm>> -> memref<1x1x640x128xf32, #tpu.memory_space<hbm>>
      %dma_start3A_429 = tpu.memref_squeeze %dma_start3A_428 : memref<1x1x640x128xf32, #tpu.memory_space<hbm>> -> memref<640x128xf32, #tpu.memory_space<hbm>>
      %dma_start3A_430 = arith.constant 0 : i32
      %dma_start3A_431 = tpu.memref_slice %arg17[%mul3A_421, %dma_start3A_430] : memref<10240x128xf32, #tpu.memory_space<vmem_shared>> -> memref<640x128xf32, #tpu.memory_space<vmem_shared>>
      tpu.enqueue_dma source(%dma_start3A_431 : memref<640x128xf32, #tpu.memory_space<vmem_shared>>) target(%dma_start3A_429 : memref<640x128xf32, #tpu.memory_space<hbm>>) target_semaphore(%run_scoped3A_427 : memref<!tpu.dma_semaphore, #tpu.memory_space<semaphore_mem>>)
      %dma_wait3A = arith.constant 0 : i32
      %dma_wait3A_432 = tpu.memref_slice %arg7[%arg0, %run_scoped3A_424, %mul3A_423, %dma_wait3A] : memref<2x4x10240x128xf32, #tpu.memory_space<hbm>> -> memref<1x1x640x128xf32, #tpu.memory_space<hbm>>
      %dma_wait3A_433 = tpu.memref_squeeze %dma_wait3A_432 : memref<1x1x640x128xf32, #tpu.memory_space<hbm>> -> memref<640x128xf32, #tpu.memory_space<hbm>>
      %dma_wait3A_434 = arith.constant 0 : i32
      %dma_wait3A_435 = tpu.memref_slice %arg17[%mul3A_421, %dma_wait3A_434] : memref<10240x128xf32, #tpu.memory_space<vmem_shared>> -> memref<640x128xf32, #tpu.memory_space<vmem_shared>>
      tpu.wait_dma2 semaphore(%run_scoped3A_427 : memref<!tpu.dma_semaphore, #tpu.memory_space<semaphore_mem>>) src(%dma_wait3A_435 : memref<640x128xf32, #tpu.memory_space<vmem_shared>>) dst(%dma_wait3A_433 : memref<640x128xf32, #tpu.memory_space<hbm>>)
      tpu.yield
    }) : () -> ()
    %run_scoped3A_425 = arith.constant 3 : i32
    "tpu.region"() ({
      %run_scoped3A_427 = tpu.sem_alloc : memref<!tpu.dma_semaphore, #tpu.memory_space<semaphore_mem>>
      %dma_start3A = arith.constant 0 : i32
      %dma_start3A_428 = tpu.memref_slice %arg8[%arg0, %run_scoped3A_425, %arg1, %dma_start3A] : memref<2x4x16x10240xf32, #tpu.memory_space<hbm>> -> memref<1x1x1x10240xf32, #tpu.memory_space<hbm>>
      %dma_start3A_429 = tpu.memref_squeeze %dma_start3A_428 : memref<1x1x1x10240xf32, #tpu.memory_space<hbm>> -> memref<10240xf32, #tpu.memory_space<hbm>>
      %dma_start3A_430 = arith.constant 0 : i32
      %dma_start3A_431 = tpu.memref_slice %arg8[%arg0, %run_scoped3A_425, %arg1, %dma_start3A_430] : memref<2x4x16x10240xf32, #tpu.memory_space<hbm>> -> memref<1x1x1x10240xf32, #tpu.memory_space<hbm>>
      %dma_start3A_432 = tpu.memref_squeeze %dma_start3A_431 : memref<1x1x1x10240xf32, #tpu.memory_space<hbm>> -> memref<10240xf32, #tpu.memory_space<hbm>>
      tpu.enqueue_dma source(%arg11 : memref<10240xf32, #tpu.memory_space<vmem>>) target(%dma_start3A_432 : memref<10240xf32, #tpu.memory_space<hbm>>) target_semaphore(%run_scoped3A_427 : memref<!tpu.dma_semaphore, #tpu.memory_space<semaphore_mem>>)
      %dma_wait3A = arith.constant 0 : i32
      %dma_wait3A_433 = tpu.memref_slice %arg8[%arg0, %run_scoped3A_425, %arg1, %dma_wait3A] : memref<2x4x16x10240xf32, #tpu.memory_space<hbm>> -> memref<1x1x1x10240xf32, #tpu.memory_space<hbm>>
      %dma_wait3A_434 = tpu.memref_squeeze %dma_wait3A_433 : memref<1x1x1x10240xf32, #tpu.memory_space<hbm>> -> memref<10240xf32, #tpu.memory_space<hbm>>
      %dma_wait3A_435 = arith.constant 0 : i32
      %dma_wait3A_436 = tpu.memref_slice %arg8[%arg0, %run_scoped3A_425, %arg1, %dma_wait3A_435] : memref<2x4x16x10240xf32, #tpu.memory_space<hbm>> -> memref<1x1x1x10240xf32, #tpu.memory_space<hbm>>
      %dma_wait3A_437 = tpu.memref_squeeze %dma_wait3A_436 : memref<1x1x1x10240xf32, #tpu.memory_space<hbm>> -> memref<10240xf32, #tpu.memory_space<hbm>>
      tpu.wait_dma2 semaphore(%run_scoped3A_427 : memref<!tpu.dma_semaphore, #tpu.memory_space<semaphore_mem>>) src(%arg11 : memref<10240xf32, #tpu.memory_space<vmem>>) dst(%dma_wait3A_437 : memref<10240xf32, #tpu.memory_space<hbm>>)
      tpu.yield
    }) : () -> ()
    %barrier3A_426 = arith.constant 0 : index
    tpu.barrier barrier_id(%barrier3A_426)
    return
  }
}

module attributes {stable_mosaic.version = 14 : i64} {
  func.func @_tc1_body(%arg0: i32, %arg1: memref<1024x128xf32, #tpu.memory_space<vmem>>, %arg2: memref<128x512xf32, #tpu.memory_space<vmem>>, %arg3: memref<4x128xf32, #tpu.memory_space<vmem>>, %arg4: memref<4x128xf32, #tpu.memory_space<vmem>>, %arg5: memref<4x1024x128xf32, #tpu.memory_space<vmem>>, %arg6: memref<4x1024xf32, #tpu.memory_space<vmem>>, %arg7: memref<4x1024xf32, #tpu.memory_space<vmem>>) attributes {dimension_semantics = [#tpu.dimension_semantics<arbitrary>], iteration_bounds = array<i64: 10>, scalar_prefetch = 0 : i64, scratch_operands = 0 : i64, tpu.core_type = #tpu.core_type<tc>, window_params = [{transform_indices = @transform_0, window_bounds = array<i64: 1024, 128>}, {pipeline_mode = #tpu.pipeline_mode<synchronous>, transform_indices = @transform_1, window_bounds = array<i64: 128, 512>}, {pipeline_mode = #tpu.pipeline_mode<synchronous>, transform_indices = @transform_2, window_bounds = array<i64: 4, 128>}, {pipeline_mode = #tpu.pipeline_mode<synchronous>, transform_indices = @transform_3, window_bounds = array<i64: 4, 128>}, {transform_indices = @transform_4, window_bounds = array<i64: 4, 1024, 128>}, {transform_indices = @transform_5, window_bounds = array<i64: 4, 1024>}, {transform_indices = @transform_6, window_bounds = array<i64: 4, 1024>}]} {
    %get3A = arith.constant 0 : index
    %get3A_0 = arith.constant 0 : index
    %get3A_1 = vector.load %arg1[%get3A, %get3A_0] : memref<1024x128xf32, #tpu.memory_space<vmem>>, vector<1024x128xf32>
    %get3A_2 = arith.constant 0 : index
    %get3A_3 = arith.constant 0 : index
    %get3A_4 = vector.load %arg2[%get3A_2, %get3A_3] : memref<128x512xf32, #tpu.memory_space<vmem>>, vector<128x512xf32>
    %dot_general3A = arith.constant dense<0.000000e+00> : vector<1024x512xf32>
    %dot_general3A_5 = tpu.matmul %get3A_1, %get3A_4, %dot_general3A {dimension_numbers = #tpu.dot_dimension_numbers<[1], [0], [0], [1], [0, 0, 1, 1], [], []>, transpose_lhs_hint = false} : vector<1024x128xf32>, vector<128x512xf32>, vector<1024x512xf32> -> vector<1024x512xf32>
    %slice3A = vector.extract_strided_slice %dot_general3A_5 {offsets = [0, 0], sizes = [1024, 128], strides = [1, 1]} : vector<1024x512xf32> to vector<1024x128xf32>
    %swap3A = arith.constant 0 : index
    %swap3A_6 = arith.constant 0 : index
    %swap3A_7 = arith.constant 0 : index
    %swap3A_8 = vector.load %arg5[%swap3A, %swap3A_6, %swap3A_7] : memref<4x1024x128xf32, #tpu.memory_space<vmem>>, vector<1x1024x128xf32>
    %swap3A_9 = vector.shape_cast %swap3A_8 : vector<1x1024x128xf32> to vector<1024x128xf32>
    %swap3A_10 = vector.shape_cast %slice3A : vector<1024x128xf32> to vector<1x1024x128xf32>
    tpu.vector_store %arg5[%swap3A, %swap3A_6, %swap3A_7], %swap3A_10 {strides = array<i32>} : memref<4x1024x128xf32, #tpu.memory_space<vmem>>, vector<1x1024x128xf32>,
    %get3A_11 = arith.constant 0 : index
    %get3A_12 = arith.constant 0 : index
    %get3A_13 = vector.load %arg3[%get3A_11, %get3A_12] : memref<4x128xf32, #tpu.memory_space<vmem>>, vector<1x128xf32>
    %get3A_14 = vector.shape_cast %get3A_13 : vector<1x128xf32> to vector<128xf32>
    %broadcast_in_dim3A = vector.shape_cast %get3A_14 : vector<128xf32> to vector<1x128xf32>
    %mul3A = vector.broadcast %broadcast_in_dim3A : vector<1x128xf32> to vector<1024x128xf32>
    %mul3A_15 = arith.mulf %slice3A, %mul3A : vector<1024x128xf32>
    %reduce_sum3A = arith.constant dense<0.000000e+00> : vector<1024xf32>
    %reduce_sum3A_16 = vector.multi_reduction <add>, %mul3A_15, %reduce_sum3A [1] : vector<1024x128xf32> to vector<1024xf32>
    %swap3A_17 = arith.constant 0 : index
    %swap3A_18 = arith.constant 0 : index
    %swap3A_19 = vector.load %arg6[%swap3A_17, %swap3A_18] : memref<4x1024xf32, #tpu.memory_space<vmem>>, vector<1x1024xf32>
    %swap3A_20 = vector.shape_cast %swap3A_19 : vector<1x1024xf32> to vector<1024xf32>
    %swap3A_21 = vector.shape_cast %reduce_sum3A_16 : vector<1024xf32> to vector<1x1024xf32>
    tpu.vector_store %arg6[%swap3A_17, %swap3A_18], %swap3A_21 {strides = array<i32>} : memref<4x1024xf32, #tpu.memory_space<vmem>>, vector<1x1024xf32>,
    %get3A_22 = arith.constant 0 : index
    %get3A_23 = arith.constant 0 : index
    %get3A_24 = vector.load %arg4[%get3A_22, %get3A_23] : memref<4x128xf32, #tpu.memory_space<vmem>>, vector<1x128xf32>
    %get3A_25 = vector.shape_cast %get3A_24 : vector<1x128xf32> to vector<128xf32>
    %broadcast_in_dim3A_26 = vector.shape_cast %get3A_25 : vector<128xf32> to vector<1x128xf32>
    %mul3A_27 = vector.broadcast %broadcast_in_dim3A_26 : vector<1x128xf32> to vector<1024x128xf32>
    %mul3A_28 = arith.mulf %slice3A, %mul3A_27 : vector<1024x128xf32>
    %reduce_sum3A_29 = arith.constant dense<0.000000e+00> : vector<1024xf32>
    %reduce_sum3A_30 = vector.multi_reduction <add>, %mul3A_28, %reduce_sum3A_29 [1] : vector<1024x128xf32> to vector<1024xf32>
    %swap3A_31 = arith.constant 0 : index
    %swap3A_32 = arith.constant 0 : index
    %swap3A_33 = vector.load %arg7[%swap3A_31, %swap3A_32] : memref<4x1024xf32, #tpu.memory_space<vmem>>, vector<1x1024xf32>
    %swap3A_34 = vector.shape_cast %swap3A_33 : vector<1x1024xf32> to vector<1024xf32>
    %swap3A_35 = vector.shape_cast %reduce_sum3A_30 : vector<1024xf32> to vector<1x1024xf32>
    tpu.vector_store %arg7[%swap3A_31, %swap3A_32], %swap3A_35 {strides = array<i32>} : memref<4x1024xf32, #tpu.memory_space<vmem>>, vector<1x1024xf32>,
    %slice3A_36 = vector.extract_strided_slice %dot_general3A_5 {offsets = [0, 128], sizes = [1024, 128], strides = [1, 1]} : vector<1024x512xf32> to vector<1024x128xf32>
    %swap3A_37 = arith.constant 1 : index
    %swap3A_38 = arith.constant 0 : index
    %swap3A_39 = arith.constant 0 : index
    %swap3A_40 = vector.load %arg5[%swap3A_37, %swap3A_38, %swap3A_39] : memref<4x1024x128xf32, #tpu.memory_space<vmem>>, vector<1x1024x128xf32>
    %swap3A_41 = vector.shape_cast %swap3A_40 : vector<1x1024x128xf32> to vector<1024x128xf32>
    %swap3A_42 = vector.shape_cast %slice3A_36 : vector<1024x128xf32> to vector<1x1024x128xf32>
    tpu.vector_store %arg5[%swap3A_37, %swap3A_38, %swap3A_39], %swap3A_42 {strides = array<i32>} : memref<4x1024x128xf32, #tpu.memory_space<vmem>>, vector<1x1024x128xf32>,
    %get3A_43 = arith.constant 1 : index
    %get3A_44 = arith.constant 0 : index
    %get3A_45 = vector.load %arg3[%get3A_43, %get3A_44] : memref<4x128xf32, #tpu.memory_space<vmem>>, vector<1x128xf32>
    %get3A_46 = vector.shape_cast %get3A_45 : vector<1x128xf32> to vector<128xf32>
    %broadcast_in_dim3A_47 = vector.shape_cast %get3A_46 : vector<128xf32> to vector<1x128xf32>
    %mul3A_48 = vector.broadcast %broadcast_in_dim3A_47 : vector<1x128xf32> to vector<1024x128xf32>
    %mul3A_49 = arith.mulf %slice3A_36, %mul3A_48 : vector<1024x128xf32>
    %reduce_sum3A_50 = arith.constant dense<0.000000e+00> : vector<1024xf32>
    %reduce_sum3A_51 = vector.multi_reduction <add>, %mul3A_49, %reduce_sum3A_50 [1] : vector<1024x128xf32> to vector<1024xf32>
    %swap3A_52 = arith.constant 1 : index
    %swap3A_53 = arith.constant 0 : index
    %swap3A_54 = vector.load %arg6[%swap3A_52, %swap3A_53] : memref<4x1024xf32, #tpu.memory_space<vmem>>, vector<1x1024xf32>
    %swap3A_55 = vector.shape_cast %swap3A_54 : vector<1x1024xf32> to vector<1024xf32>
    %swap3A_56 = vector.shape_cast %reduce_sum3A_51 : vector<1024xf32> to vector<1x1024xf32>
    tpu.vector_store %arg6[%swap3A_52, %swap3A_53], %swap3A_56 {strides = array<i32>} : memref<4x1024xf32, #tpu.memory_space<vmem>>, vector<1x1024xf32>,
    %get3A_57 = arith.constant 1 : index
    %get3A_58 = arith.constant 0 : index
    %get3A_59 = vector.load %arg4[%get3A_57, %get3A_58] : memref<4x128xf32, #tpu.memory_space<vmem>>, vector<1x128xf32>
    %get3A_60 = vector.shape_cast %get3A_59 : vector<1x128xf32> to vector<128xf32>
    %broadcast_in_dim3A_61 = vector.shape_cast %get3A_60 : vector<128xf32> to vector<1x128xf32>
    %mul3A_62 = vector.broadcast %broadcast_in_dim3A_61 : vector<1x128xf32> to vector<1024x128xf32>
    %mul3A_63 = arith.mulf %slice3A_36, %mul3A_62 : vector<1024x128xf32>
    %reduce_sum3A_64 = arith.constant dense<0.000000e+00> : vector<1024xf32>
    %reduce_sum3A_65 = vector.multi_reduction <add>, %mul3A_63, %reduce_sum3A_64 [1] : vector<1024x128xf32> to vector<1024xf32>
    %swap3A_66 = arith.constant 1 : index
    %swap3A_67 = arith.constant 0 : index
    %swap3A_68 = vector.load %arg7[%swap3A_66, %swap3A_67] : memref<4x1024xf32, #tpu.memory_space<vmem>>, vector<1x1024xf32>
    %swap3A_69 = vector.shape_cast %swap3A_68 : vector<1x1024xf32> to vector<1024xf32>
    %swap3A_70 = vector.shape_cast %reduce_sum3A_65 : vector<1024xf32> to vector<1x1024xf32>
    tpu.vector_store %arg7[%swap3A_66, %swap3A_67], %swap3A_70 {strides = array<i32>} : memref<4x1024xf32, #tpu.memory_space<vmem>>, vector<1x1024xf32>,
    %slice3A_71 = vector.extract_strided_slice %dot_general3A_5 {offsets = [0, 256], sizes = [1024, 128], strides = [1, 1]} : vector<1024x512xf32> to vector<1024x128xf32>
    %swap3A_72 = arith.constant 2 : index
    %swap3A_73 = arith.constant 0 : index
    %swap3A_74 = arith.constant 0 : index
    %swap3A_75 = vector.load %arg5[%swap3A_72, %swap3A_73, %swap3A_74] : memref<4x1024x128xf32, #tpu.memory_space<vmem>>, vector<1x1024x128xf32>
    %swap3A_76 = vector.shape_cast %swap3A_75 : vector<1x1024x128xf32> to vector<1024x128xf32>
    %swap3A_77 = vector.shape_cast %slice3A_71 : vector<1024x128xf32> to vector<1x1024x128xf32>
    tpu.vector_store %arg5[%swap3A_72, %swap3A_73, %swap3A_74], %swap3A_77 {strides = array<i32>} : memref<4x1024x128xf32, #tpu.memory_space<vmem>>, vector<1x1024x128xf32>,
    %get3A_78 = arith.constant 2 : index
    %get3A_79 = arith.constant 0 : index
    %get3A_80 = vector.load %arg3[%get3A_78, %get3A_79] : memref<4x128xf32, #tpu.memory_space<vmem>>, vector<1x128xf32>
    %get3A_81 = vector.shape_cast %get3A_80 : vector<1x128xf32> to vector<128xf32>
    %broadcast_in_dim3A_82 = vector.shape_cast %get3A_81 : vector<128xf32> to vector<1x128xf32>
    %mul3A_83 = vector.broadcast %broadcast_in_dim3A_82 : vector<1x128xf32> to vector<1024x128xf32>
    %mul3A_84 = arith.mulf %slice3A_71, %mul3A_83 : vector<1024x128xf32>
    %reduce_sum3A_85 = arith.constant dense<0.000000e+00> : vector<1024xf32>
    %reduce_sum3A_86 = vector.multi_reduction <add>, %mul3A_84, %reduce_sum3A_85 [1] : vector<1024x128xf32> to vector<1024xf32>
    %swap3A_87 = arith.constant 2 : index
    %swap3A_88 = arith.constant 0 : index
    %swap3A_89 = vector.load %arg6[%swap3A_87, %swap3A_88] : memref<4x1024xf32, #tpu.memory_space<vmem>>, vector<1x1024xf32>
    %swap3A_90 = vector.shape_cast %swap3A_89 : vector<1x1024xf32> to vector<1024xf32>
    %swap3A_91 = vector.shape_cast %reduce_sum3A_86 : vector<1024xf32> to vector<1x1024xf32>
    tpu.vector_store %arg6[%swap3A_87, %swap3A_88], %swap3A_91 {strides = array<i32>} : memref<4x1024xf32, #tpu.memory_space<vmem>>, vector<1x1024xf32>,
    %get3A_92 = arith.constant 2 : index
    %get3A_93 = arith.constant 0 : index
    %get3A_94 = vector.load %arg4[%get3A_92, %get3A_93] : memref<4x128xf32, #tpu.memory_space<vmem>>, vector<1x128xf32>
    %get3A_95 = vector.shape_cast %get3A_94 : vector<1x128xf32> to vector<128xf32>
    %broadcast_in_dim3A_96 = vector.shape_cast %get3A_95 : vector<128xf32> to vector<1x128xf32>
    %mul3A_97 = vector.broadcast %broadcast_in_dim3A_96 : vector<1x128xf32> to vector<1024x128xf32>
    %mul3A_98 = arith.mulf %slice3A_71, %mul3A_97 : vector<1024x128xf32>
    %reduce_sum3A_99 = arith.constant dense<0.000000e+00> : vector<1024xf32>
    %reduce_sum3A_100 = vector.multi_reduction <add>, %mul3A_98, %reduce_sum3A_99 [1] : vector<1024x128xf32> to vector<1024xf32>
    %swap3A_101 = arith.constant 2 : index
    %swap3A_102 = arith.constant 0 : index
    %swap3A_103 = vector.load %arg7[%swap3A_101, %swap3A_102] : memref<4x1024xf32, #tpu.memory_space<vmem>>, vector<1x1024xf32>
    %swap3A_104 = vector.shape_cast %swap3A_103 : vector<1x1024xf32> to vector<1024xf32>
    %swap3A_105 = vector.shape_cast %reduce_sum3A_100 : vector<1024xf32> to vector<1x1024xf32>
    tpu.vector_store %arg7[%swap3A_101, %swap3A_102], %swap3A_105 {strides = array<i32>} : memref<4x1024xf32, #tpu.memory_space<vmem>>, vector<1x1024xf32>,
    %slice3A_106 = vector.extract_strided_slice %dot_general3A_5 {offsets = [0, 384], sizes = [1024, 128], strides = [1, 1]} : vector<1024x512xf32> to vector<1024x128xf32>
    %swap3A_107 = arith.constant 3 : index
    %swap3A_108 = arith.constant 0 : index
    %swap3A_109 = arith.constant 0 : index
    %swap3A_110 = vector.load %arg5[%swap3A_107, %swap3A_108, %swap3A_109] : memref<4x1024x128xf32, #tpu.memory_space<vmem>>, vector<1x1024x128xf32>
    %swap3A_111 = vector.shape_cast %swap3A_110 : vector<1x1024x128xf32> to vector<1024x128xf32>
    %swap3A_112 = vector.shape_cast %slice3A_106 : vector<1024x128xf32> to vector<1x1024x128xf32>
    tpu.vector_store %arg5[%swap3A_107, %swap3A_108, %swap3A_109], %swap3A_112 {strides = array<i32>} : memref<4x1024x128xf32, #tpu.memory_space<vmem>>, vector<1x1024x128xf32>,
    %get3A_113 = arith.constant 3 : index
    %get3A_114 = arith.constant 0 : index
    %get3A_115 = vector.load %arg3[%get3A_113, %get3A_114] : memref<4x128xf32, #tpu.memory_space<vmem>>, vector<1x128xf32>
    %get3A_116 = vector.shape_cast %get3A_115 : vector<1x128xf32> to vector<128xf32>
    %broadcast_in_dim3A_117 = vector.shape_cast %get3A_116 : vector<128xf32> to vector<1x128xf32>
    %mul3A_118 = vector.broadcast %broadcast_in_dim3A_117 : vector<1x128xf32> to vector<1024x128xf32>
    %mul3A_119 = arith.mulf %slice3A_106, %mul3A_118 : vector<1024x128xf32>
    %reduce_sum3A_120 = arith.constant dense<0.000000e+00> : vector<1024xf32>
    %reduce_sum3A_121 = vector.multi_reduction <add>, %mul3A_119, %reduce_sum3A_120 [1] : vector<1024x128xf32> to vector<1024xf32>
    %swap3A_122 = arith.constant 3 : index
    %swap3A_123 = arith.constant 0 : index
    %swap3A_124 = vector.load %arg6[%swap3A_122, %swap3A_123] : memref<4x1024xf32, #tpu.memory_space<vmem>>, vector<1x1024xf32>
    %swap3A_125 = vector.shape_cast %swap3A_124 : vector<1x1024xf32> to vector<1024xf32>
    %swap3A_126 = vector.shape_cast %reduce_sum3A_121 : vector<1024xf32> to vector<1x1024xf32>
    tpu.vector_store %arg6[%swap3A_122, %swap3A_123], %swap3A_126 {strides = array<i32>} : memref<4x1024xf32, #tpu.memory_space<vmem>>, vector<1x1024xf32>,
    %get3A_127 = arith.constant 3 : index
    %get3A_128 = arith.constant 0 : index
    %get3A_129 = vector.load %arg4[%get3A_127, %get3A_128] : memref<4x128xf32, #tpu.memory_space<vmem>>, vector<1x128xf32>
    %get3A_130 = vector.shape_cast %get3A_129 : vector<1x128xf32> to vector<128xf32>
    %broadcast_in_dim3A_131 = vector.shape_cast %get3A_130 : vector<128xf32> to vector<1x128xf32>
    %mul3A_132 = vector.broadcast %broadcast_in_dim3A_131 : vector<1x128xf32> to vector<1024x128xf32>
    %mul3A_133 = arith.mulf %slice3A_106, %mul3A_132 : vector<1024x128xf32>
    %reduce_sum3A_134 = arith.constant dense<0.000000e+00> : vector<1024xf32>
    %reduce_sum3A_135 = vector.multi_reduction <add>, %mul3A_133, %reduce_sum3A_134 [1] : vector<1024x128xf32> to vector<1024xf32>
    %swap3A_136 = arith.constant 3 : index
    %swap3A_137 = arith.constant 0 : index
    %swap3A_138 = vector.load %arg7[%swap3A_136, %swap3A_137] : memref<4x1024xf32, #tpu.memory_space<vmem>>, vector<1x1024xf32>
    %swap3A_139 = vector.shape_cast %swap3A_138 : vector<1x1024xf32> to vector<1024xf32>
    %swap3A_140 = vector.shape_cast %reduce_sum3A_135 : vector<1024xf32> to vector<1x1024xf32>
    tpu.vector_store %arg7[%swap3A_136, %swap3A_137], %swap3A_140 {strides = array<i32>} : memref<4x1024xf32, #tpu.memory_space<vmem>>, vector<1x1024xf32>,
    return
  }
  func.func @transform_0(%arg0: i32) -> (i32, i32) {
    %c0_i32 = arith.constant 0 : i32
    %c0_i32_0 = arith.constant 0 : i32
    return %arg0, %c0_i32 : i32, i32
  }
  func.func @transform_1(%arg0: i32) -> (i32, i32) {
    %c0_i32 = arith.constant 0 : i32
    %c0_i32_0 = arith.constant 0 : i32
    %c0_i32_1 = arith.constant 0 : i32
    return %c0_i32, %c0_i32_0 : i32, i32
  }
  func.func @transform_2(%arg0: i32) -> (i32, i32) {
    %c0_i32 = arith.constant 0 : i32
    %c0_i32_0 = arith.constant 0 : i32
    %c0_i32_1 = arith.constant 0 : i32
    return %c0_i32, %c0_i32_0 : i32, i32
  }
  func.func @transform_3(%arg0: i32) -> (i32, i32) {
    %c0_i32 = arith.constant 0 : i32
    %c0_i32_0 = arith.constant 0 : i32
    %c0_i32_1 = arith.constant 0 : i32
    return %c0_i32, %c0_i32_0 : i32, i32
  }
  func.func @transform_4(%arg0: i32) -> (i32, i32, i32) {
    %c0_i32 = arith.constant 0 : i32
    %c0_i32_0 = arith.constant 0 : i32
    %c0_i32_1 = arith.constant 0 : i32
    return %c0_i32, %arg0, %c0_i32_0 : i32, i32, i32
  }
  func.func @transform_5(%arg0: i32) -> (i32, i32) {
    %c0_i32 = arith.constant 0 : i32
    %c0_i32_0 = arith.constant 0 : i32
    return %c0_i32, %arg0 : i32, i32
  }
  func.func @transform_6(%arg0: i32) -> (i32, i32) {
    %c0_i32 = arith.constant 0 : i32
    %c0_i32_0 = arith.constant 0 : i32
    return %c0_i32, %arg0 : i32, i32
  }
}

module attributes {stable_mosaic.version = 14 : i64} {
  func.func @_tc2_body(%arg0: i32, %arg1: memref<2x4x1024x128xf32, #tpu.memory_space<vmem>>, %arg2: memref<2x4x16x1024xf32, #tpu.memory_space<vmem>>, %arg3: memref<512xf32, #tpu.memory_space<vmem>>, %arg4: memref<512x128xf32, #tpu.memory_space<vmem>>, %arg5: memref<128xf32, #tpu.memory_space<vmem>>, %arg6: memref<128x64xf32, #tpu.memory_space<vmem>>, %arg7: memref<64xf32, #tpu.memory_space<vmem>>, %arg8: memref<1024x64xf32, #tpu.memory_space<vmem>>) attributes {dimension_semantics = [#tpu.dimension_semantics<arbitrary>], iteration_bounds = array<i64: 10>, scalar_prefetch = 0 : i64, scratch_operands = 0 : i64, tpu.core_type = #tpu.core_type<tc>, window_params = [{transform_indices = @transform_0, window_bounds = array<i64: 2, 4, 1024, 128>}, {transform_indices = @transform_1, window_bounds = array<i64: 2, 4, 16, 1024>}, {pipeline_mode = #tpu.pipeline_mode<synchronous>, transform_indices = @transform_2, window_bounds = array<i64: 512>}, {pipeline_mode = #tpu.pipeline_mode<synchronous>, transform_indices = @transform_3, window_bounds = array<i64: 512, 128>}, {pipeline_mode = #tpu.pipeline_mode<synchronous>, transform_indices = @transform_4, window_bounds = array<i64: 128>}, {pipeline_mode = #tpu.pipeline_mode<synchronous>, transform_indices = @transform_5, window_bounds = array<i64: 128, 64>}, {pipeline_mode = #tpu.pipeline_mode<synchronous>, transform_indices = @transform_6, window_bounds = array<i64: 64>}, {transform_indices = @transform_7, window_bounds = array<i64: 1024, 64>}]} {
    %broadcast_in_dim3A = arith.constant 0.000000e+00 : f32
    %broadcast_in_dim3A_0 = vector.broadcast %broadcast_in_dim3A : f32 to vector<1024x128xf32>
    %get3A = arith.constant 0 : index
    %get3A_1 = arith.constant 0 : index
    %get3A_2 = arith.constant 0 : index
    %get3A_3 = arith.constant 0 : index
    %get3A_4 = vector.load %arg2[%get3A, %get3A_1, %get3A_2, %get3A_3] : memref<2x4x16x1024xf32, #tpu.memory_space<vmem>>, vector<2x1x16x1024xf32>
    %get3A_5 = vector.shape_cast %get3A_4 : vector<2x1x16x1024xf32> to vector<2x16x1024xf32>
    %reduce_sum3A = arith.constant dense<0.000000e+00> : vector<1024xf32>
    %reduce_sum3A_6 = vector.multi_reduction <add>, %get3A_5, %reduce_sum3A [0, 1] : vector<2x16x1024xf32> to vector<1024xf32>
    %add3A = arith.constant 1.000000e-16 : f32
    %add3A_7 = vector.broadcast %add3A : f32 to vector<1024xf32>
    %add3A_8 = arith.addf %reduce_sum3A_6, %add3A_7 : vector<1024xf32>
    %get3A_9 = arith.constant 0 : index
    %get3A_10 = arith.constant 0 : index
    %get3A_11 = arith.constant 0 : index
    %get3A_12 = arith.constant 0 : index
    %get3A_13 = vector.load %arg1[%get3A_9, %get3A_10, %get3A_11, %get3A_12] : memref<2x4x1024x128xf32, #tpu.memory_space<vmem>>, vector<1x1x1024x128xf32>
    %get3A_14 = vector.shape_cast %get3A_13 : vector<1x1x1024x128xf32> to vector<1024x128xf32>
    %get3A_15 = arith.constant 1 : index
    %get3A_16 = arith.constant 0 : index
    %get3A_17 = arith.constant 0 : index
    %get3A_18 = arith.constant 0 : index
    %get3A_19 = vector.load %arg1[%get3A_15, %get3A_16, %get3A_17, %get3A_18] : memref<2x4x1024x128xf32, #tpu.memory_space<vmem>>, vector<1x1x1024x128xf32>
    %get3A_20 = vector.shape_cast %get3A_19 : vector<1x1x1024x128xf32> to vector<1024x128xf32>
    %add3A_21 = arith.addf %get3A_14, %get3A_20 : vector<1024x128xf32>
    %broadcast_in_dim3A_22 = vector.shape_cast %add3A_8 : vector<1024xf32> to vector<1024x1xf32>
    %div3A = vector.broadcast %broadcast_in_dim3A_22 : vector<1024x1xf32> to vector<1024x128xf32>
    %div3A_23 = arith.divf %add3A_21, %div3A : vector<1024x128xf32>
    %get3A_24 = arith.constant 0 : index
    %get3A_25 = vector.load %arg3[%get3A_24] : memref<512xf32, #tpu.memory_space<vmem>>, vector<128xf32>
    %broadcast_in_dim3A_26 = vector.shape_cast %get3A_25 : vector<128xf32> to vector<1x128xf32>
    %add3A_27 = vector.broadcast %broadcast_in_dim3A_26 : vector<1x128xf32> to vector<1024x128xf32>
    %add3A_28 = arith.addf %div3A_23, %add3A_27 : vector<1024x128xf32>
    %max3A = arith.constant 0.000000e+00 : f32
    %max3A_29 = vector.broadcast %max3A : f32 to vector<1024x128xf32>
    %max3A_30 = arith.maximumf %add3A_28, %max3A_29 : vector<1024x128xf32>
    %get3A_31 = arith.constant 0 : index
    %get3A_32 = arith.constant 0 : index
    %get3A_33 = vector.load %arg4[%get3A_31, %get3A_32] : memref<512x128xf32, #tpu.memory_space<vmem>>, vector<128x128xf32>
    %dot_general3A = arith.constant dense<0.000000e+00> : vector<1024x128xf32>
    %dot_general3A_34 = tpu.matmul %max3A_30, %get3A_33, %dot_general3A {dimension_numbers = #tpu.dot_dimension_numbers<[1], [0], [0], [1], [0, 0, 1, 1], [], []>, transpose_lhs_hint = false} : vector<1024x128xf32>, vector<128x128xf32>, vector<1024x128xf32> -> vector<1024x128xf32>
    %add3A_35 = arith.addf %broadcast_in_dim3A_0, %dot_general3A_34 : vector<1024x128xf32>
    %get3A_36 = arith.constant 0 : index
    %get3A_37 = arith.constant 1 : index
    %get3A_38 = arith.constant 0 : index
    %get3A_39 = arith.constant 0 : index
    %get3A_40 = vector.load %arg2[%get3A_36, %get3A_37, %get3A_38, %get3A_39] : memref<2x4x16x1024xf32, #tpu.memory_space<vmem>>, vector<2x1x16x1024xf32>
    %get3A_41 = vector.shape_cast %get3A_40 : vector<2x1x16x1024xf32> to vector<2x16x1024xf32>
    %reduce_sum3A_42 = arith.constant dense<0.000000e+00> : vector<1024xf32>
    %reduce_sum3A_43 = vector.multi_reduction <add>, %get3A_41, %reduce_sum3A_42 [0, 1] : vector<2x16x1024xf32> to vector<1024xf32>
    %add3A_44 = arith.constant 1.000000e-16 : f32
    %add3A_45 = vector.broadcast %add3A_44 : f32 to vector<1024xf32>
    %add3A_46 = arith.addf %reduce_sum3A_43, %add3A_45 : vector<1024xf32>
    %get3A_47 = arith.constant 0 : index
    %get3A_48 = arith.constant 1 : index
    %get3A_49 = arith.constant 0 : index
    %get3A_50 = arith.constant 0 : index
    %get3A_51 = vector.load %arg1[%get3A_47, %get3A_48, %get3A_49, %get3A_50] : memref<2x4x1024x128xf32, #tpu.memory_space<vmem>>, vector<1x1x1024x128xf32>
    %get3A_52 = vector.shape_cast %get3A_51 : vector<1x1x1024x128xf32> to vector<1024x128xf32>
    %get3A_53 = arith.constant 1 : index
    %get3A_54 = arith.constant 1 : index
    %get3A_55 = arith.constant 0 : index
    %get3A_56 = arith.constant 0 : index
    %get3A_57 = vector.load %arg1[%get3A_53, %get3A_54, %get3A_55, %get3A_56] : memref<2x4x1024x128xf32, #tpu.memory_space<vmem>>, vector<1x1x1024x128xf32>
    %get3A_58 = vector.shape_cast %get3A_57 : vector<1x1x1024x128xf32> to vector<1024x128xf32>
    %add3A_59 = arith.addf %get3A_52, %get3A_58 : vector<1024x128xf32>
    %broadcast_in_dim3A_60 = vector.shape_cast %add3A_46 : vector<1024xf32> to vector<1024x1xf32>
    %div3A_61 = vector.broadcast %broadcast_in_dim3A_60 : vector<1024x1xf32> to vector<1024x128xf32>
    %div3A_62 = arith.divf %add3A_59, %div3A_61 : vector<1024x128xf32>
    %get3A_63 = arith.constant 128 : index
    %get3A_64 = vector.load %arg3[%get3A_63] : memref<512xf32, #tpu.memory_space<vmem>>, vector<128xf32>
    %broadcast_in_dim3A_65 = vector.shape_cast %get3A_64 : vector<128xf32> to vector<1x128xf32>
    %add3A_66 = vector.broadcast %broadcast_in_dim3A_65 : vector<1x128xf32> to vector<1024x128xf32>
    %add3A_67 = arith.addf %div3A_62, %add3A_66 : vector<1024x128xf32>
    %max3A_68 = arith.constant 0.000000e+00 : f32
    %max3A_69 = vector.broadcast %max3A_68 : f32 to vector<1024x128xf32>
    %max3A_70 = arith.maximumf %add3A_67, %max3A_69 : vector<1024x128xf32>
    %get3A_71 = arith.constant 128 : index
    %get3A_72 = arith.constant 0 : index
    %get3A_73 = vector.load %arg4[%get3A_71, %get3A_72] : memref<512x128xf32, #tpu.memory_space<vmem>>, vector<128x128xf32>
    %dot_general3A_74 = arith.constant dense<0.000000e+00> : vector<1024x128xf32>
    %dot_general3A_75 = tpu.matmul %max3A_70, %get3A_73, %dot_general3A_74 {dimension_numbers = #tpu.dot_dimension_numbers<[1], [0], [0], [1], [0, 0, 1, 1], [], []>, transpose_lhs_hint = false} : vector<1024x128xf32>, vector<128x128xf32>, vector<1024x128xf32> -> vector<1024x128xf32>
    %add3A_76 = arith.addf %add3A_35, %dot_general3A_75 : vector<1024x128xf32>
    %get3A_77 = arith.constant 0 : index
    %get3A_78 = arith.constant 2 : index
    %get3A_79 = arith.constant 0 : index
    %get3A_80 = arith.constant 0 : index
    %get3A_81 = vector.load %arg2[%get3A_77, %get3A_78, %get3A_79, %get3A_80] : memref<2x4x16x1024xf32, #tpu.memory_space<vmem>>, vector<2x1x16x1024xf32>
    %get3A_82 = vector.shape_cast %get3A_81 : vector<2x1x16x1024xf32> to vector<2x16x1024xf32>
    %reduce_sum3A_83 = arith.constant dense<0.000000e+00> : vector<1024xf32>
    %reduce_sum3A_84 = vector.multi_reduction <add>, %get3A_82, %reduce_sum3A_83 [0, 1] : vector<2x16x1024xf32> to vector<1024xf32>
    %add3A_85 = arith.constant 1.000000e-16 : f32
    %add3A_86 = vector.broadcast %add3A_85 : f32 to vector<1024xf32>
    %add3A_87 = arith.addf %reduce_sum3A_84, %add3A_86 : vector<1024xf32>
    %get3A_88 = arith.constant 0 : index
    %get3A_89 = arith.constant 2 : index
    %get3A_90 = arith.constant 0 : index
    %get3A_91 = arith.constant 0 : index
    %get3A_92 = vector.load %arg1[%get3A_88, %get3A_89, %get3A_90, %get3A_91] : memref<2x4x1024x128xf32, #tpu.memory_space<vmem>>, vector<1x1x1024x128xf32>
    %get3A_93 = vector.shape_cast %get3A_92 : vector<1x1x1024x128xf32> to vector<1024x128xf32>
    %get3A_94 = arith.constant 1 : index
    %get3A_95 = arith.constant 2 : index
    %get3A_96 = arith.constant 0 : index
    %get3A_97 = arith.constant 0 : index
    %get3A_98 = vector.load %arg1[%get3A_94, %get3A_95, %get3A_96, %get3A_97] : memref<2x4x1024x128xf32, #tpu.memory_space<vmem>>, vector<1x1x1024x128xf32>
    %get3A_99 = vector.shape_cast %get3A_98 : vector<1x1x1024x128xf32> to vector<1024x128xf32>
    %add3A_100 = arith.addf %get3A_93, %get3A_99 : vector<1024x128xf32>
    %broadcast_in_dim3A_101 = vector.shape_cast %add3A_87 : vector<1024xf32> to vector<1024x1xf32>
    %div3A_102 = vector.broadcast %broadcast_in_dim3A_101 : vector<1024x1xf32> to vector<1024x128xf32>
    %div3A_103 = arith.divf %add3A_100, %div3A_102 : vector<1024x128xf32>
    %get3A_104 = arith.constant 256 : index
    %get3A_105 = vector.load %arg3[%get3A_104] : memref<512xf32, #tpu.memory_space<vmem>>, vector<128xf32>
    %broadcast_in_dim3A_106 = vector.shape_cast %get3A_105 : vector<128xf32> to vector<1x128xf32>
    %add3A_107 = vector.broadcast %broadcast_in_dim3A_106 : vector<1x128xf32> to vector<1024x128xf32>
    %add3A_108 = arith.addf %div3A_103, %add3A_107 : vector<1024x128xf32>
    %max3A_109 = arith.constant 0.000000e+00 : f32
    %max3A_110 = vector.broadcast %max3A_109 : f32 to vector<1024x128xf32>
    %max3A_111 = arith.maximumf %add3A_108, %max3A_110 : vector<1024x128xf32>
    %get3A_112 = arith.constant 256 : index
    %get3A_113 = arith.constant 0 : index
    %get3A_114 = vector.load %arg4[%get3A_112, %get3A_113] : memref<512x128xf32, #tpu.memory_space<vmem>>, vector<128x128xf32>
    %dot_general3A_115 = arith.constant dense<0.000000e+00> : vector<1024x128xf32>
    %dot_general3A_116 = tpu.matmul %max3A_111, %get3A_114, %dot_general3A_115 {dimension_numbers = #tpu.dot_dimension_numbers<[1], [0], [0], [1], [0, 0, 1, 1], [], []>, transpose_lhs_hint = false} : vector<1024x128xf32>, vector<128x128xf32>, vector<1024x128xf32> -> vector<1024x128xf32>
    %add3A_117 = arith.addf %add3A_76, %dot_general3A_116 : vector<1024x128xf32>
    %get3A_118 = arith.constant 0 : index
    %get3A_119 = arith.constant 3 : index
    %get3A_120 = arith.constant 0 : index
    %get3A_121 = arith.constant 0 : index
    %get3A_122 = vector.load %arg2[%get3A_118, %get3A_119, %get3A_120, %get3A_121] : memref<2x4x16x1024xf32, #tpu.memory_space<vmem>>, vector<2x1x16x1024xf32>
    %get3A_123 = vector.shape_cast %get3A_122 : vector<2x1x16x1024xf32> to vector<2x16x1024xf32>
    %reduce_sum3A_124 = arith.constant dense<0.000000e+00> : vector<1024xf32>
    %reduce_sum3A_125 = vector.multi_reduction <add>, %get3A_123, %reduce_sum3A_124 [0, 1] : vector<2x16x1024xf32> to vector<1024xf32>
    %add3A_126 = arith.constant 1.000000e-16 : f32
    %add3A_127 = vector.broadcast %add3A_126 : f32 to vector<1024xf32>
    %add3A_128 = arith.addf %reduce_sum3A_125, %add3A_127 : vector<1024xf32>
    %get3A_129 = arith.constant 0 : index
    %get3A_130 = arith.constant 3 : index
    %get3A_131 = arith.constant 0 : index
    %get3A_132 = arith.constant 0 : index
    %get3A_133 = vector.load %arg1[%get3A_129, %get3A_130, %get3A_131, %get3A_132] : memref<2x4x1024x128xf32, #tpu.memory_space<vmem>>, vector<1x1x1024x128xf32>
    %get3A_134 = vector.shape_cast %get3A_133 : vector<1x1x1024x128xf32> to vector<1024x128xf32>
    %get3A_135 = arith.constant 1 : index
    %get3A_136 = arith.constant 3 : index
    %get3A_137 = arith.constant 0 : index
    %get3A_138 = arith.constant 0 : index
    %get3A_139 = vector.load %arg1[%get3A_135, %get3A_136, %get3A_137, %get3A_138] : memref<2x4x1024x128xf32, #tpu.memory_space<vmem>>, vector<1x1x1024x128xf32>
    %get3A_140 = vector.shape_cast %get3A_139 : vector<1x1x1024x128xf32> to vector<1024x128xf32>
    %add3A_141 = arith.addf %get3A_134, %get3A_140 : vector<1024x128xf32>
    %broadcast_in_dim3A_142 = vector.shape_cast %add3A_128 : vector<1024xf32> to vector<1024x1xf32>
    %div3A_143 = vector.broadcast %broadcast_in_dim3A_142 : vector<1024x1xf32> to vector<1024x128xf32>
    %div3A_144 = arith.divf %add3A_141, %div3A_143 : vector<1024x128xf32>
    %get3A_145 = arith.constant 384 : index
    %get3A_146 = vector.load %arg3[%get3A_145] : memref<512xf32, #tpu.memory_space<vmem>>, vector<128xf32>
    %broadcast_in_dim3A_147 = vector.shape_cast %get3A_146 : vector<128xf32> to vector<1x128xf32>
    %add3A_148 = vector.broadcast %broadcast_in_dim3A_147 : vector<1x128xf32> to vector<1024x128xf32>
    %add3A_149 = arith.addf %div3A_144, %add3A_148 : vector<1024x128xf32>
    %max3A_150 = arith.constant 0.000000e+00 : f32
    %max3A_151 = vector.broadcast %max3A_150 : f32 to vector<1024x128xf32>
    %max3A_152 = arith.maximumf %add3A_149, %max3A_151 : vector<1024x128xf32>
    %get3A_153 = arith.constant 384 : index
    %get3A_154 = arith.constant 0 : index
    %get3A_155 = vector.load %arg4[%get3A_153, %get3A_154] : memref<512x128xf32, #tpu.memory_space<vmem>>, vector<128x128xf32>
    %dot_general3A_156 = arith.constant dense<0.000000e+00> : vector<1024x128xf32>
    %dot_general3A_157 = tpu.matmul %max3A_152, %get3A_155, %dot_general3A_156 {dimension_numbers = #tpu.dot_dimension_numbers<[1], [0], [0], [1], [0, 0, 1, 1], [], []>, transpose_lhs_hint = false} : vector<1024x128xf32>, vector<128x128xf32>, vector<1024x128xf32> -> vector<1024x128xf32>
    %add3A_158 = arith.addf %add3A_117, %dot_general3A_157 : vector<1024x128xf32>
    %get3A_159 = arith.constant 0 : index
    %get3A_160 = vector.load %arg5[%get3A_159] : memref<128xf32, #tpu.memory_space<vmem>>, vector<128xf32>
    %broadcast_in_dim3A_161 = vector.shape_cast %get3A_160 : vector<128xf32> to vector<1x128xf32>
    %add3A_162 = vector.broadcast %broadcast_in_dim3A_161 : vector<1x128xf32> to vector<1024x128xf32>
    %add3A_163 = arith.addf %add3A_158, %add3A_162 : vector<1024x128xf32>
    %max3A_164 = arith.constant 0.000000e+00 : f32
    %max3A_165 = vector.broadcast %max3A_164 : f32 to vector<1024x128xf32>
    %max3A_166 = arith.maximumf %add3A_163, %max3A_165 : vector<1024x128xf32>
    %get3A_167 = arith.constant 0 : index
    %get3A_168 = arith.constant 0 : index
    %get3A_169 = vector.load %arg6[%get3A_167, %get3A_168] : memref<128x64xf32, #tpu.memory_space<vmem>>, vector<128x64xf32>
    %dot_general3A_170 = arith.constant dense<0.000000e+00> : vector<1024x64xf32>
    %dot_general3A_171 = tpu.matmul %max3A_166, %get3A_169, %dot_general3A_170 {dimension_numbers = #tpu.dot_dimension_numbers<[1], [0], [0], [1], [0, 0, 1, 1], [], []>, transpose_lhs_hint = false} : vector<1024x128xf32>, vector<128x64xf32>, vector<1024x64xf32> -> vector<1024x64xf32>
    %get3A_172 = arith.constant 0 : index
    %get3A_173 = vector.load %arg7[%get3A_172] : memref<64xf32, #tpu.memory_space<vmem>>, vector<64xf32>
    %broadcast_in_dim3A_174 = vector.shape_cast %get3A_173 : vector<64xf32> to vector<1x64xf32>
    %add3A_175 = vector.broadcast %broadcast_in_dim3A_174 : vector<1x64xf32> to vector<1024x64xf32>
    %add3A_176 = arith.addf %dot_general3A_171, %add3A_175 : vector<1024x64xf32>
    %swap3A = arith.constant 0 : index
    %swap3A_177 = arith.constant 0 : index
    %swap3A_178 = vector.load %arg8[%swap3A, %swap3A_177] : memref<1024x64xf32, #tpu.memory_space<vmem>>, vector<1024x64xf32>
    tpu.vector_store %arg8[%swap3A, %swap3A_177], %add3A_176 {strides = array<i32>} : memref<1024x64xf32, #tpu.memory_space<vmem>>, vector<1024x64xf32>,
    return
  }
  func.func @transform_0(%arg0: i32) -> (i32, i32, i32, i32) {
    %c0_i32 = arith.constant 0 : i32
    %c0_i32_0 = arith.constant 0 : i32
    %c0_i32_1 = arith.constant 0 : i32
    %c0_i32_2 = arith.constant 0 : i32
    return %c0_i32, %c0_i32_0, %arg0, %c0_i32_1 : i32, i32, i32, i32
  }
  func.func @transform_1(%arg0: i32) -> (i32, i32, i32, i32) {
    %c0_i32 = arith.constant 0 : i32
    %c0_i32_0 = arith.constant 0 : i32
    %c0_i32_1 = arith.constant 0 : i32
    %c0_i32_2 = arith.constant 0 : i32
    return %c0_i32, %c0_i32_0, %c0_i32_1, %arg0 : i32, i32, i32, i32
  }
  func.func @transform_2(%arg0: i32) -> i32 {
    %c0_i32 = arith.constant 0 : i32
    %c0_i32_0 = arith.constant 0 : i32
    return %c0_i32 : i32
  }
  func.func @transform_3(%arg0: i32) -> (i32, i32) {
    %c0_i32 = arith.constant 0 : i32
    %c0_i32_0 = arith.constant 0 : i32
    %c0_i32_1 = arith.constant 0 : i32
    return %c0_i32, %c0_i32_0 : i32, i32
  }
  func.func @transform_4(%arg0: i32) -> i32 {
    %c0_i32 = arith.constant 0 : i32
    %c0_i32_0 = arith.constant 0 : i32
    return %c0_i32 : i32
  }
  func.func @transform_5(%arg0: i32) -> (i32, i32) {
    %c0_i32 = arith.constant 0 : i32
    %c0_i32_0 = arith.constant 0 : i32
    %c0_i32_1 = arith.constant 0 : i32
    return %c0_i32, %c0_i32_0 : i32, i32
  }
  func.func @transform_6(%arg0: i32) -> i32 {
    %c0_i32 = arith.constant 0 : i32
    %c0_i32_0 = arith.constant 0 : i32
    return %c0_i32 : i32
  }
  func.func @transform_7(%arg0: i32) -> (i32, i32) {
    %c0_i32 = arith.constant 0 : i32
    %c0_i32_0 = arith.constant 0 : i32
    return %arg0, %c0_i32 : i32, i32
  }
}

</mosaic_0001>

<sc_bundles>
// kernel: kernel.5.cloned.1.call-start
scs
__scs_entry_jumppad:
0x0: {  	(pc) =	sbr.rel $0x88, $3  }
0x1: {  	(tag) =	ssettag $0x0;
	lr =	simm.s32 $0x1  }
0x2: {  	[smem:$0x3F97] =	sst lr;
	_ =	strace $0xD0000000  }
0x3: {  	_ = 	snop  }
0x4: {  	_ = 	snop  }
0x5: {  	_ = 	snop  }
0x6: {  	_ = 	snop  }
0x7: {  	_ = 	snop  }
__scs_overlays_trampoline_lowered:
0x8: {  	[smem:$0x3FA6] =	sst s0  }
0x9: {  	[smem:$0x3FA7] =	sst s1  }
0xa: {  	[smem:$0x3FA8] =	sst s2  }
0xb: {  	[smem:$0x3FA9] =	sst s3  }
0xc: {  	[smem:$0x3FAA] =	sst s4  }
0xd: {  	[smem:$0x3FAB] =	sst s5  }
0xe: {  	[smem:$0x3FAC] =	sst s6  }
0xf: {  	[smem:$0x3FAD] =	sst s7  }
0x10: {  	[smem:$0x3FAE] =	sst s8  }
0x11: {  	[smem:$0x3FAF] =	sst s9;
	s0 =	simm.s32 @!p0 $0x0  }
0x12: {  	s1 =	sld [smem:$0x3F95];
	s0 =	simm.s32 @p0 $0x1  }
0x13: {  	[smem:$0x3FB0] =	sst s0;
	s0 =	simm.s32 @!p1 $0x0  }
0x14: {  	s2 =	sld [smem:$0x3F94];
	s0 =	simm.s32 @p1 $0x1  }
0x15: {  	[smem:$0x3FB1] =	sst s0;
	s0 =	simm.s32 @!p2 $0x0  }
0x16: {  	s3 =	sld [smem:$0x3FDB];
	s0 =	simm.s32 @p2 $0x1  }
0x17: {  	s4 =	simm.s32 $0x1BF5;
	[smem:$0x3FB3] =	sst s0  }
0x18: {  	s0 =	sld [smem:$0x3F96];
	_ =	swait.ge [sflag:s4], $0x0  }
0x19: {  	s7 =	sld [smem:$0x3F97]  }
0x1a: {  	s8 =	sadd.s32 $0xFFFFE003, lr  }
0x1b: {  	s9 =	sadd.s32 $0xFFFFFEF7, lr;
	s5 =	simm.s32 $0xFFFFFFFF;
	p2 =	slt.u32 s8, $0xFFFFF086  }
0x1c: {  	p1 =	slt.u32 s9, $0xF7A;
	s5 =	simm.s32 @!p2 $0x0  }
0x1d: {  	s5 =	simm.s32 @p1 $0x1;
	p0 =	seq.s32 s7, s2  }
0x1e: {  	s7 =	smul.u32 @!p0 $0xF7A, s2;
	p2 =	seq.s32 @!p0 s5, $0x0  }
0x1f: {  	s9 =	smul.u32 $0xF7A, s1;
	s8 =	simm.s32 @!p0 $0x1BF5;
	p2 =	por !p2, p0  }
0x20: {  	[sflag:s8] =	ssyncset.s32 @!p0 $0xFFFFF086;
	s6 =	sadd.s32 @!p0 s3, s7;
	s7 =	simm.s32 @!p0 $0x108  }
0x21: {  	s3 =	sadd.s32 s3, s9;
	s6 =	sadd.s32 @!p0 $0x88, s6;
	s7 =	simm.s32 @p2 $0x1082  }
0x22: {  	[simem:s7], [sflag:s8] =	dma.local @!p0 [hbm:s6], $0xF7A  }
0x23: {  	s9 =	sor.u32 $0xD0000000, s2;
	s6 =	simm.s32 $0x108;
	_ =	swait.ge @!p0 [sflag:s8], $0x0  }
0x24: {  	s3 =	sadd.s32 $0x88, s3;
	s6 =	simm.s32 @!p1 $0x1082;
	[sflag:s4] =	ssyncset.s32 $0xFFFFF086  }
0x25: {  	[simem:s6], [sflag:s4] =	dma.local [hbm:s3], $0xF7A  }
0x26: {  	[smem:$0x3F97] =	sst s1;
	(tag) =	ssettag s2;
	_ =	strace s9  }
0x27: {  	s1 =	sld [smem:$0x3FA7]  }
0x28: {  	s2 =	sld [smem:$0x3FA8]  }
0x29: {  	s4 =	sld [smem:$0x3FAA]  }
0x2a: {  	p0 =	seq.s32 s5, $0x0;
	s5 =	sld [smem:$0x3FAB]  }
0x2b: {  	s6 =	sld [smem:$0x3FAC]  }
0x2c: {  	s7 =	sld [smem:$0x3FAD]  }
0x2d: {  	s3 =	simm.s32 $0x108;
	s8 =	sld [smem:$0x3FAE]  }
0x2e: {  	s3 =	simm.s32 @!p0 $0x1082;
	s9 =	sld [smem:$0x3FAF]  }
0x2f: {  	lr =	sadd.s32 s0, s3;
	s0 =	sld [smem:$0x3FA6]  }
0x30: {  	s3 =	sld [smem:$0x3FA9]  }
0x31: {  	[smem:$0x3FB2] =	sst s10  }
0x32: {  	s10 =	sld [smem:$0x3FB0];
	_ =	sdelay $0x3  }
0x33: {  	p0 =	seq.s32 s10, $0x1;
	s10 =	sld [smem:$0x3FB2];
	_ =	sdelay $0x3  }
0x34: {  	[smem:$0x3FB2] =	sst s10  }
0x35: {  	s10 =	sld [smem:$0x3FB1];
	_ =	sdelay $0x3  }
0x36: {  	p1 =	seq.s32 s10, $0x1;
	s10 =	sld [smem:$0x3FB2];
	_ =	sdelay $0x3  }
0x37: {  	[smem:$0x3FB2] =	sst s10  }
0x38: {  	s10 =	sld [smem:$0x3FB3]  }
0x39: {  	_ = 	snop;
	(pc) =	sbr.ind lr, $3  }
0x3a: {  	_ = 	snop  }
0x3b: {  	_ = 	snop  }
0x3c: {  	p2 =	seq.s32 s10, $0x1;
	s10 =	sld [smem:$0x3FB2]  }
0x3d: {  	_ =	shalt  }
0x3e: {  	_ =	shalt  }
0x3f: {  	_ =	shalt  }
0x40: {  	_ =	shalt  }
0x41: {  	_ =	shalt  }
0x42: {  	_ =	shalt  }
0x43: {  	_ =	shalt  }
0x44: {  	_ =	shalt  }
0x45: {  	_ =	shalt  }
0x46: {  	_ =	shalt  }
0x47: {  	_ =	shalt  }
0x48: {  	_ =	shalt  }
0x49: {  	_ =	shalt  }
0x4a: {  	_ =	shalt  }
0x4b: {  	_ =	shalt  }
0x4c: {  	_ =	shalt  }
0x4d: {  	_ =	shalt  }
0x4e: {  	_ =	shalt  }
0x4f: {  	_ =	shalt  }
0x50: {  	_ =	shalt  }
0x51: {  	_ =	shalt  }
0x52: {  	_ =	shalt  }
0x53: {  	_ =	shalt  }
0x54: {  	_ =	shalt  }
0x55: {  	_ =	shalt  }
0x56: {  	_ =	shalt  }
0x57: {  	_ =	shalt  }
0x58: {  	_ =	shalt  }
0x59: {  	_ =	shalt  }
0x5a: {  	_ =	shalt  }
0x5b: {  	_ =	shalt  }
0x5c: {  	_ =	shalt  }
0x5d: {  	_ =	shalt  }
0x5e: {  	_ =	shalt  }
0x5f: {  	_ =	shalt  }
0x60: {  	_ =	shalt  }
0x61: {  	_ =	shalt  }
0x62: {  	_ =	shalt  }
0x63: {  	_ =	shalt  }
0x64: {  	_ =	shalt  }
0x65: {  	_ =	shalt  }
0x66: {  	_ =	shalt  }
0x67: {  	_ =	shalt  }
0x68: {  	_ =	shalt  }
0x69: {  	_ =	shalt  }
0x6a: {  	_ =	shalt  }
0x6b: {  	_ =	shalt  }
0x6c: {  	_ =	shalt  }
0x6d: {  	_ =	shalt  }
0x6e: {  	_ =	shalt  }
0x6f: {  	_ =	shalt  }
0x70: {  	_ =	shalt  }
0x71: {  	_ =	shalt  }
0x72: {  	_ =	shalt  }
0x73: {  	_ =	shalt  }
0x74: {  	_ =	shalt  }
0x75: {  	_ =	shalt  }
0x76: {  	_ =	shalt  }
0x77: {  	_ =	shalt  }
0x78: {  	_ =	shalt  }
0x79: {  	_ =	shalt  }
0x7a: {  	_ =	shalt  }
0x7b: {  	_ =	shalt  }
0x7c: {  	_ =	shalt  }
0x7d: {  	_ =	shalt  }
0x7e: {  	_ =	shalt  }
0x7f: {  	_ =	shalt  }
0x80: {  	_ =	shalt  }
0x81: {  	_ =	shalt  }
0x82: {  	_ =	shalt  }
0x83: {  	_ =	shalt  }
0x84: {  	_ =	shalt  }
0x85: {  	_ =	shalt  }
0x86: {  	_ =	shalt  }
0x87: {  	_ =	shalt  }
.Lfunc_end0:
.L_simem_size_0:
called_computation_lowered:
.L_overlay_start_0:
0x88: {  	s2 =	sld [smem:$0x3FD9]  }
0x89: {  	s3 =	sld [smem:$0x3FFE];
	_ =	sdelay $0x1  }
0x8a: {  	s1 =	srdreg.scid  }
0x8b: {  	s0 =	sand.u32 $0x1, s1  }
0x8c: {  	s17 =	sshll.u32 s0, $0xA;
	s2 =	sadd.s32 s3, s2  }
0x8d: {  	s2 =	sadd.s32 s2, s17  }
0x8e: {  	[smem:$0x3FBE] =	sst s2  }
0x8f: {  	_ = 	snop  }
0x90: {  	s2 =	sld [smem:$0x3FD0];
	(tm) =	ssettm $0x1  }
0x91: {  	s18 =	sld [smem:$0x3FFB];
	_ =	sdelay $0x3  }
0x92: {  	_ =	strace s18  }
0x93: {  	s3 =	sld [smem:$0x3FFC];
	_ =	sdelay $0x3  }
0x94: {  	_ =	strace s3  }
0x95: {  	s3 =	sld [smem:$0x3FFD];
	_ =	sdelay $0x3  }
0x96: {  	_ =	strace s3  }
0x97: {  	_ =	strace $0x8FFFFFFF  }
0x98: {  	s19 =	sld [smem:$0x3FDB];
	_ =	sdelay $0x1  }
0x99: {  	s4 =	simm.s32 $_scs_section_size  }
0x9a: {  	s5 =	simm.s32 $_size__tile_overlayer_lowered;
	s6 =	simm.s32 $_tile_overlayer_lowered  }
0x9b: {  	s22 =	simm.s32 $0x1BFF;
	s21 =	sshll.u32 s6, $0x1;
	s3 =	sadd.s32 s4, s19  }
0x9c: {  	s7 =	simm.s32 $0x0;
	s20 =	sshll.u32 s5, $0x1;
	s5 =	sadd.s32 s21, s3  }
0x9d: {  	[timem:s7], [sflag:s22] =	dma.local [hbm:s5], s20  }
0x9e: {  	_ =	swait.ge [sflag:s22], s20  }
0x9f: {  	s4 =	ssub.s32 $0x0, s20;
	[sflag:s22] =	ssyncset.done $0x0  }
0xa0: {  	[sflag:s22] =	ssyncadd.s32 s4;
	_ =	sdelay $0x1  }
0xa1: {  	s23 =	simm.s32 $0x1B8B  }
0xa2: {  	_ =	swait.ge [sflag:s23], $0x1  }
0xa3: {  	[sflag:s23] =	ssyncset.done $0x0  }
0xa4: {  	s25 =	simm.s32 $0x1B8E;
	s24 =	sld [smem:$0x3FFE];
	[sflag:s23] =	ssyncadd.s32 $0xFFFFFFFF  }
0xa5: {  	s26 =	simm.s32 $execute0_lowered;
	[smem:$0x3FD2] =	sst s25  }
0xa6: {  	s5 =	sshll.u32 s26, $0x1;
	_ =	strace $0x80000046;
	[dreg:$0x1] =	wrdreg $0xFFFFFFFF  }
0xa7: {  	s28 =	simm.s32 $_size_execute0_lowered;
	s3 =	sadd.s32 s3, s5;
	[dreg:$0x0] =	wrdreg $0x0  }
0xa8: {  	s5 =	sshll.u32 s28, $0x1;
	[dreg:$0x2] =	wrdreg s3  }
0xa9: {  	[dreg:$0x3] =	wrdreg s5  }
0xaa: {  	[dreg:$0x4] =	wrdreg $0xC0  }
0xab: {  	_ =	task [dreg:s7], $0x5FFFF  }
0xac: {  	[dreg:$0x1] =	wrdreg $0xFFFFFFFF  }
0xad: {  	[dreg:$0x0] =	wrdreg $0x60  }
0xae: {  	[dreg:$0x2] =	wrdreg s24  }
0xaf: {  	[dreg:$0x3] =	wrdreg s2  }
0xb0: {  	[dreg:$0x4] =	wrdreg $0xA9800  }
0xb1: {  	[dreg:$0x5] =	wrdreg $0x9  }
0xb2: {  	_ =	task.clear_ibuf [dreg:s7], $0x6FFFF;
	_ =	strace $0x90000046  }
0xb3: {  	s29 =	simm.s32 $0x9;
	_ =	strace $0x80000048  }
0xb4: {  	_ =	swait.ge [sflag:s29], $0x1  }
0xb5: {  	[sflag:s29] =	ssyncadd.s32 $0xFFFFFFFF  }
0xb6: {  	_ =	strace $0x90000048  }
0xb7: {  	_ =	sfence  }
0xb8: {  	s30 =	sld [smem:$0x0];
	_ =	sdelay $0x2  }
0xb9: {  	s31 =	sshll.u32 s1, $0xD;
	s1 =	sshrl.u32 s1, $0x2  }
0xba: {  	s3 =	sand.u32 $0x4000, s31;
	s1 =	sadd.s32 s1, s30  }
0xbb: {  	s0 =	sor.u32 s3, s0;
	s1 =	sshll.u32 s1, $0x11  }
0xbc: {  	s0 =	sor.u32 s1, s0  }
0xbd: {  	s0 =	sadd.s32 $0x8F2B, s0  }
0xbe: {  	[sflag:s0] =	ssyncadd.remote.s32 $0x1  }
0xbf: {  	_ =	sfence.sel $0xFFFF  }
0xc0: {  	[dreg:$0x0] =	wrdreg $0xFFFFFFFF;
	(pc) =	sbr.abs _section_cstart, $3  }
0xc1: {  	[dreg:$0x1] =	wrdreg $0xFFFFFFFF  }
0xc2: {  	_ =	task.clear_ibuf [dreg:s7], $0x2FFFF;
	_ =	strace $0x9FFFFFFF  }
0xc3: {  	(tm) =	ssettm $0x7FFFFFFF  }
tec
execute0_lowered:
.L_overlay_start_1:
0x0: {  	(tag) =	ssettag $0x1  }
0x1: {  	s0 =	rddreg [dreg:$0x0]  }
0x2: {  	s2 =	rddreg [dreg:$0x1];
	s1 =	srdreg.scid  }
0x3: {  	s3 =	rddreg [dreg:$0x2];
	s14 =	stileid.u32  }
0x4: {  	s4 =	simm.s32 $0x0;
	s1 =	sand.u32 $0x1, s1;
	s6 =	smul.u32 $0x14000, s14  }
0x5: {  	[smem:$0x7FF] =	sst s4;
	s7 =	sadd.s32 $0xCA800, s0;
	s24 =	sadd.s32 $0xCBC00, s0  }
0x6: {  	s9 =	sshrl.u32 s14, $0x3;
	s26 =	smul.u32 $0x50000, s14;
	s13 =	sshll.u32 s14, $0x7  }
0x7: {  	s18 =	sadd.s32 $0xCA810, s0;
	_ =	strace $0x80000047;
	[dreg:$0x4] =	wrdreg s7  }
0x8: {  	s19 =	sadd.s32 $0xCBC10, s0;
	s21 =	sadd.s32 $0xCA820, s0;
	[dreg:$0x5] =	wrdreg s24  }
0x9: {  	s23 =	sadd.s32 $0xCBC20, s0;
	s5 =	smul.u32 $0x500000, s1;
	[dreg:$0x8] =	wrdreg s18  }
0xa: {  	s25 =	ssub.s32 $0x2, s1;
	s10 =	smul.u32 $0xA0000, s1;
	[dreg:$0x9] =	wrdreg s19  }
0xb: {  	s9 =	smul.u32 $0x14000, s9;
	s1 =	sshll.u32 s1, $0x4;
	[dreg:$0xc] =	wrdreg s21  }
0xc: {  	s13 =	sand.u32 $0x380, s13;
	[dreg:$0xd] =	wrdreg s23;
	s12 =	sshrl.u32 s25, $0x1  }
0xd: {  	s1 =	sor.u32 s14, s1;
	s7 =	ssub.s32 s25, s12;
	s9 =	sor.u32 s10, s9  }
0xe: {  	s12 =	sshrl.u32 s26, $0x2;
	s25 =	sadd.s32 $0xCA830, s0;
	s14 =	sor.u32 s13, s9  }
0xf: {  	s10 =	sadd.s32 s12, s3;
	[dreg:$0x10] =	wrdreg s25;
	s15 =	sshrl.u32 s14, $0x3  }
0x10: {  	s17 =	sadd.s32 $0x28000, s14;
	s22 =	sadd.s32 $0x50000, s14;
	s13 =	sadd.s32 $0x4000, s10  }
0x11: {  	s12 =	sadd.s32 $0x78000, s14;
	s14 =	sadd.s32 $0x5000, s10;
	[dreg:$0x18] =	wrdreg s13  }
0x12: {  	s18 =	sadd.s32 $0x8000, s10;
	[dreg:$0x19] =	wrdreg s14  }
0x13: {  	s8 =	sadd.s32 $0x2000, s0;
	s19 =	sadd.s32 $0x9000, s10;
	[dreg:$0x1c] =	wrdreg s18  }
0x14: {  	s6 =	sadd.s32 s6, s5;
	s21 =	sadd.s32 $0xB000, s10;
	[dreg:$0x1d] =	wrdreg s19  }
0x15: {  	s6 =	sshrl.u32 s6, $0x3;
	s23 =	sadd.s32 $0xD000, s10;
	[dreg:$0x1f] =	wrdreg s21  }
0x16: {  	s6 =	sadd.s32 s6, s0;
	s25 =	sadd.s32 $0xF000, s10;
	[smem:$0x7FA] =	sst s23  }
0x17: {  	s11 =	sadd.s32 $0xCD000, s0;
	s16 =	sadd.s32 $0xF5000, s6;
	[smem:$0x7FC] =	sst s25  }
0x18: {  	s9 =	smul.u32 $0x2880, s1;
	s1 =	sadd.s32 s11, s15;
	[dreg:$0x6] =	wrdreg s16  }
0x19: {  	s5 =	sadd.s32 $0x2A800, s0;
	s20 =	sadd.s32 $0x11D000, s6;
	[dreg:$0x7] =	wrdreg s1  }
0x1a: {  	s15 =	sadd.s32 $0x2010, s0;
	s0 =	sadd.s32 $0xCBC30, s0;
	[dreg:$0xa] =	wrdreg s20  }
0x1b: {  	s12 =	sshrl.u32 s12, $0x3;
	s26 =	sadd.s32 $0x145000, s6;
	[dreg:$0x11] =	wrdreg s0  }
0x1c: {  	s24 =	sadd.s32 s11, s12;
	[dreg:$0x12] =	wrdreg s26  }
0x1d: {  	s12 =	sadd.s32 $0x3000, s10;
	[dreg:$0xf] =	wrdreg s24  }
0x1e: {  	s28 =	simm.s32 $0x9980;
	s16 =	sadd.s32 $0x6000, s10;
	[dreg:$0x17] =	wrdreg s12  }
0x1f: {  	s1 =	sshrl.u32 s17, $0x3;
	s17 =	sadd.s32 $0x7000, s10;
	[dreg:$0x1a] =	wrdreg s16  }
0x20: {  	s29 =	simm.s32 $0x7800;
	s20 =	sadd.s32 $0xA000, s10;
	[dreg:$0x1b] =	wrdreg s17  }
0x21: {  	s30 =	simm.s32 $0x7880;
	s26 =	sadd.s32 $0x10000, s10;
	[dreg:$0x1e] =	wrdreg s20  }
0x22: {  	s31 =	simm.s32 $0x40;
	s1 =	sadd.s32 s11, s1;
	[smem:$0x7FD] =	sst s26  }
0x23: {  	s21 =	sadd.s32 $0x12000, s10;
	s24 =	sadd.s32 $0xE000, s10;
	[dreg:$0xb] =	wrdreg s1  }
0x24: {  	s1 =	sshrl.u32 s22, $0x3;
	s22 =	sadd.s32 $0xC000, s10;
	[smem:$0x7FB] =	sst s24  }
0x25: {  	s23 =	simm.s32 $0x80;
	s1 =	sadd.s32 s11, s1;
	[smem:$0x7F9] =	sst s22  }
0x26: {  	s25 =	simm.s32 $0x2;
	s11 =	sadd.s32 $0x2000, s10;
	[dreg:$0xe] =	wrdreg s1  }
0x27: {  	s0 =	simm.s32 $0x7900;
	s1 =	sadd.s32 $0x16D000, s6;
	[dreg:$0x16] =	wrdreg s11  }
0x28: {  	s20 =	sadd.s32 $0x11000, s10;
	s6 =	smax.u32 s7, $0x1;
	[dreg:$0x13] =	wrdreg s1  }
0x29: {  	s26 =	simm.s32 $0x2800;
	s7 =	sadd.s32 $0x1000, s10;
	[dreg:$0x14] =	wrdreg s6  }
0x2a: {  	s24 =	simm.s32 $0x200;
	s22 =	sadd.s32 $0x13000, s10;
	[dreg:$0x15] =	wrdreg s7  }
0x2b: {  	v0 =	vimm.f32 $0.0e+00;
	s1 =	simm.s32 $0x5000;
	s6 =	simm.s32 $0x1;
	s7 =	simm.s32 $0x9900  }
.LBB2_1:
0x2c: {  	s11 =	simm.s32 $0x0;
	s12 =	simm.s32 $0x200  }
.LBB2_2:
0x2d: {  	p0 =	sne.s32 s12, $0x3E00;
	[tilespmem:s11+$0x99F0] =	vst v0  }
0x2e: {  	[tilespmem:s11+$0x9980] =	vst v0  }
0x2f: {  	[tilespmem:s11+$0x9990] =	vst v0  }
.Ltmp0:
0x30: {  	[tilespmem:s11+$0x99A0] =	vst v0;
	(pc) =	sbr.rel @p0 .LBB2_2-.Ltmp0, $4  }
0x31: {  	[tilespmem:s11+$0x99B0] =	vst v0  }
0x32: {  	[tilespmem:s11+$0x99C0] =	vst v0  }
0x33: {  	[tilespmem:s11+$0x99D0] =	vst v0  }
0x34: {  	[tilespmem:s11+$0x99E0] =	vst v0;
	s11 =	sshra.s32 s12, $0x2;
	s12 =	sadd.s32 $0x200, s12  }
0x35: {  	[tilespmem:s11+$0x99F0] =	vst v0  }
0x36: {  	[tilespmem:s11+$0x9980] =	vst v0  }
0x37: {  	[tilespmem:s11+$0x9990] =	vst v0  }
0x38: {  	[tilespmem:s11+$0x99A0] =	vst v0  }
0x39: {  	[tilespmem:s11+$0x99B0] =	vst v0  }
0x3a: {  	[tilespmem:s11+$0x99C0] =	vst v0  }
0x3b: {  	[tilespmem:s11+$0x99D0] =	vst v0  }
0x3c: {  	[tilespmem:s11+$0x99E0] =	vst v0;
	s18 =	simm.s32 $0x0;
	s12 =	rddreg [dreg:$0x4]  }
0x3d: {  	[tilespmem:s18], [sflag:$0x2] =	stream.strided.gather [hbm4b:s12+s23], $0x2800, s24, s23, $0x38;
	[tilespmem:$0x1E980] =	vst v63  }
0x3e: {  	_ =	swait.ge [sflag:s25], $0x2800  }
0x3f: {  	[sflag:s25] =	ssyncset.done $0x0  }
0x40: {  	s19 =	rddreg [dreg:$0x5];
	[sflag:s25] =	ssyncadd.s32 $0xFFFFD800  }
0x41: {  	[tilespmem:s26], [sflag:$0x2] =	stream.strided.gather [hbm4b:s19+s23], $0x2800, s24, s23, $0x38;
	[tilespmem:$0x1E980] =	vst v63  }
0x42: {  	_ =	swait.ge [sflag:s25], $0x2800  }
0x43: {  	[sflag:s25] =	ssyncset.done $0x0  }
0x44: {  	s11 =	simm.s32 $0x40;
	s12 =	simm.s32 $0x0;
	[sflag:s25] =	ssyncadd.s32 $0xFFFFD800  }
.LBB2_4:
0x45: {  	p0 =	sne.s32 s11, $0x9FC0;
	[tilespmem:s12+$0x5000] =	vst v0;
	s12 =	smov.u32 s11;
	s11 =	sadd.s32 $0x40, s11  }
.Ltmp1:
0x46: {  	(pc) =	sbr.rel @p0 .LBB2_4-.Ltmp1, $2  }
0x47: {  	_ =	sdelay $0x2  }
0x48: {  	s12 =	sshra.s32 s12, $0x2  }
0x49: {  	[tilespmem:s12+$0x5000] =	vst v0  }
0x4a: {  	[spmem:s10] =	stream.linear.scatter [tilespmem:s28], [sflag:$0x2], $0x1000, $0x38;
	[tilespmem:$0x1E980] =	vst v63  }
0x4b: {  	_ =	swait.ge [sflag:s25], $0x1000  }
0x4c: {  	[sflag:s25] =	ssyncset.done $0x0  }
0x4d: {  	s11 =	rddreg [dreg:$0x15];
	[sflag:s25] =	ssyncadd.s32 $0xFFFFF000  }
0x4e: {  	[spmem:s11] =	stream.linear.scatter [tilespmem:s28], [sflag:$0x2], $0x1000, $0x38;
	[tilespmem:$0x1E980] =	vst v63  }
0x4f: {  	_ =	swait.ge [sflag:s25], $0x1000  }
0x50: {  	[sflag:s25] =	ssyncset.done $0x0  }
0x51: {  	s19 =	rddreg [dreg:$0x16];
	[sflag:s25] =	ssyncadd.s32 $0xFFFFF000  }
0x52: {  	[spmem:s19] =	stream.linear.scatter [tilespmem:s28], [sflag:$0x2], $0x1000, $0x38;
	[tilespmem:$0x1E980] =	vst v63  }
0x53: {  	_ =	swait.ge [sflag:s25], $0x1000  }
0x54: {  	[sflag:s25] =	ssyncset.done $0x0  }
0x55: {  	s12 =	rddreg [dreg:$0x17];
	[sflag:s25] =	ssyncadd.s32 $0xFFFFF000  }
0x56: {  	[spmem:s12] =	stream.linear.scatter [tilespmem:s28], [sflag:$0x2], $0x1000, $0x38;
	[tilespmem:$0x1E980] =	vst v63  }
0x57: {  	_ =	swait.ge [sflag:s25], $0x1000  }
0x58: {  	[sflag:s25] =	ssyncset.done $0x0  }
0x59: {  	s13 =	rddreg [dreg:$0x18];
	[sflag:s25] =	ssyncadd.s32 $0xFFFFF000  }
0x5a: {  	[spmem:s13] =	stream.linear.scatter [tilespmem:s28], [sflag:$0x2], $0x1000, $0x38;
	[tilespmem:$0x1E980] =	vst v63  }
0x5b: {  	_ =	swait.ge [sflag:s25], $0x1000  }
0x5c: {  	[sflag:s25] =	ssyncset.done $0x0  }
0x5d: {  	s14 =	rddreg [dreg:$0x19];
	[sflag:s25] =	ssyncadd.s32 $0xFFFFF000  }
0x5e: {  	[spmem:s14] =	stream.linear.scatter [tilespmem:s28], [sflag:$0x2], $0x1000, $0x38;
	[tilespmem:$0x1E980] =	vst v63  }
0x5f: {  	_ =	swait.ge [sflag:s25], $0x1000  }
0x60: {  	[sflag:s25] =	ssyncset.done $0x0  }
0x61: {  	s16 =	rddreg [dreg:$0x1a];
	[sflag:s25] =	ssyncadd.s32 $0xFFFFF000  }
0x62: {  	[spmem:s16] =	stream.linear.scatter [tilespmem:s28], [sflag:$0x2], $0x1000, $0x38;
	[tilespmem:$0x1E980] =	vst v63  }
0x63: {  	_ =	swait.ge [sflag:s25], $0x1000  }
0x64: {  	[sflag:s25] =	ssyncset.done $0x0  }
0x65: {  	s17 =	rddreg [dreg:$0x1b];
	[sflag:s25] =	ssyncadd.s32 $0xFFFFF000  }
0x66: {  	[spmem:s17] =	stream.linear.scatter [tilespmem:s28], [sflag:$0x2], $0x1000, $0x38;
	[tilespmem:$0x1E980] =	vst v63  }
0x67: {  	_ =	swait.ge [sflag:s25], $0x1000  }
0x68: {  	[sflag:s25] =	ssyncset.done $0x0  }
0x69: {  	s18 =	rddreg [dreg:$0x1c];
	[sflag:s25] =	ssyncadd.s32 $0xFFFFF000  }
0x6a: {  	[spmem:s18] =	stream.linear.scatter [tilespmem:s28], [sflag:$0x2], $0x1000, $0x38;
	[tilespmem:$0x1E980] =	vst v63  }
0x6b: {  	_ =	swait.ge [sflag:s25], $0x1000  }
0x6c: {  	[sflag:s25] =	ssyncset.done $0x0  }
0x6d: {  	s19 =	rddreg [dreg:$0x1d];
	[sflag:s25] =	ssyncadd.s32 $0xFFFFF000  }
0x6e: {  	[spmem:s19] =	stream.linear.scatter [tilespmem:s28], [sflag:$0x2], $0x1000, $0x38;
	[tilespmem:$0x1E980] =	vst v63  }
0x6f: {  	_ =	swait.ge [sflag:s25], $0x1000  }
0x70: {  	[sflag:s25] =	ssyncset.done $0x0  }
0x71: {  	s12 =	rddreg [dreg:$0x1e];
	[sflag:s25] =	ssyncadd.s32 $0xFFFFF000  }
0x72: {  	[spmem:s12] =	stream.linear.scatter [tilespmem:s28], [sflag:$0x2], $0x1000, $0x38;
	[tilespmem:$0x1E980] =	vst v63  }
0x73: {  	_ =	swait.ge [sflag:s25], $0x1000  }
0x74: {  	[sflag:s25] =	ssyncset.done $0x0  }
0x75: {  	s13 =	rddreg [dreg:$0x1f];
	[sflag:s25] =	ssyncadd.s32 $0xFFFFF000  }
0x76: {  	[spmem:s13] =	stream.linear.scatter [tilespmem:s28], [sflag:$0x2], $0x1000, $0x38;
	[tilespmem:$0x1E980] =	vst v63  }
0x77: {  	_ =	swait.ge [sflag:s25], $0x1000  }
0x78: {  	s14 =	sld [smem:$0x7F9]  }
0x79: {  	[sflag:s25] =	ssyncset.done $0x0  }
0x7a: {  	[sflag:s25] =	ssyncadd.s32 $0xFFFFF000  }
0x7b: {  	[spmem:s14] =	stream.linear.scatter [tilespmem:s28], [sflag:$0x2], $0x1000, $0x38;
	[tilespmem:$0x1E980] =	vst v63  }
0x7c: {  	_ =	swait.ge [sflag:s25], $0x1000  }
0x7d: {  	s16 =	sld [smem:$0x7FA]  }
0x7e: {  	[sflag:s25] =	ssyncset.done $0x0  }
0x7f: {  	[sflag:s25] =	ssyncadd.s32 $0xFFFFF000  }
0x80: {  	[spmem:s16] =	stream.linear.scatter [tilespmem:s28], [sflag:$0x2], $0x1000, $0x38;
	[tilespmem:$0x1E980] =	vst v63  }
0x81: {  	_ =	swait.ge [sflag:s25], $0x1000  }
0x82: {  	s17 =	sld [smem:$0x7FB]  }
0x83: {  	[sflag:s25] =	ssyncset.done $0x0  }
0x84: {  	[sflag:s25] =	ssyncadd.s32 $0xFFFFF000  }
0x85: {  	[spmem:s17] =	stream.linear.scatter [tilespmem:s28], [sflag:$0x2], $0x1000, $0x38;
	[tilespmem:$0x1E980] =	vst v63  }
0x86: {  	_ =	swait.ge [sflag:s25], $0x1000  }
0x87: {  	s18 =	sld [smem:$0x7FC]  }
0x88: {  	[sflag:s25] =	ssyncset.done $0x0  }
0x89: {  	[sflag:s25] =	ssyncadd.s32 $0xFFFFF000  }
0x8a: {  	[spmem:s18] =	stream.linear.scatter [tilespmem:s28], [sflag:$0x2], $0x1000, $0x38;
	[tilespmem:$0x1E980] =	vst v63  }
0x8b: {  	_ =	swait.ge [sflag:s25], $0x1000  }
0x8c: {  	s19 =	sld [smem:$0x7FD]  }
0x8d: {  	[sflag:s25] =	ssyncset.done $0x0  }
0x8e: {  	[sflag:s25] =	ssyncadd.s32 $0xFFFFF000  }
0x8f: {  	[spmem:s19] =	stream.linear.scatter [tilespmem:s28], [sflag:$0x2], $0x1000, $0x38;
	[tilespmem:$0x1E980] =	vst v63  }
0x90: {  	_ =	swait.ge [sflag:s25], $0x1000  }
0x91: {  	[sflag:s25] =	ssyncset.done $0x0  }
0x92: {  	[sflag:s25] =	ssyncadd.s32 $0xFFFFF000  }
0x93: {  	[spmem:s20] =	stream.linear.scatter [tilespmem:s28], [sflag:$0x2], $0x1000, $0x38;
	[tilespmem:$0x1E980] =	vst v63  }
0x94: {  	_ =	swait.ge [sflag:s25], $0x1000  }
0x95: {  	[sflag:s25] =	ssyncset.done $0x0  }
0x96: {  	[sflag:s25] =	ssyncadd.s32 $0xFFFFF000  }
0x97: {  	[spmem:s21] =	stream.linear.scatter [tilespmem:s28], [sflag:$0x2], $0x1000, $0x38;
	[tilespmem:$0x1E980] =	vst v63  }
0x98: {  	_ =	swait.ge [sflag:s25], $0x1000  }
0x99: {  	[sflag:s25] =	ssyncset.done $0x0  }
0x9a: {  	[sflag:s25] =	ssyncadd.s32 $0xFFFFF000  }
0x9b: {  	[spmem:s22] =	stream.linear.scatter [tilespmem:s28], [sflag:$0x2], $0x1000, $0x38;
	[tilespmem:$0x1E980] =	vst v63  }
0x9c: {  	_ =	swait.ge [sflag:s25], $0x1000  }
0x9d: {  	[sflag:s25] =	ssyncset.done $0x0  }
0x9e: {  	[sflag:s25] =	ssyncadd.s32 $0xFFFFF000  }
0x9f: {  	s11 =	simm.s32 $0x0;
	s12 =	simm.s32 $0x0;
	[bflag:$0x0] =	sbarrier.arrive $0xFFFF  }
.LBB2_6:
0xa0: {  	s14 =	sshll.u32 s12, $0x6  }
0xa1: {  	s13 =	sadd.s32 s9, s14  }
0xa2: {  	s16 =	sshll.u32 s13, $0x2  }
0xa3: {  	s14 =	sand.u32 $0x40, s14;
	s16 =	sand.u32 $0x7FFFFE00, s16  }
0xa4: {  	s14 =	sor.u32 s14, s16  }
0xa5: {  	s14 =	sshrl.u32 s14, $0x3  }
0xa6: {  	s14 =	sadd.s32 s8, s14  }
0xa7: {  	[tilespmem:s29], [sflag:$0x2] =	stream.linear.gather [hbm4b:s14+s11], $0x40, $0x38;
	[tilespmem:$0x1E980] =	vst v63  }
0xa8: {  	_ =	swait.ge [sflag:s25], $0x40  }
0xa9: {  	s17 =	sshrl.u32 s13, $0x3;
	[sflag:s25] =	ssyncset.done $0x0  }
0xaa: {  	s14 =	sadd.s32 s2, s17;
	[sflag:s25] =	ssyncadd.s32 $0xFFFFFFC0  }
0xab: {  	[tilespmem:s30], [sflag:$0x2] =	stream.linear.gather [hbm4b:s14+s11], $0x40, $0x38;
	[tilespmem:$0x1E980] =	vst v63  }
0xac: {  	_ =	swait.ge [sflag:s25], $0x40  }
0xad: {  	[sflag:s25] =	ssyncset.done $0x0  }
0xae: {  	[sflag:s25] =	ssyncadd.s32 $0xFFFFFFC0  }
0xaf: {  	[tilespmem:s0], [sflag:$0x1] =	stream.indirect.gather [hbm4b:s5+s31], $0x80, s29, s31, $0xb8;
	[tilespmem:$0x1E980] =	vst v63  }
0xb0: {  	v1 =	vld [tilespmem:$0x7800]  }
0xb1: {  	v2 =	vld [tilespmem:$0x7880];
	_ =	sdelay $0x6  }
0xb2: {  	v1 =	vld.idx.msk [tilespmem:v1+s11+$0x0], $0xffff  }
0xb3: {  	v3 =	vld.idx.msk [tilespmem:v2+s26+$0x0], $0xffff;
	_ =	sdelay $0x4  }
0xb4: {  	v1 =	vadd.f32 v3, v1;
	_ =	sdelay $0x1  }
0xb5: {  	v3 =	vmul.f32 $2.000000030e-01, v1  }
0xb6: {  	vm0 =	vge.f32 v1, $0.0e+00  }
0xb7: {  	v1 =	vsel vm0, v1, v3  }
0xb8: {  	v1 =	vmul.f32 $1.442695020e+00, v1;
	_ =	sdelay $0x1  }
0xb9: {  	(erf) = vpow2.f32 v1;
	_ =	sdelay $0x8  }
0xba: {  	p0 =	slt.u32 s13, $0x50910;
	v1 =	vpop (erf)  }
0xbb: {  	v1 =	vpsel !p0, $0x0, v1  }
0xbc: {  	[tilespmem:v2+s1+$0x0] =	vst.idx.add.f32.msk $0xffff, v1  }
0xbd: {  	v2 =	vld [tilespmem:$0x7810]  }
0xbe: {  	v3 =	vld [tilespmem:$0x7890];
	_ =	sdelay $0x5  }
0xbf: {  	[tilespmem:$0x9900] =	vst v1  }
0xc0: {  	v1 =	vld.idx.msk [tilespmem:v2+s11+$0x0], $0xffff  }
0xc1: {  	v2 =	vld.idx.msk [tilespmem:v3+s26+$0x0], $0xffff;
	_ =	sdelay $0x4  }
0xc2: {  	v1 =	vadd.f32 v2, v1;
	_ =	sdelay $0x1  }
0xc3: {  	v2 =	vmul.f32 $2.000000030e-01, v1  }
0xc4: {  	vm13 =	vge.f32 v1, $0.0e+00  }
0xc5: {  	v1 =	vsel vm13, v1, v2  }
0xc6: {  	v1 =	vmul.f32 $1.442695020e+00, v1;
	_ =	sdelay $0x1  }
0xc7: {  	(erf) = vpow2.f32 v1;
	_ =	sdelay $0x7  }
0xc8: {  	s18 =	sor.u32 $0x10, s13  }
0xc9: {  	p4 =	slt.u32 s18, $0x50910;
	v1 =	vpop (erf)  }
0xca: {  	v1 =	vpsel !p4, $0x0, v1  }
0xcb: {  	[tilespmem:v3+s1+$0x0] =	vst.idx.add.f32.msk $0xffff, v1  }
0xcc: {  	v2 =	vld [tilespmem:$0x7820]  }
0xcd: {  	v3 =	vld [tilespmem:$0x78A0];
	_ =	sdelay $0x5  }
0xce: {  	[tilespmem:$0x9910] =	vst v1  }
0xcf: {  	v1 =	vld.idx.msk [tilespmem:v2+s11+$0x0], $0xffff  }
0xd0: {  	v2 =	vld.idx.msk [tilespmem:v3+s26+$0x0], $0xffff;
	_ =	sdelay $0x4  }
0xd1: {  	v1 =	vadd.f32 v2, v1;
	_ =	sdelay $0x1  }
0xd2: {  	v2 =	vmul.f32 $2.000000030e-01, v1  }
0xd3: {  	vm14 =	vge.f32 v1, $0.0e+00  }
0xd4: {  	v1 =	vsel vm14, v1, v2  }
0xd5: {  	v1 =	vmul.f32 $1.442695020e+00, v1;
	_ =	sdelay $0x1  }
0xd6: {  	(erf) = vpow2.f32 v1;
	_ =	sdelay $0x7  }
0xd7: {  	s19 =	sor.u32 $0x20, s13  }
0xd8: {  	p5 =	slt.u32 s19, $0x50910;
	v1 =	vpop (erf)  }
0xd9: {  	v1 =	vpsel !p5, $0x0, v1  }
0xda: {  	[tilespmem:v3+s1+$0x0] =	vst.idx.add.f32.msk $0xffff, v1  }
0xdb: {  	v2 =	vld [tilespmem:$0x7830]  }
0xdc: {  	v3 =	vld [tilespmem:$0x78B0];
	_ =	sdelay $0x5  }
0xdd: {  	[tilespmem:$0x9920] =	vst v1  }
0xde: {  	v1 =	vld.idx.msk [tilespmem:v2+s11+$0x0], $0xffff  }
0xdf: {  	v2 =	vld.idx.msk [tilespmem:v3+s26+$0x0], $0xffff;
	_ =	sdelay $0x4  }
0xe0: {  	v1 =	vadd.f32 v2, v1;
	_ =	sdelay $0x1  }
0xe1: {  	v2 =	vmul.f32 $2.000000030e-01, v1  }
0xe2: {  	vm15 =	vge.f32 v1, $0.0e+00  }
0xe3: {  	v1 =	vsel vm15, v1, v2  }
0xe4: {  	v1 =	vmul.f32 $1.442695020e+00, v1;
	_ =	sdelay $0x1  }
0xe5: {  	(erf) = vpow2.f32 v1;
	_ =	sdelay $0x7  }
0xe6: {  	s13 =	sor.u32 $0x30, s13  }
0xe7: {  	p6 =	slt.u32 s13, $0x50910;
	v1 =	vpop (erf)  }
0xe8: {  	v1 =	vpsel !p6, $0x0, v1  }
0xe9: {  	[tilespmem:v3+s1+$0x0] =	vst.idx.add.f32.msk $0xffff, v1  }
0xea: {  	[tilespmem:$0x9930] =	vst v1  }
0xeb: {  	_ =	swait.ge [sflag:s6], $0x2000  }
0xec: {  	v1 =	vmov s11;
	[sflag:s6] =	ssyncset.done $0x0  }
0xed: {  	s13 =	simm.s32 $0x7940;
	[sflag:s6] =	ssyncadd.s32 $0xFFFFE000  }
0xee: {  	v5 =	vld [tilespmem:s13+$0x30]  }
0xef: {  	v8 =	vld [tilespmem:s13+$0x10]  }
0xf0: {  	v6 =	vld [tilespmem:s13+$0xFFFFFFC0]  }
0xf1: {  	v2 =	vld.idx.msk [tilespmem:v1+s7+$0x0], $0xffff  }
0xf2: {  	v10 =	vld [tilespmem:s13+$0xFFFFFFE0]  }
0xf3: {  	v3 =	vld [tilespmem:s13+$0x20]  }
0xf4: {  	v4 =	vld [tilespmem:s13+$0xFFFFFFD0]  }
0xf5: {  	v1 =	vld [tilespmem:s13+$0xFFFFFFF0]  }
0xf6: {  	v9 =	vmul.f32 v5, v2;
	v5 =	vld [tilespmem:s13+$0x0]  }
0xf7: {  	v7 =	vmul.f32 v6, v2  }
0xf8: {  	s16 =	simm.s32 $0x7940;
	s14 =	simm.s32 $0x1;
	v6 =	vmul.f32 v10, v2;
	v8 =	vmul.f32 v8, v2  }
.LBB2_7:
0xf9: {  	p0 =	sne.s32 s14, $0x3F  }
0xfa: {  	v4 =	vmul.f32 v4, v2;
	v3 =	vmul.f32 v3, v2;
	[tilespmem:s13+$0x30] =	vst v9;
	s16 =	sadd.s32 $0x80, s16;
	s17 =	smov.u32 s14;
	s14 =	sadd.s32 $0x1, s14  }
0xfb: {  	[tilespmem:s13+$0xFFFFFFC0] =	vst v7;
	v7 =	vmul.f32 v1, v2;
	v2 =	vmul.f32 v5, v2  }
0xfc: {  	[tilespmem:s13+$0x10] =	vst v8  }
0xfd: {  	v5 =	vmov s17;
	[tilespmem:s13+$0xFFFFFFE0] =	vst v6  }
0xfe: {  	v1 =	vld [tilespmem:s16+$0xFFFFFFF0];
	[tilespmem:s13+$0xFFFFFFF0] =	vst v7  }
0xff: {  	v6 =	vld [tilespmem:s16+$0x30];
	[tilespmem:s13+$0x0] =	vst v2  }
0x100: {  	v8 =	vld [tilespmem:s16+$0x10];
	[tilespmem:s13+$0x20] =	vst v3  }
0x101: {  	v7 =	vld [tilespmem:s16+$0xFFFFFFC0];
	[tilespmem:s13+$0xFFFFFFD0] =	vst v4;
	s13 =	smov.u32 s16  }
0x102: {  	v2 =	vld.idx.msk [tilespmem:v5+s7+$0x0], $0xffff  }
0x103: {  	v10 =	vld [tilespmem:s16+$0xFFFFFFE0]  }
0x104: {  	v3 =	vld [tilespmem:s16+$0x20]  }
.Ltmp2:
0x105: {  	v4 =	vld [tilespmem:s16+$0xFFFFFFD0];
	(pc) =	sbr.rel @p0 .LBB2_7-.Ltmp2, $3  }
0x106: {  	v5 =	vld [tilespmem:s16+$0x0];
	_ =	sdelay $0x1  }
0x107: {  	v7 =	vmul.f32 v7, v2;
	v9 =	vmul.f32 v6, v2  }
0x108: {  	v8 =	vmul.f32 v8, v2;
	v6 =	vmul.f32 v10, v2  }
0x109: {  	[tilespmem:s13+$0x30] =	vst v9  }
0x10a: {  	[tilespmem:s13+$0xFFFFFFC0] =	vst v7  }
0x10b: {  	v1 =	vmul.f32 v1, v2;
	[tilespmem:s13+$0x10] =	vst v8  }
0x10c: {  	v3 =	vmul.f32 v3, v2;
	[tilespmem:s13+$0xFFFFFFE0] =	vst v6  }
0x10d: {  	v5 =	vmul.f32 v5, v2;
	[tilespmem:s13+$0xFFFFFFF0] =	vst v1  }
0x10e: {  	s12 =	sadd.s32 $0x1, s12;
	v1 =	vmul.f32 v4, v2;
	[tilespmem:s13+$0x20] =	vst v3  }
0x10f: {  	p0 =	sne.s32 s12, $0xA2;
	[tilespmem:s13+$0x0] =	vst v5  }
.Ltmp3:
0x110: {  	[tilespmem:s13+$0xFFFFFFD0] =	vst v1;
	(pc) =	sbr.rel @p0 .LBB2_6-.Ltmp3, $4  }
0x111: {  	[spmem:s3] =	stream.indirect.scatter.add.f32 [tilespmem:s0], [sflag:$0x2], $0x80, s30, s31, $0xb8;
	[tilespmem:$0x1E980] =	vst v63  }
0x112: {  	_ =	swait.ge [sflag:s25], $0x2000  }
0x113: {  	[sflag:s25] =	ssyncset.done $0x0  }
0x114: {  	[sflag:s25] =	ssyncadd.s32 $0xFFFFE000  }
0x115: {  	s11 =	stileid.u32  }
0x116: {  	[bflag:$0x0] =	sbarrier.arrive $0xFFFF;
	s11 =	sshll.u32 s11, $0x6  }
0x117: {  	s12 =	sshrl.u32 s10, $0x3;
	s13 =	rddreg [dreg:$0x6];
	s11 =	sor.u32 $0x1C02, s11  }
0x118: {  	[hbm:s13], [sflag:s11] =	dma.local [spmem:s12], $0x2800  }
0x119: {  	_ =	swait.ge [sflag:s25], $0x2800  }
0x11a: {  	[sflag:s25] =	ssyncset.done $0x0  }
0x11b: {  	s14 =	simm.s32 $0x400;
	s16 =	rddreg [dreg:$0x7];
	[sflag:s25] =	ssyncadd.s32 $0xFFFFD800  }
0x11c: {  	[hbm4b:s16+s23] =	stream.strided.scatter [tilespmem:s1], [sflag:$0x2], $0x2800, s14, s23, $0x38;
	[tilespmem:$0x1E980] =	vst v63  }
0x11d: {  	_ =	swait.ge [sflag:s25], $0x2800  }
0x11e: {  	[sflag:s25] =	ssyncset.done $0x0  }
0x11f: {  	[sflag:s25] =	ssyncadd.s32 $0xFFFFD800  }
0x120: {  	[bflag:$0x0] =	sbarrier.arrive $0xFFFF  }
0x121: {  	s17 =	simm.s32 $0x0;
	s18 =	rddreg [dreg:$0x8]  }
0x122: {  	[tilespmem:s17], [sflag:$0x2] =	stream.strided.gather [hbm4b:s18+s23], $0x2800, s24, s23, $0x38;
	[tilespmem:$0x1E980] =	vst v63  }
0x123: {  	_ =	swait.ge [sflag:s25], $0x2800  }
0x124: {  	[sflag:s25] =	ssyncset.done $0x0  }
0x125: {  	s19 =	rddreg [dreg:$0x9];
	[sflag:s25] =	ssyncadd.s32 $0xFFFFD800  }
0x126: {  	[tilespmem:s26], [sflag:$0x2] =	stream.strided.gather [hbm4b:s19+s23], $0x2800, s24, s23, $0x38;
	[tilespmem:$0x1E980] =	vst v63  }
0x127: {  	_ =	swait.ge [sflag:s25], $0x2800  }
0x128: {  	[sflag:s25] =	ssyncset.done $0x0  }
0x129: {  	s13 =	simm.s32 $0x40;
	s14 =	simm.s32 $0x0;
	[sflag:s25] =	ssyncadd.s32 $0xFFFFD800  }
.LBB2_10:
0x12a: {  	p0 =	sne.s32 s13, $0x9FC0;
	[tilespmem:s14+$0x5000] =	vst v0;
	s14 =	smov.u32 s13;
	s13 =	sadd.s32 $0x40, s13  }
.Ltmp4:
0x12b: {  	(pc) =	sbr.rel @p0 .LBB2_10-.Ltmp4, $2  }
0x12c: {  	_ =	sdelay $0x2  }
0x12d: {  	s14 =	sshra.s32 s14, $0x2  }
0x12e: {  	[tilespmem:s14+$0x5000] =	vst v0  }
0x12f: {  	[spmem:s10] =	stream.linear.scatter [tilespmem:s28], [sflag:$0x2], $0x1000, $0x38;
	[tilespmem:$0x1E980] =	vst v63  }
0x130: {  	_ =	swait.ge [sflag:s25], $0x1000  }
0x131: {  	[sflag:s25] =	ssyncset.done $0x0  }
0x132: {  	s13 =	rddreg [dreg:$0x15];
	[sflag:s25] =	ssyncadd.s32 $0xFFFFF000  }
0x133: {  	[spmem:s13] =	stream.linear.scatter [tilespmem:s28], [sflag:$0x2], $0x1000, $0x38;
	[tilespmem:$0x1E980] =	vst v63  }
0x134: {  	_ =	swait.ge [sflag:s25], $0x1000  }
0x135: {  	[sflag:s25] =	ssyncset.done $0x0  }
0x136: {  	s14 =	rddreg [dreg:$0x16];
	[sflag:s25] =	ssyncadd.s32 $0xFFFFF000  }
0x137: {  	[spmem:s14] =	stream.linear.scatter [tilespmem:s28], [sflag:$0x2], $0x1000, $0x38;
	[tilespmem:$0x1E980] =	vst v63  }
0x138: {  	_ =	swait.ge [sflag:s25], $0x1000  }
0x139: {  	[sflag:s25] =	ssyncset.done $0x0  }
0x13a: {  	s16 =	rddreg [dreg:$0x17];
	[sflag:s25] =	ssyncadd.s32 $0xFFFFF000  }
0x13b: {  	[spmem:s16] =	stream.linear.scatter [tilespmem:s28], [sflag:$0x2], $0x1000, $0x38;
	[tilespmem:$0x1E980] =	vst v63  }
0x13c: {  	_ =	swait.ge [sflag:s25], $0x1000  }
0x13d: {  	[sflag:s25] =	ssyncset.done $0x0  }
0x13e: {  	s17 =	rddreg [dreg:$0x18];
	[sflag:s25] =	ssyncadd.s32 $0xFFFFF000  }
0x13f: {  	[spmem:s17] =	stream.linear.scatter [tilespmem:s28], [sflag:$0x2], $0x1000, $0x38;
	[tilespmem:$0x1E980] =	vst v63  }
0x140: {  	_ =	swait.ge [sflag:s25], $0x1000  }
0x141: {  	[sflag:s25] =	ssyncset.done $0x0  }
0x142: {  	s18 =	rddreg [dreg:$0x19];
	[sflag:s25] =	ssyncadd.s32 $0xFFFFF000  }
0x143: {  	[spmem:s18] =	stream.linear.scatter [tilespmem:s28], [sflag:$0x2], $0x1000, $0x38;
	[tilespmem:$0x1E980] =	vst v63  }
0x144: {  	_ =	swait.ge [sflag:s25], $0x1000  }
0x145: {  	[sflag:s25] =	ssyncset.done $0x0  }
0x146: {  	s19 =	rddreg [dreg:$0x1a];
	[sflag:s25] =	ssyncadd.s32 $0xFFFFF000  }
0x147: {  	[spmem:s19] =	stream.linear.scatter [tilespmem:s28], [sflag:$0x2], $0x1000, $0x38;
	[tilespmem:$0x1E980] =	vst v63  }
0x148: {  	_ =	swait.ge [sflag:s25], $0x1000  }
0x149: {  	[sflag:s25] =	ssyncset.done $0x0  }
0x14a: {  	s14 =	rddreg [dreg:$0x1b];
	[sflag:s25] =	ssyncadd.s32 $0xFFFFF000  }
0x14b: {  	[spmem:s14] =	stream.linear.scatter [tilespmem:s28], [sflag:$0x2], $0x1000, $0x38;
	[tilespmem:$0x1E980] =	vst v63  }
0x14c: {  	_ =	swait.ge [sflag:s25], $0x1000  }
0x14d: {  	[sflag:s25] =	ssyncset.done $0x0  }
0x14e: {  	s16 =	rddreg [dreg:$0x1c];
	[sflag:s25] =	ssyncadd.s32 $0xFFFFF000  }
0x14f: {  	[spmem:s16] =	stream.linear.scatter [tilespmem:s28], [sflag:$0x2], $0x1000, $0x38;
	[tilespmem:$0x1E980] =	vst v63  }
0x150: {  	_ =	swait.ge [sflag:s25], $0x1000  }
0x151: {  	[sflag:s25] =	ssyncset.done $0x0  }
0x152: {  	s17 =	rddreg [dreg:$0x1d];
	[sflag:s25] =	ssyncadd.s32 $0xFFFFF000  }
0x153: {  	[spmem:s17] =	stream.linear.scatter [tilespmem:s28], [sflag:$0x2], $0x1000, $0x38;
	[tilespmem:$0x1E980] =	vst v63  }
0x154: {  	_ =	swait.ge [sflag:s25], $0x1000  }
0x155: {  	[sflag:s25] =	ssyncset.done $0x0  }
0x156: {  	s18 =	rddreg [dreg:$0x1e];
	[sflag:s25] =	ssyncadd.s32 $0xFFFFF000  }
0x157: {  	[spmem:s18] =	stream.linear.scatter [tilespmem:s28], [sflag:$0x2], $0x1000, $0x38;
	[tilespmem:$0x1E980] =	vst v63  }
0x158: {  	_ =	swait.ge [sflag:s25], $0x1000  }
0x159: {  	[sflag:s25] =	ssyncset.done $0x0  }
0x15a: {  	s19 =	rddreg [dreg:$0x1f];
	[sflag:s25] =	ssyncadd.s32 $0xFFFFF000  }
0x15b: {  	[spmem:s19] =	stream.linear.scatter [tilespmem:s28], [sflag:$0x2], $0x1000, $0x38;
	[tilespmem:$0x1E980] =	vst v63  }
0x15c: {  	_ =	swait.ge [sflag:s25], $0x1000  }
0x15d: {  	s14 =	sld [smem:$0x7F9]  }
0x15e: {  	[sflag:s25] =	ssyncset.done $0x0  }
0x15f: {  	[sflag:s25] =	ssyncadd.s32 $0xFFFFF000  }
0x160: {  	[spmem:s14] =	stream.linear.scatter [tilespmem:s28], [sflag:$0x2], $0x1000, $0x38;
	[tilespmem:$0x1E980] =	vst v63  }
0x161: {  	_ =	swait.ge [sflag:s25], $0x1000  }
0x162: {  	s16 =	sld [smem:$0x7FA]  }
0x163: {  	[sflag:s25] =	ssyncset.done $0x0  }
0x164: {  	[sflag:s25] =	ssyncadd.s32 $0xFFFFF000  }
0x165: {  	[spmem:s16] =	stream.linear.scatter [tilespmem:s28], [sflag:$0x2], $0x1000, $0x38;
	[tilespmem:$0x1E980] =	vst v63  }
0x166: {  	_ =	swait.ge [sflag:s25], $0x1000  }
0x167: {  	s17 =	sld [smem:$0x7FB]  }
0x168: {  	[sflag:s25] =	ssyncset.done $0x0  }
0x169: {  	[sflag:s25] =	ssyncadd.s32 $0xFFFFF000  }
0x16a: {  	[spmem:s17] =	stream.linear.scatter [tilespmem:s28], [sflag:$0x2], $0x1000, $0x38;
	[tilespmem:$0x1E980] =	vst v63  }
0x16b: {  	_ =	swait.ge [sflag:s25], $0x1000  }
0x16c: {  	s18 =	sld [smem:$0x7FC]  }
0x16d: {  	[sflag:s25] =	ssyncset.done $0x0  }
0x16e: {  	[sflag:s25] =	ssyncadd.s32 $0xFFFFF000  }
0x16f: {  	[spmem:s18] =	stream.linear.scatter [tilespmem:s28], [sflag:$0x2], $0x1000, $0x38;
	[tilespmem:$0x1E980] =	vst v63  }
0x170: {  	_ =	swait.ge [sflag:s25], $0x1000  }
0x171: {  	s19 =	sld [smem:$0x7FD]  }
0x172: {  	[sflag:s25] =	ssyncset.done $0x0  }
0x173: {  	[sflag:s25] =	ssyncadd.s32 $0xFFFFF000  }
0x174: {  	[spmem:s19] =	stream.linear.scatter [tilespmem:s28], [sflag:$0x2], $0x1000, $0x38;
	[tilespmem:$0x1E980] =	vst v63  }
0x175: {  	_ =	swait.ge [sflag:s25], $0x1000  }
0x176: {  	[sflag:s25] =	ssyncset.done $0x0  }
0x177: {  	[sflag:s25] =	ssyncadd.s32 $0xFFFFF000  }
0x178: {  	[spmem:s20] =	stream.linear.scatter [tilespmem:s28], [sflag:$0x2], $0x1000, $0x38;
	[tilespmem:$0x1E980] =	vst v63  }
0x179: {  	_ =	swait.ge [sflag:s25], $0x1000  }
0x17a: {  	[sflag:s25] =	ssyncset.done $0x0  }
0x17b: {  	[sflag:s25] =	ssyncadd.s32 $0xFFFFF000  }
0x17c: {  	[spmem:s21] =	stream.linear.scatter [tilespmem:s28], [sflag:$0x2], $0x1000, $0x38;
	[tilespmem:$0x1E980] =	vst v63  }
0x17d: {  	_ =	swait.ge [sflag:s25], $0x1000  }
0x17e: {  	[sflag:s25] =	ssyncset.done $0x0  }
0x17f: {  	[sflag:s25] =	ssyncadd.s32 $0xFFFFF000  }
0x180: {  	[spmem:s22] =	stream.linear.scatter [tilespmem:s28], [sflag:$0x2], $0x1000, $0x38;
	[tilespmem:$0x1E980] =	vst v63  }
0x181: {  	_ =	swait.ge [sflag:s25], $0x1000  }
0x182: {  	[sflag:s25] =	ssyncset.done $0x0  }
0x183: {  	[sflag:s25] =	ssyncadd.s32 $0xFFFFF000  }
0x184: {  	s13 =	simm.s32 $0x0;
	s14 =	simm.s32 $0x0;
	[bflag:$0x0] =	sbarrier.arrive $0xFFFF  }
.LBB2_12:
0x185: {  	s17 =	sshll.u32 s14, $0x6  }
0x186: {  	s16 =	sadd.s32 s9, s17  }
0x187: {  	s18 =	sshll.u32 s16, $0x2  }
0x188: {  	s17 =	sand.u32 $0x40, s17;
	s18 =	sand.u32 $0x7FFFFE00, s18  }
0x189: {  	s17 =	sor.u32 s17, s18  }
0x18a: {  	s17 =	sshrl.u32 s17, $0x3  }
0x18b: {  	s17 =	sadd.s32 s17, s15  }
0x18c: {  	[tilespmem:s29], [sflag:$0x2] =	stream.linear.gather [hbm4b:s17+s13], $0x40, $0x38;
	[tilespmem:$0x1E980] =	vst v63  }
0x18d: {  	_ =	swait.ge [sflag:s25], $0x40  }
0x18e: {  	s19 =	sshrl.u32 s16, $0x3;
	[sflag:s25] =	ssyncset.done $0x0  }
0x18f: {  	s17 =	sadd.s32 s2, s19;
	[sflag:s25] =	ssyncadd.s32 $0xFFFFFFC0  }
0x190: {  	[tilespmem:s30], [sflag:$0x2] =	stream.linear.gather [hbm4b:s17+s13], $0x40, $0x38;
	[tilespmem:$0x1E980] =	vst v63  }
0x191: {  	_ =	swait.ge [sflag:s25], $0x40  }
0x192: {  	[sflag:s25] =	ssyncset.done $0x0  }
0x193: {  	[sflag:s25] =	ssyncadd.s32 $0xFFFFFFC0  }
0x194: {  	[tilespmem:s0], [sflag:$0x1] =	stream.indirect.gather [hbm4b:s5+s31], $0x80, s29, s31, $0xb8;
	[tilespmem:$0x1E980] =	vst v63  }
0x195: {  	v1 =	vld [tilespmem:$0x7800]  }
0x196: {  	v2 =	vld [tilespmem:$0x7880];
	_ =	sdelay $0x3  }
0x197: {  	v1 =	vadd.s32 $0xFFFFD800, v1;
	_ =	sdelay $0x3  }
0x198: {  	v3 =	vld.idx.msk [tilespmem:v2+s26+$0x0], $0xffff  }
0x199: {  	v1 =	vld.idx.msk [tilespmem:v1+s13+$0x0], $0xffff;
	_ =	sdelay $0x4  }
0x19a: {  	v1 =	vadd.f32 v3, v1;
	_ =	sdelay $0x1  }
0x19b: {  	v3 =	vmul.f32 $2.000000030e-01, v1  }
0x19c: {  	vm0 =	vge.f32 v1, $0.0e+00  }
0x19d: {  	v1 =	vsel vm0, v1, v3  }
0x19e: {  	v1 =	vmul.f32 $1.442695020e+00, v1;
	_ =	sdelay $0x1  }
0x19f: {  	(erf) = vpow2.f32 v1;
	_ =	sdelay $0x8  }
0x1a0: {  	p0 =	slt.u32 s16, $0x50910;
	v1 =	vpop (erf)  }
0x1a1: {  	v1 =	vpsel !p0, $0x0, v1  }
0x1a2: {  	[tilespmem:v2+s1+$0x0] =	vst.idx.add.f32.msk $0xffff, v1  }
0x1a3: {  	v2 =	vld [tilespmem:$0x7810];
	_ =	sdelay $0x2  }
0x1a4: {  	v3 =	vld [tilespmem:$0x7890];
	_ =	sdelay $0x1  }
0x1a5: {  	v2 =	vadd.s32 $0xFFFFD800, v2;
	_ =	sdelay $0x3  }
0x1a6: {  	[tilespmem:$0x9900] =	vst v1  }
0x1a7: {  	v1 =	vld.idx.msk [tilespmem:v2+s13+$0x0], $0xffff  }
0x1a8: {  	v2 =	vld.idx.msk [tilespmem:v3+s26+$0x0], $0xffff;
	_ =	sdelay $0x4  }
0x1a9: {  	v1 =	vadd.f32 v2, v1;
	_ =	sdelay $0x1  }
0x1aa: {  	v2 =	vmul.f32 $2.000000030e-01, v1  }
0x1ab: {  	vm13 =	vge.f32 v1, $0.0e+00  }
0x1ac: {  	v1 =	vsel vm13, v1, v2  }
0x1ad: {  	v1 =	vmul.f32 $1.442695020e+00, v1;
	_ =	sdelay $0x1  }
0x1ae: {  	(erf) = vpow2.f32 v1;
	_ =	sdelay $0x7  }
0x1af: {  	s18 =	sor.u32 $0x10, s16  }
0x1b0: {  	p4 =	slt.u32 s18, $0x50910;
	v1 =	vpop (erf)  }
0x1b1: {  	v1 =	vpsel !p4, $0x0, v1  }
0x1b2: {  	[tilespmem:v3+s1+$0x0] =	vst.idx.add.f32.msk $0xffff, v1  }
0x1b3: {  	v2 =	vld [tilespmem:$0x7820];
	_ =	sdelay $0x2  }
0x1b4: {  	v3 =	vld [tilespmem:$0x78A0];
	_ =	sdelay $0x1  }
0x1b5: {  	v2 =	vadd.s32 $0xFFFFD800, v2;
	_ =	sdelay $0x3  }
0x1b6: {  	[tilespmem:$0x9910] =	vst v1  }
0x1b7: {  	v1 =	vld.idx.msk [tilespmem:v2+s13+$0x0], $0xffff  }
0x1b8: {  	v2 =	vld.idx.msk [tilespmem:v3+s26+$0x0], $0xffff;
	_ =	sdelay $0x4  }
0x1b9: {  	v1 =	vadd.f32 v2, v1;
	_ =	sdelay $0x1  }
0x1ba: {  	v2 =	vmul.f32 $2.000000030e-01, v1  }
0x1bb: {  	vm14 =	vge.f32 v1, $0.0e+00  }
0x1bc: {  	v1 =	vsel vm14, v1, v2  }
0x1bd: {  	v1 =	vmul.f32 $1.442695020e+00, v1;
	_ =	sdelay $0x1  }
0x1be: {  	(erf) = vpow2.f32 v1;
	_ =	sdelay $0x7  }
0x1bf: {  	s19 =	sor.u32 $0x20, s16  }
0x1c0: {  	p5 =	slt.u32 s19, $0x50910;
	v1 =	vpop (erf)  }
0x1c1: {  	v1 =	vpsel !p5, $0x0, v1  }
0x1c2: {  	[tilespmem:v3+s1+$0x0] =	vst.idx.add.f32.msk $0xffff, v1  }
0x1c3: {  	v2 =	vld [tilespmem:$0x7830];
	_ =	sdelay $0x2  }
0x1c4: {  	v3 =	vld [tilespmem:$0x78B0];
	_ =	sdelay $0x1  }
0x1c5: {  	v2 =	vadd.s32 $0xFFFFD800, v2;
	_ =	sdelay $0x3  }
0x1c6: {  	[tilespmem:$0x9920] =	vst v1  }
0x1c7: {  	v1 =	vld.idx.msk [tilespmem:v2+s13+$0x0], $0xffff  }
0x1c8: {  	v2 =	vld.idx.msk [tilespmem:v3+s26+$0x0], $0xffff;
	_ =	sdelay $0x4  }
0x1c9: {  	v1 =	vadd.f32 v2, v1;
	_ =	sdelay $0x1  }
0x1ca: {  	v2 =	vmul.f32 $2.000000030e-01, v1  }
0x1cb: {  	vm15 =	vge.f32 v1, $0.0e+00  }
0x1cc: {  	v1 =	vsel vm15, v1, v2  }
0x1cd: {  	v1 =	vmul.f32 $1.442695020e+00, v1;
	_ =	sdelay $0x1  }
0x1ce: {  	(erf) = vpow2.f32 v1;
	_ =	sdelay $0x7  }
0x1cf: {  	s16 =	sor.u32 $0x30, s16  }
0x1d0: {  	p6 =	slt.u32 s16, $0x50910;
	v1 =	vpop (erf)  }
0x1d1: {  	v1 =	vpsel !p6, $0x0, v1  }
0x1d2: {  	[tilespmem:v3+s1+$0x0] =	vst.idx.add.f32.msk $0xffff, v1  }
0x1d3: {  	[tilespmem:$0x9930] =	vst v1  }
0x1d4: {  	_ =	swait.ge [sflag:s6], $0x2000  }
0x1d5: {  	v1 =	vmov s13;
	[sflag:s6] =	ssyncset.done $0x0  }
0x1d6: {  	s16 =	simm.s32 $0x7940;
	[sflag:s6] =	ssyncadd.s32 $0xFFFFE000  }
0x1d7: {  	v5 =	vld [tilespmem:s16+$0x30]  }
0x1d8: {  	v8 =	vld [tilespmem:s16+$0x10]  }
0x1d9: {  	v6 =	vld [tilespmem:s16+$0xFFFFFFC0]  }
0x1da: {  	v2 =	vld.idx.msk [tilespmem:v1+s7+$0x0], $0xffff  }
0x1db: {  	v10 =	vld [tilespmem:s16+$0xFFFFFFE0]  }
0x1dc: {  	v3 =	vld [tilespmem:s16+$0x20]  }
0x1dd: {  	v4 =	vld [tilespmem:s16+$0xFFFFFFD0]  }
0x1de: {  	v1 =	vld [tilespmem:s16+$0xFFFFFFF0]  }
0x1df: {  	v9 =	vmul.f32 v5, v2;
	v5 =	vld [tilespmem:s16+$0x0]  }
0x1e0: {  	v7 =	vmul.f32 v6, v2  }
0x1e1: {  	s18 =	simm.s32 $0x7940;
	s17 =	simm.s32 $0x1;
	v6 =	vmul.f32 v10, v2;
	v8 =	vmul.f32 v8, v2  }
.LBB2_13:
0x1e2: {  	p0 =	sne.s32 s17, $0x3F  }
0x1e3: {  	v4 =	vmul.f32 v4, v2;
	v3 =	vmul.f32 v3, v2;
	[tilespmem:s16+$0x30] =	vst v9;
	s18 =	sadd.s32 $0x80, s18;
	s19 =	smov.u32 s17;
	s17 =	sadd.s32 $0x1, s17  }
0x1e4: {  	[tilespmem:s16+$0xFFFFFFC0] =	vst v7;
	v7 =	vmul.f32 v1, v2;
	v2 =	vmul.f32 v5, v2  }
0x1e5: {  	[tilespmem:s16+$0x10] =	vst v8  }
0x1e6: {  	v5 =	vmov s19;
	[tilespmem:s16+$0xFFFFFFE0] =	vst v6  }
0x1e7: {  	v1 =	vld [tilespmem:s18+$0xFFFFFFF0];
	[tilespmem:s16+$0xFFFFFFF0] =	vst v7  }
0x1e8: {  	v6 =	vld [tilespmem:s18+$0x30];
	[tilespmem:s16+$0x0] =	vst v2  }
0x1e9: {  	v8 =	vld [tilespmem:s18+$0x10];
	[tilespmem:s16+$0x20] =	vst v3  }
0x1ea: {  	v7 =	vld [tilespmem:s18+$0xFFFFFFC0];
	[tilespmem:s16+$0xFFFFFFD0] =	vst v4;
	s16 =	smov.u32 s18  }
0x1eb: {  	v2 =	vld.idx.msk [tilespmem:v5+s7+$0x0], $0xffff  }
0x1ec: {  	v10 =	vld [tilespmem:s18+$0xFFFFFFE0]  }
0x1ed: {  	v3 =	vld [tilespmem:s18+$0x20]  }
.Ltmp5:
0x1ee: {  	v4 =	vld [tilespmem:s18+$0xFFFFFFD0];
	(pc) =	sbr.rel @p0 .LBB2_13-.Ltmp5, $3  }
0x1ef: {  	v5 =	vld [tilespmem:s18+$0x0];
	_ =	sdelay $0x1  }
0x1f0: {  	v7 =	vmul.f32 v7, v2;
	v9 =	vmul.f32 v6, v2  }
0x1f1: {  	v8 =	vmul.f32 v8, v2;
	v6 =	vmul.f32 v10, v2  }
0x1f2: {  	[tilespmem:s16+$0x30] =	vst v9  }
0x1f3: {  	[tilespmem:s16+$0xFFFFFFC0] =	vst v7  }
0x1f4: {  	v1 =	vmul.f32 v1, v2;
	[tilespmem:s16+$0x10] =	vst v8  }
0x1f5: {  	v3 =	vmul.f32 v3, v2;
	[tilespmem:s16+$0xFFFFFFE0] =	vst v6  }
0x1f6: {  	v5 =	vmul.f32 v5, v2;
	[tilespmem:s16+$0xFFFFFFF0] =	vst v1  }
0x1f7: {  	s14 =	sadd.s32 $0x1, s14;
	v1 =	vmul.f32 v4, v2;
	[tilespmem:s16+$0x20] =	vst v3  }
0x1f8: {  	p0 =	sne.s32 s14, $0xA2;
	[tilespmem:s16+$0x0] =	vst v5  }
.Ltmp6:
0x1f9: {  	[tilespmem:s16+$0xFFFFFFD0] =	vst v1;
	(pc) =	sbr.rel @p0 .LBB2_12-.Ltmp6, $4  }
0x1fa: {  	[spmem:s3] =	stream.indirect.scatter.add.f32 [tilespmem:s0], [sflag:$0x2], $0x80, s30, s31, $0xb8;
	[tilespmem:$0x1E980] =	vst v63  }
0x1fb: {  	_ =	swait.ge [sflag:s25], $0x2000  }
0x1fc: {  	[sflag:s25] =	ssyncset.done $0x0  }
0x1fd: {  	[sflag:s25] =	ssyncadd.s32 $0xFFFFE000  }
0x1fe: {  	[bflag:$0x0] =	sbarrier.arrive $0xFFFF  }
0x1ff: {  	s13 =	rddreg [dreg:$0xa]  }
0x200: {  	[hbm:s13], [sflag:s11] =	dma.local [spmem:s12], $0x2800  }
0x201: {  	_ =	swait.ge [sflag:s25], $0x2800  }
0x202: {  	[sflag:s25] =	ssyncset.done $0x0  }
0x203: {  	s14 =	simm.s32 $0x400;
	s16 =	rddreg [dreg:$0xb];
	[sflag:s25] =	ssyncadd.s32 $0xFFFFD800  }
0x204: {  	[hbm4b:s16+s23] =	stream.strided.scatter [tilespmem:s1], [sflag:$0x2], $0x2800, s14, s23, $0x38;
	[tilespmem:$0x1E980] =	vst v63  }
0x205: {  	_ =	swait.ge [sflag:s25], $0x2800  }
0x206: {  	[sflag:s25] =	ssyncset.done $0x0  }
0x207: {  	[sflag:s25] =	ssyncadd.s32 $0xFFFFD800  }
0x208: {  	[bflag:$0x0] =	sbarrier.arrive $0xFFFF  }
0x209: {  	s17 =	simm.s32 $0x0;
	s18 =	rddreg [dreg:$0xc]  }
0x20a: {  	[tilespmem:s17], [sflag:$0x2] =	stream.strided.gather [hbm4b:s18+s23], $0x2800, s24, s23, $0x38;
	[tilespmem:$0x1E980] =	vst v63  }
0x20b: {  	_ =	swait.ge [sflag:s25], $0x2800  }
0x20c: {  	[sflag:s25] =	ssyncset.done $0x0  }
0x20d: {  	s19 =	rddreg [dreg:$0xd];
	[sflag:s25] =	ssyncadd.s32 $0xFFFFD800  }
0x20e: {  	[tilespmem:s26], [sflag:$0x2] =	stream.strided.gather [hbm4b:s19+s23], $0x2800, s24, s23, $0x38;
	[tilespmem:$0x1E980] =	vst v63  }
0x20f: {  	_ =	swait.ge [sflag:s25], $0x2800  }
0x210: {  	[sflag:s25] =	ssyncset.done $0x0  }
0x211: {  	s13 =	simm.s32 $0x40;
	s14 =	simm.s32 $0x0;
	[sflag:s25] =	ssyncadd.s32 $0xFFFFD800  }
.LBB2_16:
0x212: {  	p0 =	sne.s32 s13, $0x9FC0;
	[tilespmem:s14+$0x5000] =	vst v0;
	s14 =	smov.u32 s13;
	s13 =	sadd.s32 $0x40, s13  }
.Ltmp7:
0x213: {  	(pc) =	sbr.rel @p0 .LBB2_16-.Ltmp7, $2  }
0x214: {  	_ =	sdelay $0x2  }
0x215: {  	s14 =	sshra.s32 s14, $0x2  }
0x216: {  	[tilespmem:s14+$0x5000] =	vst v0  }
0x217: {  	[spmem:s10] =	stream.linear.scatter [tilespmem:s28], [sflag:$0x2], $0x1000, $0x38;
	[tilespmem:$0x1E980] =	vst v63  }
0x218: {  	_ =	swait.ge [sflag:s25], $0x1000  }
0x219: {  	[sflag:s25] =	ssyncset.done $0x0  }
0x21a: {  	s13 =	rddreg [dreg:$0x15];
	[sflag:s25] =	ssyncadd.s32 $0xFFFFF000  }
0x21b: {  	[spmem:s13] =	stream.linear.scatter [tilespmem:s28], [sflag:$0x2], $0x1000, $0x38;
	[tilespmem:$0x1E980] =	vst v63  }
0x21c: {  	_ =	swait.ge [sflag:s25], $0x1000  }
0x21d: {  	[sflag:s25] =	ssyncset.done $0x0  }
0x21e: {  	s14 =	rddreg [dreg:$0x16];
	[sflag:s25] =	ssyncadd.s32 $0xFFFFF000  }
0x21f: {  	[spmem:s14] =	stream.linear.scatter [tilespmem:s28], [sflag:$0x2], $0x1000, $0x38;
	[tilespmem:$0x1E980] =	vst v63  }
0x220: {  	_ =	swait.ge [sflag:s25], $0x1000  }
0x221: {  	[sflag:s25] =	ssyncset.done $0x0  }
0x222: {  	s16 =	rddreg [dreg:$0x17];
	[sflag:s25] =	ssyncadd.s32 $0xFFFFF000  }
0x223: {  	[spmem:s16] =	stream.linear.scatter [tilespmem:s28], [sflag:$0x2], $0x1000, $0x38;
	[tilespmem:$0x1E980] =	vst v63  }
0x224: {  	_ =	swait.ge [sflag:s25], $0x1000  }
0x225: {  	[sflag:s25] =	ssyncset.done $0x0  }
0x226: {  	s17 =	rddreg [dreg:$0x18];
	[sflag:s25] =	ssyncadd.s32 $0xFFFFF000  }
0x227: {  	[spmem:s17] =	stream.linear.scatter [tilespmem:s28], [sflag:$0x2], $0x1000, $0x38;
	[tilespmem:$0x1E980] =	vst v63  }
0x228: {  	_ =	swait.ge [sflag:s25], $0x1000  }
0x229: {  	[sflag:s25] =	ssyncset.done $0x0  }
0x22a: {  	s18 =	rddreg [dreg:$0x19];
	[sflag:s25] =	ssyncadd.s32 $0xFFFFF000  }
0x22b: {  	[spmem:s18] =	stream.linear.scatter [tilespmem:s28], [sflag:$0x2], $0x1000, $0x38;
	[tilespmem:$0x1E980] =	vst v63  }
0x22c: {  	_ =	swait.ge [sflag:s25], $0x1000  }
0x22d: {  	[sflag:s25] =	ssyncset.done $0x0  }
0x22e: {  	s19 =	rddreg [dreg:$0x1a];
	[sflag:s25] =	ssyncadd.s32 $0xFFFFF000  }
0x22f: {  	[spmem:s19] =	stream.linear.scatter [tilespmem:s28], [sflag:$0x2], $0x1000, $0x38;
	[tilespmem:$0x1E980] =	vst v63  }
0x230: {  	_ =	swait.ge [sflag:s25], $0x1000  }
0x231: {  	[sflag:s25] =	ssyncset.done $0x0  }
0x232: {  	s14 =	rddreg [dreg:$0x1b];
	[sflag:s25] =	ssyncadd.s32 $0xFFFFF000  }
0x233: {  	[spmem:s14] =	stream.linear.scatter [tilespmem:s28], [sflag:$0x2], $0x1000, $0x38;
	[tilespmem:$0x1E980] =	vst v63  }
0x234: {  	_ =	swait.ge [sflag:s25], $0x1000  }
0x235: {  	[sflag:s25] =	ssyncset.done $0x0  }
0x236: {  	s16 =	rddreg [dreg:$0x1c];
	[sflag:s25] =	ssyncadd.s32 $0xFFFFF000  }
0x237: {  	[spmem:s16] =	stream.linear.scatter [tilespmem:s28], [sflag:$0x2], $0x1000, $0x38;
	[tilespmem:$0x1E980] =	vst v63  }
0x238: {  	_ =	swait.ge [sflag:s25], $0x1000  }
0x239: {  	[sflag:s25] =	ssyncset.done $0x0  }
0x23a: {  	s17 =	rddreg [dreg:$0x1d];
	[sflag:s25] =	ssyncadd.s32 $0xFFFFF000  }
0x23b: {  	[spmem:s17] =	stream.linear.scatter [tilespmem:s28], [sflag:$0x2], $0x1000, $0x38;
	[tilespmem:$0x1E980] =	vst v63  }
0x23c: {  	_ =	swait.ge [sflag:s25], $0x1000  }
0x23d: {  	[sflag:s25] =	ssyncset.done $0x0  }
0x23e: {  	s18 =	rddreg [dreg:$0x1e];
	[sflag:s25] =	ssyncadd.s32 $0xFFFFF000  }
0x23f: {  	[spmem:s18] =	stream.linear.scatter [tilespmem:s28], [sflag:$0x2], $0x1000, $0x38;
	[tilespmem:$0x1E980] =	vst v63  }
0x240: {  	_ =	swait.ge [sflag:s25], $0x1000  }
0x241: {  	[sflag:s25] =	ssyncset.done $0x0  }
0x242: {  	s19 =	rddreg [dreg:$0x1f];
	[sflag:s25] =	ssyncadd.s32 $0xFFFFF000  }
0x243: {  	[spmem:s19] =	stream.linear.scatter [tilespmem:s28], [sflag:$0x2], $0x1000, $0x38;
	[tilespmem:$0x1E980] =	vst v63  }
0x244: {  	_ =	swait.ge [sflag:s25], $0x1000  }
0x245: {  	s14 =	sld [smem:$0x7F9]  }
0x246: {  	[sflag:s25] =	ssyncset.done $0x0  }
0x247: {  	[sflag:s25] =	ssyncadd.s32 $0xFFFFF000  }
0x248: {  	[spmem:s14] =	stream.linear.scatter [tilespmem:s28], [sflag:$0x2], $0x1000, $0x38;
	[tilespmem:$0x1E980] =	vst v63  }
0x249: {  	_ =	swait.ge [sflag:s25], $0x1000  }
0x24a: {  	s16 =	sld [smem:$0x7FA]  }
0x24b: {  	[sflag:s25] =	ssyncset.done $0x0  }
0x24c: {  	[sflag:s25] =	ssyncadd.s32 $0xFFFFF000  }
0x24d: {  	[spmem:s16] =	stream.linear.scatter [tilespmem:s28], [sflag:$0x2], $0x1000, $0x38;
	[tilespmem:$0x1E980] =	vst v63  }
0x24e: {  	_ =	swait.ge [sflag:s25], $0x1000  }
0x24f: {  	s17 =	sld [smem:$0x7FB]  }
0x250: {  	[sflag:s25] =	ssyncset.done $0x0  }
0x251: {  	[sflag:s25] =	ssyncadd.s32 $0xFFFFF000  }
0x252: {  	[spmem:s17] =	stream.linear.scatter [tilespmem:s28], [sflag:$0x2], $0x1000, $0x38;
	[tilespmem:$0x1E980] =	vst v63  }
0x253: {  	_ =	swait.ge [sflag:s25], $0x1000  }
0x254: {  	s18 =	sld [smem:$0x7FC]  }
0x255: {  	[sflag:s25] =	ssyncset.done $0x0  }
0x256: {  	[sflag:s25] =	ssyncadd.s32 $0xFFFFF000  }
0x257: {  	[spmem:s18] =	stream.linear.scatter [tilespmem:s28], [sflag:$0x2], $0x1000, $0x38;
	[tilespmem:$0x1E980] =	vst v63  }
0x258: {  	_ =	swait.ge [sflag:s25], $0x1000  }
0x259: {  	s19 =	sld [smem:$0x7FD]  }
0x25a: {  	[sflag:s25] =	ssyncset.done $0x0  }
0x25b: {  	[sflag:s25] =	ssyncadd.s32 $0xFFFFF000  }
0x25c: {  	[spmem:s19] =	stream.linear.scatter [tilespmem:s28], [sflag:$0x2], $0x1000, $0x38;
	[tilespmem:$0x1E980] =	vst v63  }
0x25d: {  	_ =	swait.ge [sflag:s25], $0x1000  }
0x25e: {  	[sflag:s25] =	ssyncset.done $0x0  }
0x25f: {  	[sflag:s25] =	ssyncadd.s32 $0xFFFFF000  }
0x260: {  	[spmem:s20] =	stream.linear.scatter [tilespmem:s28], [sflag:$0x2], $0x1000, $0x38;
	[tilespmem:$0x1E980] =	vst v63  }
0x261: {  	_ =	swait.ge [sflag:s25], $0x1000  }
0x262: {  	[sflag:s25] =	ssyncset.done $0x0  }
0x263: {  	[sflag:s25] =	ssyncadd.s32 $0xFFFFF000  }
0x264: {  	[spmem:s21] =	stream.linear.scatter [tilespmem:s28], [sflag:$0x2], $0x1000, $0x38;
	[tilespmem:$0x1E980] =	vst v63  }
0x265: {  	_ =	swait.ge [sflag:s25], $0x1000  }
0x266: {  	[sflag:s25] =	ssyncset.done $0x0  }
0x267: {  	[sflag:s25] =	ssyncadd.s32 $0xFFFFF000  }
0x268: {  	[spmem:s22] =	stream.linear.scatter [tilespmem:s28], [sflag:$0x2], $0x1000, $0x38;
	[tilespmem:$0x1E980] =	vst v63  }
0x269: {  	_ =	swait.ge [sflag:s25], $0x1000  }
0x26a: {  	[sflag:s25] =	ssyncset.done $0x0  }
0x26b: {  	[sflag:s25] =	ssyncadd.s32 $0xFFFFF000  }
0x26c: {  	s13 =	simm.s32 $0x0;
	s14 =	simm.s32 $0x0;
	[bflag:$0x0] =	sbarrier.arrive $0xFFFF  }
.LBB2_18:
0x26d: {  	s17 =	sshll.u32 s14, $0x6  }
0x26e: {  	s16 =	sadd.s32 s9, s17  }
0x26f: {  	s17 =	sand.u32 $0x40, s17;
	s18 =	sshll.u32 s16, $0x2  }
0x270: {  	s17 =	sor.u32 s17, s18  }
0x271: {  	s17 =	sshrl.u32 s17, $0x3  }
0x272: {  	s17 =	sor.u32 $0x20, s17  }
0x273: {  	s17 =	sadd.s32 s8, s17  }
0x274: {  	[tilespmem:s29], [sflag:$0x2] =	stream.linear.gather [hbm4b:s17+s13], $0x40, $0x38;
	[tilespmem:$0x1E980] =	vst v63  }
0x275: {  	_ =	swait.ge [sflag:s25], $0x40  }
0x276: {  	s19 =	sshrl.u32 s16, $0x3;
	[sflag:s25] =	ssyncset.done $0x0  }
0x277: {  	s17 =	sadd.s32 s2, s19;
	[sflag:s25] =	ssyncadd.s32 $0xFFFFFFC0  }
0x278: {  	[tilespmem:s30], [sflag:$0x2] =	stream.linear.gather [hbm4b:s17+s13], $0x40, $0x38;
	[tilespmem:$0x1E980] =	vst v63  }
0x279: {  	_ =	swait.ge [sflag:s25], $0x40  }
0x27a: {  	[sflag:s25] =	ssyncset.done $0x0  }
0x27b: {  	[sflag:s25] =	ssyncadd.s32 $0xFFFFFFC0  }
0x27c: {  	[tilespmem:s0], [sflag:$0x1] =	stream.indirect.gather [hbm4b:s5+s31], $0x80, s29, s31, $0xb8;
	[tilespmem:$0x1E980] =	vst v63  }
0x27d: {  	v1 =	vld [tilespmem:$0x7800]  }
0x27e: {  	v2 =	vld [tilespmem:$0x7880];
	_ =	sdelay $0x3  }
0x27f: {  	v1 =	vadd.s32 $0xFFFFB000, v1;
	_ =	sdelay $0x3  }
0x280: {  	v3 =	vld.idx.msk [tilespmem:v2+s26+$0x0], $0xffff  }
0x281: {  	v1 =	vld.idx.msk [tilespmem:v1+s13+$0x0], $0xffff;
	_ =	sdelay $0x4  }
0x282: {  	v1 =	vadd.f32 v3, v1;
	_ =	sdelay $0x1  }
0x283: {  	v3 =	vmul.f32 $2.000000030e-01, v1  }
0x284: {  	vm0 =	vge.f32 v1, $0.0e+00  }
0x285: {  	v1 =	vsel vm0, v1, v3  }
0x286: {  	v1 =	vmul.f32 $1.442695020e+00, v1;
	_ =	sdelay $0x1  }
0x287: {  	(erf) = vpow2.f32 v1;
	_ =	sdelay $0x8  }
0x288: {  	p0 =	slt.u32 s16, $0x50910;
	v1 =	vpop (erf)  }
0x289: {  	v1 =	vpsel !p0, $0x0, v1  }
0x28a: {  	[tilespmem:v2+s1+$0x0] =	vst.idx.add.f32.msk $0xffff, v1  }
0x28b: {  	v2 =	vld [tilespmem:$0x7810];
	_ =	sdelay $0x2  }
0x28c: {  	v3 =	vld [tilespmem:$0x7890];
	_ =	sdelay $0x1  }
0x28d: {  	v2 =	vadd.s32 $0xFFFFB000, v2;
	_ =	sdelay $0x3  }
0x28e: {  	[tilespmem:$0x9900] =	vst v1  }
0x28f: {  	v1 =	vld.idx.msk [tilespmem:v2+s13+$0x0], $0xffff  }
0x290: {  	v2 =	vld.idx.msk [tilespmem:v3+s26+$0x0], $0xffff;
	_ =	sdelay $0x4  }
0x291: {  	v1 =	vadd.f32 v2, v1;
	_ =	sdelay $0x1  }
0x292: {  	v2 =	vmul.f32 $2.000000030e-01, v1  }
0x293: {  	vm13 =	vge.f32 v1, $0.0e+00  }
0x294: {  	v1 =	vsel vm13, v1, v2  }
0x295: {  	v1 =	vmul.f32 $1.442695020e+00, v1;
	_ =	sdelay $0x1  }
0x296: {  	(erf) = vpow2.f32 v1;
	_ =	sdelay $0x7  }
0x297: {  	s18 =	sor.u32 $0x10, s16  }
0x298: {  	p4 =	slt.u32 s18, $0x50910;
	v1 =	vpop (erf)  }
0x299: {  	v1 =	vpsel !p4, $0x0, v1  }
0x29a: {  	[tilespmem:v3+s1+$0x0] =	vst.idx.add.f32.msk $0xffff, v1  }
0x29b: {  	v2 =	vld [tilespmem:$0x7820];
	_ =	sdelay $0x2  }
0x29c: {  	v3 =	vld [tilespmem:$0x78A0];
	_ =	sdelay $0x1  }
0x29d: {  	v2 =	vadd.s32 $0xFFFFB000, v2;
	_ =	sdelay $0x3  }
0x29e: {  	[tilespmem:$0x9910] =	vst v1  }
0x29f: {  	v1 =	vld.idx.msk [tilespmem:v2+s13+$0x0], $0xffff  }
0x2a0: {  	v2 =	vld.idx.msk [tilespmem:v3+s26+$0x0], $0xffff;
	_ =	sdelay $0x4  }
0x2a1: {  	v1 =	vadd.f32 v2, v1;
	_ =	sdelay $0x1  }
0x2a2: {  	v2 =	vmul.f32 $2.000000030e-01, v1  }
0x2a3: {  	vm14 =	vge.f32 v1, $0.0e+00  }
0x2a4: {  	v1 =	vsel vm14, v1, v2  }
0x2a5: {  	v1 =	vmul.f32 $1.442695020e+00, v1;
	_ =	sdelay $0x1  }
0x2a6: {  	(erf) = vpow2.f32 v1;
	_ =	sdelay $0x7  }
0x2a7: {  	s19 =	sor.u32 $0x20, s16  }
0x2a8: {  	p5 =	slt.u32 s19, $0x50910;
	v1 =	vpop (erf)  }
0x2a9: {  	v1 =	vpsel !p5, $0x0, v1  }
0x2aa: {  	[tilespmem:v3+s1+$0x0] =	vst.idx.add.f32.msk $0xffff, v1  }
0x2ab: {  	v2 =	vld [tilespmem:$0x7830];
	_ =	sdelay $0x2  }
0x2ac: {  	v3 =	vld [tilespmem:$0x78B0];
	_ =	sdelay $0x1  }
0x2ad: {  	v2 =	vadd.s32 $0xFFFFB000, v2;
	_ =	sdelay $0x3  }
0x2ae: {  	[tilespmem:$0x9920] =	vst v1  }
0x2af: {  	v1 =	vld.idx.msk [tilespmem:v2+s13+$0x0], $0xffff  }
0x2b0: {  	v2 =	vld.idx.msk [tilespmem:v3+s26+$0x0], $0xffff;
	_ =	sdelay $0x4  }
0x2b1: {  	v1 =	vadd.f32 v2, v1;
	_ =	sdelay $0x1  }
0x2b2: {  	v2 =	vmul.f32 $2.000000030e-01, v1  }
0x2b3: {  	vm15 =	vge.f32 v1, $0.0e+00  }
0x2b4: {  	v1 =	vsel vm15, v1, v2  }
0x2b5: {  	v1 =	vmul.f32 $1.442695020e+00, v1;
	_ =	sdelay $0x1  }
0x2b6: {  	(erf) = vpow2.f32 v1;
	_ =	sdelay $0x7  }
0x2b7: {  	s16 =	sor.u32 $0x30, s16  }
0x2b8: {  	p6 =	slt.u32 s16, $0x50910;
	v1 =	vpop (erf)  }
0x2b9: {  	v1 =	vpsel !p6, $0x0, v1  }
0x2ba: {  	[tilespmem:v3+s1+$0x0] =	vst.idx.add.f32.msk $0xffff, v1  }
0x2bb: {  	[tilespmem:$0x9930] =	vst v1  }
0x2bc: {  	_ =	swait.ge [sflag:s6], $0x2000  }
0x2bd: {  	v1 =	vmov s13;
	[sflag:s6] =	ssyncset.done $0x0  }
0x2be: {  	s16 =	simm.s32 $0x7940;
	[sflag:s6] =	ssyncadd.s32 $0xFFFFE000  }
0x2bf: {  	v5 =	vld [tilespmem:s16+$0x30]  }
0x2c0: {  	v8 =	vld [tilespmem:s16+$0x10]  }
0x2c1: {  	v6 =	vld [tilespmem:s16+$0xFFFFFFC0]  }
0x2c2: {  	v2 =	vld.idx.msk [tilespmem:v1+s7+$0x0], $0xffff  }
0x2c3: {  	v10 =	vld [tilespmem:s16+$0xFFFFFFE0]  }
0x2c4: {  	v3 =	vld [tilespmem:s16+$0x20]  }
0x2c5: {  	v4 =	vld [tilespmem:s16+$0xFFFFFFD0]  }
0x2c6: {  	v1 =	vld [tilespmem:s16+$0xFFFFFFF0]  }
0x2c7: {  	v9 =	vmul.f32 v5, v2;
	v5 =	vld [tilespmem:s16+$0x0]  }
0x2c8: {  	v7 =	vmul.f32 v6, v2  }
0x2c9: {  	s18 =	simm.s32 $0x7940;
	s17 =	simm.s32 $0x1;
	v6 =	vmul.f32 v10, v2;
	v8 =	vmul.f32 v8, v2  }
.LBB2_19:
0x2ca: {  	p0 =	sne.s32 s17, $0x3F  }
0x2cb: {  	v4 =	vmul.f32 v4, v2;
	v3 =	vmul.f32 v3, v2;
	[tilespmem:s16+$0x30] =	vst v9;
	s18 =	sadd.s32 $0x80, s18;
	s19 =	smov.u32 s17;
	s17 =	sadd.s32 $0x1, s17  }
0x2cc: {  	[tilespmem:s16+$0xFFFFFFC0] =	vst v7;
	v7 =	vmul.f32 v1, v2;
	v2 =	vmul.f32 v5, v2  }
0x2cd: {  	[tilespmem:s16+$0x10] =	vst v8  }
0x2ce: {  	v5 =	vmov s19;
	[tilespmem:s16+$0xFFFFFFE0] =	vst v6  }
0x2cf: {  	v1 =	vld [tilespmem:s18+$0xFFFFFFF0];
	[tilespmem:s16+$0xFFFFFFF0] =	vst v7  }
0x2d0: {  	v6 =	vld [tilespmem:s18+$0x30];
	[tilespmem:s16+$0x0] =	vst v2  }
0x2d1: {  	v8 =	vld [tilespmem:s18+$0x10];
	[tilespmem:s16+$0x20] =	vst v3  }
0x2d2: {  	v7 =	vld [tilespmem:s18+$0xFFFFFFC0];
	[tilespmem:s16+$0xFFFFFFD0] =	vst v4;
	s16 =	smov.u32 s18  }
0x2d3: {  	v2 =	vld.idx.msk [tilespmem:v5+s7+$0x0], $0xffff  }
0x2d4: {  	v10 =	vld [tilespmem:s18+$0xFFFFFFE0]  }
0x2d5: {  	v3 =	vld [tilespmem:s18+$0x20]  }
.Ltmp8:
0x2d6: {  	v4 =	vld [tilespmem:s18+$0xFFFFFFD0];
	(pc) =	sbr.rel @p0 .LBB2_19-.Ltmp8, $3  }
0x2d7: {  	v5 =	vld [tilespmem:s18+$0x0];
	_ =	sdelay $0x1  }
0x2d8: {  	v7 =	vmul.f32 v7, v2;
	v9 =	vmul.f32 v6, v2  }
0x2d9: {  	v8 =	vmul.f32 v8, v2;
	v6 =	vmul.f32 v10, v2  }
0x2da: {  	[tilespmem:s16+$0x30] =	vst v9  }
0x2db: {  	[tilespmem:s16+$0xFFFFFFC0] =	vst v7  }
0x2dc: {  	v1 =	vmul.f32 v1, v2;
	[tilespmem:s16+$0x10] =	vst v8  }
0x2dd: {  	v3 =	vmul.f32 v3, v2;
	[tilespmem:s16+$0xFFFFFFE0] =	vst v6  }
0x2de: {  	v5 =	vmul.f32 v5, v2;
	[tilespmem:s16+$0xFFFFFFF0] =	vst v1  }
0x2df: {  	s14 =	sadd.s32 $0x1, s14;
	v1 =	vmul.f32 v4, v2;
	[tilespmem:s16+$0x20] =	vst v3  }
0x2e0: {  	p0 =	sne.s32 s14, $0xA2;
	[tilespmem:s16+$0x0] =	vst v5  }
.Ltmp9:
0x2e1: {  	[tilespmem:s16+$0xFFFFFFD0] =	vst v1;
	(pc) =	sbr.rel @p0 .LBB2_18-.Ltmp9, $4  }
0x2e2: {  	[spmem:s3] =	stream.indirect.scatter.add.f32 [tilespmem:s0], [sflag:$0x2], $0x80, s30, s31, $0xb8;
	[tilespmem:$0x1E980] =	vst v63  }
0x2e3: {  	_ =	swait.ge [sflag:s25], $0x2000  }
0x2e4: {  	[sflag:s25] =	ssyncset.done $0x0  }
0x2e5: {  	[sflag:s25] =	ssyncadd.s32 $0xFFFFE000  }
0x2e6: {  	[bflag:$0x0] =	sbarrier.arrive $0xFFFF  }
0x2e7: {  	s13 =	rddreg [dreg:$0x12]  }
0x2e8: {  	[hbm:s13], [sflag:s11] =	dma.local [spmem:s12], $0x2800  }
0x2e9: {  	_ =	swait.ge [sflag:s25], $0x2800  }
0x2ea: {  	[sflag:s25] =	ssyncset.done $0x0  }
0x2eb: {  	s14 =	simm.s32 $0x400;
	s16 =	rddreg [dreg:$0xe];
	[sflag:s25] =	ssyncadd.s32 $0xFFFFD800  }
0x2ec: {  	[hbm4b:s16+s23] =	stream.strided.scatter [tilespmem:s1], [sflag:$0x2], $0x2800, s14, s23, $0x38;
	[tilespmem:$0x1E980] =	vst v63  }
0x2ed: {  	_ =	swait.ge [sflag:s25], $0x2800  }
0x2ee: {  	[sflag:s25] =	ssyncset.done $0x0  }
0x2ef: {  	[sflag:s25] =	ssyncadd.s32 $0xFFFFD800  }
0x2f0: {  	[bflag:$0x0] =	sbarrier.arrive $0xFFFF  }
0x2f1: {  	s17 =	simm.s32 $0x0;
	s18 =	rddreg [dreg:$0x10]  }
0x2f2: {  	[tilespmem:s17], [sflag:$0x2] =	stream.strided.gather [hbm4b:s18+s23], $0x2800, s24, s23, $0x38;
	[tilespmem:$0x1E980] =	vst v63  }
0x2f3: {  	_ =	swait.ge [sflag:s25], $0x2800  }
0x2f4: {  	[sflag:s25] =	ssyncset.done $0x0  }
0x2f5: {  	s19 =	rddreg [dreg:$0x11];
	[sflag:s25] =	ssyncadd.s32 $0xFFFFD800  }
0x2f6: {  	[tilespmem:s26], [sflag:$0x2] =	stream.strided.gather [hbm4b:s19+s23], $0x2800, s24, s23, $0x38;
	[tilespmem:$0x1E980] =	vst v63  }
0x2f7: {  	_ =	swait.ge [sflag:s25], $0x2800  }
0x2f8: {  	[sflag:s25] =	ssyncset.done $0x0  }
0x2f9: {  	s13 =	simm.s32 $0x40;
	s14 =	simm.s32 $0x0;
	[sflag:s25] =	ssyncadd.s32 $0xFFFFD800  }
.LBB2_22:
0x2fa: {  	p0 =	sne.s32 s13, $0x9FC0;
	[tilespmem:s14+$0x5000] =	vst v0;
	s14 =	smov.u32 s13;
	s13 =	sadd.s32 $0x40, s13  }
.Ltmp10:
0x2fb: {  	(pc) =	sbr.rel @p0 .LBB2_22-.Ltmp10, $2  }
0x2fc: {  	_ =	sdelay $0x2  }
0x2fd: {  	s14 =	sshra.s32 s14, $0x2  }
0x2fe: {  	[tilespmem:s14+$0x5000] =	vst v0  }
0x2ff: {  	[spmem:s10] =	stream.linear.scatter [tilespmem:s28], [sflag:$0x2], $0x1000, $0x38;
	[tilespmem:$0x1E980] =	vst v63  }
0x300: {  	_ =	swait.ge [sflag:s25], $0x1000  }
0x301: {  	[sflag:s25] =	ssyncset.done $0x0  }
0x302: {  	s13 =	rddreg [dreg:$0x15];
	[sflag:s25] =	ssyncadd.s32 $0xFFFFF000  }
0x303: {  	[spmem:s13] =	stream.linear.scatter [tilespmem:s28], [sflag:$0x2], $0x1000, $0x38;
	[tilespmem:$0x1E980] =	vst v63  }
0x304: {  	_ =	swait.ge [sflag:s25], $0x1000  }
0x305: {  	[sflag:s25] =	ssyncset.done $0x0  }
0x306: {  	s14 =	rddreg [dreg:$0x16];
	[sflag:s25] =	ssyncadd.s32 $0xFFFFF000  }
0x307: {  	[spmem:s14] =	stream.linear.scatter [tilespmem:s28], [sflag:$0x2], $0x1000, $0x38;
	[tilespmem:$0x1E980] =	vst v63  }
0x308: {  	_ =	swait.ge [sflag:s25], $0x1000  }
0x309: {  	[sflag:s25] =	ssyncset.done $0x0  }
0x30a: {  	s16 =	rddreg [dreg:$0x17];
	[sflag:s25] =	ssyncadd.s32 $0xFFFFF000  }
0x30b: {  	[spmem:s16] =	stream.linear.scatter [tilespmem:s28], [sflag:$0x2], $0x1000, $0x38;
	[tilespmem:$0x1E980] =	vst v63  }
0x30c: {  	_ =	swait.ge [sflag:s25], $0x1000  }
0x30d: {  	[sflag:s25] =	ssyncset.done $0x0  }
0x30e: {  	s17 =	rddreg [dreg:$0x18];
	[sflag:s25] =	ssyncadd.s32 $0xFFFFF000  }
0x30f: {  	[spmem:s17] =	stream.linear.scatter [tilespmem:s28], [sflag:$0x2], $0x1000, $0x38;
	[tilespmem:$0x1E980] =	vst v63  }
0x310: {  	_ =	swait.ge [sflag:s25], $0x1000  }
0x311: {  	[sflag:s25] =	ssyncset.done $0x0  }
0x312: {  	s18 =	rddreg [dreg:$0x19];
	[sflag:s25] =	ssyncadd.s32 $0xFFFFF000  }
0x313: {  	[spmem:s18] =	stream.linear.scatter [tilespmem:s28], [sflag:$0x2], $0x1000, $0x38;
	[tilespmem:$0x1E980] =	vst v63  }
0x314: {  	_ =	swait.ge [sflag:s25], $0x1000  }
0x315: {  	[sflag:s25] =	ssyncset.done $0x0  }
0x316: {  	s19 =	rddreg [dreg:$0x1a];
	[sflag:s25] =	ssyncadd.s32 $0xFFFFF000  }
0x317: {  	[spmem:s19] =	stream.linear.scatter [tilespmem:s28], [sflag:$0x2], $0x1000, $0x38;
	[tilespmem:$0x1E980] =	vst v63  }
0x318: {  	_ =	swait.ge [sflag:s25], $0x1000  }
0x319: {  	[sflag:s25] =	ssyncset.done $0x0  }
0x31a: {  	s14 =	rddreg [dreg:$0x1b];
	[sflag:s25] =	ssyncadd.s32 $0xFFFFF000  }
0x31b: {  	[spmem:s14] =	stream.linear.scatter [tilespmem:s28], [sflag:$0x2], $0x1000, $0x38;
	[tilespmem:$0x1E980] =	vst v63  }
0x31c: {  	_ =	swait.ge [sflag:s25], $0x1000  }
0x31d: {  	[sflag:s25] =	ssyncset.done $0x0  }
0x31e: {  	s16 =	rddreg [dreg:$0x1c];
	[sflag:s25] =	ssyncadd.s32 $0xFFFFF000  }
0x31f: {  	[spmem:s16] =	stream.linear.scatter [tilespmem:s28], [sflag:$0x2], $0x1000, $0x38;
	[tilespmem:$0x1E980] =	vst v63  }
0x320: {  	_ =	swait.ge [sflag:s25], $0x1000  }
0x321: {  	[sflag:s25] =	ssyncset.done $0x0  }
0x322: {  	s17 =	rddreg [dreg:$0x1d];
	[sflag:s25] =	ssyncadd.s32 $0xFFFFF000  }
0x323: {  	[spmem:s17] =	stream.linear.scatter [tilespmem:s28], [sflag:$0x2], $0x1000, $0x38;
	[tilespmem:$0x1E980] =	vst v63  }
0x324: {  	_ =	swait.ge [sflag:s25], $0x1000  }
0x325: {  	[sflag:s25] =	ssyncset.done $0x0  }
0x326: {  	s18 =	rddreg [dreg:$0x1e];
	[sflag:s25] =	ssyncadd.s32 $0xFFFFF000  }
0x327: {  	[spmem:s18] =	stream.linear.scatter [tilespmem:s28], [sflag:$0x2], $0x1000, $0x38;
	[tilespmem:$0x1E980] =	vst v63  }
0x328: {  	_ =	swait.ge [sflag:s25], $0x1000  }
0x329: {  	[sflag:s25] =	ssyncset.done $0x0  }
0x32a: {  	s19 =	rddreg [dreg:$0x1f];
	[sflag:s25] =	ssyncadd.s32 $0xFFFFF000  }
0x32b: {  	[spmem:s19] =	stream.linear.scatter [tilespmem:s28], [sflag:$0x2], $0x1000, $0x38;
	[tilespmem:$0x1E980] =	vst v63  }
0x32c: {  	_ =	swait.ge [sflag:s25], $0x1000  }
0x32d: {  	s14 =	sld [smem:$0x7F9]  }
0x32e: {  	[sflag:s25] =	ssyncset.done $0x0  }
0x32f: {  	[sflag:s25] =	ssyncadd.s32 $0xFFFFF000  }
0x330: {  	[spmem:s14] =	stream.linear.scatter [tilespmem:s28], [sflag:$0x2], $0x1000, $0x38;
	[tilespmem:$0x1E980] =	vst v63  }
0x331: {  	_ =	swait.ge [sflag:s25], $0x1000  }
0x332: {  	s16 =	sld [smem:$0x7FA]  }
0x333: {  	[sflag:s25] =	ssyncset.done $0x0  }
0x334: {  	[sflag:s25] =	ssyncadd.s32 $0xFFFFF000  }
0x335: {  	[spmem:s16] =	stream.linear.scatter [tilespmem:s28], [sflag:$0x2], $0x1000, $0x38;
	[tilespmem:$0x1E980] =	vst v63  }
0x336: {  	_ =	swait.ge [sflag:s25], $0x1000  }
0x337: {  	s17 =	sld [smem:$0x7FB]  }
0x338: {  	[sflag:s25] =	ssyncset.done $0x0  }
0x339: {  	[sflag:s25] =	ssyncadd.s32 $0xFFFFF000  }
0x33a: {  	[spmem:s17] =	stream.linear.scatter [tilespmem:s28], [sflag:$0x2], $0x1000, $0x38;
	[tilespmem:$0x1E980] =	vst v63  }
0x33b: {  	_ =	swait.ge [sflag:s25], $0x1000  }
0x33c: {  	s18 =	sld [smem:$0x7FC]  }
0x33d: {  	[sflag:s25] =	ssyncset.done $0x0  }
0x33e: {  	[sflag:s25] =	ssyncadd.s32 $0xFFFFF000  }
0x33f: {  	[spmem:s18] =	stream.linear.scatter [tilespmem:s28], [sflag:$0x2], $0x1000, $0x38;
	[tilespmem:$0x1E980] =	vst v63  }
0x340: {  	_ =	swait.ge [sflag:s25], $0x1000  }
0x341: {  	s19 =	sld [smem:$0x7FD]  }
0x342: {  	[sflag:s25] =	ssyncset.done $0x0  }
0x343: {  	[sflag:s25] =	ssyncadd.s32 $0xFFFFF000  }
0x344: {  	[spmem:s19] =	stream.linear.scatter [tilespmem:s28], [sflag:$0x2], $0x1000, $0x38;
	[tilespmem:$0x1E980] =	vst v63  }
0x345: {  	_ =	swait.ge [sflag:s25], $0x1000  }
0x346: {  	[sflag:s25] =	ssyncset.done $0x0  }
0x347: {  	[sflag:s25] =	ssyncadd.s32 $0xFFFFF000  }
0x348: {  	[spmem:s20] =	stream.linear.scatter [tilespmem:s28], [sflag:$0x2], $0x1000, $0x38;
	[tilespmem:$0x1E980] =	vst v63  }
0x349: {  	_ =	swait.ge [sflag:s25], $0x1000  }
0x34a: {  	[sflag:s25] =	ssyncset.done $0x0  }
0x34b: {  	[sflag:s25] =	ssyncadd.s32 $0xFFFFF000  }
0x34c: {  	[spmem:s21] =	stream.linear.scatter [tilespmem:s28], [sflag:$0x2], $0x1000, $0x38;
	[tilespmem:$0x1E980] =	vst v63  }
0x34d: {  	_ =	swait.ge [sflag:s25], $0x1000  }
0x34e: {  	[sflag:s25] =	ssyncset.done $0x0  }
0x34f: {  	[sflag:s25] =	ssyncadd.s32 $0xFFFFF000  }
0x350: {  	[spmem:s22] =	stream.linear.scatter [tilespmem:s28], [sflag:$0x2], $0x1000, $0x38;
	[tilespmem:$0x1E980] =	vst v63  }
0x351: {  	_ =	swait.ge [sflag:s25], $0x1000  }
0x352: {  	[sflag:s25] =	ssyncset.done $0x0  }
0x353: {  	[sflag:s25] =	ssyncadd.s32 $0xFFFFF000  }
0x354: {  	s13 =	simm.s32 $0x0;
	s14 =	simm.s32 $0x0;
	[bflag:$0x0] =	sbarrier.arrive $0xFFFF  }
.LBB2_24:
0x355: {  	s17 =	sshll.u32 s14, $0x6  }
0x356: {  	s16 =	sadd.s32 s9, s17  }
0x357: {  	s17 =	sand.u32 $0x40, s17;
	s18 =	sshll.u32 s16, $0x2  }
0x358: {  	s17 =	sor.u32 s17, s18  }
0x359: {  	s17 =	sshrl.u32 s17, $0x3  }
0x35a: {  	s17 =	sor.u32 $0x30, s17  }
0x35b: {  	s17 =	sadd.s32 s8, s17  }
0x35c: {  	[tilespmem:s29], [sflag:$0x2] =	stream.linear.gather [hbm4b:s17+s13], $0x40, $0x38;
	[tilespmem:$0x1E980] =	vst v63  }
0x35d: {  	_ =	swait.ge [sflag:s25], $0x40  }
0x35e: {  	s19 =	sshrl.u32 s16, $0x3;
	[sflag:s25] =	ssyncset.done $0x0  }
0x35f: {  	s17 =	sadd.s32 s2, s19;
	[sflag:s25] =	ssyncadd.s32 $0xFFFFFFC0  }
0x360: {  	[tilespmem:s30], [sflag:$0x2] =	stream.linear.gather [hbm4b:s17+s13], $0x40, $0x38;
	[tilespmem:$0x1E980] =	vst v63  }
0x361: {  	_ =	swait.ge [sflag:s25], $0x40  }
0x362: {  	[sflag:s25] =	ssyncset.done $0x0  }
0x363: {  	[sflag:s25] =	ssyncadd.s32 $0xFFFFFFC0  }
0x364: {  	[tilespmem:s0], [sflag:$0x1] =	stream.indirect.gather [hbm4b:s5+s31], $0x80, s29, s31, $0xb8;
	[tilespmem:$0x1E980] =	vst v63  }
0x365: {  	v1 =	vld [tilespmem:$0x7800]  }
0x366: {  	v2 =	vld [tilespmem:$0x7880];
	_ =	sdelay $0x3  }
0x367: {  	v1 =	vadd.s32 $0xFFFF8800, v1;
	_ =	sdelay $0x3  }
0x368: {  	v3 =	vld.idx.msk [tilespmem:v2+s26+$0x0], $0xffff  }
0x369: {  	v1 =	vld.idx.msk [tilespmem:v1+s13+$0x0], $0xffff;
	_ =	sdelay $0x4  }
0x36a: {  	v1 =	vadd.f32 v3, v1;
	_ =	sdelay $0x1  }
0x36b: {  	v3 =	vmul.f32 $2.000000030e-01, v1  }
0x36c: {  	vm0 =	vge.f32 v1, $0.0e+00  }
0x36d: {  	v1 =	vsel vm0, v1, v3  }
0x36e: {  	v1 =	vmul.f32 $1.442695020e+00, v1;
	_ =	sdelay $0x1  }
0x36f: {  	(erf) = vpow2.f32 v1;
	_ =	sdelay $0x8  }
0x370: {  	p0 =	slt.u32 s16, $0x50910;
	v1 =	vpop (erf)  }
0x371: {  	v1 =	vpsel !p0, $0x0, v1  }
0x372: {  	[tilespmem:v2+s1+$0x0] =	vst.idx.add.f32.msk $0xffff, v1  }
0x373: {  	v2 =	vld [tilespmem:$0x7810];
	_ =	sdelay $0x2  }
0x374: {  	v3 =	vld [tilespmem:$0x7890];
	_ =	sdelay $0x1  }
0x375: {  	v2 =	vadd.s32 $0xFFFF8800, v2;
	_ =	sdelay $0x3  }
0x376: {  	[tilespmem:$0x9900] =	vst v1  }
0x377: {  	v1 =	vld.idx.msk [tilespmem:v2+s13+$0x0], $0xffff  }
0x378: {  	v2 =	vld.idx.msk [tilespmem:v3+s26+$0x0], $0xffff;
	_ =	sdelay $0x4  }
0x379: {  	v1 =	vadd.f32 v2, v1;
	_ =	sdelay $0x1  }
0x37a: {  	v2 =	vmul.f32 $2.000000030e-01, v1  }
0x37b: {  	vm13 =	vge.f32 v1, $0.0e+00  }
0x37c: {  	v1 =	vsel vm13, v1, v2  }
0x37d: {  	v1 =	vmul.f32 $1.442695020e+00, v1;
	_ =	sdelay $0x1  }
0x37e: {  	(erf) = vpow2.f32 v1;
	_ =	sdelay $0x7  }
0x37f: {  	s18 =	sor.u32 $0x10, s16  }
0x380: {  	p4 =	slt.u32 s18, $0x50910;
	v1 =	vpop (erf)  }
0x381: {  	v1 =	vpsel !p4, $0x0, v1  }
0x382: {  	[tilespmem:v3+s1+$0x0] =	vst.idx.add.f32.msk $0xffff, v1  }
0x383: {  	v2 =	vld [tilespmem:$0x7820];
	_ =	sdelay $0x2  }
0x384: {  	v3 =	vld [tilespmem:$0x78A0];
	_ =	sdelay $0x1  }
0x385: {  	v2 =	vadd.s32 $0xFFFF8800, v2;
	_ =	sdelay $0x3  }
0x386: {  	[tilespmem:$0x9910] =	vst v1  }
0x387: {  	v1 =	vld.idx.msk [tilespmem:v2+s13+$0x0], $0xffff  }
0x388: {  	v2 =	vld.idx.msk [tilespmem:v3+s26+$0x0], $0xffff;
	_ =	sdelay $0x4  }
0x389: {  	v1 =	vadd.f32 v2, v1;
	_ =	sdelay $0x1  }
0x38a: {  	v2 =	vmul.f32 $2.000000030e-01, v1  }
0x38b: {  	vm14 =	vge.f32 v1, $0.0e+00  }
0x38c: {  	v1 =	vsel vm14, v1, v2  }
0x38d: {  	v1 =	vmul.f32 $1.442695020e+00, v1;
	_ =	sdelay $0x1  }
0x38e: {  	(erf) = vpow2.f32 v1;
	_ =	sdelay $0x7  }
0x38f: {  	s19 =	sor.u32 $0x20, s16  }
0x390: {  	p5 =	slt.u32 s19, $0x50910;
	v1 =	vpop (erf)  }
0x391: {  	v1 =	vpsel !p5, $0x0, v1  }
0x392: {  	[tilespmem:v3+s1+$0x0] =	vst.idx.add.f32.msk $0xffff, v1  }
0x393: {  	v2 =	vld [tilespmem:$0x7830];
	_ =	sdelay $0x2  }
0x394: {  	v3 =	vld [tilespmem:$0x78B0];
	_ =	sdelay $0x1  }
0x395: {  	v2 =	vadd.s32 $0xFFFF8800, v2;
	_ =	sdelay $0x3  }
0x396: {  	[tilespmem:$0x9920] =	vst v1  }
0x397: {  	v1 =	vld.idx.msk [tilespmem:v2+s13+$0x0], $0xffff  }
0x398: {  	v2 =	vld.idx.msk [tilespmem:v3+s26+$0x0], $0xffff;
	_ =	sdelay $0x4  }
0x399: {  	v1 =	vadd.f32 v2, v1;
	_ =	sdelay $0x1  }
0x39a: {  	v2 =	vmul.f32 $2.000000030e-01, v1  }
0x39b: {  	vm15 =	vge.f32 v1, $0.0e+00  }
0x39c: {  	v1 =	vsel vm15, v1, v2  }
0x39d: {  	v1 =	vmul.f32 $1.442695020e+00, v1;
	_ =	sdelay $0x1  }
0x39e: {  	(erf) = vpow2.f32 v1;
	_ =	sdelay $0x7  }
0x39f: {  	s16 =	sor.u32 $0x30, s16  }
0x3a0: {  	p6 =	slt.u32 s16, $0x50910;
	v1 =	vpop (erf)  }
0x3a1: {  	v1 =	vpsel !p6, $0x0, v1  }
0x3a2: {  	[tilespmem:v3+s1+$0x0] =	vst.idx.add.f32.msk $0xffff, v1  }
0x3a3: {  	[tilespmem:$0x9930] =	vst v1  }
0x3a4: {  	_ =	swait.ge [sflag:s6], $0x2000  }
0x3a5: {  	v1 =	vmov s13;
	[sflag:s6] =	ssyncset.done $0x0  }
0x3a6: {  	s16 =	simm.s32 $0x7940;
	[sflag:s6] =	ssyncadd.s32 $0xFFFFE000  }
0x3a7: {  	v5 =	vld [tilespmem:s16+$0x30]  }
0x3a8: {  	v8 =	vld [tilespmem:s16+$0x10]  }
0x3a9: {  	v6 =	vld [tilespmem:s16+$0xFFFFFFC0]  }
0x3aa: {  	v2 =	vld.idx.msk [tilespmem:v1+s7+$0x0], $0xffff  }
0x3ab: {  	v10 =	vld [tilespmem:s16+$0xFFFFFFE0]  }
0x3ac: {  	v3 =	vld [tilespmem:s16+$0x20]  }
0x3ad: {  	v4 =	vld [tilespmem:s16+$0xFFFFFFD0]  }
0x3ae: {  	v1 =	vld [tilespmem:s16+$0xFFFFFFF0]  }
0x3af: {  	v9 =	vmul.f32 v5, v2;
	v5 =	vld [tilespmem:s16+$0x0]  }
0x3b0: {  	v7 =	vmul.f32 v6, v2  }
0x3b1: {  	s18 =	simm.s32 $0x7940;
	s17 =	simm.s32 $0x1;
	v6 =	vmul.f32 v10, v2;
	v8 =	vmul.f32 v8, v2  }
.LBB2_25:
0x3b2: {  	p0 =	sne.s32 s17, $0x3F  }
0x3b3: {  	v4 =	vmul.f32 v4, v2;
	v3 =	vmul.f32 v3, v2;
	[tilespmem:s16+$0x30] =	vst v9;
	s18 =	sadd.s32 $0x80, s18;
	s19 =	smov.u32 s17;
	s17 =	sadd.s32 $0x1, s17  }
0x3b4: {  	[tilespmem:s16+$0xFFFFFFC0] =	vst v7;
	v7 =	vmul.f32 v1, v2;
	v2 =	vmul.f32 v5, v2  }
0x3b5: {  	[tilespmem:s16+$0x10] =	vst v8  }
0x3b6: {  	v5 =	vmov s19;
	[tilespmem:s16+$0xFFFFFFE0] =	vst v6  }
0x3b7: {  	v1 =	vld [tilespmem:s18+$0xFFFFFFF0];
	[tilespmem:s16+$0xFFFFFFF0] =	vst v7  }
0x3b8: {  	v6 =	vld [tilespmem:s18+$0x30];
	[tilespmem:s16+$0x0] =	vst v2  }
0x3b9: {  	v8 =	vld [tilespmem:s18+$0x10];
	[tilespmem:s16+$0x20] =	vst v3  }
0x3ba: {  	v7 =	vld [tilespmem:s18+$0xFFFFFFC0];
	[tilespmem:s16+$0xFFFFFFD0] =	vst v4;
	s16 =	smov.u32 s18  }
0x3bb: {  	v2 =	vld.idx.msk [tilespmem:v5+s7+$0x0], $0xffff  }
0x3bc: {  	v10 =	vld [tilespmem:s18+$0xFFFFFFE0]  }
0x3bd: {  	v3 =	vld [tilespmem:s18+$0x20]  }
.Ltmp11:
0x3be: {  	v4 =	vld [tilespmem:s18+$0xFFFFFFD0];
	(pc) =	sbr.rel @p0 .LBB2_25-.Ltmp11, $3  }
0x3bf: {  	v5 =	vld [tilespmem:s18+$0x0];
	_ =	sdelay $0x1  }
0x3c0: {  	v7 =	vmul.f32 v7, v2;
	v9 =	vmul.f32 v6, v2  }
0x3c1: {  	v8 =	vmul.f32 v8, v2;
	v6 =	vmul.f32 v10, v2  }
0x3c2: {  	[tilespmem:s16+$0x30] =	vst v9  }
0x3c3: {  	[tilespmem:s16+$0xFFFFFFC0] =	vst v7  }
0x3c4: {  	v1 =	vmul.f32 v1, v2;
	[tilespmem:s16+$0x10] =	vst v8  }
0x3c5: {  	v3 =	vmul.f32 v3, v2;
	[tilespmem:s16+$0xFFFFFFE0] =	vst v6  }
0x3c6: {  	v5 =	vmul.f32 v5, v2;
	[tilespmem:s16+$0xFFFFFFF0] =	vst v1  }
0x3c7: {  	s14 =	sadd.s32 $0x1, s14;
	v1 =	vmul.f32 v4, v2;
	[tilespmem:s16+$0x20] =	vst v3  }
0x3c8: {  	p0 =	sne.s32 s14, $0xA2;
	[tilespmem:s16+$0x0] =	vst v5  }
.Ltmp12:
0x3c9: {  	[tilespmem:s16+$0xFFFFFFD0] =	vst v1;
	(pc) =	sbr.rel @p0 .LBB2_24-.Ltmp12, $4  }
0x3ca: {  	[spmem:s3] =	stream.indirect.scatter.add.f32 [tilespmem:s0], [sflag:$0x2], $0x80, s30, s31, $0xb8;
	[tilespmem:$0x1E980] =	vst v63  }
0x3cb: {  	_ =	swait.ge [sflag:s25], $0x2000  }
0x3cc: {  	[sflag:s25] =	ssyncset.done $0x0  }
0x3cd: {  	[sflag:s25] =	ssyncadd.s32 $0xFFFFE000  }
0x3ce: {  	[bflag:$0x0] =	sbarrier.arrive $0xFFFF  }
0x3cf: {  	s13 =	rddreg [dreg:$0x13]  }
0x3d0: {  	[hbm:s13], [sflag:s11] =	dma.local [spmem:s12], $0x2800  }
0x3d1: {  	_ =	swait.ge [sflag:s25], $0x2800  }
0x3d2: {  	[sflag:s25] =	ssyncset.done $0x0  }
0x3d3: {  	s18 =	simm.s32 $0x400;
	s17 =	rddreg [dreg:$0xf];
	[sflag:s25] =	ssyncadd.s32 $0xFFFFD800  }
0x3d4: {  	[hbm4b:s17+s23] =	stream.strided.scatter [tilespmem:s1], [sflag:$0x2], $0x2800, s18, s23, $0x38;
	[tilespmem:$0x1E980] =	vst v63  }
0x3d5: {  	_ =	swait.ge [sflag:s25], $0x2800  }
0x3d6: {  	s4 =	sadd.s32 $0x1, s4;
	s19 =	rddreg [dreg:$0x14]  }
0x3d7: {  	p0 =	sne.s32 s4, s19  }
.Ltmp13:
0x3d8: {  	_ = 	snop;
	(pc) =	sbr.rel @p0 .LBB2_1-.Ltmp13, $3  }
0x3d9: {  	[sflag:s25] =	ssyncset.done $0x0  }
0x3da: {  	[sflag:s25] =	ssyncadd.s32 $0xFFFFD800  }
0x3db: {  	[bflag:$0x0] =	sbarrier.arrive $0xFFFF;
	_ =	sdelay $0x1  }
0x3dc: {  	_ =	sfence.sel $0x180000  }
0x3dd: {  	[bflag:$0x0] =	sbarrier.arrive $0xFFFF  }
0x3de: {  	_ =	strace $0x90000047  }
0x3df: {  	s0 =	stileid.u32;
	[bflag:$0x2] =	sbarrier.arrive $0xFFFF  }
0x3e0: {  	p0 =	sne.s32 s0, $0x0;
	s0 =	rddreg [dreg:$0x3]  }
0x3e1: {  	s0 =	sadd.s32 @!p0 $0x100000, s0  }
0x3e2: {  	[sflag:s0] =	ssyncadd.tile.s32 @!p0 $0x1;
	_ =	shalt  }
.Lfunc_end2:
_tile_overlayer_lowered:
.L_overlay_start_2:
0x3e3: {  	(tag) =	ssettag $0x2  }
0x3e4: {  	s0 =	rddreg [dreg:$0x0];
	s2 =	stileid.u32  }
0x3e5: {  	s1 =	rddreg [dreg:$0x1];
	p0 =	sne.s32 s2, $0x0  }
0x3e6: {  	s3 =	rddreg [dreg:$0x2];
	[bflag:$0x3] =	sbarrier.arrive $0xFFFF;
	s2 =	simm.s32 @!p0 $0x1C02  }
0x3e7: {  	[timem:s3], [sflag:s2] =	dma.local @!p0 [hbm:s0], s1  }
0x3e8: {  	s0 =	simm.s32 @!p0 $0x2  }
0x3e9: {  	_ =	swait.ge @!p0 [sflag:s0], s1  }
0x3ea: {  	s1 =	ssub.s32 @!p0 $0x0, s1;
	[sflag:s0] =	ssyncset.done @!p0 $0x0  }
0x3eb: {  	[sflag:s0] =	ssyncadd.s32 @!p0 s1  }
0x3ec: {  	[bflag:$0x3] =	sbarrier.arrive $0xFFFF  }
0x3ed: {  	_ =	shalt  }

</sc_bundles>
